<compile_context>
chip_gen: v7x
topology: tpu7x:2x2x1
jax: 0.10.2.dev20260603
libtpu: 0.0.44.dev20260713+nightly
codegen_flags: <defaults>
</compile_context>

<pallas_src>
import functools

import jax
import jax.numpy as jnp
from jax import lax
from jax.experimental import pallas as pl
from jax.experimental.pallas import tpu as pltpu
from jax.experimental.pallas import tpu_sc as plsc

PADDING_IDX = 1
B = 4
S = 4096
D = 1024

NC = 2
NS = 16
NW = NC * NS

SPW = S // NW
CHUNK = 32
NCHUNK = SPW // CHUNK
LANES = 16
NGRP = SPW // LANES

_mesh = plsc.VectorSubcoreMesh(core_axis_name="c", subcore_axis_name="s")


@functools.partial(
    pl.kernel,
    out_type=jax.ShapeDtypeStruct((B * S, D), jnp.float32),
    mesh=_mesh,
    scratch_types=[
        pltpu.VMEM((B * SPW,), jnp.int32),
        pltpu.VMEM((B * SPW,), jnp.int32),
        pltpu.VMEM((SPW,), jnp.int32),
        pltpu.VMEM((2, CHUNK, D), jnp.float32),
        pltpu.VMEM((CHUNK, D), jnp.float32),
        pltpu.VMEM((B * NCHUNK,), jnp.int32),
        pltpu.SemaphoreType.DMA,
        pltpu.SemaphoreType.DMA,
        pltpu.SemaphoreType.DMA,
        pltpu.SemaphoreType.DMA,
        pltpu.SemaphoreType.DMA,
    ],
)
def _sc_embed(x_hbm, w_hbm, flag_hbm, cidx_hbm, out_hbm, x_v, idx_v, cidx_v,
              clean_v, fix_v, flag_v, xsem, g0, g1, s0_, s1_):
    gsem = (g0, g1)
    ssem = (s0_, s1_)

    wid = lax.axis_index("c") * NS + lax.axis_index("s")
    s0 = wid * SPW

    cidx_cp = pltpu.async_copy(cidx_hbm.at[pl.ds(s0, SPW)], cidx_v, xsem)
    flag_cp = pltpu.async_copy(flag_hbm.at[wid], flag_v, xsem)
    x_cps = [
        pltpu.async_copy(x_hbm.at[pl.ds(b * S + s0, SPW)],
                         x_v.at[pl.ds(b * SPW, SPW)], xsem)
        for b in range(B)
    ]

    def start_gather(c, sl):
        return pltpu.async_copy(
            w_hbm.at[cidx_v.at[pl.ds(c * CHUNK, CHUNK)]],
            clean_v.at[sl], gsem[sl])

    def start_scatters(c, sl):
        return [
            pltpu.async_copy(
                clean_v.at[sl],
                out_hbm.at[pl.ds(b * S + s0 + c * CHUNK, CHUNK)], ssem[sl])
            for b in range(B)
        ]

    cidx_cp.wait()
    g_cp = {0: start_gather(0, 0), 1: start_gather(1, 1)}
    flag_cp.wait()
    for cp in x_cps:
        cp.wait()

    iota = lax.broadcasted_iota(jnp.int32, (LANES,), 0)
    for b in range(B):
        for g in range(NGRP):
            tok = x_v[pl.ds(b * SPW + g * LANES, LANES)]
            pos = iota + (s0 + g * LANES + PADDING_IDX + 1)
            idx_v[pl.ds(b * SPW + g * LANES, LANES)] = jnp.where(
                tok == PADDING_IDX, PADDING_IDX, pos)

    s_cps = {}
    for c in range(NCHUNK):
        sl = c % 2
        if c >= 1 and c + 1 < NCHUNK:
            for cp in s_cps[sl ^ 1]:
                cp.wait()
            g_cp[sl ^ 1] = start_gather(c + 1, sl ^ 1)
        g_cp[sl].wait()
        s_cps[sl] = start_scatters(c, sl)
    for cp in s_cps[(NCHUNK - 2) % 2]:
        cp.wait()
    for cp in s_cps[(NCHUNK - 1) % 2]:
        cp.wait()

    plsc.subcore_barrier()

    flags = flag_v[pl.ds(0, B * NCHUNK)]
    for b in range(B):
        for c in range(NCHUNK):
            @pl.when(flags[b * NCHUNK + c] > 0)
            def _(b=b, c=c):
                pltpu.async_copy(
                    w_hbm.at[idx_v.at[pl.ds(b * SPW + c * CHUNK, CHUNK)]],
                    fix_v, xsem).wait()
                pltpu.sync_copy(
                    fix_v,
                    out_hbm.at[pl.ds(b * S + s0 + c * CHUNK, CHUNK)])


def kernel(X, weights):
    dirty = jnp.any(
        X.reshape(B, NW, NCHUNK, CHUNK) == PADDING_IDX, axis=-1)
    flags = dirty.transpose(1, 0, 2).reshape(NW, B * NCHUNK).astype(jnp.int32)
    cidx = jnp.arange(PADDING_IDX + 1, PADDING_IDX + 1 + S, dtype=jnp.int32)
    out = _sc_embed(X.reshape(B * S), weights, flags, cidx)
    return out.reshape(B, S, D)

# --- scband reference (transcript-rebuilt; emitter-appended) ---
"""Pipeline reference for scband-sinusoidal-positional-embedding-17300128268508 (READ-ONLY COPY).

The authoritative reference and input builder live on the scoring server;
editing this copy changes nothing except your own understanding.
"""

import math
import jax
import jax.numpy as jnp
import numpy as np

B = 4
S = 4096
EMBED_DIM = 1024
PADDING_IDX = 1
VOCAB = 50000
INIT_SIZE = 4098  # module adds +1 internally -> 4099 rows


def get_embedding(n_embeds, embed_dim, padding_idx=None):
    max_ts = 10000.0
    min_ts = 1.0
    n_timescales = embed_dim // 2
    increment = math.log(max_ts / min_ts) / (n_timescales - 1)
    timescales = jnp.arange(n_timescales, dtype=jnp.float32)
    inv_timescales = min_ts * jnp.exp(timescales * -increment)
    positions = jnp.arange(n_embeds, dtype=jnp.float32)[:, None]
    scaled_time = positions * inv_timescales[None, :]
    sin_signal = jnp.sin(scaled_time)
    cos_signal = jnp.cos(scaled_time)
    signal = jnp.concatenate([sin_signal, cos_signal], axis=1)
    if embed_dim % 2 == 1:
        signal = jnp.concatenate([signal, jnp.zeros((n_embeds, 1), jnp.float32)], axis=1)
    if padding_idx is not None:
        signal = signal.at[padding_idx, :].set(0.0)
    return signal


def setup_inputs(seed: int = 0) -> dict:
    key = jax.random.key(seed)
    X = jax.random.randint(key, (B, S), 0, VOCAB, dtype=jnp.int32)
    weights = get_embedding(INIT_SIZE + 1, EMBED_DIM, PADDING_IDX)
    return {"X": X, "weights": weights}


def reference(X, weights):
    # make_positions with left_pad=False:
    # non-padding tokens get positions padding_idx+1 .. padding_idx+seq_len,
    # padding tokens keep value padding_idx.
    bsz, seq_len = X.shape
    mask = X != PADDING_IDX
    range_buf = jnp.arange(PADDING_IDX + 1, PADDING_IDX + 1 + seq_len, dtype=X.dtype)
    positions = jnp.where(mask, range_buf[None, :], PADDING_IDX)
    # start_pos = 0 (no incremental state) -> positions unchanged
    embeds = jnp.take(weights, positions.reshape(-1), axis=0)
    embeds = embeds.reshape(bsz, seq_len, -1)
    # original returns embeds.detach()
    return jax.lax.stop_gradient(embeds)

if __name__ == "__main__":
    import jax
    _d = setup_inputs()
    print(jax.jit(kernel)(*tuple(_d.values())))

</pallas_src>

<mosaic_0001>
#map = affine_map<(d0, d1) -> (0)>
#map1 = affine_map<(d0, d1) -> (0, 0)>
module attributes {stable_mosaic.version = 14 : i64} {
  func.func @_sc_embed(%arg0: i32, %arg1: i32, %arg2: memref<16384xi32, #tpu.memory_space<hbm>>, %arg3: memref<4099x1024xf32, #tpu.memory_space<hbm>>, %arg4: memref<32x16xi32, #tpu.memory_space<hbm>>, %arg5: memref<4096xi32, #tpu.memory_space<hbm>>, %arg6: memref<16384x1024xf32, #tpu.memory_space<hbm>>, %arg7: memref<512xi32, #tpu.memory_space<vmem>>, %arg8: memref<512xi32, #tpu.memory_space<vmem>>, %arg9: memref<128xi32, #tpu.memory_space<vmem>>, %arg10: memref<2x32x1024xf32, #tpu.memory_space<vmem>>, %arg11: memref<32x1024xf32, #tpu.memory_space<vmem>>, %arg12: memref<16xi32, #tpu.memory_space<vmem>>, %arg13: memref<!tpu.dma_semaphore, #tpu.memory_space<semaphore_mem>>, %arg14: memref<!tpu.dma_semaphore, #tpu.memory_space<semaphore_mem>>, %arg15: memref<!tpu.dma_semaphore, #tpu.memory_space<semaphore_mem>>, %arg16: memref<!tpu.dma_semaphore, #tpu.memory_space<semaphore_mem>>, %arg17: memref<!tpu.dma_semaphore, #tpu.memory_space<semaphore_mem>>) attributes {dimension_semantics = [#tpu.dimension_semantics<core_parallel>, #tpu.dimension_semantics<subcore_parallel>], iteration_bounds = array<i64: 2, 16>, scalar_prefetch = 0 : i64, scratch_operands = 11 : i64, tpu.core_type = #tpu.core_type<sc_vector_subcore>, window_params = [{transform_indices = #map}, {transform_indices = #map1}, {transform_indices = #map1}, {transform_indices = #map}, {transform_indices = #map1}]} {
    %mul3A = arith.constant 16 : i32
    %mul3A_0 = arith.muli %arg0, %mul3A : i32
    %add3A = arith.addi %mul3A_0, %arg1 : i32
    %mul3A_1 = arith.constant 128 : i32
    %mul3A_2 = arith.muli %add3A, %mul3A_1 : i32
    %dma_start3A = tpu.memref_slice %arg5[%mul3A_2] : memref<4096xi32, #tpu.memory_space<hbm>> -> memref<128xi32, #tpu.memory_space<hbm>>
    %dma_start3A_3 = tpu.memref_slice %arg5[%mul3A_2] : memref<4096xi32, #tpu.memory_space<hbm>> -> memref<128xi32, #tpu.memory_space<hbm>>
    tpu.enqueue_dma source(%dma_start3A_3 : memref<128xi32, #tpu.memory_space<hbm>>) target(%arg9 : memref<128xi32, #tpu.memory_space<vmem>>) target_semaphore(%arg13 : memref<!tpu.dma_semaphore, #tpu.memory_space<semaphore_mem>>)
    %dma_start3A_4 = arith.constant 0 : i32
    %dma_start3A_5 = tpu.memref_slice %arg4[%add3A, %dma_start3A_4] : memref<32x16xi32, #tpu.memory_space<hbm>> -> memref<1x16xi32, #tpu.memory_space<hbm>>
    %dma_start3A_6 = tpu.memref_squeeze %dma_start3A_5 : memref<1x16xi32, #tpu.memory_space<hbm>> -> memref<16xi32, #tpu.memory_space<hbm>>
    %dma_start3A_7 = arith.constant 0 : i32
    %dma_start3A_8 = tpu.memref_slice %arg4[%add3A, %dma_start3A_7] : memref<32x16xi32, #tpu.memory_space<hbm>> -> memref<1x16xi32, #tpu.memory_space<hbm>>
    %dma_start3A_9 = tpu.memref_squeeze %dma_start3A_8 : memref<1x16xi32, #tpu.memory_space<hbm>> -> memref<16xi32, #tpu.memory_space<hbm>>
    tpu.enqueue_dma source(%dma_start3A_9 : memref<16xi32, #tpu.memory_space<hbm>>) target(%arg12 : memref<16xi32, #tpu.memory_space<vmem>>) target_semaphore(%arg13 : memref<!tpu.dma_semaphore, #tpu.memory_space<semaphore_mem>>)
    %add3A_10 = arith.constant 0 : i32
    %add3A_11 = arith.addi %add3A_10, %mul3A_2 : i32
    %dma_start3A_12 = arith.constant 0 : i32
    %dma_start3A_13 = tpu.memref_slice %arg7[%dma_start3A_12] : memref<512xi32, #tpu.memory_space<vmem>> -> memref<128xi32, #tpu.memory_space<vmem>>
    %dma_start3A_14 = tpu.memref_slice %arg2[%add3A_11] : memref<16384xi32, #tpu.memory_space<hbm>> -> memref<128xi32, #tpu.memory_space<hbm>>
    %dma_start3A_15 = arith.constant 0 : i32
    %dma_start3A_16 = tpu.memref_slice %arg7[%dma_start3A_15] : memref<512xi32, #tpu.memory_space<vmem>> -> memref<128xi32, #tpu.memory_space<vmem>>
    %dma_start3A_17 = tpu.memref_slice %arg2[%add3A_11] : memref<16384xi32, #tpu.memory_space<hbm>> -> memref<128xi32, #tpu.memory_space<hbm>>
    tpu.enqueue_dma source(%dma_start3A_17 : memref<128xi32, #tpu.memory_space<hbm>>) target(%dma_start3A_16 : memref<128xi32, #tpu.memory_space<vmem>>) target_semaphore(%arg13 : memref<!tpu.dma_semaphore, #tpu.memory_space<semaphore_mem>>)
    %add3A_18 = arith.constant 4096 : i32
    %add3A_19 = arith.addi %add3A_18, %mul3A_2 : i32
    %dma_start3A_20 = arith.constant 128 : i32
    %dma_start3A_21 = tpu.memref_slice %arg7[%dma_start3A_20] : memref<512xi32, #tpu.memory_space<vmem>> -> memref<128xi32, #tpu.memory_space<vmem>>
    %dma_start3A_22 = tpu.memref_slice %arg2[%add3A_19] : memref<16384xi32, #tpu.memory_space<hbm>> -> memref<128xi32, #tpu.memory_space<hbm>>
    %dma_start3A_23 = arith.constant 128 : i32
    %dma_start3A_24 = tpu.memref_slice %arg7[%dma_start3A_23] : memref<512xi32, #tpu.memory_space<vmem>> -> memref<128xi32, #tpu.memory_space<vmem>>
    %dma_start3A_25 = tpu.memref_slice %arg2[%add3A_19] : memref<16384xi32, #tpu.memory_space<hbm>> -> memref<128xi32, #tpu.memory_space<hbm>>
    tpu.enqueue_dma source(%dma_start3A_25 : memref<128xi32, #tpu.memory_space<hbm>>) target(%dma_start3A_24 : memref<128xi32, #tpu.memory_space<vmem>>) target_semaphore(%arg13 : memref<!tpu.dma_semaphore, #tpu.memory_space<semaphore_mem>>)
    %add3A_26 = arith.constant 8192 : i32
    %add3A_27 = arith.addi %add3A_26, %mul3A_2 : i32
    %dma_start3A_28 = arith.constant 256 : i32
    %dma_start3A_29 = tpu.memref_slice %arg7[%dma_start3A_28] : memref<512xi32, #tpu.memory_space<vmem>> -> memref<128xi32, #tpu.memory_space<vmem>>
    %dma_start3A_30 = tpu.memref_slice %arg2[%add3A_27] : memref<16384xi32, #tpu.memory_space<hbm>> -> memref<128xi32, #tpu.memory_space<hbm>>
    %dma_start3A_31 = arith.constant 256 : i32
    %dma_start3A_32 = tpu.memref_slice %arg7[%dma_start3A_31] : memref<512xi32, #tpu.memory_space<vmem>> -> memref<128xi32, #tpu.memory_space<vmem>>
    %dma_start3A_33 = tpu.memref_slice %arg2[%add3A_27] : memref<16384xi32, #tpu.memory_space<hbm>> -> memref<128xi32, #tpu.memory_space<hbm>>
    tpu.enqueue_dma source(%dma_start3A_33 : memref<128xi32, #tpu.memory_space<hbm>>) target(%dma_start3A_32 : memref<128xi32, #tpu.memory_space<vmem>>) target_semaphore(%arg13 : memref<!tpu.dma_semaphore, #tpu.memory_space<semaphore_mem>>)
    %add3A_34 = arith.constant 12288 : i32
    %add3A_35 = arith.addi %add3A_34, %mul3A_2 : i32
    %dma_start3A_36 = arith.constant 384 : i32
    %dma_start3A_37 = tpu.memref_slice %arg7[%dma_start3A_36] : memref<512xi32, #tpu.memory_space<vmem>> -> memref<128xi32, #tpu.memory_space<vmem>>
    %dma_start3A_38 = tpu.memref_slice %arg2[%add3A_35] : memref<16384xi32, #tpu.memory_space<hbm>> -> memref<128xi32, #tpu.memory_space<hbm>>
    %dma_start3A_39 = arith.constant 384 : i32
    %dma_start3A_40 = tpu.memref_slice %arg7[%dma_start3A_39] : memref<512xi32, #tpu.memory_space<vmem>> -> memref<128xi32, #tpu.memory_space<vmem>>
    %dma_start3A_41 = tpu.memref_slice %arg2[%add3A_35] : memref<16384xi32, #tpu.memory_space<hbm>> -> memref<128xi32, #tpu.memory_space<hbm>>
    tpu.enqueue_dma source(%dma_start3A_41 : memref<128xi32, #tpu.memory_space<hbm>>) target(%dma_start3A_40 : memref<128xi32, #tpu.memory_space<vmem>>) target_semaphore(%arg13 : memref<!tpu.dma_semaphore, #tpu.memory_space<semaphore_mem>>)
    %dma_wait3A = tpu.memref_slice %arg5[%mul3A_2] : memref<4096xi32, #tpu.memory_space<hbm>> -> memref<128xi32, #tpu.memory_space<hbm>>
    %dma_wait3A_42 = tpu.memref_slice %arg5[%mul3A_2] : memref<4096xi32, #tpu.memory_space<hbm>> -> memref<128xi32, #tpu.memory_space<hbm>>
    tpu.wait_dma2 semaphore(%arg13 : memref<!tpu.dma_semaphore, #tpu.memory_space<semaphore_mem>>) src(%dma_wait3A_42 : memref<128xi32, #tpu.memory_space<hbm>>) dst(%arg9 : memref<128xi32, #tpu.memory_space<vmem>>)
    %dma_start3A_43 = arith.constant 0 : i32
    %dma_start3A_44 = arith.constant 0 : i32
    %dma_start3A_45 = arith.constant 0 : i32
    %dma_start3A_46 = tpu.memref_slice %arg10[%dma_start3A_43, %dma_start3A_44, %dma_start3A_45] : memref<2x32x1024xf32, #tpu.memory_space<vmem>> -> memref<1x32x1024xf32, #tpu.memory_space<vmem>>
    %dma_start3A_47 = tpu.memref_squeeze %dma_start3A_46 : memref<1x32x1024xf32, #tpu.memory_space<vmem>> -> memref<32x1024xf32, #tpu.memory_space<vmem>>
    %dma_start3A_48 = arith.constant 0 : i32
    %dma_start3A_49 = tpu.memref_slice %arg9[%dma_start3A_48] : memref<128xi32, #tpu.memory_space<vmem>> -> memref<32xi32, #tpu.memory_space<vmem>>
    %dma_start3A_50 = arith.constant 0 : i32
    %dma_start3A_51 = arith.constant 0 : i32
    %dma_start3A_52 = tpu.memref_slice %arg3[%dma_start3A_50, %dma_start3A_51] : memref<4099x1024xf32, #tpu.memory_space<hbm>> -> memref<4099x1024xf32, #tpu.memory_space<hbm>>
    tpu.enqueue_indirect_dma source(%dma_start3A_52 : memref<4099x1024xf32, #tpu.memory_space<hbm>>) target(%dma_start3A_47 : memref<32x1024xf32, #tpu.memory_space<vmem>>) offsets(%dma_start3A_49 : memref<32xi32, #tpu.memory_space<vmem>>) semaphore(%arg14 : memref<!tpu.dma_semaphore, #tpu.memory_space<semaphore_mem>>)
    %dma_start3A_53 = arith.constant 1 : i32
    %dma_start3A_54 = arith.constant 0 : i32
    %dma_start3A_55 = arith.constant 0 : i32
    %dma_start3A_56 = tpu.memref_slice %arg10[%dma_start3A_53, %dma_start3A_54, %dma_start3A_55] : memref<2x32x1024xf32, #tpu.memory_space<vmem>> -> memref<1x32x1024xf32, #tpu.memory_space<vmem>>
    %dma_start3A_57 = tpu.memref_squeeze %dma_start3A_56 : memref<1x32x1024xf32, #tpu.memory_space<vmem>> -> memref<32x1024xf32, #tpu.memory_space<vmem>>
    %dma_start3A_58 = arith.constant 32 : i32
    %dma_start3A_59 = tpu.memref_slice %arg9[%dma_start3A_58] : memref<128xi32, #tpu.memory_space<vmem>> -> memref<32xi32, #tpu.memory_space<vmem>>
    %dma_start3A_60 = arith.constant 0 : i32
    %dma_start3A_61 = arith.constant 0 : i32
    %dma_start3A_62 = tpu.memref_slice %arg3[%dma_start3A_60, %dma_start3A_61] : memref<4099x1024xf32, #tpu.memory_space<hbm>> -> memref<4099x1024xf32, #tpu.memory_space<hbm>>
    tpu.enqueue_indirect_dma source(%dma_start3A_62 : memref<4099x1024xf32, #tpu.memory_space<hbm>>) target(%dma_start3A_57 : memref<32x1024xf32, #tpu.memory_space<vmem>>) offsets(%dma_start3A_59 : memref<32xi32, #tpu.memory_space<vmem>>) semaphore(%arg15 : memref<!tpu.dma_semaphore, #tpu.memory_space<semaphore_mem>>)
    %dma_wait3A_63 = arith.constant 0 : i32
    %dma_wait3A_64 = tpu.memref_slice %arg4[%add3A, %dma_wait3A_63] : memref<32x16xi32, #tpu.memory_space<hbm>> -> memref<1x16xi32, #tpu.memory_space<hbm>>
    %dma_wait3A_65 = tpu.memref_squeeze %dma_wait3A_64 : memref<1x16xi32, #tpu.memory_space<hbm>> -> memref<16xi32, #tpu.memory_space<hbm>>
    %dma_wait3A_66 = arith.constant 0 : i32
    %dma_wait3A_67 = tpu.memref_slice %arg4[%add3A, %dma_wait3A_66] : memref<32x16xi32, #tpu.memory_space<hbm>> -> memref<1x16xi32, #tpu.memory_space<hbm>>
    %dma_wait3A_68 = tpu.memref_squeeze %dma_wait3A_67 : memref<1x16xi32, #tpu.memory_space<hbm>> -> memref<16xi32, #tpu.memory_space<hbm>>
    tpu.wait_dma2 semaphore(%arg13 : memref<!tpu.dma_semaphore, #tpu.memory_space<semaphore_mem>>) src(%dma_wait3A_68 : memref<16xi32, #tpu.memory_space<hbm>>) dst(%arg12 : memref<16xi32, #tpu.memory_space<vmem>>)
    %dma_wait3A_69 = arith.constant 0 : i32
    %dma_wait3A_70 = tpu.memref_slice %arg7[%dma_wait3A_69] : memref<512xi32, #tpu.memory_space<vmem>> -> memref<128xi32, #tpu.memory_space<vmem>>
    %dma_wait3A_71 = tpu.memref_slice %arg2[%add3A_11] : memref<16384xi32, #tpu.memory_space<hbm>> -> memref<128xi32, #tpu.memory_space<hbm>>
    %dma_wait3A_72 = arith.constant 0 : i32
    %dma_wait3A_73 = tpu.memref_slice %arg7[%dma_wait3A_72] : memref<512xi32, #tpu.memory_space<vmem>> -> memref<128xi32, #tpu.memory_space<vmem>>
    %dma_wait3A_74 = tpu.memref_slice %arg2[%add3A_11] : memref<16384xi32, #tpu.memory_space<hbm>> -> memref<128xi32, #tpu.memory_space<hbm>>
    tpu.wait_dma2 semaphore(%arg13 : memref<!tpu.dma_semaphore, #tpu.memory_space<semaphore_mem>>) src(%dma_wait3A_74 : memref<128xi32, #tpu.memory_space<hbm>>) dst(%dma_wait3A_73 : memref<128xi32, #tpu.memory_space<vmem>>)
    %dma_wait3A_75 = arith.constant 128 : i32
    %dma_wait3A_76 = tpu.memref_slice %arg7[%dma_wait3A_75] : memref<512xi32, #tpu.memory_space<vmem>> -> memref<128xi32, #tpu.memory_space<vmem>>
    %dma_wait3A_77 = tpu.memref_slice %arg2[%add3A_19] : memref<16384xi32, #tpu.memory_space<hbm>> -> memref<128xi32, #tpu.memory_space<hbm>>
    %dma_wait3A_78 = arith.constant 128 : i32
    %dma_wait3A_79 = tpu.memref_slice %arg7[%dma_wait3A_78] : memref<512xi32, #tpu.memory_space<vmem>> -> memref<128xi32, #tpu.memory_space<vmem>>
    %dma_wait3A_80 = tpu.memref_slice %arg2[%add3A_19] : memref<16384xi32, #tpu.memory_space<hbm>> -> memref<128xi32, #tpu.memory_space<hbm>>
    tpu.wait_dma2 semaphore(%arg13 : memref<!tpu.dma_semaphore, #tpu.memory_space<semaphore_mem>>) src(%dma_wait3A_80 : memref<128xi32, #tpu.memory_space<hbm>>) dst(%dma_wait3A_79 : memref<128xi32, #tpu.memory_space<vmem>>)
    %dma_wait3A_81 = arith.constant 256 : i32
    %dma_wait3A_82 = tpu.memref_slice %arg7[%dma_wait3A_81] : memref<512xi32, #tpu.memory_space<vmem>> -> memref<128xi32, #tpu.memory_space<vmem>>
    %dma_wait3A_83 = tpu.memref_slice %arg2[%add3A_27] : memref<16384xi32, #tpu.memory_space<hbm>> -> memref<128xi32, #tpu.memory_space<hbm>>
    %dma_wait3A_84 = arith.constant 256 : i32
    %dma_wait3A_85 = tpu.memref_slice %arg7[%dma_wait3A_84] : memref<512xi32, #tpu.memory_space<vmem>> -> memref<128xi32, #tpu.memory_space<vmem>>
    %dma_wait3A_86 = tpu.memref_slice %arg2[%add3A_27] : memref<16384xi32, #tpu.memory_space<hbm>> -> memref<128xi32, #tpu.memory_space<hbm>>
    tpu.wait_dma2 semaphore(%arg13 : memref<!tpu.dma_semaphore, #tpu.memory_space<semaphore_mem>>) src(%dma_wait3A_86 : memref<128xi32, #tpu.memory_space<hbm>>) dst(%dma_wait3A_85 : memref<128xi32, #tpu.memory_space<vmem>>)
    %dma_wait3A_87 = arith.constant 384 : i32
    %dma_wait3A_88 = tpu.memref_slice %arg7[%dma_wait3A_87] : memref<512xi32, #tpu.memory_space<vmem>> -> memref<128xi32, #tpu.memory_space<vmem>>
    %dma_wait3A_89 = tpu.memref_slice %arg2[%add3A_35] : memref<16384xi32, #tpu.memory_space<hbm>> -> memref<128xi32, #tpu.memory_space<hbm>>
    %dma_wait3A_90 = arith.constant 384 : i32
    %dma_wait3A_91 = tpu.memref_slice %arg7[%dma_wait3A_90] : memref<512xi32, #tpu.memory_space<vmem>> -> memref<128xi32, #tpu.memory_space<vmem>>
    %dma_wait3A_92 = tpu.memref_slice %arg2[%add3A_35] : memref<16384xi32, #tpu.memory_space<hbm>> -> memref<128xi32, #tpu.memory_space<hbm>>
    tpu.wait_dma2 semaphore(%arg13 : memref<!tpu.dma_semaphore, #tpu.memory_space<semaphore_mem>>) src(%dma_wait3A_92 : memref<128xi32, #tpu.memory_space<hbm>>) dst(%dma_wait3A_91 : memref<128xi32, #tpu.memory_space<vmem>>)
    %iota3A = tpu.iota {dimensions = array<i32: 0>} : vector<16xi32>
    %get3A = arith.constant 0 : index
    %get3A_93 = tpu.vector_load %arg7[%get3A] {strides = array<i32>} : memref<512xi32, #tpu.memory_space<vmem>>, vector<16xi32>,
    %get3A_94 = vector.shape_cast %get3A_93 : vector<16xi32> to vector<16xi32>
    %add3A_95 = arith.constant 0 : i32
    %add3A_96 = arith.addi %mul3A_2, %add3A_95 : i32
    %add3A_97 = arith.constant 1 : i32
    %add3A_98 = arith.addi %add3A_96, %add3A_97 : i32
    %add3A_99 = arith.constant 1 : i32
    %add3A_100 = arith.addi %add3A_98, %add3A_99 : i32
    %add3A_101 = vector.broadcast %add3A_100 : i32 to vector<16xi32>
    %add3A_102 = arith.addi %iota3A, %add3A_101 : vector<16xi32>
    %eq3A = arith.constant 1 : i32
    %eq3A_103 = vector.broadcast %eq3A : i32 to vector<16xi32>
    %eq3A_104 = arith.cmpi eq, %get3A_94, %eq3A_103 : vector<16xi32>
    %jit3A = arith.constant 1 : i32
    %broadcast_in_dim3A = vector.broadcast %jit3A : i32 to vector<16xi32>
    %select_n3A = arith.select %eq3A_104, %broadcast_in_dim3A, %add3A_102 : vector<16xi1>, vector<16xi32>
    %swap3A = arith.constant 0 : index
    %swap3A_105 = tpu.vector_load %arg8[%swap3A] {strides = array<i32>} : memref<512xi32, #tpu.memory_space<vmem>>, vector<16xi32>,
    %swap3A_106 = vector.shape_cast %swap3A_105 : vector<16xi32> to vector<16xi32>
    %swap3A_107 = vector.shape_cast %select_n3A : vector<16xi32> to vector<16xi32>
    tpu.vector_store %arg8[%swap3A], %swap3A_107 {strides = array<i32>} : memref<512xi32, #tpu.memory_space<vmem>>, vector<16xi32>,
    %get3A_108 = arith.constant 16 : index
    %get3A_109 = tpu.vector_load %arg7[%get3A_108] {strides = array<i32>} : memref<512xi32, #tpu.memory_space<vmem>>, vector<16xi32>,
    %get3A_110 = vector.shape_cast %get3A_109 : vector<16xi32> to vector<16xi32>
    %add3A_111 = arith.constant 16 : i32
    %add3A_112 = arith.addi %mul3A_2, %add3A_111 : i32
    %add3A_113 = arith.constant 1 : i32
    %add3A_114 = arith.addi %add3A_112, %add3A_113 : i32
    %add3A_115 = arith.constant 1 : i32
    %add3A_116 = arith.addi %add3A_114, %add3A_115 : i32
    %add3A_117 = vector.broadcast %add3A_116 : i32 to vector<16xi32>
    %add3A_118 = arith.addi %iota3A, %add3A_117 : vector<16xi32>
    %eq3A_119 = arith.constant 1 : i32
    %eq3A_120 = vector.broadcast %eq3A_119 : i32 to vector<16xi32>
    %eq3A_121 = arith.cmpi eq, %get3A_110, %eq3A_120 : vector<16xi32>
    %jit3A_122 = arith.constant 1 : i32
    %broadcast_in_dim3A_123 = vector.broadcast %jit3A_122 : i32 to vector<16xi32>
    %select_n3A_124 = arith.select %eq3A_121, %broadcast_in_dim3A_123, %add3A_118 : vector<16xi1>, vector<16xi32>
    %swap3A_125 = arith.constant 16 : index
    %swap3A_126 = tpu.vector_load %arg8[%swap3A_125] {strides = array<i32>} : memref<512xi32, #tpu.memory_space<vmem>>, vector<16xi32>,
    %swap3A_127 = vector.shape_cast %swap3A_126 : vector<16xi32> to vector<16xi32>
    %swap3A_128 = vector.shape_cast %select_n3A_124 : vector<16xi32> to vector<16xi32>
    tpu.vector_store %arg8[%swap3A_125], %swap3A_128 {strides = array<i32>} : memref<512xi32, #tpu.memory_space<vmem>>, vector<16xi32>,
    %get3A_129 = arith.constant 32 : index
    %get3A_130 = tpu.vector_load %arg7[%get3A_129] {strides = array<i32>} : memref<512xi32, #tpu.memory_space<vmem>>, vector<16xi32>,
    %get3A_131 = vector.shape_cast %get3A_130 : vector<16xi32> to vector<16xi32>
    %add3A_132 = arith.constant 32 : i32
    %add3A_133 = arith.addi %mul3A_2, %add3A_132 : i32
    %add3A_134 = arith.constant 1 : i32
    %add3A_135 = arith.addi %add3A_133, %add3A_134 : i32
    %add3A_136 = arith.constant 1 : i32
    %add3A_137 = arith.addi %add3A_135, %add3A_136 : i32
    %add3A_138 = vector.broadcast %add3A_137 : i32 to vector<16xi32>
    %add3A_139 = arith.addi %iota3A, %add3A_138 : vector<16xi32>
    %eq3A_140 = arith.constant 1 : i32
    %eq3A_141 = vector.broadcast %eq3A_140 : i32 to vector<16xi32>
    %eq3A_142 = arith.cmpi eq, %get3A_131, %eq3A_141 : vector<16xi32>
    %jit3A_143 = arith.constant 1 : i32
    %broadcast_in_dim3A_144 = vector.broadcast %jit3A_143 : i32 to vector<16xi32>
    %select_n3A_145 = arith.select %eq3A_142, %broadcast_in_dim3A_144, %add3A_139 : vector<16xi1>, vector<16xi32>
    %swap3A_146 = arith.constant 32 : index
    %swap3A_147 = tpu.vector_load %arg8[%swap3A_146] {strides = array<i32>} : memref<512xi32, #tpu.memory_space<vmem>>, vector<16xi32>,
    %swap3A_148 = vector.shape_cast %swap3A_147 : vector<16xi32> to vector<16xi32>
    %swap3A_149 = vector.shape_cast %select_n3A_145 : vector<16xi32> to vector<16xi32>
    tpu.vector_store %arg8[%swap3A_146], %swap3A_149 {strides = array<i32>} : memref<512xi32, #tpu.memory_space<vmem>>, vector<16xi32>,
    %get3A_150 = arith.constant 48 : index
    %get3A_151 = tpu.vector_load %arg7[%get3A_150] {strides = array<i32>} : memref<512xi32, #tpu.memory_space<vmem>>, vector<16xi32>,
    %get3A_152 = vector.shape_cast %get3A_151 : vector<16xi32> to vector<16xi32>
    %add3A_153 = arith.constant 48 : i32
    %add3A_154 = arith.addi %mul3A_2, %add3A_153 : i32
    %add3A_155 = arith.constant 1 : i32
    %add3A_156 = arith.addi %add3A_154, %add3A_155 : i32
    %add3A_157 = arith.constant 1 : i32
    %add3A_158 = arith.addi %add3A_156, %add3A_157 : i32
    %add3A_159 = vector.broadcast %add3A_158 : i32 to vector<16xi32>
    %add3A_160 = arith.addi %iota3A, %add3A_159 : vector<16xi32>
    %eq3A_161 = arith.constant 1 : i32
    %eq3A_162 = vector.broadcast %eq3A_161 : i32 to vector<16xi32>
    %eq3A_163 = arith.cmpi eq, %get3A_152, %eq3A_162 : vector<16xi32>
    %jit3A_164 = arith.constant 1 : i32
    %broadcast_in_dim3A_165 = vector.broadcast %jit3A_164 : i32 to vector<16xi32>
    %select_n3A_166 = arith.select %eq3A_163, %broadcast_in_dim3A_165, %add3A_160 : vector<16xi1>, vector<16xi32>
    %swap3A_167 = arith.constant 48 : index
    %swap3A_168 = tpu.vector_load %arg8[%swap3A_167] {strides = array<i32>} : memref<512xi32, #tpu.memory_space<vmem>>, vector<16xi32>,
    %swap3A_169 = vector.shape_cast %swap3A_168 : vector<16xi32> to vector<16xi32>
    %swap3A_170 = vector.shape_cast %select_n3A_166 : vector<16xi32> to vector<16xi32>
    tpu.vector_store %arg8[%swap3A_167], %swap3A_170 {strides = array<i32>} : memref<512xi32, #tpu.memory_space<vmem>>, vector<16xi32>,
    %get3A_171 = arith.constant 64 : index
    %get3A_172 = tpu.vector_load %arg7[%get3A_171] {strides = array<i32>} : memref<512xi32, #tpu.memory_space<vmem>>, vector<16xi32>,
    %get3A_173 = vector.shape_cast %get3A_172 : vector<16xi32> to vector<16xi32>
    %add3A_174 = arith.constant 64 : i32
    %add3A_175 = arith.addi %mul3A_2, %add3A_174 : i32
    %add3A_176 = arith.constant 1 : i32
    %add3A_177 = arith.addi %add3A_175, %add3A_176 : i32
    %add3A_178 = arith.constant 1 : i32
    %add3A_179 = arith.addi %add3A_177, %add3A_178 : i32
    %add3A_180 = vector.broadcast %add3A_179 : i32 to vector<16xi32>
    %add3A_181 = arith.addi %iota3A, %add3A_180 : vector<16xi32>
    %eq3A_182 = arith.constant 1 : i32
    %eq3A_183 = vector.broadcast %eq3A_182 : i32 to vector<16xi32>
    %eq3A_184 = arith.cmpi eq, %get3A_173, %eq3A_183 : vector<16xi32>
    %jit3A_185 = arith.constant 1 : i32
    %broadcast_in_dim3A_186 = vector.broadcast %jit3A_185 : i32 to vector<16xi32>
    %select_n3A_187 = arith.select %eq3A_184, %broadcast_in_dim3A_186, %add3A_181 : vector<16xi1>, vector<16xi32>
    %swap3A_188 = arith.constant 64 : index
    %swap3A_189 = tpu.vector_load %arg8[%swap3A_188] {strides = array<i32>} : memref<512xi32, #tpu.memory_space<vmem>>, vector<16xi32>,
    %swap3A_190 = vector.shape_cast %swap3A_189 : vector<16xi32> to vector<16xi32>
    %swap3A_191 = vector.shape_cast %select_n3A_187 : vector<16xi32> to vector<16xi32>
    tpu.vector_store %arg8[%swap3A_188], %swap3A_191 {strides = array<i32>} : memref<512xi32, #tpu.memory_space<vmem>>, vector<16xi32>,
    %get3A_192 = arith.constant 80 : index
    %get3A_193 = tpu.vector_load %arg7[%get3A_192] {strides = array<i32>} : memref<512xi32, #tpu.memory_space<vmem>>, vector<16xi32>,
    %get3A_194 = vector.shape_cast %get3A_193 : vector<16xi32> to vector<16xi32>
    %add3A_195 = arith.constant 80 : i32
    %add3A_196 = arith.addi %mul3A_2, %add3A_195 : i32
    %add3A_197 = arith.constant 1 : i32
    %add3A_198 = arith.addi %add3A_196, %add3A_197 : i32
    %add3A_199 = arith.constant 1 : i32
    %add3A_200 = arith.addi %add3A_198, %add3A_199 : i32
    %add3A_201 = vector.broadcast %add3A_200 : i32 to vector<16xi32>
    %add3A_202 = arith.addi %iota3A, %add3A_201 : vector<16xi32>
    %eq3A_203 = arith.constant 1 : i32
    %eq3A_204 = vector.broadcast %eq3A_203 : i32 to vector<16xi32>
    %eq3A_205 = arith.cmpi eq, %get3A_194, %eq3A_204 : vector<16xi32>
    %jit3A_206 = arith.constant 1 : i32
    %broadcast_in_dim3A_207 = vector.broadcast %jit3A_206 : i32 to vector<16xi32>
    %select_n3A_208 = arith.select %eq3A_205, %broadcast_in_dim3A_207, %add3A_202 : vector<16xi1>, vector<16xi32>
    %swap3A_209 = arith.constant 80 : index
    %swap3A_210 = tpu.vector_load %arg8[%swap3A_209] {strides = array<i32>} : memref<512xi32, #tpu.memory_space<vmem>>, vector<16xi32>,
    %swap3A_211 = vector.shape_cast %swap3A_210 : vector<16xi32> to vector<16xi32>
    %swap3A_212 = vector.shape_cast %select_n3A_208 : vector<16xi32> to vector<16xi32>
    tpu.vector_store %arg8[%swap3A_209], %swap3A_212 {strides = array<i32>} : memref<512xi32, #tpu.memory_space<vmem>>, vector<16xi32>,
    %get3A_213 = arith.constant 96 : index
    %get3A_214 = tpu.vector_load %arg7[%get3A_213] {strides = array<i32>} : memref<512xi32, #tpu.memory_space<vmem>>, vector<16xi32>,
    %get3A_215 = vector.shape_cast %get3A_214 : vector<16xi32> to vector<16xi32>
    %add3A_216 = arith.constant 96 : i32
    %add3A_217 = arith.addi %mul3A_2, %add3A_216 : i32
    %add3A_218 = arith.constant 1 : i32
    %add3A_219 = arith.addi %add3A_217, %add3A_218 : i32
    %add3A_220 = arith.constant 1 : i32
    %add3A_221 = arith.addi %add3A_219, %add3A_220 : i32
    %add3A_222 = vector.broadcast %add3A_221 : i32 to vector<16xi32>
    %add3A_223 = arith.addi %iota3A, %add3A_222 : vector<16xi32>
    %eq3A_224 = arith.constant 1 : i32
    %eq3A_225 = vector.broadcast %eq3A_224 : i32 to vector<16xi32>
    %eq3A_226 = arith.cmpi eq, %get3A_215, %eq3A_225 : vector<16xi32>
    %jit3A_227 = arith.constant 1 : i32
    %broadcast_in_dim3A_228 = vector.broadcast %jit3A_227 : i32 to vector<16xi32>
    %select_n3A_229 = arith.select %eq3A_226, %broadcast_in_dim3A_228, %add3A_223 : vector<16xi1>, vector<16xi32>
    %swap3A_230 = arith.constant 96 : index
    %swap3A_231 = tpu.vector_load %arg8[%swap3A_230] {strides = array<i32>} : memref<512xi32, #tpu.memory_space<vmem>>, vector<16xi32>,
    %swap3A_232 = vector.shape_cast %swap3A_231 : vector<16xi32> to vector<16xi32>
    %swap3A_233 = vector.shape_cast %select_n3A_229 : vector<16xi32> to vector<16xi32>
    tpu.vector_store %arg8[%swap3A_230], %swap3A_233 {strides = array<i32>} : memref<512xi32, #tpu.memory_space<vmem>>, vector<16xi32>,
    %get3A_234 = arith.constant 112 : index
    %get3A_235 = tpu.vector_load %arg7[%get3A_234] {strides = array<i32>} : memref<512xi32, #tpu.memory_space<vmem>>, vector<16xi32>,
    %get3A_236 = vector.shape_cast %get3A_235 : vector<16xi32> to vector<16xi32>
    %add3A_237 = arith.constant 112 : i32
    %add3A_238 = arith.addi %mul3A_2, %add3A_237 : i32
    %add3A_239 = arith.constant 1 : i32
    %add3A_240 = arith.addi %add3A_238, %add3A_239 : i32
    %add3A_241 = arith.constant 1 : i32
    %add3A_242 = arith.addi %add3A_240, %add3A_241 : i32
    %add3A_243 = vector.broadcast %add3A_242 : i32 to vector<16xi32>
    %add3A_244 = arith.addi %iota3A, %add3A_243 : vector<16xi32>
    %eq3A_245 = arith.constant 1 : i32
    %eq3A_246 = vector.broadcast %eq3A_245 : i32 to vector<16xi32>
    %eq3A_247 = arith.cmpi eq, %get3A_236, %eq3A_246 : vector<16xi32>
    %jit3A_248 = arith.constant 1 : i32
    %broadcast_in_dim3A_249 = vector.broadcast %jit3A_248 : i32 to vector<16xi32>
    %select_n3A_250 = arith.select %eq3A_247, %broadcast_in_dim3A_249, %add3A_244 : vector<16xi1>, vector<16xi32>
    %swap3A_251 = arith.constant 112 : index
    %swap3A_252 = tpu.vector_load %arg8[%swap3A_251] {strides = array<i32>} : memref<512xi32, #tpu.memory_space<vmem>>, vector<16xi32>,
    %swap3A_253 = vector.shape_cast %swap3A_252 : vector<16xi32> to vector<16xi32>
    %swap3A_254 = vector.shape_cast %select_n3A_250 : vector<16xi32> to vector<16xi32>
    tpu.vector_store %arg8[%swap3A_251], %swap3A_254 {strides = array<i32>} : memref<512xi32, #tpu.memory_space<vmem>>, vector<16xi32>,
    %get3A_255 = arith.constant 128 : index
    %get3A_256 = tpu.vector_load %arg7[%get3A_255] {strides = array<i32>} : memref<512xi32, #tpu.memory_space<vmem>>, vector<16xi32>,
    %get3A_257 = vector.shape_cast %get3A_256 : vector<16xi32> to vector<16xi32>
    %add3A_258 = arith.constant 0 : i32
    %add3A_259 = arith.addi %mul3A_2, %add3A_258 : i32
    %add3A_260 = arith.constant 1 : i32
    %add3A_261 = arith.addi %add3A_259, %add3A_260 : i32
    %add3A_262 = arith.constant 1 : i32
    %add3A_263 = arith.addi %add3A_261, %add3A_262 : i32
    %add3A_264 = vector.broadcast %add3A_263 : i32 to vector<16xi32>
    %add3A_265 = arith.addi %iota3A, %add3A_264 : vector<16xi32>
    %eq3A_266 = arith.constant 1 : i32
    %eq3A_267 = vector.broadcast %eq3A_266 : i32 to vector<16xi32>
    %eq3A_268 = arith.cmpi eq, %get3A_257, %eq3A_267 : vector<16xi32>
    %jit3A_269 = arith.constant 1 : i32
    %broadcast_in_dim3A_270 = vector.broadcast %jit3A_269 : i32 to vector<16xi32>
    %select_n3A_271 = arith.select %eq3A_268, %broadcast_in_dim3A_270, %add3A_265 : vector<16xi1>, vector<16xi32>
    %swap3A_272 = arith.constant 128 : index
    %swap3A_273 = tpu.vector_load %arg8[%swap3A_272] {strides = array<i32>} : memref<512xi32, #tpu.memory_space<vmem>>, vector<16xi32>,
    %swap3A_274 = vector.shape_cast %swap3A_273 : vector<16xi32> to vector<16xi32>
    %swap3A_275 = vector.shape_cast %select_n3A_271 : vector<16xi32> to vector<16xi32>
    tpu.vector_store %arg8[%swap3A_272], %swap3A_275 {strides = array<i32>} : memref<512xi32, #tpu.memory_space<vmem>>, vector<16xi32>,
    %get3A_276 = arith.constant 144 : index
    %get3A_277 = tpu.vector_load %arg7[%get3A_276] {strides = array<i32>} : memref<512xi32, #tpu.memory_space<vmem>>, vector<16xi32>,
    %get3A_278 = vector.shape_cast %get3A_277 : vector<16xi32> to vector<16xi32>
    %add3A_279 = arith.constant 16 : i32
    %add3A_280 = arith.addi %mul3A_2, %add3A_279 : i32
    %add3A_281 = arith.constant 1 : i32
    %add3A_282 = arith.addi %add3A_280, %add3A_281 : i32
    %add3A_283 = arith.constant 1 : i32
    %add3A_284 = arith.addi %add3A_282, %add3A_283 : i32
    %add3A_285 = vector.broadcast %add3A_284 : i32 to vector<16xi32>
    %add3A_286 = arith.addi %iota3A, %add3A_285 : vector<16xi32>
    %eq3A_287 = arith.constant 1 : i32
    %eq3A_288 = vector.broadcast %eq3A_287 : i32 to vector<16xi32>
    %eq3A_289 = arith.cmpi eq, %get3A_278, %eq3A_288 : vector<16xi32>
    %jit3A_290 = arith.constant 1 : i32
    %broadcast_in_dim3A_291 = vector.broadcast %jit3A_290 : i32 to vector<16xi32>
    %select_n3A_292 = arith.select %eq3A_289, %broadcast_in_dim3A_291, %add3A_286 : vector<16xi1>, vector<16xi32>
    %swap3A_293 = arith.constant 144 : index
    %swap3A_294 = tpu.vector_load %arg8[%swap3A_293] {strides = array<i32>} : memref<512xi32, #tpu.memory_space<vmem>>, vector<16xi32>,
    %swap3A_295 = vector.shape_cast %swap3A_294 : vector<16xi32> to vector<16xi32>
    %swap3A_296 = vector.shape_cast %select_n3A_292 : vector<16xi32> to vector<16xi32>
    tpu.vector_store %arg8[%swap3A_293], %swap3A_296 {strides = array<i32>} : memref<512xi32, #tpu.memory_space<vmem>>, vector<16xi32>,
    %get3A_297 = arith.constant 160 : index
    %get3A_298 = tpu.vector_load %arg7[%get3A_297] {strides = array<i32>} : memref<512xi32, #tpu.memory_space<vmem>>, vector<16xi32>,
    %get3A_299 = vector.shape_cast %get3A_298 : vector<16xi32> to vector<16xi32>
    %add3A_300 = arith.constant 32 : i32
    %add3A_301 = arith.addi %mul3A_2, %add3A_300 : i32
    %add3A_302 = arith.constant 1 : i32
    %add3A_303 = arith.addi %add3A_301, %add3A_302 : i32
    %add3A_304 = arith.constant 1 : i32
    %add3A_305 = arith.addi %add3A_303, %add3A_304 : i32
    %add3A_306 = vector.broadcast %add3A_305 : i32 to vector<16xi32>
    %add3A_307 = arith.addi %iota3A, %add3A_306 : vector<16xi32>
    %eq3A_308 = arith.constant 1 : i32
    %eq3A_309 = vector.broadcast %eq3A_308 : i32 to vector<16xi32>
    %eq3A_310 = arith.cmpi eq, %get3A_299, %eq3A_309 : vector<16xi32>
    %jit3A_311 = arith.constant 1 : i32
    %broadcast_in_dim3A_312 = vector.broadcast %jit3A_311 : i32 to vector<16xi32>
    %select_n3A_313 = arith.select %eq3A_310, %broadcast_in_dim3A_312, %add3A_307 : vector<16xi1>, vector<16xi32>
    %swap3A_314 = arith.constant 160 : index
    %swap3A_315 = tpu.vector_load %arg8[%swap3A_314] {strides = array<i32>} : memref<512xi32, #tpu.memory_space<vmem>>, vector<16xi32>,
    %swap3A_316 = vector.shape_cast %swap3A_315 : vector<16xi32> to vector<16xi32>
    %swap3A_317 = vector.shape_cast %select_n3A_313 : vector<16xi32> to vector<16xi32>
    tpu.vector_store %arg8[%swap3A_314], %swap3A_317 {strides = array<i32>} : memref<512xi32, #tpu.memory_space<vmem>>, vector<16xi32>,
    %get3A_318 = arith.constant 176 : index
    %get3A_319 = tpu.vector_load %arg7[%get3A_318] {strides = array<i32>} : memref<512xi32, #tpu.memory_space<vmem>>, vector<16xi32>,
    %get3A_320 = vector.shape_cast %get3A_319 : vector<16xi32> to vector<16xi32>
    %add3A_321 = arith.constant 48 : i32
    %add3A_322 = arith.addi %mul3A_2, %add3A_321 : i32
    %add3A_323 = arith.constant 1 : i32
    %add3A_324 = arith.addi %add3A_322, %add3A_323 : i32
    %add3A_325 = arith.constant 1 : i32
    %add3A_326 = arith.addi %add3A_324, %add3A_325 : i32
    %add3A_327 = vector.broadcast %add3A_326 : i32 to vector<16xi32>
    %add3A_328 = arith.addi %iota3A, %add3A_327 : vector<16xi32>
    %eq3A_329 = arith.constant 1 : i32
    %eq3A_330 = vector.broadcast %eq3A_329 : i32 to vector<16xi32>
    %eq3A_331 = arith.cmpi eq, %get3A_320, %eq3A_330 : vector<16xi32>
    %jit3A_332 = arith.constant 1 : i32
    %broadcast_in_dim3A_333 = vector.broadcast %jit3A_332 : i32 to vector<16xi32>
    %select_n3A_334 = arith.select %eq3A_331, %broadcast_in_dim3A_333, %add3A_328 : vector<16xi1>, vector<16xi32>
    %swap3A_335 = arith.constant 176 : index
    %swap3A_336 = tpu.vector_load %arg8[%swap3A_335] {strides = array<i32>} : memref<512xi32, #tpu.memory_space<vmem>>, vector<16xi32>,
    %swap3A_337 = vector.shape_cast %swap3A_336 : vector<16xi32> to vector<16xi32>
    %swap3A_338 = vector.shape_cast %select_n3A_334 : vector<16xi32> to vector<16xi32>
    tpu.vector_store %arg8[%swap3A_335], %swap3A_338 {strides = array<i32>} : memref<512xi32, #tpu.memory_space<vmem>>, vector<16xi32>,
    %get3A_339 = arith.constant 192 : index
    %get3A_340 = tpu.vector_load %arg7[%get3A_339] {strides = array<i32>} : memref<512xi32, #tpu.memory_space<vmem>>, vector<16xi32>,
    %get3A_341 = vector.shape_cast %get3A_340 : vector<16xi32> to vector<16xi32>
    %add3A_342 = arith.constant 64 : i32
    %add3A_343 = arith.addi %mul3A_2, %add3A_342 : i32
    %add3A_344 = arith.constant 1 : i32
    %add3A_345 = arith.addi %add3A_343, %add3A_344 : i32
    %add3A_346 = arith.constant 1 : i32
    %add3A_347 = arith.addi %add3A_345, %add3A_346 : i32
    %add3A_348 = vector.broadcast %add3A_347 : i32 to vector<16xi32>
    %add3A_349 = arith.addi %iota3A, %add3A_348 : vector<16xi32>
    %eq3A_350 = arith.constant 1 : i32
    %eq3A_351 = vector.broadcast %eq3A_350 : i32 to vector<16xi32>
    %eq3A_352 = arith.cmpi eq, %get3A_341, %eq3A_351 : vector<16xi32>
    %jit3A_353 = arith.constant 1 : i32
    %broadcast_in_dim3A_354 = vector.broadcast %jit3A_353 : i32 to vector<16xi32>
    %select_n3A_355 = arith.select %eq3A_352, %broadcast_in_dim3A_354, %add3A_349 : vector<16xi1>, vector<16xi32>
    %swap3A_356 = arith.constant 192 : index
    %swap3A_357 = tpu.vector_load %arg8[%swap3A_356] {strides = array<i32>} : memref<512xi32, #tpu.memory_space<vmem>>, vector<16xi32>,
    %swap3A_358 = vector.shape_cast %swap3A_357 : vector<16xi32> to vector<16xi32>
    %swap3A_359 = vector.shape_cast %select_n3A_355 : vector<16xi32> to vector<16xi32>
    tpu.vector_store %arg8[%swap3A_356], %swap3A_359 {strides = array<i32>} : memref<512xi32, #tpu.memory_space<vmem>>, vector<16xi32>,
    %get3A_360 = arith.constant 208 : index
    %get3A_361 = tpu.vector_load %arg7[%get3A_360] {strides = array<i32>} : memref<512xi32, #tpu.memory_space<vmem>>, vector<16xi32>,
    %get3A_362 = vector.shape_cast %get3A_361 : vector<16xi32> to vector<16xi32>
    %add3A_363 = arith.constant 80 : i32
    %add3A_364 = arith.addi %mul3A_2, %add3A_363 : i32
    %add3A_365 = arith.constant 1 : i32
    %add3A_366 = arith.addi %add3A_364, %add3A_365 : i32
    %add3A_367 = arith.constant 1 : i32
    %add3A_368 = arith.addi %add3A_366, %add3A_367 : i32
    %add3A_369 = vector.broadcast %add3A_368 : i32 to vector<16xi32>
    %add3A_370 = arith.addi %iota3A, %add3A_369 : vector<16xi32>
    %eq3A_371 = arith.constant 1 : i32
    %eq3A_372 = vector.broadcast %eq3A_371 : i32 to vector<16xi32>
    %eq3A_373 = arith.cmpi eq, %get3A_362, %eq3A_372 : vector<16xi32>
    %jit3A_374 = arith.constant 1 : i32
    %broadcast_in_dim3A_375 = vector.broadcast %jit3A_374 : i32 to vector<16xi32>
    %select_n3A_376 = arith.select %eq3A_373, %broadcast_in_dim3A_375, %add3A_370 : vector<16xi1>, vector<16xi32>
    %swap3A_377 = arith.constant 208 : index
    %swap3A_378 = tpu.vector_load %arg8[%swap3A_377] {strides = array<i32>} : memref<512xi32, #tpu.memory_space<vmem>>, vector<16xi32>,
    %swap3A_379 = vector.shape_cast %swap3A_378 : vector<16xi32> to vector<16xi32>
    %swap3A_380 = vector.shape_cast %select_n3A_376 : vector<16xi32> to vector<16xi32>
    tpu.vector_store %arg8[%swap3A_377], %swap3A_380 {strides = array<i32>} : memref<512xi32, #tpu.memory_space<vmem>>, vector<16xi32>,
    %get3A_381 = arith.constant 224 : index
    %get3A_382 = tpu.vector_load %arg7[%get3A_381] {strides = array<i32>} : memref<512xi32, #tpu.memory_space<vmem>>, vector<16xi32>,
    %get3A_383 = vector.shape_cast %get3A_382 : vector<16xi32> to vector<16xi32>
    %add3A_384 = arith.constant 96 : i32
    %add3A_385 = arith.addi %mul3A_2, %add3A_384 : i32
    %add3A_386 = arith.constant 1 : i32
    %add3A_387 = arith.addi %add3A_385, %add3A_386 : i32
    %add3A_388 = arith.constant 1 : i32
    %add3A_389 = arith.addi %add3A_387, %add3A_388 : i32
    %add3A_390 = vector.broadcast %add3A_389 : i32 to vector<16xi32>
    %add3A_391 = arith.addi %iota3A, %add3A_390 : vector<16xi32>
    %eq3A_392 = arith.constant 1 : i32
    %eq3A_393 = vector.broadcast %eq3A_392 : i32 to vector<16xi32>
    %eq3A_394 = arith.cmpi eq, %get3A_383, %eq3A_393 : vector<16xi32>
    %jit3A_395 = arith.constant 1 : i32
    %broadcast_in_dim3A_396 = vector.broadcast %jit3A_395 : i32 to vector<16xi32>
    %select_n3A_397 = arith.select %eq3A_394, %broadcast_in_dim3A_396, %add3A_391 : vector<16xi1>, vector<16xi32>
    %swap3A_398 = arith.constant 224 : index
    %swap3A_399 = tpu.vector_load %arg8[%swap3A_398] {strides = array<i32>} : memref<512xi32, #tpu.memory_space<vmem>>, vector<16xi32>,
    %swap3A_400 = vector.shape_cast %swap3A_399 : vector<16xi32> to vector<16xi32>
    %swap3A_401 = vector.shape_cast %select_n3A_397 : vector<16xi32> to vector<16xi32>
    tpu.vector_store %arg8[%swap3A_398], %swap3A_401 {strides = array<i32>} : memref<512xi32, #tpu.memory_space<vmem>>, vector<16xi32>,
    %get3A_402 = arith.constant 240 : index
    %get3A_403 = tpu.vector_load %arg7[%get3A_402] {strides = array<i32>} : memref<512xi32, #tpu.memory_space<vmem>>, vector<16xi32>,
    %get3A_404 = vector.shape_cast %get3A_403 : vector<16xi32> to vector<16xi32>
    %add3A_405 = arith.constant 112 : i32
    %add3A_406 = arith.addi %mul3A_2, %add3A_405 : i32
    %add3A_407 = arith.constant 1 : i32
    %add3A_408 = arith.addi %add3A_406, %add3A_407 : i32
    %add3A_409 = arith.constant 1 : i32
    %add3A_410 = arith.addi %add3A_408, %add3A_409 : i32
    %add3A_411 = vector.broadcast %add3A_410 : i32 to vector<16xi32>
    %add3A_412 = arith.addi %iota3A, %add3A_411 : vector<16xi32>
    %eq3A_413 = arith.constant 1 : i32
    %eq3A_414 = vector.broadcast %eq3A_413 : i32 to vector<16xi32>
    %eq3A_415 = arith.cmpi eq, %get3A_404, %eq3A_414 : vector<16xi32>
    %jit3A_416 = arith.constant 1 : i32
    %broadcast_in_dim3A_417 = vector.broadcast %jit3A_416 : i32 to vector<16xi32>
    %select_n3A_418 = arith.select %eq3A_415, %broadcast_in_dim3A_417, %add3A_412 : vector<16xi1>, vector<16xi32>
    %swap3A_419 = arith.constant 240 : index
    %swap3A_420 = tpu.vector_load %arg8[%swap3A_419] {strides = array<i32>} : memref<512xi32, #tpu.memory_space<vmem>>, vector<16xi32>,
    %swap3A_421 = vector.shape_cast %swap3A_420 : vector<16xi32> to vector<16xi32>
    %swap3A_422 = vector.shape_cast %select_n3A_418 : vector<16xi32> to vector<16xi32>
    tpu.vector_store %arg8[%swap3A_419], %swap3A_422 {strides = array<i32>} : memref<512xi32, #tpu.memory_space<vmem>>, vector<16xi32>,
    %get3A_423 = arith.constant 256 : index
    %get3A_424 = tpu.vector_load %arg7[%get3A_423] {strides = array<i32>} : memref<512xi32, #tpu.memory_space<vmem>>, vector<16xi32>,
    %get3A_425 = vector.shape_cast %get3A_424 : vector<16xi32> to vector<16xi32>
    %add3A_426 = arith.constant 0 : i32
    %add3A_427 = arith.addi %mul3A_2, %add3A_426 : i32
    %add3A_428 = arith.constant 1 : i32
    %add3A_429 = arith.addi %add3A_427, %add3A_428 : i32
    %add3A_430 = arith.constant 1 : i32
    %add3A_431 = arith.addi %add3A_429, %add3A_430 : i32
    %add3A_432 = vector.broadcast %add3A_431 : i32 to vector<16xi32>
    %add3A_433 = arith.addi %iota3A, %add3A_432 : vector<16xi32>
    %eq3A_434 = arith.constant 1 : i32
    %eq3A_435 = vector.broadcast %eq3A_434 : i32 to vector<16xi32>
    %eq3A_436 = arith.cmpi eq, %get3A_425, %eq3A_435 : vector<16xi32>
    %jit3A_437 = arith.constant 1 : i32
    %broadcast_in_dim3A_438 = vector.broadcast %jit3A_437 : i32 to vector<16xi32>
    %select_n3A_439 = arith.select %eq3A_436, %broadcast_in_dim3A_438, %add3A_433 : vector<16xi1>, vector<16xi32>
    %swap3A_440 = arith.constant 256 : index
    %swap3A_441 = tpu.vector_load %arg8[%swap3A_440] {strides = array<i32>} : memref<512xi32, #tpu.memory_space<vmem>>, vector<16xi32>,
    %swap3A_442 = vector.shape_cast %swap3A_441 : vector<16xi32> to vector<16xi32>
    %swap3A_443 = vector.shape_cast %select_n3A_439 : vector<16xi32> to vector<16xi32>
    tpu.vector_store %arg8[%swap3A_440], %swap3A_443 {strides = array<i32>} : memref<512xi32, #tpu.memory_space<vmem>>, vector<16xi32>,
    %get3A_444 = arith.constant 272 : index
    %get3A_445 = tpu.vector_load %arg7[%get3A_444] {strides = array<i32>} : memref<512xi32, #tpu.memory_space<vmem>>, vector<16xi32>,
    %get3A_446 = vector.shape_cast %get3A_445 : vector<16xi32> to vector<16xi32>
    %add3A_447 = arith.constant 16 : i32
    %add3A_448 = arith.addi %mul3A_2, %add3A_447 : i32
    %add3A_449 = arith.constant 1 : i32
    %add3A_450 = arith.addi %add3A_448, %add3A_449 : i32
    %add3A_451 = arith.constant 1 : i32
    %add3A_452 = arith.addi %add3A_450, %add3A_451 : i32
    %add3A_453 = vector.broadcast %add3A_452 : i32 to vector<16xi32>
    %add3A_454 = arith.addi %iota3A, %add3A_453 : vector<16xi32>
    %eq3A_455 = arith.constant 1 : i32
    %eq3A_456 = vector.broadcast %eq3A_455 : i32 to vector<16xi32>
    %eq3A_457 = arith.cmpi eq, %get3A_446, %eq3A_456 : vector<16xi32>
    %jit3A_458 = arith.constant 1 : i32
    %broadcast_in_dim3A_459 = vector.broadcast %jit3A_458 : i32 to vector<16xi32>
    %select_n3A_460 = arith.select %eq3A_457, %broadcast_in_dim3A_459, %add3A_454 : vector<16xi1>, vector<16xi32>
    %swap3A_461 = arith.constant 272 : index
    %swap3A_462 = tpu.vector_load %arg8[%swap3A_461] {strides = array<i32>} : memref<512xi32, #tpu.memory_space<vmem>>, vector<16xi32>,
    %swap3A_463 = vector.shape_cast %swap3A_462 : vector<16xi32> to vector<16xi32>
    %swap3A_464 = vector.shape_cast %select_n3A_460 : vector<16xi32> to vector<16xi32>
    tpu.vector_store %arg8[%swap3A_461], %swap3A_464 {strides = array<i32>} : memref<512xi32, #tpu.memory_space<vmem>>, vector<16xi32>,
    %get3A_465 = arith.constant 288 : index
    %get3A_466 = tpu.vector_load %arg7[%get3A_465] {strides = array<i32>} : memref<512xi32, #tpu.memory_space<vmem>>, vector<16xi32>,
    %get3A_467 = vector.shape_cast %get3A_466 : vector<16xi32> to vector<16xi32>
    %add3A_468 = arith.constant 32 : i32
    %add3A_469 = arith.addi %mul3A_2, %add3A_468 : i32
    %add3A_470 = arith.constant 1 : i32
    %add3A_471 = arith.addi %add3A_469, %add3A_470 : i32
    %add3A_472 = arith.constant 1 : i32
    %add3A_473 = arith.addi %add3A_471, %add3A_472 : i32
    %add3A_474 = vector.broadcast %add3A_473 : i32 to vector<16xi32>
    %add3A_475 = arith.addi %iota3A, %add3A_474 : vector<16xi32>
    %eq3A_476 = arith.constant 1 : i32
    %eq3A_477 = vector.broadcast %eq3A_476 : i32 to vector<16xi32>
    %eq3A_478 = arith.cmpi eq, %get3A_467, %eq3A_477 : vector<16xi32>
    %jit3A_479 = arith.constant 1 : i32
    %broadcast_in_dim3A_480 = vector.broadcast %jit3A_479 : i32 to vector<16xi32>
    %select_n3A_481 = arith.select %eq3A_478, %broadcast_in_dim3A_480, %add3A_475 : vector<16xi1>, vector<16xi32>
    %swap3A_482 = arith.constant 288 : index
    %swap3A_483 = tpu.vector_load %arg8[%swap3A_482] {strides = array<i32>} : memref<512xi32, #tpu.memory_space<vmem>>, vector<16xi32>,
    %swap3A_484 = vector.shape_cast %swap3A_483 : vector<16xi32> to vector<16xi32>
    %swap3A_485 = vector.shape_cast %select_n3A_481 : vector<16xi32> to vector<16xi32>
    tpu.vector_store %arg8[%swap3A_482], %swap3A_485 {strides = array<i32>} : memref<512xi32, #tpu.memory_space<vmem>>, vector<16xi32>,
    %get3A_486 = arith.constant 304 : index
    %get3A_487 = tpu.vector_load %arg7[%get3A_486] {strides = array<i32>} : memref<512xi32, #tpu.memory_space<vmem>>, vector<16xi32>,
    %get3A_488 = vector.shape_cast %get3A_487 : vector<16xi32> to vector<16xi32>
    %add3A_489 = arith.constant 48 : i32
    %add3A_490 = arith.addi %mul3A_2, %add3A_489 : i32
    %add3A_491 = arith.constant 1 : i32
    %add3A_492 = arith.addi %add3A_490, %add3A_491 : i32
    %add3A_493 = arith.constant 1 : i32
    %add3A_494 = arith.addi %add3A_492, %add3A_493 : i32
    %add3A_495 = vector.broadcast %add3A_494 : i32 to vector<16xi32>
    %add3A_496 = arith.addi %iota3A, %add3A_495 : vector<16xi32>
    %eq3A_497 = arith.constant 1 : i32
    %eq3A_498 = vector.broadcast %eq3A_497 : i32 to vector<16xi32>
    %eq3A_499 = arith.cmpi eq, %get3A_488, %eq3A_498 : vector<16xi32>
    %jit3A_500 = arith.constant 1 : i32
    %broadcast_in_dim3A_501 = vector.broadcast %jit3A_500 : i32 to vector<16xi32>
    %select_n3A_502 = arith.select %eq3A_499, %broadcast_in_dim3A_501, %add3A_496 : vector<16xi1>, vector<16xi32>
    %swap3A_503 = arith.constant 304 : index
    %swap3A_504 = tpu.vector_load %arg8[%swap3A_503] {strides = array<i32>} : memref<512xi32, #tpu.memory_space<vmem>>, vector<16xi32>,
    %swap3A_505 = vector.shape_cast %swap3A_504 : vector<16xi32> to vector<16xi32>
    %swap3A_506 = vector.shape_cast %select_n3A_502 : vector<16xi32> to vector<16xi32>
    tpu.vector_store %arg8[%swap3A_503], %swap3A_506 {strides = array<i32>} : memref<512xi32, #tpu.memory_space<vmem>>, vector<16xi32>,
    %get3A_507 = arith.constant 320 : index
    %get3A_508 = tpu.vector_load %arg7[%get3A_507] {strides = array<i32>} : memref<512xi32, #tpu.memory_space<vmem>>, vector<16xi32>,
    %get3A_509 = vector.shape_cast %get3A_508 : vector<16xi32> to vector<16xi32>
    %add3A_510 = arith.constant 64 : i32
    %add3A_511 = arith.addi %mul3A_2, %add3A_510 : i32
    %add3A_512 = arith.constant 1 : i32
    %add3A_513 = arith.addi %add3A_511, %add3A_512 : i32
    %add3A_514 = arith.constant 1 : i32
    %add3A_515 = arith.addi %add3A_513, %add3A_514 : i32
    %add3A_516 = vector.broadcast %add3A_515 : i32 to vector<16xi32>
    %add3A_517 = arith.addi %iota3A, %add3A_516 : vector<16xi32>
    %eq3A_518 = arith.constant 1 : i32
    %eq3A_519 = vector.broadcast %eq3A_518 : i32 to vector<16xi32>
    %eq3A_520 = arith.cmpi eq, %get3A_509, %eq3A_519 : vector<16xi32>
    %jit3A_521 = arith.constant 1 : i32
    %broadcast_in_dim3A_522 = vector.broadcast %jit3A_521 : i32 to vector<16xi32>
    %select_n3A_523 = arith.select %eq3A_520, %broadcast_in_dim3A_522, %add3A_517 : vector<16xi1>, vector<16xi32>
    %swap3A_524 = arith.constant 320 : index
    %swap3A_525 = tpu.vector_load %arg8[%swap3A_524] {strides = array<i32>} : memref<512xi32, #tpu.memory_space<vmem>>, vector<16xi32>,
    %swap3A_526 = vector.shape_cast %swap3A_525 : vector<16xi32> to vector<16xi32>
    %swap3A_527 = vector.shape_cast %select_n3A_523 : vector<16xi32> to vector<16xi32>
    tpu.vector_store %arg8[%swap3A_524], %swap3A_527 {strides = array<i32>} : memref<512xi32, #tpu.memory_space<vmem>>, vector<16xi32>,
    %get3A_528 = arith.constant 336 : index
    %get3A_529 = tpu.vector_load %arg7[%get3A_528] {strides = array<i32>} : memref<512xi32, #tpu.memory_space<vmem>>, vector<16xi32>,
    %get3A_530 = vector.shape_cast %get3A_529 : vector<16xi32> to vector<16xi32>
    %add3A_531 = arith.constant 80 : i32
    %add3A_532 = arith.addi %mul3A_2, %add3A_531 : i32
    %add3A_533 = arith.constant 1 : i32
    %add3A_534 = arith.addi %add3A_532, %add3A_533 : i32
    %add3A_535 = arith.constant 1 : i32
    %add3A_536 = arith.addi %add3A_534, %add3A_535 : i32
    %add3A_537 = vector.broadcast %add3A_536 : i32 to vector<16xi32>
    %add3A_538 = arith.addi %iota3A, %add3A_537 : vector<16xi32>
    %eq3A_539 = arith.constant 1 : i32
    %eq3A_540 = vector.broadcast %eq3A_539 : i32 to vector<16xi32>
    %eq3A_541 = arith.cmpi eq, %get3A_530, %eq3A_540 : vector<16xi32>
    %jit3A_542 = arith.constant 1 : i32
    %broadcast_in_dim3A_543 = vector.broadcast %jit3A_542 : i32 to vector<16xi32>
    %select_n3A_544 = arith.select %eq3A_541, %broadcast_in_dim3A_543, %add3A_538 : vector<16xi1>, vector<16xi32>
    %swap3A_545 = arith.constant 336 : index
    %swap3A_546 = tpu.vector_load %arg8[%swap3A_545] {strides = array<i32>} : memref<512xi32, #tpu.memory_space<vmem>>, vector<16xi32>,
    %swap3A_547 = vector.shape_cast %swap3A_546 : vector<16xi32> to vector<16xi32>
    %swap3A_548 = vector.shape_cast %select_n3A_544 : vector<16xi32> to vector<16xi32>
    tpu.vector_store %arg8[%swap3A_545], %swap3A_548 {strides = array<i32>} : memref<512xi32, #tpu.memory_space<vmem>>, vector<16xi32>,
    %get3A_549 = arith.constant 352 : index
    %get3A_550 = tpu.vector_load %arg7[%get3A_549] {strides = array<i32>} : memref<512xi32, #tpu.memory_space<vmem>>, vector<16xi32>,
    %get3A_551 = vector.shape_cast %get3A_550 : vector<16xi32> to vector<16xi32>
    %add3A_552 = arith.constant 96 : i32
    %add3A_553 = arith.addi %mul3A_2, %add3A_552 : i32
    %add3A_554 = arith.constant 1 : i32
    %add3A_555 = arith.addi %add3A_553, %add3A_554 : i32
    %add3A_556 = arith.constant 1 : i32
    %add3A_557 = arith.addi %add3A_555, %add3A_556 : i32
    %add3A_558 = vector.broadcast %add3A_557 : i32 to vector<16xi32>
    %add3A_559 = arith.addi %iota3A, %add3A_558 : vector<16xi32>
    %eq3A_560 = arith.constant 1 : i32
    %eq3A_561 = vector.broadcast %eq3A_560 : i32 to vector<16xi32>
    %eq3A_562 = arith.cmpi eq, %get3A_551, %eq3A_561 : vector<16xi32>
    %jit3A_563 = arith.constant 1 : i32
    %broadcast_in_dim3A_564 = vector.broadcast %jit3A_563 : i32 to vector<16xi32>
    %select_n3A_565 = arith.select %eq3A_562, %broadcast_in_dim3A_564, %add3A_559 : vector<16xi1>, vector<16xi32>
    %swap3A_566 = arith.constant 352 : index
    %swap3A_567 = tpu.vector_load %arg8[%swap3A_566] {strides = array<i32>} : memref<512xi32, #tpu.memory_space<vmem>>, vector<16xi32>,
    %swap3A_568 = vector.shape_cast %swap3A_567 : vector<16xi32> to vector<16xi32>
    %swap3A_569 = vector.shape_cast %select_n3A_565 : vector<16xi32> to vector<16xi32>
    tpu.vector_store %arg8[%swap3A_566], %swap3A_569 {strides = array<i32>} : memref<512xi32, #tpu.memory_space<vmem>>, vector<16xi32>,
    %get3A_570 = arith.constant 368 : index
    %get3A_571 = tpu.vector_load %arg7[%get3A_570] {strides = array<i32>} : memref<512xi32, #tpu.memory_space<vmem>>, vector<16xi32>,
    %get3A_572 = vector.shape_cast %get3A_571 : vector<16xi32> to vector<16xi32>
    %add3A_573 = arith.constant 112 : i32
    %add3A_574 = arith.addi %mul3A_2, %add3A_573 : i32
    %add3A_575 = arith.constant 1 : i32
    %add3A_576 = arith.addi %add3A_574, %add3A_575 : i32
    %add3A_577 = arith.constant 1 : i32
    %add3A_578 = arith.addi %add3A_576, %add3A_577 : i32
    %add3A_579 = vector.broadcast %add3A_578 : i32 to vector<16xi32>
    %add3A_580 = arith.addi %iota3A, %add3A_579 : vector<16xi32>
    %eq3A_581 = arith.constant 1 : i32
    %eq3A_582 = vector.broadcast %eq3A_581 : i32 to vector<16xi32>
    %eq3A_583 = arith.cmpi eq, %get3A_572, %eq3A_582 : vector<16xi32>
    %jit3A_584 = arith.constant 1 : i32
    %broadcast_in_dim3A_585 = vector.broadcast %jit3A_584 : i32 to vector<16xi32>
    %select_n3A_586 = arith.select %eq3A_583, %broadcast_in_dim3A_585, %add3A_580 : vector<16xi1>, vector<16xi32>
    %swap3A_587 = arith.constant 368 : index
    %swap3A_588 = tpu.vector_load %arg8[%swap3A_587] {strides = array<i32>} : memref<512xi32, #tpu.memory_space<vmem>>, vector<16xi32>,
    %swap3A_589 = vector.shape_cast %swap3A_588 : vector<16xi32> to vector<16xi32>
    %swap3A_590 = vector.shape_cast %select_n3A_586 : vector<16xi32> to vector<16xi32>
    tpu.vector_store %arg8[%swap3A_587], %swap3A_590 {strides = array<i32>} : memref<512xi32, #tpu.memory_space<vmem>>, vector<16xi32>,
    %get3A_591 = arith.constant 384 : index
    %get3A_592 = tpu.vector_load %arg7[%get3A_591] {strides = array<i32>} : memref<512xi32, #tpu.memory_space<vmem>>, vector<16xi32>,
    %get3A_593 = vector.shape_cast %get3A_592 : vector<16xi32> to vector<16xi32>
    %add3A_594 = arith.constant 0 : i32
    %add3A_595 = arith.addi %mul3A_2, %add3A_594 : i32
    %add3A_596 = arith.constant 1 : i32
    %add3A_597 = arith.addi %add3A_595, %add3A_596 : i32
    %add3A_598 = arith.constant 1 : i32
    %add3A_599 = arith.addi %add3A_597, %add3A_598 : i32
    %add3A_600 = vector.broadcast %add3A_599 : i32 to vector<16xi32>
    %add3A_601 = arith.addi %iota3A, %add3A_600 : vector<16xi32>
    %eq3A_602 = arith.constant 1 : i32
    %eq3A_603 = vector.broadcast %eq3A_602 : i32 to vector<16xi32>
    %eq3A_604 = arith.cmpi eq, %get3A_593, %eq3A_603 : vector<16xi32>
    %jit3A_605 = arith.constant 1 : i32
    %broadcast_in_dim3A_606 = vector.broadcast %jit3A_605 : i32 to vector<16xi32>
    %select_n3A_607 = arith.select %eq3A_604, %broadcast_in_dim3A_606, %add3A_601 : vector<16xi1>, vector<16xi32>
    %swap3A_608 = arith.constant 384 : index
    %swap3A_609 = tpu.vector_load %arg8[%swap3A_608] {strides = array<i32>} : memref<512xi32, #tpu.memory_space<vmem>>, vector<16xi32>,
    %swap3A_610 = vector.shape_cast %swap3A_609 : vector<16xi32> to vector<16xi32>
    %swap3A_611 = vector.shape_cast %select_n3A_607 : vector<16xi32> to vector<16xi32>
    tpu.vector_store %arg8[%swap3A_608], %swap3A_611 {strides = array<i32>} : memref<512xi32, #tpu.memory_space<vmem>>, vector<16xi32>,
    %get3A_612 = arith.constant 400 : index
    %get3A_613 = tpu.vector_load %arg7[%get3A_612] {strides = array<i32>} : memref<512xi32, #tpu.memory_space<vmem>>, vector<16xi32>,
    %get3A_614 = vector.shape_cast %get3A_613 : vector<16xi32> to vector<16xi32>
    %add3A_615 = arith.constant 16 : i32
    %add3A_616 = arith.addi %mul3A_2, %add3A_615 : i32
    %add3A_617 = arith.constant 1 : i32
    %add3A_618 = arith.addi %add3A_616, %add3A_617 : i32
    %add3A_619 = arith.constant 1 : i32
    %add3A_620 = arith.addi %add3A_618, %add3A_619 : i32
    %add3A_621 = vector.broadcast %add3A_620 : i32 to vector<16xi32>
    %add3A_622 = arith.addi %iota3A, %add3A_621 : vector<16xi32>
    %eq3A_623 = arith.constant 1 : i32
    %eq3A_624 = vector.broadcast %eq3A_623 : i32 to vector<16xi32>
    %eq3A_625 = arith.cmpi eq, %get3A_614, %eq3A_624 : vector<16xi32>
    %jit3A_626 = arith.constant 1 : i32
    %broadcast_in_dim3A_627 = vector.broadcast %jit3A_626 : i32 to vector<16xi32>
    %select_n3A_628 = arith.select %eq3A_625, %broadcast_in_dim3A_627, %add3A_622 : vector<16xi1>, vector<16xi32>
    %swap3A_629 = arith.constant 400 : index
    %swap3A_630 = tpu.vector_load %arg8[%swap3A_629] {strides = array<i32>} : memref<512xi32, #tpu.memory_space<vmem>>, vector<16xi32>,
    %swap3A_631 = vector.shape_cast %swap3A_630 : vector<16xi32> to vector<16xi32>
    %swap3A_632 = vector.shape_cast %select_n3A_628 : vector<16xi32> to vector<16xi32>
    tpu.vector_store %arg8[%swap3A_629], %swap3A_632 {strides = array<i32>} : memref<512xi32, #tpu.memory_space<vmem>>, vector<16xi32>,
    %get3A_633 = arith.constant 416 : index
    %get3A_634 = tpu.vector_load %arg7[%get3A_633] {strides = array<i32>} : memref<512xi32, #tpu.memory_space<vmem>>, vector<16xi32>,
    %get3A_635 = vector.shape_cast %get3A_634 : vector<16xi32> to vector<16xi32>
    %add3A_636 = arith.constant 32 : i32
    %add3A_637 = arith.addi %mul3A_2, %add3A_636 : i32
    %add3A_638 = arith.constant 1 : i32
    %add3A_639 = arith.addi %add3A_637, %add3A_638 : i32
    %add3A_640 = arith.constant 1 : i32
    %add3A_641 = arith.addi %add3A_639, %add3A_640 : i32
    %add3A_642 = vector.broadcast %add3A_641 : i32 to vector<16xi32>
    %add3A_643 = arith.addi %iota3A, %add3A_642 : vector<16xi32>
    %eq3A_644 = arith.constant 1 : i32
    %eq3A_645 = vector.broadcast %eq3A_644 : i32 to vector<16xi32>
    %eq3A_646 = arith.cmpi eq, %get3A_635, %eq3A_645 : vector<16xi32>
    %jit3A_647 = arith.constant 1 : i32
    %broadcast_in_dim3A_648 = vector.broadcast %jit3A_647 : i32 to vector<16xi32>
    %select_n3A_649 = arith.select %eq3A_646, %broadcast_in_dim3A_648, %add3A_643 : vector<16xi1>, vector<16xi32>
    %swap3A_650 = arith.constant 416 : index
    %swap3A_651 = tpu.vector_load %arg8[%swap3A_650] {strides = array<i32>} : memref<512xi32, #tpu.memory_space<vmem>>, vector<16xi32>,
    %swap3A_652 = vector.shape_cast %swap3A_651 : vector<16xi32> to vector<16xi32>
    %swap3A_653 = vector.shape_cast %select_n3A_649 : vector<16xi32> to vector<16xi32>
    tpu.vector_store %arg8[%swap3A_650], %swap3A_653 {strides = array<i32>} : memref<512xi32, #tpu.memory_space<vmem>>, vector<16xi32>,
    %get3A_654 = arith.constant 432 : index
    %get3A_655 = tpu.vector_load %arg7[%get3A_654] {strides = array<i32>} : memref<512xi32, #tpu.memory_space<vmem>>, vector<16xi32>,
    %get3A_656 = vector.shape_cast %get3A_655 : vector<16xi32> to vector<16xi32>
    %add3A_657 = arith.constant 48 : i32
    %add3A_658 = arith.addi %mul3A_2, %add3A_657 : i32
    %add3A_659 = arith.constant 1 : i32
    %add3A_660 = arith.addi %add3A_658, %add3A_659 : i32
    %add3A_661 = arith.constant 1 : i32
    %add3A_662 = arith.addi %add3A_660, %add3A_661 : i32
    %add3A_663 = vector.broadcast %add3A_662 : i32 to vector<16xi32>
    %add3A_664 = arith.addi %iota3A, %add3A_663 : vector<16xi32>
    %eq3A_665 = arith.constant 1 : i32
    %eq3A_666 = vector.broadcast %eq3A_665 : i32 to vector<16xi32>
    %eq3A_667 = arith.cmpi eq, %get3A_656, %eq3A_666 : vector<16xi32>
    %jit3A_668 = arith.constant 1 : i32
    %broadcast_in_dim3A_669 = vector.broadcast %jit3A_668 : i32 to vector<16xi32>
    %select_n3A_670 = arith.select %eq3A_667, %broadcast_in_dim3A_669, %add3A_664 : vector<16xi1>, vector<16xi32>
    %swap3A_671 = arith.constant 432 : index
    %swap3A_672 = tpu.vector_load %arg8[%swap3A_671] {strides = array<i32>} : memref<512xi32, #tpu.memory_space<vmem>>, vector<16xi32>,
    %swap3A_673 = vector.shape_cast %swap3A_672 : vector<16xi32> to vector<16xi32>
    %swap3A_674 = vector.shape_cast %select_n3A_670 : vector<16xi32> to vector<16xi32>
    tpu.vector_store %arg8[%swap3A_671], %swap3A_674 {strides = array<i32>} : memref<512xi32, #tpu.memory_space<vmem>>, vector<16xi32>,
    %get3A_675 = arith.constant 448 : index
    %get3A_676 = tpu.vector_load %arg7[%get3A_675] {strides = array<i32>} : memref<512xi32, #tpu.memory_space<vmem>>, vector<16xi32>,
    %get3A_677 = vector.shape_cast %get3A_676 : vector<16xi32> to vector<16xi32>
    %add3A_678 = arith.constant 64 : i32
    %add3A_679 = arith.addi %mul3A_2, %add3A_678 : i32
    %add3A_680 = arith.constant 1 : i32
    %add3A_681 = arith.addi %add3A_679, %add3A_680 : i32
    %add3A_682 = arith.constant 1 : i32
    %add3A_683 = arith.addi %add3A_681, %add3A_682 : i32
    %add3A_684 = vector.broadcast %add3A_683 : i32 to vector<16xi32>
    %add3A_685 = arith.addi %iota3A, %add3A_684 : vector<16xi32>
    %eq3A_686 = arith.constant 1 : i32
    %eq3A_687 = vector.broadcast %eq3A_686 : i32 to vector<16xi32>
    %eq3A_688 = arith.cmpi eq, %get3A_677, %eq3A_687 : vector<16xi32>
    %jit3A_689 = arith.constant 1 : i32
    %broadcast_in_dim3A_690 = vector.broadcast %jit3A_689 : i32 to vector<16xi32>
    %select_n3A_691 = arith.select %eq3A_688, %broadcast_in_dim3A_690, %add3A_685 : vector<16xi1>, vector<16xi32>
    %swap3A_692 = arith.constant 448 : index
    %swap3A_693 = tpu.vector_load %arg8[%swap3A_692] {strides = array<i32>} : memref<512xi32, #tpu.memory_space<vmem>>, vector<16xi32>,
    %swap3A_694 = vector.shape_cast %swap3A_693 : vector<16xi32> to vector<16xi32>
    %swap3A_695 = vector.shape_cast %select_n3A_691 : vector<16xi32> to vector<16xi32>
    tpu.vector_store %arg8[%swap3A_692], %swap3A_695 {strides = array<i32>} : memref<512xi32, #tpu.memory_space<vmem>>, vector<16xi32>,
    %get3A_696 = arith.constant 464 : index
    %get3A_697 = tpu.vector_load %arg7[%get3A_696] {strides = array<i32>} : memref<512xi32, #tpu.memory_space<vmem>>, vector<16xi32>,
    %get3A_698 = vector.shape_cast %get3A_697 : vector<16xi32> to vector<16xi32>
    %add3A_699 = arith.constant 80 : i32
    %add3A_700 = arith.addi %mul3A_2, %add3A_699 : i32
    %add3A_701 = arith.constant 1 : i32
    %add3A_702 = arith.addi %add3A_700, %add3A_701 : i32
    %add3A_703 = arith.constant 1 : i32
    %add3A_704 = arith.addi %add3A_702, %add3A_703 : i32
    %add3A_705 = vector.broadcast %add3A_704 : i32 to vector<16xi32>
    %add3A_706 = arith.addi %iota3A, %add3A_705 : vector<16xi32>
    %eq3A_707 = arith.constant 1 : i32
    %eq3A_708 = vector.broadcast %eq3A_707 : i32 to vector<16xi32>
    %eq3A_709 = arith.cmpi eq, %get3A_698, %eq3A_708 : vector<16xi32>
    %jit3A_710 = arith.constant 1 : i32
    %broadcast_in_dim3A_711 = vector.broadcast %jit3A_710 : i32 to vector<16xi32>
    %select_n3A_712 = arith.select %eq3A_709, %broadcast_in_dim3A_711, %add3A_706 : vector<16xi1>, vector<16xi32>
    %swap3A_713 = arith.constant 464 : index
    %swap3A_714 = tpu.vector_load %arg8[%swap3A_713] {strides = array<i32>} : memref<512xi32, #tpu.memory_space<vmem>>, vector<16xi32>,
    %swap3A_715 = vector.shape_cast %swap3A_714 : vector<16xi32> to vector<16xi32>
    %swap3A_716 = vector.shape_cast %select_n3A_712 : vector<16xi32> to vector<16xi32>
    tpu.vector_store %arg8[%swap3A_713], %swap3A_716 {strides = array<i32>} : memref<512xi32, #tpu.memory_space<vmem>>, vector<16xi32>,
    %get3A_717 = arith.constant 480 : index
    %get3A_718 = tpu.vector_load %arg7[%get3A_717] {strides = array<i32>} : memref<512xi32, #tpu.memory_space<vmem>>, vector<16xi32>,
    %get3A_719 = vector.shape_cast %get3A_718 : vector<16xi32> to vector<16xi32>
    %add3A_720 = arith.constant 96 : i32
    %add3A_721 = arith.addi %mul3A_2, %add3A_720 : i32
    %add3A_722 = arith.constant 1 : i32
    %add3A_723 = arith.addi %add3A_721, %add3A_722 : i32
    %add3A_724 = arith.constant 1 : i32
    %add3A_725 = arith.addi %add3A_723, %add3A_724 : i32
    %add3A_726 = vector.broadcast %add3A_725 : i32 to vector<16xi32>
    %add3A_727 = arith.addi %iota3A, %add3A_726 : vector<16xi32>
    %eq3A_728 = arith.constant 1 : i32
    %eq3A_729 = vector.broadcast %eq3A_728 : i32 to vector<16xi32>
    %eq3A_730 = arith.cmpi eq, %get3A_719, %eq3A_729 : vector<16xi32>
    %jit3A_731 = arith.constant 1 : i32
    %broadcast_in_dim3A_732 = vector.broadcast %jit3A_731 : i32 to vector<16xi32>
    %select_n3A_733 = arith.select %eq3A_730, %broadcast_in_dim3A_732, %add3A_727 : vector<16xi1>, vector<16xi32>
    %swap3A_734 = arith.constant 480 : index
    %swap3A_735 = tpu.vector_load %arg8[%swap3A_734] {strides = array<i32>} : memref<512xi32, #tpu.memory_space<vmem>>, vector<16xi32>,
    %swap3A_736 = vector.shape_cast %swap3A_735 : vector<16xi32> to vector<16xi32>
    %swap3A_737 = vector.shape_cast %select_n3A_733 : vector<16xi32> to vector<16xi32>
    tpu.vector_store %arg8[%swap3A_734], %swap3A_737 {strides = array<i32>} : memref<512xi32, #tpu.memory_space<vmem>>, vector<16xi32>,
    %get3A_738 = arith.constant 496 : index
    %get3A_739 = tpu.vector_load %arg7[%get3A_738] {strides = array<i32>} : memref<512xi32, #tpu.memory_space<vmem>>, vector<16xi32>,
    %get3A_740 = vector.shape_cast %get3A_739 : vector<16xi32> to vector<16xi32>
    %add3A_741 = arith.constant 112 : i32
    %add3A_742 = arith.addi %mul3A_2, %add3A_741 : i32
    %add3A_743 = arith.constant 1 : i32
    %add3A_744 = arith.addi %add3A_742, %add3A_743 : i32
    %add3A_745 = arith.constant 1 : i32
    %add3A_746 = arith.addi %add3A_744, %add3A_745 : i32
    %add3A_747 = vector.broadcast %add3A_746 : i32 to vector<16xi32>
    %add3A_748 = arith.addi %iota3A, %add3A_747 : vector<16xi32>
    %eq3A_749 = arith.constant 1 : i32
    %eq3A_750 = vector.broadcast %eq3A_749 : i32 to vector<16xi32>
    %eq3A_751 = arith.cmpi eq, %get3A_740, %eq3A_750 : vector<16xi32>
    %jit3A_752 = arith.constant 1 : i32
    %broadcast_in_dim3A_753 = vector.broadcast %jit3A_752 : i32 to vector<16xi32>
    %select_n3A_754 = arith.select %eq3A_751, %broadcast_in_dim3A_753, %add3A_748 : vector<16xi1>, vector<16xi32>
    %swap3A_755 = arith.constant 496 : index
    %swap3A_756 = tpu.vector_load %arg8[%swap3A_755] {strides = array<i32>} : memref<512xi32, #tpu.memory_space<vmem>>, vector<16xi32>,
    %swap3A_757 = vector.shape_cast %swap3A_756 : vector<16xi32> to vector<16xi32>
    %swap3A_758 = vector.shape_cast %select_n3A_754 : vector<16xi32> to vector<16xi32>
    tpu.vector_store %arg8[%swap3A_755], %swap3A_758 {strides = array<i32>} : memref<512xi32, #tpu.memory_space<vmem>>, vector<16xi32>,
    %dma_wait3A_759 = arith.constant 0 : i32
    %dma_wait3A_760 = arith.constant 0 : i32
    %dma_wait3A_761 = arith.constant 0 : i32
    %dma_wait3A_762 = tpu.memref_slice %arg10[%dma_wait3A_759, %dma_wait3A_760, %dma_wait3A_761] : memref<2x32x1024xf32, #tpu.memory_space<vmem>> -> memref<1x32x1024xf32, #tpu.memory_space<vmem>>
    %dma_wait3A_763 = tpu.memref_squeeze %dma_wait3A_762 : memref<1x32x1024xf32, #tpu.memory_space<vmem>> -> memref<32x1024xf32, #tpu.memory_space<vmem>>
    %dma_wait3A_764 = arith.constant 0 : i32
    %dma_wait3A_765 = tpu.memref_slice %arg9[%dma_wait3A_764] : memref<128xi32, #tpu.memory_space<vmem>> -> memref<32xi32, #tpu.memory_space<vmem>>
    %dma_wait3A_766 = arith.constant 0 : i32
    %dma_wait3A_767 = arith.constant 0 : i32
    %dma_wait3A_768 = tpu.memref_slice %arg3[%dma_wait3A_766, %dma_wait3A_767] : memref<4099x1024xf32, #tpu.memory_space<hbm>> -> memref<4099x1024xf32, #tpu.memory_space<hbm>>
    tpu.wait_indirect_dma semaphore(%arg14 : memref<!tpu.dma_semaphore, #tpu.memory_space<semaphore_mem>>) src(%dma_wait3A_768 : memref<4099x1024xf32, #tpu.memory_space<hbm>>) dst(%dma_wait3A_763 : memref<32x1024xf32, #tpu.memory_space<vmem>>)
    %add3A_769 = arith.constant 0 : i32
    %add3A_770 = arith.addi %add3A_769, %mul3A_2 : i32
    %add3A_771 = arith.constant 0 : i32
    %add3A_772 = arith.addi %add3A_770, %add3A_771 : i32
    %dma_start3A_773 = arith.constant 0 : i32
    %dma_start3A_774 = arith.constant 0 : i32
    %dma_start3A_775 = arith.constant 0 : i32
    %dma_start3A_776 = tpu.memref_slice %arg10[%dma_start3A_773, %dma_start3A_774, %dma_start3A_775] : memref<2x32x1024xf32, #tpu.memory_space<vmem>> -> memref<1x32x1024xf32, #tpu.memory_space<vmem>>
    %dma_start3A_777 = tpu.memref_squeeze %dma_start3A_776 : memref<1x32x1024xf32, #tpu.memory_space<vmem>> -> memref<32x1024xf32, #tpu.memory_space<vmem>>
    %dma_start3A_778 = arith.constant 0 : i32
    %dma_start3A_779 = tpu.memref_slice %arg6[%add3A_772, %dma_start3A_778] : memref<16384x1024xf32, #tpu.memory_space<hbm>> -> memref<32x1024xf32, #tpu.memory_space<hbm>>
    %dma_start3A_780 = arith.constant 0 : i32
    %dma_start3A_781 = tpu.memref_slice %arg6[%add3A_772, %dma_start3A_780] : memref<16384x1024xf32, #tpu.memory_space<hbm>> -> memref<32x1024xf32, #tpu.memory_space<hbm>>
    %dma_start3A_782 = arith.constant 0 : i32
    %dma_start3A_783 = arith.constant 0 : i32
    %dma_start3A_784 = tpu.memref_slice %arg10[%dma_start3A_773, %dma_start3A_782, %dma_start3A_783] : memref<2x32x1024xf32, #tpu.memory_space<vmem>> -> memref<1x32x1024xf32, #tpu.memory_space<vmem>>
    %dma_start3A_785 = tpu.memref_squeeze %dma_start3A_784 : memref<1x32x1024xf32, #tpu.memory_space<vmem>> -> memref<32x1024xf32, #tpu.memory_space<vmem>>
    tpu.enqueue_dma source(%dma_start3A_785 : memref<32x1024xf32, #tpu.memory_space<vmem>>) target(%dma_start3A_781 : memref<32x1024xf32, #tpu.memory_space<hbm>>) target_semaphore(%arg16 : memref<!tpu.dma_semaphore, #tpu.memory_space<semaphore_mem>>)
    %add3A_786 = arith.constant 4096 : i32
    %add3A_787 = arith.addi %add3A_786, %mul3A_2 : i32
    %add3A_788 = arith.constant 0 : i32
    %add3A_789 = arith.addi %add3A_787, %add3A_788 : i32
    %dma_start3A_790 = arith.constant 0 : i32
    %dma_start3A_791 = arith.constant 0 : i32
    %dma_start3A_792 = arith.constant 0 : i32
    %dma_start3A_793 = tpu.memref_slice %arg10[%dma_start3A_790, %dma_start3A_791, %dma_start3A_792] : memref<2x32x1024xf32, #tpu.memory_space<vmem>> -> memref<1x32x1024xf32, #tpu.memory_space<vmem>>
    %dma_start3A_794 = tpu.memref_squeeze %dma_start3A_793 : memref<1x32x1024xf32, #tpu.memory_space<vmem>> -> memref<32x1024xf32, #tpu.memory_space<vmem>>
    %dma_start3A_795 = arith.constant 0 : i32
    %dma_start3A_796 = tpu.memref_slice %arg6[%add3A_789, %dma_start3A_795] : memref<16384x1024xf32, #tpu.memory_space<hbm>> -> memref<32x1024xf32, #tpu.memory_space<hbm>>
    %dma_start3A_797 = arith.constant 0 : i32
    %dma_start3A_798 = tpu.memref_slice %arg6[%add3A_789, %dma_start3A_797] : memref<16384x1024xf32, #tpu.memory_space<hbm>> -> memref<32x1024xf32, #tpu.memory_space<hbm>>
    %dma_start3A_799 = arith.constant 0 : i32
    %dma_start3A_800 = arith.constant 0 : i32
    %dma_start3A_801 = tpu.memref_slice %arg10[%dma_start3A_790, %dma_start3A_799, %dma_start3A_800] : memref<2x32x1024xf32, #tpu.memory_space<vmem>> -> memref<1x32x1024xf32, #tpu.memory_space<vmem>>
    %dma_start3A_802 = tpu.memref_squeeze %dma_start3A_801 : memref<1x32x1024xf32, #tpu.memory_space<vmem>> -> memref<32x1024xf32, #tpu.memory_space<vmem>>
    tpu.enqueue_dma source(%dma_start3A_802 : memref<32x1024xf32, #tpu.memory_space<vmem>>) target(%dma_start3A_798 : memref<32x1024xf32, #tpu.memory_space<hbm>>) target_semaphore(%arg16 : memref<!tpu.dma_semaphore, #tpu.memory_space<semaphore_mem>>)
    %add3A_803 = arith.constant 8192 : i32
    %add3A_804 = arith.addi %add3A_803, %mul3A_2 : i32
    %add3A_805 = arith.constant 0 : i32
    %add3A_806 = arith.addi %add3A_804, %add3A_805 : i32
    %dma_start3A_807 = arith.constant 0 : i32
    %dma_start3A_808 = arith.constant 0 : i32
    %dma_start3A_809 = arith.constant 0 : i32
    %dma_start3A_810 = tpu.memref_slice %arg10[%dma_start3A_807, %dma_start3A_808, %dma_start3A_809] : memref<2x32x1024xf32, #tpu.memory_space<vmem>> -> memref<1x32x1024xf32, #tpu.memory_space<vmem>>
    %dma_start3A_811 = tpu.memref_squeeze %dma_start3A_810 : memref<1x32x1024xf32, #tpu.memory_space<vmem>> -> memref<32x1024xf32, #tpu.memory_space<vmem>>
    %dma_start3A_812 = arith.constant 0 : i32
    %dma_start3A_813 = tpu.memref_slice %arg6[%add3A_806, %dma_start3A_812] : memref<16384x1024xf32, #tpu.memory_space<hbm>> -> memref<32x1024xf32, #tpu.memory_space<hbm>>
    %dma_start3A_814 = arith.constant 0 : i32
    %dma_start3A_815 = tpu.memref_slice %arg6[%add3A_806, %dma_start3A_814] : memref<16384x1024xf32, #tpu.memory_space<hbm>> -> memref<32x1024xf32, #tpu.memory_space<hbm>>
    %dma_start3A_816 = arith.constant 0 : i32
    %dma_start3A_817 = arith.constant 0 : i32
    %dma_start3A_818 = tpu.memref_slice %arg10[%dma_start3A_807, %dma_start3A_816, %dma_start3A_817] : memref<2x32x1024xf32, #tpu.memory_space<vmem>> -> memref<1x32x1024xf32, #tpu.memory_space<vmem>>
    %dma_start3A_819 = tpu.memref_squeeze %dma_start3A_818 : memref<1x32x1024xf32, #tpu.memory_space<vmem>> -> memref<32x1024xf32, #tpu.memory_space<vmem>>
    tpu.enqueue_dma source(%dma_start3A_819 : memref<32x1024xf32, #tpu.memory_space<vmem>>) target(%dma_start3A_815 : memref<32x1024xf32, #tpu.memory_space<hbm>>) target_semaphore(%arg16 : memref<!tpu.dma_semaphore, #tpu.memory_space<semaphore_mem>>)
    %add3A_820 = arith.constant 12288 : i32
    %add3A_821 = arith.addi %add3A_820, %mul3A_2 : i32
    %add3A_822 = arith.constant 0 : i32
    %add3A_823 = arith.addi %add3A_821, %add3A_822 : i32
    %dma_start3A_824 = arith.constant 0 : i32
    %dma_start3A_825 = arith.constant 0 : i32
    %dma_start3A_826 = arith.constant 0 : i32
    %dma_start3A_827 = tpu.memref_slice %arg10[%dma_start3A_824, %dma_start3A_825, %dma_start3A_826] : memref<2x32x1024xf32, #tpu.memory_space<vmem>> -> memref<1x32x1024xf32, #tpu.memory_space<vmem>>
    %dma_start3A_828 = tpu.memref_squeeze %dma_start3A_827 : memref<1x32x1024xf32, #tpu.memory_space<vmem>> -> memref<32x1024xf32, #tpu.memory_space<vmem>>
    %dma_start3A_829 = arith.constant 0 : i32
    %dma_start3A_830 = tpu.memref_slice %arg6[%add3A_823, %dma_start3A_829] : memref<16384x1024xf32, #tpu.memory_space<hbm>> -> memref<32x1024xf32, #tpu.memory_space<hbm>>
    %dma_start3A_831 = arith.constant 0 : i32
    %dma_start3A_832 = tpu.memref_slice %arg6[%add3A_823, %dma_start3A_831] : memref<16384x1024xf32, #tpu.memory_space<hbm>> -> memref<32x1024xf32, #tpu.memory_space<hbm>>
    %dma_start3A_833 = arith.constant 0 : i32
    %dma_start3A_834 = arith.constant 0 : i32
    %dma_start3A_835 = tpu.memref_slice %arg10[%dma_start3A_824, %dma_start3A_833, %dma_start3A_834] : memref<2x32x1024xf32, #tpu.memory_space<vmem>> -> memref<1x32x1024xf32, #tpu.memory_space<vmem>>
    %dma_start3A_836 = tpu.memref_squeeze %dma_start3A_835 : memref<1x32x1024xf32, #tpu.memory_space<vmem>> -> memref<32x1024xf32, #tpu.memory_space<vmem>>
    tpu.enqueue_dma source(%dma_start3A_836 : memref<32x1024xf32, #tpu.memory_space<vmem>>) target(%dma_start3A_832 : memref<32x1024xf32, #tpu.memory_space<hbm>>) target_semaphore(%arg16 : memref<!tpu.dma_semaphore, #tpu.memory_space<semaphore_mem>>)
    %dma_wait3A_837 = arith.constant 0 : i32
    %dma_wait3A_838 = arith.constant 0 : i32
    %dma_wait3A_839 = arith.constant 0 : i32
    %dma_wait3A_840 = tpu.memref_slice %arg10[%dma_wait3A_837, %dma_wait3A_838, %dma_wait3A_839] : memref<2x32x1024xf32, #tpu.memory_space<vmem>> -> memref<1x32x1024xf32, #tpu.memory_space<vmem>>
    %dma_wait3A_841 = tpu.memref_squeeze %dma_wait3A_840 : memref<1x32x1024xf32, #tpu.memory_space<vmem>> -> memref<32x1024xf32, #tpu.memory_space<vmem>>
    %dma_wait3A_842 = arith.constant 0 : i32
    %dma_wait3A_843 = tpu.memref_slice %arg6[%add3A_772, %dma_wait3A_842] : memref<16384x1024xf32, #tpu.memory_space<hbm>> -> memref<32x1024xf32, #tpu.memory_space<hbm>>
    %dma_wait3A_844 = arith.constant 0 : i32
    %dma_wait3A_845 = tpu.memref_slice %arg6[%add3A_772, %dma_wait3A_844] : memref<16384x1024xf32, #tpu.memory_space<hbm>> -> memref<32x1024xf32, #tpu.memory_space<hbm>>
    %dma_wait3A_846 = arith.constant 0 : i32
    %dma_wait3A_847 = arith.constant 0 : i32
    %dma_wait3A_848 = tpu.memref_slice %arg10[%dma_wait3A_837, %dma_wait3A_846, %dma_wait3A_847] : memref<2x32x1024xf32, #tpu.memory_space<vmem>> -> memref<1x32x1024xf32, #tpu.memory_space<vmem>>
    %dma_wait3A_849 = tpu.memref_squeeze %dma_wait3A_848 : memref<1x32x1024xf32, #tpu.memory_space<vmem>> -> memref<32x1024xf32, #tpu.memory_space<vmem>>
    tpu.wait_dma2 semaphore(%arg16 : memref<!tpu.dma_semaphore, #tpu.memory_space<semaphore_mem>>) src(%dma_wait3A_849 : memref<32x1024xf32, #tpu.memory_space<vmem>>) dst(%dma_wait3A_845 : memref<32x1024xf32, #tpu.memory_space<hbm>>)
    %dma_wait3A_850 = arith.constant 0 : i32
    %dma_wait3A_851 = arith.constant 0 : i32
    %dma_wait3A_852 = arith.constant 0 : i32
    %dma_wait3A_853 = tpu.memref_slice %arg10[%dma_wait3A_850, %dma_wait3A_851, %dma_wait3A_852] : memref<2x32x1024xf32, #tpu.memory_space<vmem>> -> memref<1x32x1024xf32, #tpu.memory_space<vmem>>
    %dma_wait3A_854 = tpu.memref_squeeze %dma_wait3A_853 : memref<1x32x1024xf32, #tpu.memory_space<vmem>> -> memref<32x1024xf32, #tpu.memory_space<vmem>>
    %dma_wait3A_855 = arith.constant 0 : i32
    %dma_wait3A_856 = tpu.memref_slice %arg6[%add3A_789, %dma_wait3A_855] : memref<16384x1024xf32, #tpu.memory_space<hbm>> -> memref<32x1024xf32, #tpu.memory_space<hbm>>
    %dma_wait3A_857 = arith.constant 0 : i32
    %dma_wait3A_858 = tpu.memref_slice %arg6[%add3A_789, %dma_wait3A_857] : memref<16384x1024xf32, #tpu.memory_space<hbm>> -> memref<32x1024xf32, #tpu.memory_space<hbm>>
    %dma_wait3A_859 = arith.constant 0 : i32
    %dma_wait3A_860 = arith.constant 0 : i32
    %dma_wait3A_861 = tpu.memref_slice %arg10[%dma_wait3A_850, %dma_wait3A_859, %dma_wait3A_860] : memref<2x32x1024xf32, #tpu.memory_space<vmem>> -> memref<1x32x1024xf32, #tpu.memory_space<vmem>>
    %dma_wait3A_862 = tpu.memref_squeeze %dma_wait3A_861 : memref<1x32x1024xf32, #tpu.memory_space<vmem>> -> memref<32x1024xf32, #tpu.memory_space<vmem>>
    tpu.wait_dma2 semaphore(%arg16 : memref<!tpu.dma_semaphore, #tpu.memory_space<semaphore_mem>>) src(%dma_wait3A_862 : memref<32x1024xf32, #tpu.memory_space<vmem>>) dst(%dma_wait3A_858 : memref<32x1024xf32, #tpu.memory_space<hbm>>)
    %dma_wait3A_863 = arith.constant 0 : i32
    %dma_wait3A_864 = arith.constant 0 : i32
    %dma_wait3A_865 = arith.constant 0 : i32
    %dma_wait3A_866 = tpu.memref_slice %arg10[%dma_wait3A_863, %dma_wait3A_864, %dma_wait3A_865] : memref<2x32x1024xf32, #tpu.memory_space<vmem>> -> memref<1x32x1024xf32, #tpu.memory_space<vmem>>
    %dma_wait3A_867 = tpu.memref_squeeze %dma_wait3A_866 : memref<1x32x1024xf32, #tpu.memory_space<vmem>> -> memref<32x1024xf32, #tpu.memory_space<vmem>>
    %dma_wait3A_868 = arith.constant 0 : i32
    %dma_wait3A_869 = tpu.memref_slice %arg6[%add3A_806, %dma_wait3A_868] : memref<16384x1024xf32, #tpu.memory_space<hbm>> -> memref<32x1024xf32, #tpu.memory_space<hbm>>
    %dma_wait3A_870 = arith.constant 0 : i32
    %dma_wait3A_871 = tpu.memref_slice %arg6[%add3A_806, %dma_wait3A_870] : memref<16384x1024xf32, #tpu.memory_space<hbm>> -> memref<32x1024xf32, #tpu.memory_space<hbm>>
    %dma_wait3A_872 = arith.constant 0 : i32
    %dma_wait3A_873 = arith.constant 0 : i32
    %dma_wait3A_874 = tpu.memref_slice %arg10[%dma_wait3A_863, %dma_wait3A_872, %dma_wait3A_873] : memref<2x32x1024xf32, #tpu.memory_space<vmem>> -> memref<1x32x1024xf32, #tpu.memory_space<vmem>>
    %dma_wait3A_875 = tpu.memref_squeeze %dma_wait3A_874 : memref<1x32x1024xf32, #tpu.memory_space<vmem>> -> memref<32x1024xf32, #tpu.memory_space<vmem>>
    tpu.wait_dma2 semaphore(%arg16 : memref<!tpu.dma_semaphore, #tpu.memory_space<semaphore_mem>>) src(%dma_wait3A_875 : memref<32x1024xf32, #tpu.memory_space<vmem>>) dst(%dma_wait3A_871 : memref<32x1024xf32, #tpu.memory_space<hbm>>)
    %dma_wait3A_876 = arith.constant 0 : i32
    %dma_wait3A_877 = arith.constant 0 : i32
    %dma_wait3A_878 = arith.constant 0 : i32
    %dma_wait3A_879 = tpu.memref_slice %arg10[%dma_wait3A_876, %dma_wait3A_877, %dma_wait3A_878] : memref<2x32x1024xf32, #tpu.memory_space<vmem>> -> memref<1x32x1024xf32, #tpu.memory_space<vmem>>
    %dma_wait3A_880 = tpu.memref_squeeze %dma_wait3A_879 : memref<1x32x1024xf32, #tpu.memory_space<vmem>> -> memref<32x1024xf32, #tpu.memory_space<vmem>>
    %dma_wait3A_881 = arith.constant 0 : i32
    %dma_wait3A_882 = tpu.memref_slice %arg6[%add3A_823, %dma_wait3A_881] : memref<16384x1024xf32, #tpu.memory_space<hbm>> -> memref<32x1024xf32, #tpu.memory_space<hbm>>
    %dma_wait3A_883 = arith.constant 0 : i32
    %dma_wait3A_884 = tpu.memref_slice %arg6[%add3A_823, %dma_wait3A_883] : memref<16384x1024xf32, #tpu.memory_space<hbm>> -> memref<32x1024xf32, #tpu.memory_space<hbm>>
    %dma_wait3A_885 = arith.constant 0 : i32
    %dma_wait3A_886 = arith.constant 0 : i32
    %dma_wait3A_887 = tpu.memref_slice %arg10[%dma_wait3A_876, %dma_wait3A_885, %dma_wait3A_886] : memref<2x32x1024xf32, #tpu.memory_space<vmem>> -> memref<1x32x1024xf32, #tpu.memory_space<vmem>>
    %dma_wait3A_888 = tpu.memref_squeeze %dma_wait3A_887 : memref<1x32x1024xf32, #tpu.memory_space<vmem>> -> memref<32x1024xf32, #tpu.memory_space<vmem>>
    tpu.wait_dma2 semaphore(%arg16 : memref<!tpu.dma_semaphore, #tpu.memory_space<semaphore_mem>>) src(%dma_wait3A_888 : memref<32x1024xf32, #tpu.memory_space<vmem>>) dst(%dma_wait3A_884 : memref<32x1024xf32, #tpu.memory_space<hbm>>)
    %dma_start3A_889 = arith.constant 0 : i32
    %dma_start3A_890 = arith.constant 0 : i32
    %dma_start3A_891 = arith.constant 0 : i32
    %dma_start3A_892 = tpu.memref_slice %arg10[%dma_start3A_889, %dma_start3A_890, %dma_start3A_891] : memref<2x32x1024xf32, #tpu.memory_space<vmem>> -> memref<1x32x1024xf32, #tpu.memory_space<vmem>>
    %dma_start3A_893 = tpu.memref_squeeze %dma_start3A_892 : memref<1x32x1024xf32, #tpu.memory_space<vmem>> -> memref<32x1024xf32, #tpu.memory_space<vmem>>
    %dma_start3A_894 = arith.constant 64 : i32
    %dma_start3A_895 = tpu.memref_slice %arg9[%dma_start3A_894] : memref<128xi32, #tpu.memory_space<vmem>> -> memref<32xi32, #tpu.memory_space<vmem>>
    %dma_start3A_896 = arith.constant 0 : i32
    %dma_start3A_897 = arith.constant 0 : i32
    %dma_start3A_898 = tpu.memref_slice %arg3[%dma_start3A_896, %dma_start3A_897] : memref<4099x1024xf32, #tpu.memory_space<hbm>> -> memref<4099x1024xf32, #tpu.memory_space<hbm>>
    tpu.enqueue_indirect_dma source(%dma_start3A_898 : memref<4099x1024xf32, #tpu.memory_space<hbm>>) target(%dma_start3A_893 : memref<32x1024xf32, #tpu.memory_space<vmem>>) offsets(%dma_start3A_895 : memref<32xi32, #tpu.memory_space<vmem>>) semaphore(%arg14 : memref<!tpu.dma_semaphore, #tpu.memory_space<semaphore_mem>>)
    %dma_wait3A_899 = arith.constant 1 : i32
    %dma_wait3A_900 = arith.constant 0 : i32
    %dma_wait3A_901 = arith.constant 0 : i32
    %dma_wait3A_902 = tpu.memref_slice %arg10[%dma_wait3A_899, %dma_wait3A_900, %dma_wait3A_901] : memref<2x32x1024xf32, #tpu.memory_space<vmem>> -> memref<1x32x1024xf32, #tpu.memory_space<vmem>>
    %dma_wait3A_903 = tpu.memref_squeeze %dma_wait3A_902 : memref<1x32x1024xf32, #tpu.memory_space<vmem>> -> memref<32x1024xf32, #tpu.memory_space<vmem>>
    %dma_wait3A_904 = arith.constant 32 : i32
    %dma_wait3A_905 = tpu.memref_slice %arg9[%dma_wait3A_904] : memref<128xi32, #tpu.memory_space<vmem>> -> memref<32xi32, #tpu.memory_space<vmem>>
    %dma_wait3A_906 = arith.constant 0 : i32
    %dma_wait3A_907 = arith.constant 0 : i32
    %dma_wait3A_908 = tpu.memref_slice %arg3[%dma_wait3A_906, %dma_wait3A_907] : memref<4099x1024xf32, #tpu.memory_space<hbm>> -> memref<4099x1024xf32, #tpu.memory_space<hbm>>
    tpu.wait_indirect_dma semaphore(%arg15 : memref<!tpu.dma_semaphore, #tpu.memory_space<semaphore_mem>>) src(%dma_wait3A_908 : memref<4099x1024xf32, #tpu.memory_space<hbm>>) dst(%dma_wait3A_903 : memref<32x1024xf32, #tpu.memory_space<vmem>>)
    %add3A_909 = arith.constant 0 : i32
    %add3A_910 = arith.addi %add3A_909, %mul3A_2 : i32
    %add3A_911 = arith.constant 32 : i32
    %add3A_912 = arith.addi %add3A_910, %add3A_911 : i32
    %dma_start3A_913 = arith.constant 1 : i32
    %dma_start3A_914 = arith.constant 0 : i32
    %dma_start3A_915 = arith.constant 0 : i32
    %dma_start3A_916 = tpu.memref_slice %arg10[%dma_start3A_913, %dma_start3A_914, %dma_start3A_915] : memref<2x32x1024xf32, #tpu.memory_space<vmem>> -> memref<1x32x1024xf32, #tpu.memory_space<vmem>>
    %dma_start3A_917 = tpu.memref_squeeze %dma_start3A_916 : memref<1x32x1024xf32, #tpu.memory_space<vmem>> -> memref<32x1024xf32, #tpu.memory_space<vmem>>
    %dma_start3A_918 = arith.constant 0 : i32
    %dma_start3A_919 = tpu.memref_slice %arg6[%add3A_912, %dma_start3A_918] : memref<16384x1024xf32, #tpu.memory_space<hbm>> -> memref<32x1024xf32, #tpu.memory_space<hbm>>
    %dma_start3A_920 = arith.constant 0 : i32
    %dma_start3A_921 = tpu.memref_slice %arg6[%add3A_912, %dma_start3A_920] : memref<16384x1024xf32, #tpu.memory_space<hbm>> -> memref<32x1024xf32, #tpu.memory_space<hbm>>
    %dma_start3A_922 = arith.constant 0 : i32
    %dma_start3A_923 = arith.constant 0 : i32
    %dma_start3A_924 = tpu.memref_slice %arg10[%dma_start3A_913, %dma_start3A_922, %dma_start3A_923] : memref<2x32x1024xf32, #tpu.memory_space<vmem>> -> memref<1x32x1024xf32, #tpu.memory_space<vmem>>
    %dma_start3A_925 = tpu.memref_squeeze %dma_start3A_924 : memref<1x32x1024xf32, #tpu.memory_space<vmem>> -> memref<32x1024xf32, #tpu.memory_space<vmem>>
    tpu.enqueue_dma source(%dma_start3A_925 : memref<32x1024xf32, #tpu.memory_space<vmem>>) target(%dma_start3A_921 : memref<32x1024xf32, #tpu.memory_space<hbm>>) target_semaphore(%arg17 : memref<!tpu.dma_semaphore, #tpu.memory_space<semaphore_mem>>)
    %add3A_926 = arith.constant 4096 : i32
    %add3A_927 = arith.addi %add3A_926, %mul3A_2 : i32
    %add3A_928 = arith.constant 32 : i32
    %add3A_929 = arith.addi %add3A_927, %add3A_928 : i32
    %dma_start3A_930 = arith.constant 1 : i32
    %dma_start3A_931 = arith.constant 0 : i32
    %dma_start3A_932 = arith.constant 0 : i32
    %dma_start3A_933 = tpu.memref_slice %arg10[%dma_start3A_930, %dma_start3A_931, %dma_start3A_932] : memref<2x32x1024xf32, #tpu.memory_space<vmem>> -> memref<1x32x1024xf32, #tpu.memory_space<vmem>>
    %dma_start3A_934 = tpu.memref_squeeze %dma_start3A_933 : memref<1x32x1024xf32, #tpu.memory_space<vmem>> -> memref<32x1024xf32, #tpu.memory_space<vmem>>
    %dma_start3A_935 = arith.constant 0 : i32
    %dma_start3A_936 = tpu.memref_slice %arg6[%add3A_929, %dma_start3A_935] : memref<16384x1024xf32, #tpu.memory_space<hbm>> -> memref<32x1024xf32, #tpu.memory_space<hbm>>
    %dma_start3A_937 = arith.constant 0 : i32
    %dma_start3A_938 = tpu.memref_slice %arg6[%add3A_929, %dma_start3A_937] : memref<16384x1024xf32, #tpu.memory_space<hbm>> -> memref<32x1024xf32, #tpu.memory_space<hbm>>
    %dma_start3A_939 = arith.constant 0 : i32
    %dma_start3A_940 = arith.constant 0 : i32
    %dma_start3A_941 = tpu.memref_slice %arg10[%dma_start3A_930, %dma_start3A_939, %dma_start3A_940] : memref<2x32x1024xf32, #tpu.memory_space<vmem>> -> memref<1x32x1024xf32, #tpu.memory_space<vmem>>
    %dma_start3A_942 = tpu.memref_squeeze %dma_start3A_941 : memref<1x32x1024xf32, #tpu.memory_space<vmem>> -> memref<32x1024xf32, #tpu.memory_space<vmem>>
    tpu.enqueue_dma source(%dma_start3A_942 : memref<32x1024xf32, #tpu.memory_space<vmem>>) target(%dma_start3A_938 : memref<32x1024xf32, #tpu.memory_space<hbm>>) target_semaphore(%arg17 : memref<!tpu.dma_semaphore, #tpu.memory_space<semaphore_mem>>)
    %add3A_943 = arith.constant 8192 : i32
    %add3A_944 = arith.addi %add3A_943, %mul3A_2 : i32
    %add3A_945 = arith.constant 32 : i32
    %add3A_946 = arith.addi %add3A_944, %add3A_945 : i32
    %dma_start3A_947 = arith.constant 1 : i32
    %dma_start3A_948 = arith.constant 0 : i32
    %dma_start3A_949 = arith.constant 0 : i32
    %dma_start3A_950 = tpu.memref_slice %arg10[%dma_start3A_947, %dma_start3A_948, %dma_start3A_949] : memref<2x32x1024xf32, #tpu.memory_space<vmem>> -> memref<1x32x1024xf32, #tpu.memory_space<vmem>>
    %dma_start3A_951 = tpu.memref_squeeze %dma_start3A_950 : memref<1x32x1024xf32, #tpu.memory_space<vmem>> -> memref<32x1024xf32, #tpu.memory_space<vmem>>
    %dma_start3A_952 = arith.constant 0 : i32
    %dma_start3A_953 = tpu.memref_slice %arg6[%add3A_946, %dma_start3A_952] : memref<16384x1024xf32, #tpu.memory_space<hbm>> -> memref<32x1024xf32, #tpu.memory_space<hbm>>
    %dma_start3A_954 = arith.constant 0 : i32
    %dma_start3A_955 = tpu.memref_slice %arg6[%add3A_946, %dma_start3A_954] : memref<16384x1024xf32, #tpu.memory_space<hbm>> -> memref<32x1024xf32, #tpu.memory_space<hbm>>
    %dma_start3A_956 = arith.constant 0 : i32
    %dma_start3A_957 = arith.constant 0 : i32
    %dma_start3A_958 = tpu.memref_slice %arg10[%dma_start3A_947, %dma_start3A_956, %dma_start3A_957] : memref<2x32x1024xf32, #tpu.memory_space<vmem>> -> memref<1x32x1024xf32, #tpu.memory_space<vmem>>
    %dma_start3A_959 = tpu.memref_squeeze %dma_start3A_958 : memref<1x32x1024xf32, #tpu.memory_space<vmem>> -> memref<32x1024xf32, #tpu.memory_space<vmem>>
    tpu.enqueue_dma source(%dma_start3A_959 : memref<32x1024xf32, #tpu.memory_space<vmem>>) target(%dma_start3A_955 : memref<32x1024xf32, #tpu.memory_space<hbm>>) target_semaphore(%arg17 : memref<!tpu.dma_semaphore, #tpu.memory_space<semaphore_mem>>)
    %add3A_960 = arith.constant 12288 : i32
    %add3A_961 = arith.addi %add3A_960, %mul3A_2 : i32
    %add3A_962 = arith.constant 32 : i32
    %add3A_963 = arith.addi %add3A_961, %add3A_962 : i32
    %dma_start3A_964 = arith.constant 1 : i32
    %dma_start3A_965 = arith.constant 0 : i32
    %dma_start3A_966 = arith.constant 0 : i32
    %dma_start3A_967 = tpu.memref_slice %arg10[%dma_start3A_964, %dma_start3A_965, %dma_start3A_966] : memref<2x32x1024xf32, #tpu.memory_space<vmem>> -> memref<1x32x1024xf32, #tpu.memory_space<vmem>>
    %dma_start3A_968 = tpu.memref_squeeze %dma_start3A_967 : memref<1x32x1024xf32, #tpu.memory_space<vmem>> -> memref<32x1024xf32, #tpu.memory_space<vmem>>
    %dma_start3A_969 = arith.constant 0 : i32
    %dma_start3A_970 = tpu.memref_slice %arg6[%add3A_963, %dma_start3A_969] : memref<16384x1024xf32, #tpu.memory_space<hbm>> -> memref<32x1024xf32, #tpu.memory_space<hbm>>
    %dma_start3A_971 = arith.constant 0 : i32
    %dma_start3A_972 = tpu.memref_slice %arg6[%add3A_963, %dma_start3A_971] : memref<16384x1024xf32, #tpu.memory_space<hbm>> -> memref<32x1024xf32, #tpu.memory_space<hbm>>
    %dma_start3A_973 = arith.constant 0 : i32
    %dma_start3A_974 = arith.constant 0 : i32
    %dma_start3A_975 = tpu.memref_slice %arg10[%dma_start3A_964, %dma_start3A_973, %dma_start3A_974] : memref<2x32x1024xf32, #tpu.memory_space<vmem>> -> memref<1x32x1024xf32, #tpu.memory_space<vmem>>
    %dma_start3A_976 = tpu.memref_squeeze %dma_start3A_975 : memref<1x32x1024xf32, #tpu.memory_space<vmem>> -> memref<32x1024xf32, #tpu.memory_space<vmem>>
    tpu.enqueue_dma source(%dma_start3A_976 : memref<32x1024xf32, #tpu.memory_space<vmem>>) target(%dma_start3A_972 : memref<32x1024xf32, #tpu.memory_space<hbm>>) target_semaphore(%arg17 : memref<!tpu.dma_semaphore, #tpu.memory_space<semaphore_mem>>)
    %dma_wait3A_977 = arith.constant 1 : i32
    %dma_wait3A_978 = arith.constant 0 : i32
    %dma_wait3A_979 = arith.constant 0 : i32
    %dma_wait3A_980 = tpu.memref_slice %arg10[%dma_wait3A_977, %dma_wait3A_978, %dma_wait3A_979] : memref<2x32x1024xf32, #tpu.memory_space<vmem>> -> memref<1x32x1024xf32, #tpu.memory_space<vmem>>
    %dma_wait3A_981 = tpu.memref_squeeze %dma_wait3A_980 : memref<1x32x1024xf32, #tpu.memory_space<vmem>> -> memref<32x1024xf32, #tpu.memory_space<vmem>>
    %dma_wait3A_982 = arith.constant 0 : i32
    %dma_wait3A_983 = tpu.memref_slice %arg6[%add3A_912, %dma_wait3A_982] : memref<16384x1024xf32, #tpu.memory_space<hbm>> -> memref<32x1024xf32, #tpu.memory_space<hbm>>
    %dma_wait3A_984 = arith.constant 0 : i32
    %dma_wait3A_985 = tpu.memref_slice %arg6[%add3A_912, %dma_wait3A_984] : memref<16384x1024xf32, #tpu.memory_space<hbm>> -> memref<32x1024xf32, #tpu.memory_space<hbm>>
    %dma_wait3A_986 = arith.constant 0 : i32
    %dma_wait3A_987 = arith.constant 0 : i32
    %dma_wait3A_988 = tpu.memref_slice %arg10[%dma_wait3A_977, %dma_wait3A_986, %dma_wait3A_987] : memref<2x32x1024xf32, #tpu.memory_space<vmem>> -> memref<1x32x1024xf32, #tpu.memory_space<vmem>>
    %dma_wait3A_989 = tpu.memref_squeeze %dma_wait3A_988 : memref<1x32x1024xf32, #tpu.memory_space<vmem>> -> memref<32x1024xf32, #tpu.memory_space<vmem>>
    tpu.wait_dma2 semaphore(%arg17 : memref<!tpu.dma_semaphore, #tpu.memory_space<semaphore_mem>>) src(%dma_wait3A_989 : memref<32x1024xf32, #tpu.memory_space<vmem>>) dst(%dma_wait3A_985 : memref<32x1024xf32, #tpu.memory_space<hbm>>)
    %dma_wait3A_990 = arith.constant 1 : i32
    %dma_wait3A_991 = arith.constant 0 : i32
    %dma_wait3A_992 = arith.constant 0 : i32
    %dma_wait3A_993 = tpu.memref_slice %arg10[%dma_wait3A_990, %dma_wait3A_991, %dma_wait3A_992] : memref<2x32x1024xf32, #tpu.memory_space<vmem>> -> memref<1x32x1024xf32, #tpu.memory_space<vmem>>
    %dma_wait3A_994 = tpu.memref_squeeze %dma_wait3A_993 : memref<1x32x1024xf32, #tpu.memory_space<vmem>> -> memref<32x1024xf32, #tpu.memory_space<vmem>>
    %dma_wait3A_995 = arith.constant 0 : i32
    %dma_wait3A_996 = tpu.memref_slice %arg6[%add3A_929, %dma_wait3A_995] : memref<16384x1024xf32, #tpu.memory_space<hbm>> -> memref<32x1024xf32, #tpu.memory_space<hbm>>
    %dma_wait3A_997 = arith.constant 0 : i32
    %dma_wait3A_998 = tpu.memref_slice %arg6[%add3A_929, %dma_wait3A_997] : memref<16384x1024xf32, #tpu.memory_space<hbm>> -> memref<32x1024xf32, #tpu.memory_space<hbm>>
    %dma_wait3A_999 = arith.constant 0 : i32
    %dma_wait3A_1000 = arith.constant 0 : i32
    %dma_wait3A_1001 = tpu.memref_slice %arg10[%dma_wait3A_990, %dma_wait3A_999, %dma_wait3A_1000] : memref<2x32x1024xf32, #tpu.memory_space<vmem>> -> memref<1x32x1024xf32, #tpu.memory_space<vmem>>
    %dma_wait3A_1002 = tpu.memref_squeeze %dma_wait3A_1001 : memref<1x32x1024xf32, #tpu.memory_space<vmem>> -> memref<32x1024xf32, #tpu.memory_space<vmem>>
    tpu.wait_dma2 semaphore(%arg17 : memref<!tpu.dma_semaphore, #tpu.memory_space<semaphore_mem>>) src(%dma_wait3A_1002 : memref<32x1024xf32, #tpu.memory_space<vmem>>) dst(%dma_wait3A_998 : memref<32x1024xf32, #tpu.memory_space<hbm>>)
    %dma_wait3A_1003 = arith.constant 1 : i32
    %dma_wait3A_1004 = arith.constant 0 : i32
    %dma_wait3A_1005 = arith.constant 0 : i32
    %dma_wait3A_1006 = tpu.memref_slice %arg10[%dma_wait3A_1003, %dma_wait3A_1004, %dma_wait3A_1005] : memref<2x32x1024xf32, #tpu.memory_space<vmem>> -> memref<1x32x1024xf32, #tpu.memory_space<vmem>>
    %dma_wait3A_1007 = tpu.memref_squeeze %dma_wait3A_1006 : memref<1x32x1024xf32, #tpu.memory_space<vmem>> -> memref<32x1024xf32, #tpu.memory_space<vmem>>
    %dma_wait3A_1008 = arith.constant 0 : i32
    %dma_wait3A_1009 = tpu.memref_slice %arg6[%add3A_946, %dma_wait3A_1008] : memref<16384x1024xf32, #tpu.memory_space<hbm>> -> memref<32x1024xf32, #tpu.memory_space<hbm>>
    %dma_wait3A_1010 = arith.constant 0 : i32
    %dma_wait3A_1011 = tpu.memref_slice %arg6[%add3A_946, %dma_wait3A_1010] : memref<16384x1024xf32, #tpu.memory_space<hbm>> -> memref<32x1024xf32, #tpu.memory_space<hbm>>
    %dma_wait3A_1012 = arith.constant 0 : i32
    %dma_wait3A_1013 = arith.constant 0 : i32
    %dma_wait3A_1014 = tpu.memref_slice %arg10[%dma_wait3A_1003, %dma_wait3A_1012, %dma_wait3A_1013] : memref<2x32x1024xf32, #tpu.memory_space<vmem>> -> memref<1x32x1024xf32, #tpu.memory_space<vmem>>
    %dma_wait3A_1015 = tpu.memref_squeeze %dma_wait3A_1014 : memref<1x32x1024xf32, #tpu.memory_space<vmem>> -> memref<32x1024xf32, #tpu.memory_space<vmem>>
    tpu.wait_dma2 semaphore(%arg17 : memref<!tpu.dma_semaphore, #tpu.memory_space<semaphore_mem>>) src(%dma_wait3A_1015 : memref<32x1024xf32, #tpu.memory_space<vmem>>) dst(%dma_wait3A_1011 : memref<32x1024xf32, #tpu.memory_space<hbm>>)
    %dma_wait3A_1016 = arith.constant 1 : i32
    %dma_wait3A_1017 = arith.constant 0 : i32
    %dma_wait3A_1018 = arith.constant 0 : i32
    %dma_wait3A_1019 = tpu.memref_slice %arg10[%dma_wait3A_1016, %dma_wait3A_1017, %dma_wait3A_1018] : memref<2x32x1024xf32, #tpu.memory_space<vmem>> -> memref<1x32x1024xf32, #tpu.memory_space<vmem>>
    %dma_wait3A_1020 = tpu.memref_squeeze %dma_wait3A_1019 : memref<1x32x1024xf32, #tpu.memory_space<vmem>> -> memref<32x1024xf32, #tpu.memory_space<vmem>>
    %dma_wait3A_1021 = arith.constant 0 : i32
    %dma_wait3A_1022 = tpu.memref_slice %arg6[%add3A_963, %dma_wait3A_1021] : memref<16384x1024xf32, #tpu.memory_space<hbm>> -> memref<32x1024xf32, #tpu.memory_space<hbm>>
    %dma_wait3A_1023 = arith.constant 0 : i32
    %dma_wait3A_1024 = tpu.memref_slice %arg6[%add3A_963, %dma_wait3A_1023] : memref<16384x1024xf32, #tpu.memory_space<hbm>> -> memref<32x1024xf32, #tpu.memory_space<hbm>>
    %dma_wait3A_1025 = arith.constant 0 : i32
    %dma_wait3A_1026 = arith.constant 0 : i32
    %dma_wait3A_1027 = tpu.memref_slice %arg10[%dma_wait3A_1016, %dma_wait3A_1025, %dma_wait3A_1026] : memref<2x32x1024xf32, #tpu.memory_space<vmem>> -> memref<1x32x1024xf32, #tpu.memory_space<vmem>>
    %dma_wait3A_1028 = tpu.memref_squeeze %dma_wait3A_1027 : memref<1x32x1024xf32, #tpu.memory_space<vmem>> -> memref<32x1024xf32, #tpu.memory_space<vmem>>
    tpu.wait_dma2 semaphore(%arg17 : memref<!tpu.dma_semaphore, #tpu.memory_space<semaphore_mem>>) src(%dma_wait3A_1028 : memref<32x1024xf32, #tpu.memory_space<vmem>>) dst(%dma_wait3A_1024 : memref<32x1024xf32, #tpu.memory_space<hbm>>)
    %dma_start3A_1029 = arith.constant 1 : i32
    %dma_start3A_1030 = arith.constant 0 : i32
    %dma_start3A_1031 = arith.constant 0 : i32
    %dma_start3A_1032 = tpu.memref_slice %arg10[%dma_start3A_1029, %dma_start3A_1030, %dma_start3A_1031] : memref<2x32x1024xf32, #tpu.memory_space<vmem>> -> memref<1x32x1024xf32, #tpu.memory_space<vmem>>
    %dma_start3A_1033 = tpu.memref_squeeze %dma_start3A_1032 : memref<1x32x1024xf32, #tpu.memory_space<vmem>> -> memref<32x1024xf32, #tpu.memory_space<vmem>>
    %dma_start3A_1034 = arith.constant 96 : i32
    %dma_start3A_1035 = tpu.memref_slice %arg9[%dma_start3A_1034] : memref<128xi32, #tpu.memory_space<vmem>> -> memref<32xi32, #tpu.memory_space<vmem>>
    %dma_start3A_1036 = arith.constant 0 : i32
    %dma_start3A_1037 = arith.constant 0 : i32
    %dma_start3A_1038 = tpu.memref_slice %arg3[%dma_start3A_1036, %dma_start3A_1037] : memref<4099x1024xf32, #tpu.memory_space<hbm>> -> memref<4099x1024xf32, #tpu.memory_space<hbm>>
    tpu.enqueue_indirect_dma source(%dma_start3A_1038 : memref<4099x1024xf32, #tpu.memory_space<hbm>>) target(%dma_start3A_1033 : memref<32x1024xf32, #tpu.memory_space<vmem>>) offsets(%dma_start3A_1035 : memref<32xi32, #tpu.memory_space<vmem>>) semaphore(%arg15 : memref<!tpu.dma_semaphore, #tpu.memory_space<semaphore_mem>>)
    %dma_wait3A_1039 = arith.constant 0 : i32
    %dma_wait3A_1040 = arith.constant 0 : i32
    %dma_wait3A_1041 = arith.constant 0 : i32
    %dma_wait3A_1042 = tpu.memref_slice %arg10[%dma_wait3A_1039, %dma_wait3A_1040, %dma_wait3A_1041] : memref<2x32x1024xf32, #tpu.memory_space<vmem>> -> memref<1x32x1024xf32, #tpu.memory_space<vmem>>
    %dma_wait3A_1043 = tpu.memref_squeeze %dma_wait3A_1042 : memref<1x32x1024xf32, #tpu.memory_space<vmem>> -> memref<32x1024xf32, #tpu.memory_space<vmem>>
    %dma_wait3A_1044 = arith.constant 64 : i32
    %dma_wait3A_1045 = tpu.memref_slice %arg9[%dma_wait3A_1044] : memref<128xi32, #tpu.memory_space<vmem>> -> memref<32xi32, #tpu.memory_space<vmem>>
    %dma_wait3A_1046 = arith.constant 0 : i32
    %dma_wait3A_1047 = arith.constant 0 : i32
    %dma_wait3A_1048 = tpu.memref_slice %arg3[%dma_wait3A_1046, %dma_wait3A_1047] : memref<4099x1024xf32, #tpu.memory_space<hbm>> -> memref<4099x1024xf32, #tpu.memory_space<hbm>>
    tpu.wait_indirect_dma semaphore(%arg14 : memref<!tpu.dma_semaphore, #tpu.memory_space<semaphore_mem>>) src(%dma_wait3A_1048 : memref<4099x1024xf32, #tpu.memory_space<hbm>>) dst(%dma_wait3A_1043 : memref<32x1024xf32, #tpu.memory_space<vmem>>)
    %add3A_1049 = arith.constant 0 : i32
    %add3A_1050 = arith.addi %add3A_1049, %mul3A_2 : i32
    %add3A_1051 = arith.constant 64 : i32
    %add3A_1052 = arith.addi %add3A_1050, %add3A_1051 : i32
    %dma_start3A_1053 = arith.constant 0 : i32
    %dma_start3A_1054 = arith.constant 0 : i32
    %dma_start3A_1055 = arith.constant 0 : i32
    %dma_start3A_1056 = tpu.memref_slice %arg10[%dma_start3A_1053, %dma_start3A_1054, %dma_start3A_1055] : memref<2x32x1024xf32, #tpu.memory_space<vmem>> -> memref<1x32x1024xf32, #tpu.memory_space<vmem>>
    %dma_start3A_1057 = tpu.memref_squeeze %dma_start3A_1056 : memref<1x32x1024xf32, #tpu.memory_space<vmem>> -> memref<32x1024xf32, #tpu.memory_space<vmem>>
    %dma_start3A_1058 = arith.constant 0 : i32
    %dma_start3A_1059 = tpu.memref_slice %arg6[%add3A_1052, %dma_start3A_1058] : memref<16384x1024xf32, #tpu.memory_space<hbm>> -> memref<32x1024xf32, #tpu.memory_space<hbm>>
    %dma_start3A_1060 = arith.constant 0 : i32
    %dma_start3A_1061 = tpu.memref_slice %arg6[%add3A_1052, %dma_start3A_1060] : memref<16384x1024xf32, #tpu.memory_space<hbm>> -> memref<32x1024xf32, #tpu.memory_space<hbm>>
    %dma_start3A_1062 = arith.constant 0 : i32
    %dma_start3A_1063 = arith.constant 0 : i32
    %dma_start3A_1064 = tpu.memref_slice %arg10[%dma_start3A_1053, %dma_start3A_1062, %dma_start3A_1063] : memref<2x32x1024xf32, #tpu.memory_space<vmem>> -> memref<1x32x1024xf32, #tpu.memory_space<vmem>>
    %dma_start3A_1065 = tpu.memref_squeeze %dma_start3A_1064 : memref<1x32x1024xf32, #tpu.memory_space<vmem>> -> memref<32x1024xf32, #tpu.memory_space<vmem>>
    tpu.enqueue_dma source(%dma_start3A_1065 : memref<32x1024xf32, #tpu.memory_space<vmem>>) target(%dma_start3A_1061 : memref<32x1024xf32, #tpu.memory_space<hbm>>) target_semaphore(%arg16 : memref<!tpu.dma_semaphore, #tpu.memory_space<semaphore_mem>>)
    %add3A_1066 = arith.constant 4096 : i32
    %add3A_1067 = arith.addi %add3A_1066, %mul3A_2 : i32
    %add3A_1068 = arith.constant 64 : i32
    %add3A_1069 = arith.addi %add3A_1067, %add3A_1068 : i32
    %dma_start3A_1070 = arith.constant 0 : i32
    %dma_start3A_1071 = arith.constant 0 : i32
    %dma_start3A_1072 = arith.constant 0 : i32
    %dma_start3A_1073 = tpu.memref_slice %arg10[%dma_start3A_1070, %dma_start3A_1071, %dma_start3A_1072] : memref<2x32x1024xf32, #tpu.memory_space<vmem>> -> memref<1x32x1024xf32, #tpu.memory_space<vmem>>
    %dma_start3A_1074 = tpu.memref_squeeze %dma_start3A_1073 : memref<1x32x1024xf32, #tpu.memory_space<vmem>> -> memref<32x1024xf32, #tpu.memory_space<vmem>>
    %dma_start3A_1075 = arith.constant 0 : i32
    %dma_start3A_1076 = tpu.memref_slice %arg6[%add3A_1069, %dma_start3A_1075] : memref<16384x1024xf32, #tpu.memory_space<hbm>> -> memref<32x1024xf32, #tpu.memory_space<hbm>>
    %dma_start3A_1077 = arith.constant 0 : i32
    %dma_start3A_1078 = tpu.memref_slice %arg6[%add3A_1069, %dma_start3A_1077] : memref<16384x1024xf32, #tpu.memory_space<hbm>> -> memref<32x1024xf32, #tpu.memory_space<hbm>>
    %dma_start3A_1079 = arith.constant 0 : i32
    %dma_start3A_1080 = arith.constant 0 : i32
    %dma_start3A_1081 = tpu.memref_slice %arg10[%dma_start3A_1070, %dma_start3A_1079, %dma_start3A_1080] : memref<2x32x1024xf32, #tpu.memory_space<vmem>> -> memref<1x32x1024xf32, #tpu.memory_space<vmem>>
    %dma_start3A_1082 = tpu.memref_squeeze %dma_start3A_1081 : memref<1x32x1024xf32, #tpu.memory_space<vmem>> -> memref<32x1024xf32, #tpu.memory_space<vmem>>
    tpu.enqueue_dma source(%dma_start3A_1082 : memref<32x1024xf32, #tpu.memory_space<vmem>>) target(%dma_start3A_1078 : memref<32x1024xf32, #tpu.memory_space<hbm>>) target_semaphore(%arg16 : memref<!tpu.dma_semaphore, #tpu.memory_space<semaphore_mem>>)
    %add3A_1083 = arith.constant 8192 : i32
    %add3A_1084 = arith.addi %add3A_1083, %mul3A_2 : i32
    %add3A_1085 = arith.constant 64 : i32
    %add3A_1086 = arith.addi %add3A_1084, %add3A_1085 : i32
    %dma_start3A_1087 = arith.constant 0 : i32
    %dma_start3A_1088 = arith.constant 0 : i32
    %dma_start3A_1089 = arith.constant 0 : i32
    %dma_start3A_1090 = tpu.memref_slice %arg10[%dma_start3A_1087, %dma_start3A_1088, %dma_start3A_1089] : memref<2x32x1024xf32, #tpu.memory_space<vmem>> -> memref<1x32x1024xf32, #tpu.memory_space<vmem>>
    %dma_start3A_1091 = tpu.memref_squeeze %dma_start3A_1090 : memref<1x32x1024xf32, #tpu.memory_space<vmem>> -> memref<32x1024xf32, #tpu.memory_space<vmem>>
    %dma_start3A_1092 = arith.constant 0 : i32
    %dma_start3A_1093 = tpu.memref_slice %arg6[%add3A_1086, %dma_start3A_1092] : memref<16384x1024xf32, #tpu.memory_space<hbm>> -> memref<32x1024xf32, #tpu.memory_space<hbm>>
    %dma_start3A_1094 = arith.constant 0 : i32
    %dma_start3A_1095 = tpu.memref_slice %arg6[%add3A_1086, %dma_start3A_1094] : memref<16384x1024xf32, #tpu.memory_space<hbm>> -> memref<32x1024xf32, #tpu.memory_space<hbm>>
    %dma_start3A_1096 = arith.constant 0 : i32
    %dma_start3A_1097 = arith.constant 0 : i32
    %dma_start3A_1098 = tpu.memref_slice %arg10[%dma_start3A_1087, %dma_start3A_1096, %dma_start3A_1097] : memref<2x32x1024xf32, #tpu.memory_space<vmem>> -> memref<1x32x1024xf32, #tpu.memory_space<vmem>>
    %dma_start3A_1099 = tpu.memref_squeeze %dma_start3A_1098 : memref<1x32x1024xf32, #tpu.memory_space<vmem>> -> memref<32x1024xf32, #tpu.memory_space<vmem>>
    tpu.enqueue_dma source(%dma_start3A_1099 : memref<32x1024xf32, #tpu.memory_space<vmem>>) target(%dma_start3A_1095 : memref<32x1024xf32, #tpu.memory_space<hbm>>) target_semaphore(%arg16 : memref<!tpu.dma_semaphore, #tpu.memory_space<semaphore_mem>>)
    %add3A_1100 = arith.constant 12288 : i32
    %add3A_1101 = arith.addi %add3A_1100, %mul3A_2 : i32
    %add3A_1102 = arith.constant 64 : i32
    %add3A_1103 = arith.addi %add3A_1101, %add3A_1102 : i32
    %dma_start3A_1104 = arith.constant 0 : i32
    %dma_start3A_1105 = arith.constant 0 : i32
    %dma_start3A_1106 = arith.constant 0 : i32
    %dma_start3A_1107 = tpu.memref_slice %arg10[%dma_start3A_1104, %dma_start3A_1105, %dma_start3A_1106] : memref<2x32x1024xf32, #tpu.memory_space<vmem>> -> memref<1x32x1024xf32, #tpu.memory_space<vmem>>
    %dma_start3A_1108 = tpu.memref_squeeze %dma_start3A_1107 : memref<1x32x1024xf32, #tpu.memory_space<vmem>> -> memref<32x1024xf32, #tpu.memory_space<vmem>>
    %dma_start3A_1109 = arith.constant 0 : i32
    %dma_start3A_1110 = tpu.memref_slice %arg6[%add3A_1103, %dma_start3A_1109] : memref<16384x1024xf32, #tpu.memory_space<hbm>> -> memref<32x1024xf32, #tpu.memory_space<hbm>>
    %dma_start3A_1111 = arith.constant 0 : i32
    %dma_start3A_1112 = tpu.memref_slice %arg6[%add3A_1103, %dma_start3A_1111] : memref<16384x1024xf32, #tpu.memory_space<hbm>> -> memref<32x1024xf32, #tpu.memory_space<hbm>>
    %dma_start3A_1113 = arith.constant 0 : i32
    %dma_start3A_1114 = arith.constant 0 : i32
    %dma_start3A_1115 = tpu.memref_slice %arg10[%dma_start3A_1104, %dma_start3A_1113, %dma_start3A_1114] : memref<2x32x1024xf32, #tpu.memory_space<vmem>> -> memref<1x32x1024xf32, #tpu.memory_space<vmem>>
    %dma_start3A_1116 = tpu.memref_squeeze %dma_start3A_1115 : memref<1x32x1024xf32, #tpu.memory_space<vmem>> -> memref<32x1024xf32, #tpu.memory_space<vmem>>
    tpu.enqueue_dma source(%dma_start3A_1116 : memref<32x1024xf32, #tpu.memory_space<vmem>>) target(%dma_start3A_1112 : memref<32x1024xf32, #tpu.memory_space<hbm>>) target_semaphore(%arg16 : memref<!tpu.dma_semaphore, #tpu.memory_space<semaphore_mem>>)
    %dma_wait3A_1117 = arith.constant 1 : i32
    %dma_wait3A_1118 = arith.constant 0 : i32
    %dma_wait3A_1119 = arith.constant 0 : i32
    %dma_wait3A_1120 = tpu.memref_slice %arg10[%dma_wait3A_1117, %dma_wait3A_1118, %dma_wait3A_1119] : memref<2x32x1024xf32, #tpu.memory_space<vmem>> -> memref<1x32x1024xf32, #tpu.memory_space<vmem>>
    %dma_wait3A_1121 = tpu.memref_squeeze %dma_wait3A_1120 : memref<1x32x1024xf32, #tpu.memory_space<vmem>> -> memref<32x1024xf32, #tpu.memory_space<vmem>>
    %dma_wait3A_1122 = arith.constant 96 : i32
    %dma_wait3A_1123 = tpu.memref_slice %arg9[%dma_wait3A_1122] : memref<128xi32, #tpu.memory_space<vmem>> -> memref<32xi32, #tpu.memory_space<vmem>>
    %dma_wait3A_1124 = arith.constant 0 : i32
    %dma_wait3A_1125 = arith.constant 0 : i32
    %dma_wait3A_1126 = tpu.memref_slice %arg3[%dma_wait3A_1124, %dma_wait3A_1125] : memref<4099x1024xf32, #tpu.memory_space<hbm>> -> memref<4099x1024xf32, #tpu.memory_space<hbm>>
    tpu.wait_indirect_dma semaphore(%arg15 : memref<!tpu.dma_semaphore, #tpu.memory_space<semaphore_mem>>) src(%dma_wait3A_1126 : memref<4099x1024xf32, #tpu.memory_space<hbm>>) dst(%dma_wait3A_1121 : memref<32x1024xf32, #tpu.memory_space<vmem>>)
    %add3A_1127 = arith.constant 0 : i32
    %add3A_1128 = arith.addi %add3A_1127, %mul3A_2 : i32
    %add3A_1129 = arith.constant 96 : i32
    %add3A_1130 = arith.addi %add3A_1128, %add3A_1129 : i32
    %dma_start3A_1131 = arith.constant 1 : i32
    %dma_start3A_1132 = arith.constant 0 : i32
    %dma_start3A_1133 = arith.constant 0 : i32
    %dma_start3A_1134 = tpu.memref_slice %arg10[%dma_start3A_1131, %dma_start3A_1132, %dma_start3A_1133] : memref<2x32x1024xf32, #tpu.memory_space<vmem>> -> memref<1x32x1024xf32, #tpu.memory_space<vmem>>
    %dma_start3A_1135 = tpu.memref_squeeze %dma_start3A_1134 : memref<1x32x1024xf32, #tpu.memory_space<vmem>> -> memref<32x1024xf32, #tpu.memory_space<vmem>>
    %dma_start3A_1136 = arith.constant 0 : i32
    %dma_start3A_1137 = tpu.memref_slice %arg6[%add3A_1130, %dma_start3A_1136] : memref<16384x1024xf32, #tpu.memory_space<hbm>> -> memref<32x1024xf32, #tpu.memory_space<hbm>>
    %dma_start3A_1138 = arith.constant 0 : i32
    %dma_start3A_1139 = tpu.memref_slice %arg6[%add3A_1130, %dma_start3A_1138] : memref<16384x1024xf32, #tpu.memory_space<hbm>> -> memref<32x1024xf32, #tpu.memory_space<hbm>>
    %dma_start3A_1140 = arith.constant 0 : i32
    %dma_start3A_1141 = arith.constant 0 : i32
    %dma_start3A_1142 = tpu.memref_slice %arg10[%dma_start3A_1131, %dma_start3A_1140, %dma_start3A_1141] : memref<2x32x1024xf32, #tpu.memory_space<vmem>> -> memref<1x32x1024xf32, #tpu.memory_space<vmem>>
    %dma_start3A_1143 = tpu.memref_squeeze %dma_start3A_1142 : memref<1x32x1024xf32, #tpu.memory_space<vmem>> -> memref<32x1024xf32, #tpu.memory_space<vmem>>
    tpu.enqueue_dma source(%dma_start3A_1143 : memref<32x1024xf32, #tpu.memory_space<vmem>>) target(%dma_start3A_1139 : memref<32x1024xf32, #tpu.memory_space<hbm>>) target_semaphore(%arg17 : memref<!tpu.dma_semaphore, #tpu.memory_space<semaphore_mem>>)
    %add3A_1144 = arith.constant 4096 : i32
    %add3A_1145 = arith.addi %add3A_1144, %mul3A_2 : i32
    %add3A_1146 = arith.constant 96 : i32
    %add3A_1147 = arith.addi %add3A_1145, %add3A_1146 : i32
    %dma_start3A_1148 = arith.constant 1 : i32
    %dma_start3A_1149 = arith.constant 0 : i32
    %dma_start3A_1150 = arith.constant 0 : i32
    %dma_start3A_1151 = tpu.memref_slice %arg10[%dma_start3A_1148, %dma_start3A_1149, %dma_start3A_1150] : memref<2x32x1024xf32, #tpu.memory_space<vmem>> -> memref<1x32x1024xf32, #tpu.memory_space<vmem>>
    %dma_start3A_1152 = tpu.memref_squeeze %dma_start3A_1151 : memref<1x32x1024xf32, #tpu.memory_space<vmem>> -> memref<32x1024xf32, #tpu.memory_space<vmem>>
    %dma_start3A_1153 = arith.constant 0 : i32
    %dma_start3A_1154 = tpu.memref_slice %arg6[%add3A_1147, %dma_start3A_1153] : memref<16384x1024xf32, #tpu.memory_space<hbm>> -> memref<32x1024xf32, #tpu.memory_space<hbm>>
    %dma_start3A_1155 = arith.constant 0 : i32
    %dma_start3A_1156 = tpu.memref_slice %arg6[%add3A_1147, %dma_start3A_1155] : memref<16384x1024xf32, #tpu.memory_space<hbm>> -> memref<32x1024xf32, #tpu.memory_space<hbm>>
    %dma_start3A_1157 = arith.constant 0 : i32
    %dma_start3A_1158 = arith.constant 0 : i32
    %dma_start3A_1159 = tpu.memref_slice %arg10[%dma_start3A_1148, %dma_start3A_1157, %dma_start3A_1158] : memref<2x32x1024xf32, #tpu.memory_space<vmem>> -> memref<1x32x1024xf32, #tpu.memory_space<vmem>>
    %dma_start3A_1160 = tpu.memref_squeeze %dma_start3A_1159 : memref<1x32x1024xf32, #tpu.memory_space<vmem>> -> memref<32x1024xf32, #tpu.memory_space<vmem>>
    tpu.enqueue_dma source(%dma_start3A_1160 : memref<32x1024xf32, #tpu.memory_space<vmem>>) target(%dma_start3A_1156 : memref<32x1024xf32, #tpu.memory_space<hbm>>) target_semaphore(%arg17 : memref<!tpu.dma_semaphore, #tpu.memory_space<semaphore_mem>>)
    %add3A_1161 = arith.constant 8192 : i32
    %add3A_1162 = arith.addi %add3A_1161, %mul3A_2 : i32
    %add3A_1163 = arith.constant 96 : i32
    %add3A_1164 = arith.addi %add3A_1162, %add3A_1163 : i32
    %dma_start3A_1165 = arith.constant 1 : i32
    %dma_start3A_1166 = arith.constant 0 : i32
    %dma_start3A_1167 = arith.constant 0 : i32
    %dma_start3A_1168 = tpu.memref_slice %arg10[%dma_start3A_1165, %dma_start3A_1166, %dma_start3A_1167] : memref<2x32x1024xf32, #tpu.memory_space<vmem>> -> memref<1x32x1024xf32, #tpu.memory_space<vmem>>
    %dma_start3A_1169 = tpu.memref_squeeze %dma_start3A_1168 : memref<1x32x1024xf32, #tpu.memory_space<vmem>> -> memref<32x1024xf32, #tpu.memory_space<vmem>>
    %dma_start3A_1170 = arith.constant 0 : i32
    %dma_start3A_1171 = tpu.memref_slice %arg6[%add3A_1164, %dma_start3A_1170] : memref<16384x1024xf32, #tpu.memory_space<hbm>> -> memref<32x1024xf32, #tpu.memory_space<hbm>>
    %dma_start3A_1172 = arith.constant 0 : i32
    %dma_start3A_1173 = tpu.memref_slice %arg6[%add3A_1164, %dma_start3A_1172] : memref<16384x1024xf32, #tpu.memory_space<hbm>> -> memref<32x1024xf32, #tpu.memory_space<hbm>>
    %dma_start3A_1174 = arith.constant 0 : i32
    %dma_start3A_1175 = arith.constant 0 : i32
    %dma_start3A_1176 = tpu.memref_slice %arg10[%dma_start3A_1165, %dma_start3A_1174, %dma_start3A_1175] : memref<2x32x1024xf32, #tpu.memory_space<vmem>> -> memref<1x32x1024xf32, #tpu.memory_space<vmem>>
    %dma_start3A_1177 = tpu.memref_squeeze %dma_start3A_1176 : memref<1x32x1024xf32, #tpu.memory_space<vmem>> -> memref<32x1024xf32, #tpu.memory_space<vmem>>
    tpu.enqueue_dma source(%dma_start3A_1177 : memref<32x1024xf32, #tpu.memory_space<vmem>>) target(%dma_start3A_1173 : memref<32x1024xf32, #tpu.memory_space<hbm>>) target_semaphore(%arg17 : memref<!tpu.dma_semaphore, #tpu.memory_space<semaphore_mem>>)
    %add3A_1178 = arith.constant 12288 : i32
    %add3A_1179 = arith.addi %add3A_1178, %mul3A_2 : i32
    %add3A_1180 = arith.constant 96 : i32
    %add3A_1181 = arith.addi %add3A_1179, %add3A_1180 : i32
    %dma_start3A_1182 = arith.constant 1 : i32
    %dma_start3A_1183 = arith.constant 0 : i32
    %dma_start3A_1184 = arith.constant 0 : i32
    %dma_start3A_1185 = tpu.memref_slice %arg10[%dma_start3A_1182, %dma_start3A_1183, %dma_start3A_1184] : memref<2x32x1024xf32, #tpu.memory_space<vmem>> -> memref<1x32x1024xf32, #tpu.memory_space<vmem>>
    %dma_start3A_1186 = tpu.memref_squeeze %dma_start3A_1185 : memref<1x32x1024xf32, #tpu.memory_space<vmem>> -> memref<32x1024xf32, #tpu.memory_space<vmem>>
    %dma_start3A_1187 = arith.constant 0 : i32
    %dma_start3A_1188 = tpu.memref_slice %arg6[%add3A_1181, %dma_start3A_1187] : memref<16384x1024xf32, #tpu.memory_space<hbm>> -> memref<32x1024xf32, #tpu.memory_space<hbm>>
    %dma_start3A_1189 = arith.constant 0 : i32
    %dma_start3A_1190 = tpu.memref_slice %arg6[%add3A_1181, %dma_start3A_1189] : memref<16384x1024xf32, #tpu.memory_space<hbm>> -> memref<32x1024xf32, #tpu.memory_space<hbm>>
    %dma_start3A_1191 = arith.constant 0 : i32
    %dma_start3A_1192 = arith.constant 0 : i32
    %dma_start3A_1193 = tpu.memref_slice %arg10[%dma_start3A_1182, %dma_start3A_1191, %dma_start3A_1192] : memref<2x32x1024xf32, #tpu.memory_space<vmem>> -> memref<1x32x1024xf32, #tpu.memory_space<vmem>>
    %dma_start3A_1194 = tpu.memref_squeeze %dma_start3A_1193 : memref<1x32x1024xf32, #tpu.memory_space<vmem>> -> memref<32x1024xf32, #tpu.memory_space<vmem>>
    tpu.enqueue_dma source(%dma_start3A_1194 : memref<32x1024xf32, #tpu.memory_space<vmem>>) target(%dma_start3A_1190 : memref<32x1024xf32, #tpu.memory_space<hbm>>) target_semaphore(%arg17 : memref<!tpu.dma_semaphore, #tpu.memory_space<semaphore_mem>>)
    %dma_wait3A_1195 = arith.constant 0 : i32
    %dma_wait3A_1196 = arith.constant 0 : i32
    %dma_wait3A_1197 = arith.constant 0 : i32
    %dma_wait3A_1198 = tpu.memref_slice %arg10[%dma_wait3A_1195, %dma_wait3A_1196, %dma_wait3A_1197] : memref<2x32x1024xf32, #tpu.memory_space<vmem>> -> memref<1x32x1024xf32, #tpu.memory_space<vmem>>
    %dma_wait3A_1199 = tpu.memref_squeeze %dma_wait3A_1198 : memref<1x32x1024xf32, #tpu.memory_space<vmem>> -> memref<32x1024xf32, #tpu.memory_space<vmem>>
    %dma_wait3A_1200 = arith.constant 0 : i32
    %dma_wait3A_1201 = tpu.memref_slice %arg6[%add3A_1052, %dma_wait3A_1200] : memref<16384x1024xf32, #tpu.memory_space<hbm>> -> memref<32x1024xf32, #tpu.memory_space<hbm>>
    %dma_wait3A_1202 = arith.constant 0 : i32
    %dma_wait3A_1203 = tpu.memref_slice %arg6[%add3A_1052, %dma_wait3A_1202] : memref<16384x1024xf32, #tpu.memory_space<hbm>> -> memref<32x1024xf32, #tpu.memory_space<hbm>>
    %dma_wait3A_1204 = arith.constant 0 : i32
    %dma_wait3A_1205 = arith.constant 0 : i32
    %dma_wait3A_1206 = tpu.memref_slice %arg10[%dma_wait3A_1195, %dma_wait3A_1204, %dma_wait3A_1205] : memref<2x32x1024xf32, #tpu.memory_space<vmem>> -> memref<1x32x1024xf32, #tpu.memory_space<vmem>>
    %dma_wait3A_1207 = tpu.memref_squeeze %dma_wait3A_1206 : memref<1x32x1024xf32, #tpu.memory_space<vmem>> -> memref<32x1024xf32, #tpu.memory_space<vmem>>
    tpu.wait_dma2 semaphore(%arg16 : memref<!tpu.dma_semaphore, #tpu.memory_space<semaphore_mem>>) src(%dma_wait3A_1207 : memref<32x1024xf32, #tpu.memory_space<vmem>>) dst(%dma_wait3A_1203 : memref<32x1024xf32, #tpu.memory_space<hbm>>)
    %dma_wait3A_1208 = arith.constant 0 : i32
    %dma_wait3A_1209 = arith.constant 0 : i32
    %dma_wait3A_1210 = arith.constant 0 : i32
    %dma_wait3A_1211 = tpu.memref_slice %arg10[%dma_wait3A_1208, %dma_wait3A_1209, %dma_wait3A_1210] : memref<2x32x1024xf32, #tpu.memory_space<vmem>> -> memref<1x32x1024xf32, #tpu.memory_space<vmem>>
    %dma_wait3A_1212 = tpu.memref_squeeze %dma_wait3A_1211 : memref<1x32x1024xf32, #tpu.memory_space<vmem>> -> memref<32x1024xf32, #tpu.memory_space<vmem>>
    %dma_wait3A_1213 = arith.constant 0 : i32
    %dma_wait3A_1214 = tpu.memref_slice %arg6[%add3A_1069, %dma_wait3A_1213] : memref<16384x1024xf32, #tpu.memory_space<hbm>> -> memref<32x1024xf32, #tpu.memory_space<hbm>>
    %dma_wait3A_1215 = arith.constant 0 : i32
    %dma_wait3A_1216 = tpu.memref_slice %arg6[%add3A_1069, %dma_wait3A_1215] : memref<16384x1024xf32, #tpu.memory_space<hbm>> -> memref<32x1024xf32, #tpu.memory_space<hbm>>
    %dma_wait3A_1217 = arith.constant 0 : i32
    %dma_wait3A_1218 = arith.constant 0 : i32
    %dma_wait3A_1219 = tpu.memref_slice %arg10[%dma_wait3A_1208, %dma_wait3A_1217, %dma_wait3A_1218] : memref<2x32x1024xf32, #tpu.memory_space<vmem>> -> memref<1x32x1024xf32, #tpu.memory_space<vmem>>
    %dma_wait3A_1220 = tpu.memref_squeeze %dma_wait3A_1219 : memref<1x32x1024xf32, #tpu.memory_space<vmem>> -> memref<32x1024xf32, #tpu.memory_space<vmem>>
    tpu.wait_dma2 semaphore(%arg16 : memref<!tpu.dma_semaphore, #tpu.memory_space<semaphore_mem>>) src(%dma_wait3A_1220 : memref<32x1024xf32, #tpu.memory_space<vmem>>) dst(%dma_wait3A_1216 : memref<32x1024xf32, #tpu.memory_space<hbm>>)
    %dma_wait3A_1221 = arith.constant 0 : i32
    %dma_wait3A_1222 = arith.constant 0 : i32
    %dma_wait3A_1223 = arith.constant 0 : i32
    %dma_wait3A_1224 = tpu.memref_slice %arg10[%dma_wait3A_1221, %dma_wait3A_1222, %dma_wait3A_1223] : memref<2x32x1024xf32, #tpu.memory_space<vmem>> -> memref<1x32x1024xf32, #tpu.memory_space<vmem>>
    %dma_wait3A_1225 = tpu.memref_squeeze %dma_wait3A_1224 : memref<1x32x1024xf32, #tpu.memory_space<vmem>> -> memref<32x1024xf32, #tpu.memory_space<vmem>>
    %dma_wait3A_1226 = arith.constant 0 : i32
    %dma_wait3A_1227 = tpu.memref_slice %arg6[%add3A_1086, %dma_wait3A_1226] : memref<16384x1024xf32, #tpu.memory_space<hbm>> -> memref<32x1024xf32, #tpu.memory_space<hbm>>
    %dma_wait3A_1228 = arith.constant 0 : i32
    %dma_wait3A_1229 = tpu.memref_slice %arg6[%add3A_1086, %dma_wait3A_1228] : memref<16384x1024xf32, #tpu.memory_space<hbm>> -> memref<32x1024xf32, #tpu.memory_space<hbm>>
    %dma_wait3A_1230 = arith.constant 0 : i32
    %dma_wait3A_1231 = arith.constant 0 : i32
    %dma_wait3A_1232 = tpu.memref_slice %arg10[%dma_wait3A_1221, %dma_wait3A_1230, %dma_wait3A_1231] : memref<2x32x1024xf32, #tpu.memory_space<vmem>> -> memref<1x32x1024xf32, #tpu.memory_space<vmem>>
    %dma_wait3A_1233 = tpu.memref_squeeze %dma_wait3A_1232 : memref<1x32x1024xf32, #tpu.memory_space<vmem>> -> memref<32x1024xf32, #tpu.memory_space<vmem>>
    tpu.wait_dma2 semaphore(%arg16 : memref<!tpu.dma_semaphore, #tpu.memory_space<semaphore_mem>>) src(%dma_wait3A_1233 : memref<32x1024xf32, #tpu.memory_space<vmem>>) dst(%dma_wait3A_1229 : memref<32x1024xf32, #tpu.memory_space<hbm>>)
    %dma_wait3A_1234 = arith.constant 0 : i32
    %dma_wait3A_1235 = arith.constant 0 : i32
    %dma_wait3A_1236 = arith.constant 0 : i32
    %dma_wait3A_1237 = tpu.memref_slice %arg10[%dma_wait3A_1234, %dma_wait3A_1235, %dma_wait3A_1236] : memref<2x32x1024xf32, #tpu.memory_space<vmem>> -> memref<1x32x1024xf32, #tpu.memory_space<vmem>>
    %dma_wait3A_1238 = tpu.memref_squeeze %dma_wait3A_1237 : memref<1x32x1024xf32, #tpu.memory_space<vmem>> -> memref<32x1024xf32, #tpu.memory_space<vmem>>
    %dma_wait3A_1239 = arith.constant 0 : i32
    %dma_wait3A_1240 = tpu.memref_slice %arg6[%add3A_1103, %dma_wait3A_1239] : memref<16384x1024xf32, #tpu.memory_space<hbm>> -> memref<32x1024xf32, #tpu.memory_space<hbm>>
    %dma_wait3A_1241 = arith.constant 0 : i32
    %dma_wait3A_1242 = tpu.memref_slice %arg6[%add3A_1103, %dma_wait3A_1241] : memref<16384x1024xf32, #tpu.memory_space<hbm>> -> memref<32x1024xf32, #tpu.memory_space<hbm>>
    %dma_wait3A_1243 = arith.constant 0 : i32
    %dma_wait3A_1244 = arith.constant 0 : i32
    %dma_wait3A_1245 = tpu.memref_slice %arg10[%dma_wait3A_1234, %dma_wait3A_1243, %dma_wait3A_1244] : memref<2x32x1024xf32, #tpu.memory_space<vmem>> -> memref<1x32x1024xf32, #tpu.memory_space<vmem>>
    %dma_wait3A_1246 = tpu.memref_squeeze %dma_wait3A_1245 : memref<1x32x1024xf32, #tpu.memory_space<vmem>> -> memref<32x1024xf32, #tpu.memory_space<vmem>>
    tpu.wait_dma2 semaphore(%arg16 : memref<!tpu.dma_semaphore, #tpu.memory_space<semaphore_mem>>) src(%dma_wait3A_1246 : memref<32x1024xf32, #tpu.memory_space<vmem>>) dst(%dma_wait3A_1242 : memref<32x1024xf32, #tpu.memory_space<hbm>>)
    %dma_wait3A_1247 = arith.constant 1 : i32
    %dma_wait3A_1248 = arith.constant 0 : i32
    %dma_wait3A_1249 = arith.constant 0 : i32
    %dma_wait3A_1250 = tpu.memref_slice %arg10[%dma_wait3A_1247, %dma_wait3A_1248, %dma_wait3A_1249] : memref<2x32x1024xf32, #tpu.memory_space<vmem>> -> memref<1x32x1024xf32, #tpu.memory_space<vmem>>
    %dma_wait3A_1251 = tpu.memref_squeeze %dma_wait3A_1250 : memref<1x32x1024xf32, #tpu.memory_space<vmem>> -> memref<32x1024xf32, #tpu.memory_space<vmem>>
    %dma_wait3A_1252 = arith.constant 0 : i32
    %dma_wait3A_1253 = tpu.memref_slice %arg6[%add3A_1130, %dma_wait3A_1252] : memref<16384x1024xf32, #tpu.memory_space<hbm>> -> memref<32x1024xf32, #tpu.memory_space<hbm>>
    %dma_wait3A_1254 = arith.constant 0 : i32
    %dma_wait3A_1255 = tpu.memref_slice %arg6[%add3A_1130, %dma_wait3A_1254] : memref<16384x1024xf32, #tpu.memory_space<hbm>> -> memref<32x1024xf32, #tpu.memory_space<hbm>>
    %dma_wait3A_1256 = arith.constant 0 : i32
    %dma_wait3A_1257 = arith.constant 0 : i32
    %dma_wait3A_1258 = tpu.memref_slice %arg10[%dma_wait3A_1247, %dma_wait3A_1256, %dma_wait3A_1257] : memref<2x32x1024xf32, #tpu.memory_space<vmem>> -> memref<1x32x1024xf32, #tpu.memory_space<vmem>>
    %dma_wait3A_1259 = tpu.memref_squeeze %dma_wait3A_1258 : memref<1x32x1024xf32, #tpu.memory_space<vmem>> -> memref<32x1024xf32, #tpu.memory_space<vmem>>
    tpu.wait_dma2 semaphore(%arg17 : memref<!tpu.dma_semaphore, #tpu.memory_space<semaphore_mem>>) src(%dma_wait3A_1259 : memref<32x1024xf32, #tpu.memory_space<vmem>>) dst(%dma_wait3A_1255 : memref<32x1024xf32, #tpu.memory_space<hbm>>)
    %dma_wait3A_1260 = arith.constant 1 : i32
    %dma_wait3A_1261 = arith.constant 0 : i32
    %dma_wait3A_1262 = arith.constant 0 : i32
    %dma_wait3A_1263 = tpu.memref_slice %arg10[%dma_wait3A_1260, %dma_wait3A_1261, %dma_wait3A_1262] : memref<2x32x1024xf32, #tpu.memory_space<vmem>> -> memref<1x32x1024xf32, #tpu.memory_space<vmem>>
    %dma_wait3A_1264 = tpu.memref_squeeze %dma_wait3A_1263 : memref<1x32x1024xf32, #tpu.memory_space<vmem>> -> memref<32x1024xf32, #tpu.memory_space<vmem>>
    %dma_wait3A_1265 = arith.constant 0 : i32
    %dma_wait3A_1266 = tpu.memref_slice %arg6[%add3A_1147, %dma_wait3A_1265] : memref<16384x1024xf32, #tpu.memory_space<hbm>> -> memref<32x1024xf32, #tpu.memory_space<hbm>>
    %dma_wait3A_1267 = arith.constant 0 : i32
    %dma_wait3A_1268 = tpu.memref_slice %arg6[%add3A_1147, %dma_wait3A_1267] : memref<16384x1024xf32, #tpu.memory_space<hbm>> -> memref<32x1024xf32, #tpu.memory_space<hbm>>
    %dma_wait3A_1269 = arith.constant 0 : i32
    %dma_wait3A_1270 = arith.constant 0 : i32
    %dma_wait3A_1271 = tpu.memref_slice %arg10[%dma_wait3A_1260, %dma_wait3A_1269, %dma_wait3A_1270] : memref<2x32x1024xf32, #tpu.memory_space<vmem>> -> memref<1x32x1024xf32, #tpu.memory_space<vmem>>
    %dma_wait3A_1272 = tpu.memref_squeeze %dma_wait3A_1271 : memref<1x32x1024xf32, #tpu.memory_space<vmem>> -> memref<32x1024xf32, #tpu.memory_space<vmem>>
    tpu.wait_dma2 semaphore(%arg17 : memref<!tpu.dma_semaphore, #tpu.memory_space<semaphore_mem>>) src(%dma_wait3A_1272 : memref<32x1024xf32, #tpu.memory_space<vmem>>) dst(%dma_wait3A_1268 : memref<32x1024xf32, #tpu.memory_space<hbm>>)
    %dma_wait3A_1273 = arith.constant 1 : i32
    %dma_wait3A_1274 = arith.constant 0 : i32
    %dma_wait3A_1275 = arith.constant 0 : i32
    %dma_wait3A_1276 = tpu.memref_slice %arg10[%dma_wait3A_1273, %dma_wait3A_1274, %dma_wait3A_1275] : memref<2x32x1024xf32, #tpu.memory_space<vmem>> -> memref<1x32x1024xf32, #tpu.memory_space<vmem>>
    %dma_wait3A_1277 = tpu.memref_squeeze %dma_wait3A_1276 : memref<1x32x1024xf32, #tpu.memory_space<vmem>> -> memref<32x1024xf32, #tpu.memory_space<vmem>>
    %dma_wait3A_1278 = arith.constant 0 : i32
    %dma_wait3A_1279 = tpu.memref_slice %arg6[%add3A_1164, %dma_wait3A_1278] : memref<16384x1024xf32, #tpu.memory_space<hbm>> -> memref<32x1024xf32, #tpu.memory_space<hbm>>
    %dma_wait3A_1280 = arith.constant 0 : i32
    %dma_wait3A_1281 = tpu.memref_slice %arg6[%add3A_1164, %dma_wait3A_1280] : memref<16384x1024xf32, #tpu.memory_space<hbm>> -> memref<32x1024xf32, #tpu.memory_space<hbm>>
    %dma_wait3A_1282 = arith.constant 0 : i32
    %dma_wait3A_1283 = arith.constant 0 : i32
    %dma_wait3A_1284 = tpu.memref_slice %arg10[%dma_wait3A_1273, %dma_wait3A_1282, %dma_wait3A_1283] : memref<2x32x1024xf32, #tpu.memory_space<vmem>> -> memref<1x32x1024xf32, #tpu.memory_space<vmem>>
    %dma_wait3A_1285 = tpu.memref_squeeze %dma_wait3A_1284 : memref<1x32x1024xf32, #tpu.memory_space<vmem>> -> memref<32x1024xf32, #tpu.memory_space<vmem>>
    tpu.wait_dma2 semaphore(%arg17 : memref<!tpu.dma_semaphore, #tpu.memory_space<semaphore_mem>>) src(%dma_wait3A_1285 : memref<32x1024xf32, #tpu.memory_space<vmem>>) dst(%dma_wait3A_1281 : memref<32x1024xf32, #tpu.memory_space<hbm>>)
    %dma_wait3A_1286 = arith.constant 1 : i32
    %dma_wait3A_1287 = arith.constant 0 : i32
    %dma_wait3A_1288 = arith.constant 0 : i32
    %dma_wait3A_1289 = tpu.memref_slice %arg10[%dma_wait3A_1286, %dma_wait3A_1287, %dma_wait3A_1288] : memref<2x32x1024xf32, #tpu.memory_space<vmem>> -> memref<1x32x1024xf32, #tpu.memory_space<vmem>>
    %dma_wait3A_1290 = tpu.memref_squeeze %dma_wait3A_1289 : memref<1x32x1024xf32, #tpu.memory_space<vmem>> -> memref<32x1024xf32, #tpu.memory_space<vmem>>
    %dma_wait3A_1291 = arith.constant 0 : i32
    %dma_wait3A_1292 = tpu.memref_slice %arg6[%add3A_1181, %dma_wait3A_1291] : memref<16384x1024xf32, #tpu.memory_space<hbm>> -> memref<32x1024xf32, #tpu.memory_space<hbm>>
    %dma_wait3A_1293 = arith.constant 0 : i32
    %dma_wait3A_1294 = tpu.memref_slice %arg6[%add3A_1181, %dma_wait3A_1293] : memref<16384x1024xf32, #tpu.memory_space<hbm>> -> memref<32x1024xf32, #tpu.memory_space<hbm>>
    %dma_wait3A_1295 = arith.constant 0 : i32
    %dma_wait3A_1296 = arith.constant 0 : i32
    %dma_wait3A_1297 = tpu.memref_slice %arg10[%dma_wait3A_1286, %dma_wait3A_1295, %dma_wait3A_1296] : memref<2x32x1024xf32, #tpu.memory_space<vmem>> -> memref<1x32x1024xf32, #tpu.memory_space<vmem>>
    %dma_wait3A_1298 = tpu.memref_squeeze %dma_wait3A_1297 : memref<1x32x1024xf32, #tpu.memory_space<vmem>> -> memref<32x1024xf32, #tpu.memory_space<vmem>>
    tpu.wait_dma2 semaphore(%arg17 : memref<!tpu.dma_semaphore, #tpu.memory_space<semaphore_mem>>) src(%dma_wait3A_1298 : memref<32x1024xf32, #tpu.memory_space<vmem>>) dst(%dma_wait3A_1294 : memref<32x1024xf32, #tpu.memory_space<hbm>>)
    %barrier3A = arith.constant 0 : index
    tpu.barrier barrier_id(%barrier3A)
    %get3A_1299 = arith.constant 0 : index
    %get3A_1300 = tpu.vector_load %arg12[%get3A_1299] {strides = array<i32>} : memref<16xi32, #tpu.memory_space<vmem>>, vector<16xi32>,
    %get3A_1301 = vector.shape_cast %get3A_1300 : vector<16xi32> to vector<16xi32>
    %slice3A = vector.extract_strided_slice %get3A_1301 {offsets = [0], sizes = [1], strides = [1]} : vector<16xi32> to vector<1xi32>
    %squeeze3A = vector.extract %slice3A[0] : i32 from vector<1xi32>
    %gt3A = arith.constant 0 : i32
    %gt3A_1302 = arith.cmpi sgt, %squeeze3A, %gt3A : i32
    %convert_element_type3A = arith.extui %gt3A_1302 : i1 to i32
    %cond3A = arith.constant 0 : i32
    %cond3A_1303 = arith.cmpi ne, %convert_element_type3A, %cond3A : i32
    scf.if %cond3A_1303 {
      %dma_start3A_1409 = arith.constant 0 : i32
      %dma_start3A_1410 = tpu.memref_slice %arg8[%dma_start3A_1409] : memref<512xi32, #tpu.memory_space<vmem>> -> memref<32xi32, #tpu.memory_space<vmem>>
      %dma_start3A_1411 = arith.constant 0 : i32
      %dma_start3A_1412 = arith.constant 0 : i32
      %dma_start3A_1413 = tpu.memref_slice %arg3[%dma_start3A_1411, %dma_start3A_1412] : memref<4099x1024xf32, #tpu.memory_space<hbm>> -> memref<4099x1024xf32, #tpu.memory_space<hbm>>
      tpu.enqueue_indirect_dma source(%dma_start3A_1413 : memref<4099x1024xf32, #tpu.memory_space<hbm>>) target(%arg11 : memref<32x1024xf32, #tpu.memory_space<vmem>>) offsets(%dma_start3A_1410 : memref<32xi32, #tpu.memory_space<vmem>>) semaphore(%arg13 : memref<!tpu.dma_semaphore, #tpu.memory_space<semaphore_mem>>)
      %dma_wait3A_1414 = arith.constant 0 : i32
      %dma_wait3A_1415 = tpu.memref_slice %arg8[%dma_wait3A_1414] : memref<512xi32, #tpu.memory_space<vmem>> -> memref<32xi32, #tpu.memory_space<vmem>>
      %dma_wait3A_1416 = arith.constant 0 : i32
      %dma_wait3A_1417 = arith.constant 0 : i32
      %dma_wait3A_1418 = tpu.memref_slice %arg3[%dma_wait3A_1416, %dma_wait3A_1417] : memref<4099x1024xf32, #tpu.memory_space<hbm>> -> memref<4099x1024xf32, #tpu.memory_space<hbm>>
      tpu.wait_indirect_dma semaphore(%arg13 : memref<!tpu.dma_semaphore, #tpu.memory_space<semaphore_mem>>) src(%dma_wait3A_1418 : memref<4099x1024xf32, #tpu.memory_space<hbm>>) dst(%arg11 : memref<32x1024xf32, #tpu.memory_space<vmem>>)
      %add3A_1419 = arith.constant 0 : i32
      %add3A_1420 = arith.addi %add3A_1419, %mul3A_2 : i32
      %add3A_1421 = arith.constant 0 : i32
      %add3A_1422 = arith.addi %add3A_1420, %add3A_1421 : i32
      "tpu.region"() ({
        %run_scoped3A = tpu.sem_alloc : memref<!tpu.dma_semaphore, #tpu.memory_space<semaphore_mem>>
        %dma_start3A_1423 = arith.constant 0 : i32
        %dma_start3A_1424 = tpu.memref_slice %arg6[%add3A_1422, %dma_start3A_1423] : memref<16384x1024xf32, #tpu.memory_space<hbm>> -> memref<32x1024xf32, #tpu.memory_space<hbm>>
        %dma_start3A_1425 = arith.constant 0 : i32
        %dma_start3A_1426 = tpu.memref_slice %arg6[%add3A_1422, %dma_start3A_1425] : memref<16384x1024xf32, #tpu.memory_space<hbm>> -> memref<32x1024xf32, #tpu.memory_space<hbm>>
        tpu.enqueue_dma source(%arg11 : memref<32x1024xf32, #tpu.memory_space<vmem>>) target(%dma_start3A_1426 : memref<32x1024xf32, #tpu.memory_space<hbm>>) target_semaphore(%run_scoped3A : memref<!tpu.dma_semaphore, #tpu.memory_space<semaphore_mem>>)
        %dma_wait3A_1427 = arith.constant 0 : i32
        %dma_wait3A_1428 = tpu.memref_slice %arg6[%add3A_1422, %dma_wait3A_1427] : memref<16384x1024xf32, #tpu.memory_space<hbm>> -> memref<32x1024xf32, #tpu.memory_space<hbm>>
        %dma_wait3A_1429 = arith.constant 0 : i32
        %dma_wait3A_1430 = tpu.memref_slice %arg6[%add3A_1422, %dma_wait3A_1429] : memref<16384x1024xf32, #tpu.memory_space<hbm>> -> memref<32x1024xf32, #tpu.memory_space<hbm>>
        tpu.wait_dma2 semaphore(%run_scoped3A : memref<!tpu.dma_semaphore, #tpu.memory_space<semaphore_mem>>) src(%arg11 : memref<32x1024xf32, #tpu.memory_space<vmem>>) dst(%dma_wait3A_1430 : memref<32x1024xf32, #tpu.memory_space<hbm>>)
        tpu.yield
      }) : () -> ()
    } else {
    }
    %slice3A_1304 = vector.extract_strided_slice %get3A_1301 {offsets = [1], sizes = [1], strides = [1]} : vector<16xi32> to vector<1xi32>
    %squeeze3A_1305 = vector.extract %slice3A_1304[0] : i32 from vector<1xi32>
    %gt3A_1306 = arith.constant 0 : i32
    %gt3A_1307 = arith.cmpi sgt, %squeeze3A_1305, %gt3A_1306 : i32
    %convert_element_type3A_1308 = arith.extui %gt3A_1307 : i1 to i32
    %cond3A_1309 = arith.constant 0 : i32
    %cond3A_1310 = arith.cmpi ne, %convert_element_type3A_1308, %cond3A_1309 : i32
    scf.if %cond3A_1310 {
      %dma_start3A_1409 = arith.constant 32 : i32
      %dma_start3A_1410 = tpu.memref_slice %arg8[%dma_start3A_1409] : memref<512xi32, #tpu.memory_space<vmem>> -> memref<32xi32, #tpu.memory_space<vmem>>
      %dma_start3A_1411 = arith.constant 0 : i32
      %dma_start3A_1412 = arith.constant 0 : i32
      %dma_start3A_1413 = tpu.memref_slice %arg3[%dma_start3A_1411, %dma_start3A_1412] : memref<4099x1024xf32, #tpu.memory_space<hbm>> -> memref<4099x1024xf32, #tpu.memory_space<hbm>>
      tpu.enqueue_indirect_dma source(%dma_start3A_1413 : memref<4099x1024xf32, #tpu.memory_space<hbm>>) target(%arg11 : memref<32x1024xf32, #tpu.memory_space<vmem>>) offsets(%dma_start3A_1410 : memref<32xi32, #tpu.memory_space<vmem>>) semaphore(%arg13 : memref<!tpu.dma_semaphore, #tpu.memory_space<semaphore_mem>>)
      %dma_wait3A_1414 = arith.constant 32 : i32
      %dma_wait3A_1415 = tpu.memref_slice %arg8[%dma_wait3A_1414] : memref<512xi32, #tpu.memory_space<vmem>> -> memref<32xi32, #tpu.memory_space<vmem>>
      %dma_wait3A_1416 = arith.constant 0 : i32
      %dma_wait3A_1417 = arith.constant 0 : i32
      %dma_wait3A_1418 = tpu.memref_slice %arg3[%dma_wait3A_1416, %dma_wait3A_1417] : memref<4099x1024xf32, #tpu.memory_space<hbm>> -> memref<4099x1024xf32, #tpu.memory_space<hbm>>
      tpu.wait_indirect_dma semaphore(%arg13 : memref<!tpu.dma_semaphore, #tpu.memory_space<semaphore_mem>>) src(%dma_wait3A_1418 : memref<4099x1024xf32, #tpu.memory_space<hbm>>) dst(%arg11 : memref<32x1024xf32, #tpu.memory_space<vmem>>)
      %add3A_1419 = arith.constant 0 : i32
      %add3A_1420 = arith.addi %add3A_1419, %mul3A_2 : i32
      %add3A_1421 = arith.constant 32 : i32
      %add3A_1422 = arith.addi %add3A_1420, %add3A_1421 : i32
      "tpu.region"() ({
        %run_scoped3A = tpu.sem_alloc : memref<!tpu.dma_semaphore, #tpu.memory_space<semaphore_mem>>
        %dma_start3A_1423 = arith.constant 0 : i32
        %dma_start3A_1424 = tpu.memref_slice %arg6[%add3A_1422, %dma_start3A_1423] : memref<16384x1024xf32, #tpu.memory_space<hbm>> -> memref<32x1024xf32, #tpu.memory_space<hbm>>
        %dma_start3A_1425 = arith.constant 0 : i32
        %dma_start3A_1426 = tpu.memref_slice %arg6[%add3A_1422, %dma_start3A_1425] : memref<16384x1024xf32, #tpu.memory_space<hbm>> -> memref<32x1024xf32, #tpu.memory_space<hbm>>
        tpu.enqueue_dma source(%arg11 : memref<32x1024xf32, #tpu.memory_space<vmem>>) target(%dma_start3A_1426 : memref<32x1024xf32, #tpu.memory_space<hbm>>) target_semaphore(%run_scoped3A : memref<!tpu.dma_semaphore, #tpu.memory_space<semaphore_mem>>)
        %dma_wait3A_1427 = arith.constant 0 : i32
        %dma_wait3A_1428 = tpu.memref_slice %arg6[%add3A_1422, %dma_wait3A_1427] : memref<16384x1024xf32, #tpu.memory_space<hbm>> -> memref<32x1024xf32, #tpu.memory_space<hbm>>
        %dma_wait3A_1429 = arith.constant 0 : i32
        %dma_wait3A_1430 = tpu.memref_slice %arg6[%add3A_1422, %dma_wait3A_1429] : memref<16384x1024xf32, #tpu.memory_space<hbm>> -> memref<32x1024xf32, #tpu.memory_space<hbm>>
        tpu.wait_dma2 semaphore(%run_scoped3A : memref<!tpu.dma_semaphore, #tpu.memory_space<semaphore_mem>>) src(%arg11 : memref<32x1024xf32, #tpu.memory_space<vmem>>) dst(%dma_wait3A_1430 : memref<32x1024xf32, #tpu.memory_space<hbm>>)
        tpu.yield
      }) : () -> ()
    } else {
    }
    %slice3A_1311 = vector.extract_strided_slice %get3A_1301 {offsets = [2], sizes = [1], strides = [1]} : vector<16xi32> to vector<1xi32>
    %squeeze3A_1312 = vector.extract %slice3A_1311[0] : i32 from vector<1xi32>
    %gt3A_1313 = arith.constant 0 : i32
    %gt3A_1314 = arith.cmpi sgt, %squeeze3A_1312, %gt3A_1313 : i32
    %convert_element_type3A_1315 = arith.extui %gt3A_1314 : i1 to i32
    %cond3A_1316 = arith.constant 0 : i32
    %cond3A_1317 = arith.cmpi ne, %convert_element_type3A_1315, %cond3A_1316 : i32
    scf.if %cond3A_1317 {
      %dma_start3A_1409 = arith.constant 64 : i32
      %dma_start3A_1410 = tpu.memref_slice %arg8[%dma_start3A_1409] : memref<512xi32, #tpu.memory_space<vmem>> -> memref<32xi32, #tpu.memory_space<vmem>>
      %dma_start3A_1411 = arith.constant 0 : i32
      %dma_start3A_1412 = arith.constant 0 : i32
      %dma_start3A_1413 = tpu.memref_slice %arg3[%dma_start3A_1411, %dma_start3A_1412] : memref<4099x1024xf32, #tpu.memory_space<hbm>> -> memref<4099x1024xf32, #tpu.memory_space<hbm>>
      tpu.enqueue_indirect_dma source(%dma_start3A_1413 : memref<4099x1024xf32, #tpu.memory_space<hbm>>) target(%arg11 : memref<32x1024xf32, #tpu.memory_space<vmem>>) offsets(%dma_start3A_1410 : memref<32xi32, #tpu.memory_space<vmem>>) semaphore(%arg13 : memref<!tpu.dma_semaphore, #tpu.memory_space<semaphore_mem>>)
      %dma_wait3A_1414 = arith.constant 64 : i32
      %dma_wait3A_1415 = tpu.memref_slice %arg8[%dma_wait3A_1414] : memref<512xi32, #tpu.memory_space<vmem>> -> memref<32xi32, #tpu.memory_space<vmem>>
      %dma_wait3A_1416 = arith.constant 0 : i32
      %dma_wait3A_1417 = arith.constant 0 : i32
      %dma_wait3A_1418 = tpu.memref_slice %arg3[%dma_wait3A_1416, %dma_wait3A_1417] : memref<4099x1024xf32, #tpu.memory_space<hbm>> -> memref<4099x1024xf32, #tpu.memory_space<hbm>>
      tpu.wait_indirect_dma semaphore(%arg13 : memref<!tpu.dma_semaphore, #tpu.memory_space<semaphore_mem>>) src(%dma_wait3A_1418 : memref<4099x1024xf32, #tpu.memory_space<hbm>>) dst(%arg11 : memref<32x1024xf32, #tpu.memory_space<vmem>>)
      %add3A_1419 = arith.constant 0 : i32
      %add3A_1420 = arith.addi %add3A_1419, %mul3A_2 : i32
      %add3A_1421 = arith.constant 64 : i32
      %add3A_1422 = arith.addi %add3A_1420, %add3A_1421 : i32
      "tpu.region"() ({
        %run_scoped3A = tpu.sem_alloc : memref<!tpu.dma_semaphore, #tpu.memory_space<semaphore_mem>>
        %dma_start3A_1423 = arith.constant 0 : i32
        %dma_start3A_1424 = tpu.memref_slice %arg6[%add3A_1422, %dma_start3A_1423] : memref<16384x1024xf32, #tpu.memory_space<hbm>> -> memref<32x1024xf32, #tpu.memory_space<hbm>>
        %dma_start3A_1425 = arith.constant 0 : i32
        %dma_start3A_1426 = tpu.memref_slice %arg6[%add3A_1422, %dma_start3A_1425] : memref<16384x1024xf32, #tpu.memory_space<hbm>> -> memref<32x1024xf32, #tpu.memory_space<hbm>>
        tpu.enqueue_dma source(%arg11 : memref<32x1024xf32, #tpu.memory_space<vmem>>) target(%dma_start3A_1426 : memref<32x1024xf32, #tpu.memory_space<hbm>>) target_semaphore(%run_scoped3A : memref<!tpu.dma_semaphore, #tpu.memory_space<semaphore_mem>>)
        %dma_wait3A_1427 = arith.constant 0 : i32
        %dma_wait3A_1428 = tpu.memref_slice %arg6[%add3A_1422, %dma_wait3A_1427] : memref<16384x1024xf32, #tpu.memory_space<hbm>> -> memref<32x1024xf32, #tpu.memory_space<hbm>>
        %dma_wait3A_1429 = arith.constant 0 : i32
        %dma_wait3A_1430 = tpu.memref_slice %arg6[%add3A_1422, %dma_wait3A_1429] : memref<16384x1024xf32, #tpu.memory_space<hbm>> -> memref<32x1024xf32, #tpu.memory_space<hbm>>
        tpu.wait_dma2 semaphore(%run_scoped3A : memref<!tpu.dma_semaphore, #tpu.memory_space<semaphore_mem>>) src(%arg11 : memref<32x1024xf32, #tpu.memory_space<vmem>>) dst(%dma_wait3A_1430 : memref<32x1024xf32, #tpu.memory_space<hbm>>)
        tpu.yield
      }) : () -> ()
    } else {
    }
    %slice3A_1318 = vector.extract_strided_slice %get3A_1301 {offsets = [3], sizes = [1], strides = [1]} : vector<16xi32> to vector<1xi32>
    %squeeze3A_1319 = vector.extract %slice3A_1318[0] : i32 from vector<1xi32>
    %gt3A_1320 = arith.constant 0 : i32
    %gt3A_1321 = arith.cmpi sgt, %squeeze3A_1319, %gt3A_1320 : i32
    %convert_element_type3A_1322 = arith.extui %gt3A_1321 : i1 to i32
    %cond3A_1323 = arith.constant 0 : i32
    %cond3A_1324 = arith.cmpi ne, %convert_element_type3A_1322, %cond3A_1323 : i32
    scf.if %cond3A_1324 {
      %dma_start3A_1409 = arith.constant 96 : i32
      %dma_start3A_1410 = tpu.memref_slice %arg8[%dma_start3A_1409] : memref<512xi32, #tpu.memory_space<vmem>> -> memref<32xi32, #tpu.memory_space<vmem>>
      %dma_start3A_1411 = arith.constant 0 : i32
      %dma_start3A_1412 = arith.constant 0 : i32
      %dma_start3A_1413 = tpu.memref_slice %arg3[%dma_start3A_1411, %dma_start3A_1412] : memref<4099x1024xf32, #tpu.memory_space<hbm>> -> memref<4099x1024xf32, #tpu.memory_space<hbm>>
      tpu.enqueue_indirect_dma source(%dma_start3A_1413 : memref<4099x1024xf32, #tpu.memory_space<hbm>>) target(%arg11 : memref<32x1024xf32, #tpu.memory_space<vmem>>) offsets(%dma_start3A_1410 : memref<32xi32, #tpu.memory_space<vmem>>) semaphore(%arg13 : memref<!tpu.dma_semaphore, #tpu.memory_space<semaphore_mem>>)
      %dma_wait3A_1414 = arith.constant 96 : i32
      %dma_wait3A_1415 = tpu.memref_slice %arg8[%dma_wait3A_1414] : memref<512xi32, #tpu.memory_space<vmem>> -> memref<32xi32, #tpu.memory_space<vmem>>
      %dma_wait3A_1416 = arith.constant 0 : i32
      %dma_wait3A_1417 = arith.constant 0 : i32
      %dma_wait3A_1418 = tpu.memref_slice %arg3[%dma_wait3A_1416, %dma_wait3A_1417] : memref<4099x1024xf32, #tpu.memory_space<hbm>> -> memref<4099x1024xf32, #tpu.memory_space<hbm>>
      tpu.wait_indirect_dma semaphore(%arg13 : memref<!tpu.dma_semaphore, #tpu.memory_space<semaphore_mem>>) src(%dma_wait3A_1418 : memref<4099x1024xf32, #tpu.memory_space<hbm>>) dst(%arg11 : memref<32x1024xf32, #tpu.memory_space<vmem>>)
      %add3A_1419 = arith.constant 0 : i32
      %add3A_1420 = arith.addi %add3A_1419, %mul3A_2 : i32
      %add3A_1421 = arith.constant 96 : i32
      %add3A_1422 = arith.addi %add3A_1420, %add3A_1421 : i32
      "tpu.region"() ({
        %run_scoped3A = tpu.sem_alloc : memref<!tpu.dma_semaphore, #tpu.memory_space<semaphore_mem>>
        %dma_start3A_1423 = arith.constant 0 : i32
        %dma_start3A_1424 = tpu.memref_slice %arg6[%add3A_1422, %dma_start3A_1423] : memref<16384x1024xf32, #tpu.memory_space<hbm>> -> memref<32x1024xf32, #tpu.memory_space<hbm>>
        %dma_start3A_1425 = arith.constant 0 : i32
        %dma_start3A_1426 = tpu.memref_slice %arg6[%add3A_1422, %dma_start3A_1425] : memref<16384x1024xf32, #tpu.memory_space<hbm>> -> memref<32x1024xf32, #tpu.memory_space<hbm>>
        tpu.enqueue_dma source(%arg11 : memref<32x1024xf32, #tpu.memory_space<vmem>>) target(%dma_start3A_1426 : memref<32x1024xf32, #tpu.memory_space<hbm>>) target_semaphore(%run_scoped3A : memref<!tpu.dma_semaphore, #tpu.memory_space<semaphore_mem>>)
        %dma_wait3A_1427 = arith.constant 0 : i32
        %dma_wait3A_1428 = tpu.memref_slice %arg6[%add3A_1422, %dma_wait3A_1427] : memref<16384x1024xf32, #tpu.memory_space<hbm>> -> memref<32x1024xf32, #tpu.memory_space<hbm>>
        %dma_wait3A_1429 = arith.constant 0 : i32
        %dma_wait3A_1430 = tpu.memref_slice %arg6[%add3A_1422, %dma_wait3A_1429] : memref<16384x1024xf32, #tpu.memory_space<hbm>> -> memref<32x1024xf32, #tpu.memory_space<hbm>>
        tpu.wait_dma2 semaphore(%run_scoped3A : memref<!tpu.dma_semaphore, #tpu.memory_space<semaphore_mem>>) src(%arg11 : memref<32x1024xf32, #tpu.memory_space<vmem>>) dst(%dma_wait3A_1430 : memref<32x1024xf32, #tpu.memory_space<hbm>>)
        tpu.yield
      }) : () -> ()
    } else {
    }
    %slice3A_1325 = vector.extract_strided_slice %get3A_1301 {offsets = [4], sizes = [1], strides = [1]} : vector<16xi32> to vector<1xi32>
    %squeeze3A_1326 = vector.extract %slice3A_1325[0] : i32 from vector<1xi32>
    %gt3A_1327 = arith.constant 0 : i32
    %gt3A_1328 = arith.cmpi sgt, %squeeze3A_1326, %gt3A_1327 : i32
    %convert_element_type3A_1329 = arith.extui %gt3A_1328 : i1 to i32
    %cond3A_1330 = arith.constant 0 : i32
    %cond3A_1331 = arith.cmpi ne, %convert_element_type3A_1329, %cond3A_1330 : i32
    scf.if %cond3A_1331 {
      %dma_start3A_1409 = arith.constant 128 : i32
      %dma_start3A_1410 = tpu.memref_slice %arg8[%dma_start3A_1409] : memref<512xi32, #tpu.memory_space<vmem>> -> memref<32xi32, #tpu.memory_space<vmem>>
      %dma_start3A_1411 = arith.constant 0 : i32
      %dma_start3A_1412 = arith.constant 0 : i32
      %dma_start3A_1413 = tpu.memref_slice %arg3[%dma_start3A_1411, %dma_start3A_1412] : memref<4099x1024xf32, #tpu.memory_space<hbm>> -> memref<4099x1024xf32, #tpu.memory_space<hbm>>
      tpu.enqueue_indirect_dma source(%dma_start3A_1413 : memref<4099x1024xf32, #tpu.memory_space<hbm>>) target(%arg11 : memref<32x1024xf32, #tpu.memory_space<vmem>>) offsets(%dma_start3A_1410 : memref<32xi32, #tpu.memory_space<vmem>>) semaphore(%arg13 : memref<!tpu.dma_semaphore, #tpu.memory_space<semaphore_mem>>)
      %dma_wait3A_1414 = arith.constant 128 : i32
      %dma_wait3A_1415 = tpu.memref_slice %arg8[%dma_wait3A_1414] : memref<512xi32, #tpu.memory_space<vmem>> -> memref<32xi32, #tpu.memory_space<vmem>>
      %dma_wait3A_1416 = arith.constant 0 : i32
      %dma_wait3A_1417 = arith.constant 0 : i32
      %dma_wait3A_1418 = tpu.memref_slice %arg3[%dma_wait3A_1416, %dma_wait3A_1417] : memref<4099x1024xf32, #tpu.memory_space<hbm>> -> memref<4099x1024xf32, #tpu.memory_space<hbm>>
      tpu.wait_indirect_dma semaphore(%arg13 : memref<!tpu.dma_semaphore, #tpu.memory_space<semaphore_mem>>) src(%dma_wait3A_1418 : memref<4099x1024xf32, #tpu.memory_space<hbm>>) dst(%arg11 : memref<32x1024xf32, #tpu.memory_space<vmem>>)
      %add3A_1419 = arith.constant 4096 : i32
      %add3A_1420 = arith.addi %add3A_1419, %mul3A_2 : i32
      %add3A_1421 = arith.constant 0 : i32
      %add3A_1422 = arith.addi %add3A_1420, %add3A_1421 : i32
      "tpu.region"() ({
        %run_scoped3A = tpu.sem_alloc : memref<!tpu.dma_semaphore, #tpu.memory_space<semaphore_mem>>
        %dma_start3A_1423 = arith.constant 0 : i32
        %dma_start3A_1424 = tpu.memref_slice %arg6[%add3A_1422, %dma_start3A_1423] : memref<16384x1024xf32, #tpu.memory_space<hbm>> -> memref<32x1024xf32, #tpu.memory_space<hbm>>
        %dma_start3A_1425 = arith.constant 0 : i32
        %dma_start3A_1426 = tpu.memref_slice %arg6[%add3A_1422, %dma_start3A_1425] : memref<16384x1024xf32, #tpu.memory_space<hbm>> -> memref<32x1024xf32, #tpu.memory_space<hbm>>
        tpu.enqueue_dma source(%arg11 : memref<32x1024xf32, #tpu.memory_space<vmem>>) target(%dma_start3A_1426 : memref<32x1024xf32, #tpu.memory_space<hbm>>) target_semaphore(%run_scoped3A : memref<!tpu.dma_semaphore, #tpu.memory_space<semaphore_mem>>)
        %dma_wait3A_1427 = arith.constant 0 : i32
        %dma_wait3A_1428 = tpu.memref_slice %arg6[%add3A_1422, %dma_wait3A_1427] : memref<16384x1024xf32, #tpu.memory_space<hbm>> -> memref<32x1024xf32, #tpu.memory_space<hbm>>
        %dma_wait3A_1429 = arith.constant 0 : i32
        %dma_wait3A_1430 = tpu.memref_slice %arg6[%add3A_1422, %dma_wait3A_1429] : memref<16384x1024xf32, #tpu.memory_space<hbm>> -> memref<32x1024xf32, #tpu.memory_space<hbm>>
        tpu.wait_dma2 semaphore(%run_scoped3A : memref<!tpu.dma_semaphore, #tpu.memory_space<semaphore_mem>>) src(%arg11 : memref<32x1024xf32, #tpu.memory_space<vmem>>) dst(%dma_wait3A_1430 : memref<32x1024xf32, #tpu.memory_space<hbm>>)
        tpu.yield
      }) : () -> ()
    } else {
    }
    %slice3A_1332 = vector.extract_strided_slice %get3A_1301 {offsets = [5], sizes = [1], strides = [1]} : vector<16xi32> to vector<1xi32>
    %squeeze3A_1333 = vector.extract %slice3A_1332[0] : i32 from vector<1xi32>
    %gt3A_1334 = arith.constant 0 : i32
    %gt3A_1335 = arith.cmpi sgt, %squeeze3A_1333, %gt3A_1334 : i32
    %convert_element_type3A_1336 = arith.extui %gt3A_1335 : i1 to i32
    %cond3A_1337 = arith.constant 0 : i32
    %cond3A_1338 = arith.cmpi ne, %convert_element_type3A_1336, %cond3A_1337 : i32
    scf.if %cond3A_1338 {
      %dma_start3A_1409 = arith.constant 160 : i32
      %dma_start3A_1410 = tpu.memref_slice %arg8[%dma_start3A_1409] : memref<512xi32, #tpu.memory_space<vmem>> -> memref<32xi32, #tpu.memory_space<vmem>>
      %dma_start3A_1411 = arith.constant 0 : i32
      %dma_start3A_1412 = arith.constant 0 : i32
      %dma_start3A_1413 = tpu.memref_slice %arg3[%dma_start3A_1411, %dma_start3A_1412] : memref<4099x1024xf32, #tpu.memory_space<hbm>> -> memref<4099x1024xf32, #tpu.memory_space<hbm>>
      tpu.enqueue_indirect_dma source(%dma_start3A_1413 : memref<4099x1024xf32, #tpu.memory_space<hbm>>) target(%arg11 : memref<32x1024xf32, #tpu.memory_space<vmem>>) offsets(%dma_start3A_1410 : memref<32xi32, #tpu.memory_space<vmem>>) semaphore(%arg13 : memref<!tpu.dma_semaphore, #tpu.memory_space<semaphore_mem>>)
      %dma_wait3A_1414 = arith.constant 160 : i32
      %dma_wait3A_1415 = tpu.memref_slice %arg8[%dma_wait3A_1414] : memref<512xi32, #tpu.memory_space<vmem>> -> memref<32xi32, #tpu.memory_space<vmem>>
      %dma_wait3A_1416 = arith.constant 0 : i32
      %dma_wait3A_1417 = arith.constant 0 : i32
      %dma_wait3A_1418 = tpu.memref_slice %arg3[%dma_wait3A_1416, %dma_wait3A_1417] : memref<4099x1024xf32, #tpu.memory_space<hbm>> -> memref<4099x1024xf32, #tpu.memory_space<hbm>>
      tpu.wait_indirect_dma semaphore(%arg13 : memref<!tpu.dma_semaphore, #tpu.memory_space<semaphore_mem>>) src(%dma_wait3A_1418 : memref<4099x1024xf32, #tpu.memory_space<hbm>>) dst(%arg11 : memref<32x1024xf32, #tpu.memory_space<vmem>>)
      %add3A_1419 = arith.constant 4096 : i32
      %add3A_1420 = arith.addi %add3A_1419, %mul3A_2 : i32
      %add3A_1421 = arith.constant 32 : i32
      %add3A_1422 = arith.addi %add3A_1420, %add3A_1421 : i32
      "tpu.region"() ({
        %run_scoped3A = tpu.sem_alloc : memref<!tpu.dma_semaphore, #tpu.memory_space<semaphore_mem>>
        %dma_start3A_1423 = arith.constant 0 : i32
        %dma_start3A_1424 = tpu.memref_slice %arg6[%add3A_1422, %dma_start3A_1423] : memref<16384x1024xf32, #tpu.memory_space<hbm>> -> memref<32x1024xf32, #tpu.memory_space<hbm>>
        %dma_start3A_1425 = arith.constant 0 : i32
        %dma_start3A_1426 = tpu.memref_slice %arg6[%add3A_1422, %dma_start3A_1425] : memref<16384x1024xf32, #tpu.memory_space<hbm>> -> memref<32x1024xf32, #tpu.memory_space<hbm>>
        tpu.enqueue_dma source(%arg11 : memref<32x1024xf32, #tpu.memory_space<vmem>>) target(%dma_start3A_1426 : memref<32x1024xf32, #tpu.memory_space<hbm>>) target_semaphore(%run_scoped3A : memref<!tpu.dma_semaphore, #tpu.memory_space<semaphore_mem>>)
        %dma_wait3A_1427 = arith.constant 0 : i32
        %dma_wait3A_1428 = tpu.memref_slice %arg6[%add3A_1422, %dma_wait3A_1427] : memref<16384x1024xf32, #tpu.memory_space<hbm>> -> memref<32x1024xf32, #tpu.memory_space<hbm>>
        %dma_wait3A_1429 = arith.constant 0 : i32
        %dma_wait3A_1430 = tpu.memref_slice %arg6[%add3A_1422, %dma_wait3A_1429] : memref<16384x1024xf32, #tpu.memory_space<hbm>> -> memref<32x1024xf32, #tpu.memory_space<hbm>>
        tpu.wait_dma2 semaphore(%run_scoped3A : memref<!tpu.dma_semaphore, #tpu.memory_space<semaphore_mem>>) src(%arg11 : memref<32x1024xf32, #tpu.memory_space<vmem>>) dst(%dma_wait3A_1430 : memref<32x1024xf32, #tpu.memory_space<hbm>>)
        tpu.yield
      }) : () -> ()
    } else {
    }
    %slice3A_1339 = vector.extract_strided_slice %get3A_1301 {offsets = [6], sizes = [1], strides = [1]} : vector<16xi32> to vector<1xi32>
    %squeeze3A_1340 = vector.extract %slice3A_1339[0] : i32 from vector<1xi32>
    %gt3A_1341 = arith.constant 0 : i32
    %gt3A_1342 = arith.cmpi sgt, %squeeze3A_1340, %gt3A_1341 : i32
    %convert_element_type3A_1343 = arith.extui %gt3A_1342 : i1 to i32
    %cond3A_1344 = arith.constant 0 : i32
    %cond3A_1345 = arith.cmpi ne, %convert_element_type3A_1343, %cond3A_1344 : i32
    scf.if %cond3A_1345 {
      %dma_start3A_1409 = arith.constant 192 : i32
      %dma_start3A_1410 = tpu.memref_slice %arg8[%dma_start3A_1409] : memref<512xi32, #tpu.memory_space<vmem>> -> memref<32xi32, #tpu.memory_space<vmem>>
      %dma_start3A_1411 = arith.constant 0 : i32
      %dma_start3A_1412 = arith.constant 0 : i32
      %dma_start3A_1413 = tpu.memref_slice %arg3[%dma_start3A_1411, %dma_start3A_1412] : memref<4099x1024xf32, #tpu.memory_space<hbm>> -> memref<4099x1024xf32, #tpu.memory_space<hbm>>
      tpu.enqueue_indirect_dma source(%dma_start3A_1413 : memref<4099x1024xf32, #tpu.memory_space<hbm>>) target(%arg11 : memref<32x1024xf32, #tpu.memory_space<vmem>>) offsets(%dma_start3A_1410 : memref<32xi32, #tpu.memory_space<vmem>>) semaphore(%arg13 : memref<!tpu.dma_semaphore, #tpu.memory_space<semaphore_mem>>)
      %dma_wait3A_1414 = arith.constant 192 : i32
      %dma_wait3A_1415 = tpu.memref_slice %arg8[%dma_wait3A_1414] : memref<512xi32, #tpu.memory_space<vmem>> -> memref<32xi32, #tpu.memory_space<vmem>>
      %dma_wait3A_1416 = arith.constant 0 : i32
      %dma_wait3A_1417 = arith.constant 0 : i32
      %dma_wait3A_1418 = tpu.memref_slice %arg3[%dma_wait3A_1416, %dma_wait3A_1417] : memref<4099x1024xf32, #tpu.memory_space<hbm>> -> memref<4099x1024xf32, #tpu.memory_space<hbm>>
      tpu.wait_indirect_dma semaphore(%arg13 : memref<!tpu.dma_semaphore, #tpu.memory_space<semaphore_mem>>) src(%dma_wait3A_1418 : memref<4099x1024xf32, #tpu.memory_space<hbm>>) dst(%arg11 : memref<32x1024xf32, #tpu.memory_space<vmem>>)
      %add3A_1419 = arith.constant 4096 : i32
      %add3A_1420 = arith.addi %add3A_1419, %mul3A_2 : i32
      %add3A_1421 = arith.constant 64 : i32
      %add3A_1422 = arith.addi %add3A_1420, %add3A_1421 : i32
      "tpu.region"() ({
        %run_scoped3A = tpu.sem_alloc : memref<!tpu.dma_semaphore, #tpu.memory_space<semaphore_mem>>
        %dma_start3A_1423 = arith.constant 0 : i32
        %dma_start3A_1424 = tpu.memref_slice %arg6[%add3A_1422, %dma_start3A_1423] : memref<16384x1024xf32, #tpu.memory_space<hbm>> -> memref<32x1024xf32, #tpu.memory_space<hbm>>
        %dma_start3A_1425 = arith.constant 0 : i32
        %dma_start3A_1426 = tpu.memref_slice %arg6[%add3A_1422, %dma_start3A_1425] : memref<16384x1024xf32, #tpu.memory_space<hbm>> -> memref<32x1024xf32, #tpu.memory_space<hbm>>
        tpu.enqueue_dma source(%arg11 : memref<32x1024xf32, #tpu.memory_space<vmem>>) target(%dma_start3A_1426 : memref<32x1024xf32, #tpu.memory_space<hbm>>) target_semaphore(%run_scoped3A : memref<!tpu.dma_semaphore, #tpu.memory_space<semaphore_mem>>)
        %dma_wait3A_1427 = arith.constant 0 : i32
        %dma_wait3A_1428 = tpu.memref_slice %arg6[%add3A_1422, %dma_wait3A_1427] : memref<16384x1024xf32, #tpu.memory_space<hbm>> -> memref<32x1024xf32, #tpu.memory_space<hbm>>
        %dma_wait3A_1429 = arith.constant 0 : i32
        %dma_wait3A_1430 = tpu.memref_slice %arg6[%add3A_1422, %dma_wait3A_1429] : memref<16384x1024xf32, #tpu.memory_space<hbm>> -> memref<32x1024xf32, #tpu.memory_space<hbm>>
        tpu.wait_dma2 semaphore(%run_scoped3A : memref<!tpu.dma_semaphore, #tpu.memory_space<semaphore_mem>>) src(%arg11 : memref<32x1024xf32, #tpu.memory_space<vmem>>) dst(%dma_wait3A_1430 : memref<32x1024xf32, #tpu.memory_space<hbm>>)
        tpu.yield
      }) : () -> ()
    } else {
    }
    %slice3A_1346 = vector.extract_strided_slice %get3A_1301 {offsets = [7], sizes = [1], strides = [1]} : vector<16xi32> to vector<1xi32>
    %squeeze3A_1347 = vector.extract %slice3A_1346[0] : i32 from vector<1xi32>
    %gt3A_1348 = arith.constant 0 : i32
    %gt3A_1349 = arith.cmpi sgt, %squeeze3A_1347, %gt3A_1348 : i32
    %convert_element_type3A_1350 = arith.extui %gt3A_1349 : i1 to i32
    %cond3A_1351 = arith.constant 0 : i32
    %cond3A_1352 = arith.cmpi ne, %convert_element_type3A_1350, %cond3A_1351 : i32
    scf.if %cond3A_1352 {
      %dma_start3A_1409 = arith.constant 224 : i32
      %dma_start3A_1410 = tpu.memref_slice %arg8[%dma_start3A_1409] : memref<512xi32, #tpu.memory_space<vmem>> -> memref<32xi32, #tpu.memory_space<vmem>>
      %dma_start3A_1411 = arith.constant 0 : i32
      %dma_start3A_1412 = arith.constant 0 : i32
      %dma_start3A_1413 = tpu.memref_slice %arg3[%dma_start3A_1411, %dma_start3A_1412] : memref<4099x1024xf32, #tpu.memory_space<hbm>> -> memref<4099x1024xf32, #tpu.memory_space<hbm>>
      tpu.enqueue_indirect_dma source(%dma_start3A_1413 : memref<4099x1024xf32, #tpu.memory_space<hbm>>) target(%arg11 : memref<32x1024xf32, #tpu.memory_space<vmem>>) offsets(%dma_start3A_1410 : memref<32xi32, #tpu.memory_space<vmem>>) semaphore(%arg13 : memref<!tpu.dma_semaphore, #tpu.memory_space<semaphore_mem>>)
      %dma_wait3A_1414 = arith.constant 224 : i32
      %dma_wait3A_1415 = tpu.memref_slice %arg8[%dma_wait3A_1414] : memref<512xi32, #tpu.memory_space<vmem>> -> memref<32xi32, #tpu.memory_space<vmem>>
      %dma_wait3A_1416 = arith.constant 0 : i32
      %dma_wait3A_1417 = arith.constant 0 : i32
      %dma_wait3A_1418 = tpu.memref_slice %arg3[%dma_wait3A_1416, %dma_wait3A_1417] : memref<4099x1024xf32, #tpu.memory_space<hbm>> -> memref<4099x1024xf32, #tpu.memory_space<hbm>>
      tpu.wait_indirect_dma semaphore(%arg13 : memref<!tpu.dma_semaphore, #tpu.memory_space<semaphore_mem>>) src(%dma_wait3A_1418 : memref<4099x1024xf32, #tpu.memory_space<hbm>>) dst(%arg11 : memref<32x1024xf32, #tpu.memory_space<vmem>>)
      %add3A_1419 = arith.constant 4096 : i32
      %add3A_1420 = arith.addi %add3A_1419, %mul3A_2 : i32
      %add3A_1421 = arith.constant 96 : i32
      %add3A_1422 = arith.addi %add3A_1420, %add3A_1421 : i32
      "tpu.region"() ({
        %run_scoped3A = tpu.sem_alloc : memref<!tpu.dma_semaphore, #tpu.memory_space<semaphore_mem>>
        %dma_start3A_1423 = arith.constant 0 : i32
        %dma_start3A_1424 = tpu.memref_slice %arg6[%add3A_1422, %dma_start3A_1423] : memref<16384x1024xf32, #tpu.memory_space<hbm>> -> memref<32x1024xf32, #tpu.memory_space<hbm>>
        %dma_start3A_1425 = arith.constant 0 : i32
        %dma_start3A_1426 = tpu.memref_slice %arg6[%add3A_1422, %dma_start3A_1425] : memref<16384x1024xf32, #tpu.memory_space<hbm>> -> memref<32x1024xf32, #tpu.memory_space<hbm>>
        tpu.enqueue_dma source(%arg11 : memref<32x1024xf32, #tpu.memory_space<vmem>>) target(%dma_start3A_1426 : memref<32x1024xf32, #tpu.memory_space<hbm>>) target_semaphore(%run_scoped3A : memref<!tpu.dma_semaphore, #tpu.memory_space<semaphore_mem>>)
        %dma_wait3A_1427 = arith.constant 0 : i32
        %dma_wait3A_1428 = tpu.memref_slice %arg6[%add3A_1422, %dma_wait3A_1427] : memref<16384x1024xf32, #tpu.memory_space<hbm>> -> memref<32x1024xf32, #tpu.memory_space<hbm>>
        %dma_wait3A_1429 = arith.constant 0 : i32
        %dma_wait3A_1430 = tpu.memref_slice %arg6[%add3A_1422, %dma_wait3A_1429] : memref<16384x1024xf32, #tpu.memory_space<hbm>> -> memref<32x1024xf32, #tpu.memory_space<hbm>>
        tpu.wait_dma2 semaphore(%run_scoped3A : memref<!tpu.dma_semaphore, #tpu.memory_space<semaphore_mem>>) src(%arg11 : memref<32x1024xf32, #tpu.memory_space<vmem>>) dst(%dma_wait3A_1430 : memref<32x1024xf32, #tpu.memory_space<hbm>>)
        tpu.yield
      }) : () -> ()
    } else {
    }
    %slice3A_1353 = vector.extract_strided_slice %get3A_1301 {offsets = [8], sizes = [1], strides = [1]} : vector<16xi32> to vector<1xi32>
    %squeeze3A_1354 = vector.extract %slice3A_1353[0] : i32 from vector<1xi32>
    %gt3A_1355 = arith.constant 0 : i32
    %gt3A_1356 = arith.cmpi sgt, %squeeze3A_1354, %gt3A_1355 : i32
    %convert_element_type3A_1357 = arith.extui %gt3A_1356 : i1 to i32
    %cond3A_1358 = arith.constant 0 : i32
    %cond3A_1359 = arith.cmpi ne, %convert_element_type3A_1357, %cond3A_1358 : i32
    scf.if %cond3A_1359 {
      %dma_start3A_1409 = arith.constant 256 : i32
      %dma_start3A_1410 = tpu.memref_slice %arg8[%dma_start3A_1409] : memref<512xi32, #tpu.memory_space<vmem>> -> memref<32xi32, #tpu.memory_space<vmem>>
      %dma_start3A_1411 = arith.constant 0 : i32
      %dma_start3A_1412 = arith.constant 0 : i32
      %dma_start3A_1413 = tpu.memref_slice %arg3[%dma_start3A_1411, %dma_start3A_1412] : memref<4099x1024xf32, #tpu.memory_space<hbm>> -> memref<4099x1024xf32, #tpu.memory_space<hbm>>
      tpu.enqueue_indirect_dma source(%dma_start3A_1413 : memref<4099x1024xf32, #tpu.memory_space<hbm>>) target(%arg11 : memref<32x1024xf32, #tpu.memory_space<vmem>>) offsets(%dma_start3A_1410 : memref<32xi32, #tpu.memory_space<vmem>>) semaphore(%arg13 : memref<!tpu.dma_semaphore, #tpu.memory_space<semaphore_mem>>)
      %dma_wait3A_1414 = arith.constant 256 : i32
      %dma_wait3A_1415 = tpu.memref_slice %arg8[%dma_wait3A_1414] : memref<512xi32, #tpu.memory_space<vmem>> -> memref<32xi32, #tpu.memory_space<vmem>>
      %dma_wait3A_1416 = arith.constant 0 : i32
      %dma_wait3A_1417 = arith.constant 0 : i32
      %dma_wait3A_1418 = tpu.memref_slice %arg3[%dma_wait3A_1416, %dma_wait3A_1417] : memref<4099x1024xf32, #tpu.memory_space<hbm>> -> memref<4099x1024xf32, #tpu.memory_space<hbm>>
      tpu.wait_indirect_dma semaphore(%arg13 : memref<!tpu.dma_semaphore, #tpu.memory_space<semaphore_mem>>) src(%dma_wait3A_1418 : memref<4099x1024xf32, #tpu.memory_space<hbm>>) dst(%arg11 : memref<32x1024xf32, #tpu.memory_space<vmem>>)
      %add3A_1419 = arith.constant 8192 : i32
      %add3A_1420 = arith.addi %add3A_1419, %mul3A_2 : i32
      %add3A_1421 = arith.constant 0 : i32
      %add3A_1422 = arith.addi %add3A_1420, %add3A_1421 : i32
      "tpu.region"() ({
        %run_scoped3A = tpu.sem_alloc : memref<!tpu.dma_semaphore, #tpu.memory_space<semaphore_mem>>
        %dma_start3A_1423 = arith.constant 0 : i32
        %dma_start3A_1424 = tpu.memref_slice %arg6[%add3A_1422, %dma_start3A_1423] : memref<16384x1024xf32, #tpu.memory_space<hbm>> -> memref<32x1024xf32, #tpu.memory_space<hbm>>
        %dma_start3A_1425 = arith.constant 0 : i32
        %dma_start3A_1426 = tpu.memref_slice %arg6[%add3A_1422, %dma_start3A_1425] : memref<16384x1024xf32, #tpu.memory_space<hbm>> -> memref<32x1024xf32, #tpu.memory_space<hbm>>
        tpu.enqueue_dma source(%arg11 : memref<32x1024xf32, #tpu.memory_space<vmem>>) target(%dma_start3A_1426 : memref<32x1024xf32, #tpu.memory_space<hbm>>) target_semaphore(%run_scoped3A : memref<!tpu.dma_semaphore, #tpu.memory_space<semaphore_mem>>)
        %dma_wait3A_1427 = arith.constant 0 : i32
        %dma_wait3A_1428 = tpu.memref_slice %arg6[%add3A_1422, %dma_wait3A_1427] : memref<16384x1024xf32, #tpu.memory_space<hbm>> -> memref<32x1024xf32, #tpu.memory_space<hbm>>
        %dma_wait3A_1429 = arith.constant 0 : i32
        %dma_wait3A_1430 = tpu.memref_slice %arg6[%add3A_1422, %dma_wait3A_1429] : memref<16384x1024xf32, #tpu.memory_space<hbm>> -> memref<32x1024xf32, #tpu.memory_space<hbm>>
        tpu.wait_dma2 semaphore(%run_scoped3A : memref<!tpu.dma_semaphore, #tpu.memory_space<semaphore_mem>>) src(%arg11 : memref<32x1024xf32, #tpu.memory_space<vmem>>) dst(%dma_wait3A_1430 : memref<32x1024xf32, #tpu.memory_space<hbm>>)
        tpu.yield
      }) : () -> ()
    } else {
    }
    %slice3A_1360 = vector.extract_strided_slice %get3A_1301 {offsets = [9], sizes = [1], strides = [1]} : vector<16xi32> to vector<1xi32>
    %squeeze3A_1361 = vector.extract %slice3A_1360[0] : i32 from vector<1xi32>
    %gt3A_1362 = arith.constant 0 : i32
    %gt3A_1363 = arith.cmpi sgt, %squeeze3A_1361, %gt3A_1362 : i32
    %convert_element_type3A_1364 = arith.extui %gt3A_1363 : i1 to i32
    %cond3A_1365 = arith.constant 0 : i32
    %cond3A_1366 = arith.cmpi ne, %convert_element_type3A_1364, %cond3A_1365 : i32
    scf.if %cond3A_1366 {
      %dma_start3A_1409 = arith.constant 288 : i32
      %dma_start3A_1410 = tpu.memref_slice %arg8[%dma_start3A_1409] : memref<512xi32, #tpu.memory_space<vmem>> -> memref<32xi32, #tpu.memory_space<vmem>>
      %dma_start3A_1411 = arith.constant 0 : i32
      %dma_start3A_1412 = arith.constant 0 : i32
      %dma_start3A_1413 = tpu.memref_slice %arg3[%dma_start3A_1411, %dma_start3A_1412] : memref<4099x1024xf32, #tpu.memory_space<hbm>> -> memref<4099x1024xf32, #tpu.memory_space<hbm>>
      tpu.enqueue_indirect_dma source(%dma_start3A_1413 : memref<4099x1024xf32, #tpu.memory_space<hbm>>) target(%arg11 : memref<32x1024xf32, #tpu.memory_space<vmem>>) offsets(%dma_start3A_1410 : memref<32xi32, #tpu.memory_space<vmem>>) semaphore(%arg13 : memref<!tpu.dma_semaphore, #tpu.memory_space<semaphore_mem>>)
      %dma_wait3A_1414 = arith.constant 288 : i32
      %dma_wait3A_1415 = tpu.memref_slice %arg8[%dma_wait3A_1414] : memref<512xi32, #tpu.memory_space<vmem>> -> memref<32xi32, #tpu.memory_space<vmem>>
      %dma_wait3A_1416 = arith.constant 0 : i32
      %dma_wait3A_1417 = arith.constant 0 : i32
      %dma_wait3A_1418 = tpu.memref_slice %arg3[%dma_wait3A_1416, %dma_wait3A_1417] : memref<4099x1024xf32, #tpu.memory_space<hbm>> -> memref<4099x1024xf32, #tpu.memory_space<hbm>>
      tpu.wait_indirect_dma semaphore(%arg13 : memref<!tpu.dma_semaphore, #tpu.memory_space<semaphore_mem>>) src(%dma_wait3A_1418 : memref<4099x1024xf32, #tpu.memory_space<hbm>>) dst(%arg11 : memref<32x1024xf32, #tpu.memory_space<vmem>>)
      %add3A_1419 = arith.constant 8192 : i32
      %add3A_1420 = arith.addi %add3A_1419, %mul3A_2 : i32
      %add3A_1421 = arith.constant 32 : i32
      %add3A_1422 = arith.addi %add3A_1420, %add3A_1421 : i32
      "tpu.region"() ({
        %run_scoped3A = tpu.sem_alloc : memref<!tpu.dma_semaphore, #tpu.memory_space<semaphore_mem>>
        %dma_start3A_1423 = arith.constant 0 : i32
        %dma_start3A_1424 = tpu.memref_slice %arg6[%add3A_1422, %dma_start3A_1423] : memref<16384x1024xf32, #tpu.memory_space<hbm>> -> memref<32x1024xf32, #tpu.memory_space<hbm>>
        %dma_start3A_1425 = arith.constant 0 : i32
        %dma_start3A_1426 = tpu.memref_slice %arg6[%add3A_1422, %dma_start3A_1425] : memref<16384x1024xf32, #tpu.memory_space<hbm>> -> memref<32x1024xf32, #tpu.memory_space<hbm>>
        tpu.enqueue_dma source(%arg11 : memref<32x1024xf32, #tpu.memory_space<vmem>>) target(%dma_start3A_1426 : memref<32x1024xf32, #tpu.memory_space<hbm>>) target_semaphore(%run_scoped3A : memref<!tpu.dma_semaphore, #tpu.memory_space<semaphore_mem>>)
        %dma_wait3A_1427 = arith.constant 0 : i32
        %dma_wait3A_1428 = tpu.memref_slice %arg6[%add3A_1422, %dma_wait3A_1427] : memref<16384x1024xf32, #tpu.memory_space<hbm>> -> memref<32x1024xf32, #tpu.memory_space<hbm>>
        %dma_wait3A_1429 = arith.constant 0 : i32
        %dma_wait3A_1430 = tpu.memref_slice %arg6[%add3A_1422, %dma_wait3A_1429] : memref<16384x1024xf32, #tpu.memory_space<hbm>> -> memref<32x1024xf32, #tpu.memory_space<hbm>>
        tpu.wait_dma2 semaphore(%run_scoped3A : memref<!tpu.dma_semaphore, #tpu.memory_space<semaphore_mem>>) src(%arg11 : memref<32x1024xf32, #tpu.memory_space<vmem>>) dst(%dma_wait3A_1430 : memref<32x1024xf32, #tpu.memory_space<hbm>>)
        tpu.yield
      }) : () -> ()
    } else {
    }
    %slice3A_1367 = vector.extract_strided_slice %get3A_1301 {offsets = [10], sizes = [1], strides = [1]} : vector<16xi32> to vector<1xi32>
    %squeeze3A_1368 = vector.extract %slice3A_1367[0] : i32 from vector<1xi32>
    %gt3A_1369 = arith.constant 0 : i32
    %gt3A_1370 = arith.cmpi sgt, %squeeze3A_1368, %gt3A_1369 : i32
    %convert_element_type3A_1371 = arith.extui %gt3A_1370 : i1 to i32
    %cond3A_1372 = arith.constant 0 : i32
    %cond3A_1373 = arith.cmpi ne, %convert_element_type3A_1371, %cond3A_1372 : i32
    scf.if %cond3A_1373 {
      %dma_start3A_1409 = arith.constant 320 : i32
      %dma_start3A_1410 = tpu.memref_slice %arg8[%dma_start3A_1409] : memref<512xi32, #tpu.memory_space<vmem>> -> memref<32xi32, #tpu.memory_space<vmem>>
      %dma_start3A_1411 = arith.constant 0 : i32
      %dma_start3A_1412 = arith.constant 0 : i32
      %dma_start3A_1413 = tpu.memref_slice %arg3[%dma_start3A_1411, %dma_start3A_1412] : memref<4099x1024xf32, #tpu.memory_space<hbm>> -> memref<4099x1024xf32, #tpu.memory_space<hbm>>
      tpu.enqueue_indirect_dma source(%dma_start3A_1413 : memref<4099x1024xf32, #tpu.memory_space<hbm>>) target(%arg11 : memref<32x1024xf32, #tpu.memory_space<vmem>>) offsets(%dma_start3A_1410 : memref<32xi32, #tpu.memory_space<vmem>>) semaphore(%arg13 : memref<!tpu.dma_semaphore, #tpu.memory_space<semaphore_mem>>)
      %dma_wait3A_1414 = arith.constant 320 : i32
      %dma_wait3A_1415 = tpu.memref_slice %arg8[%dma_wait3A_1414] : memref<512xi32, #tpu.memory_space<vmem>> -> memref<32xi32, #tpu.memory_space<vmem>>
      %dma_wait3A_1416 = arith.constant 0 : i32
      %dma_wait3A_1417 = arith.constant 0 : i32
      %dma_wait3A_1418 = tpu.memref_slice %arg3[%dma_wait3A_1416, %dma_wait3A_1417] : memref<4099x1024xf32, #tpu.memory_space<hbm>> -> memref<4099x1024xf32, #tpu.memory_space<hbm>>
      tpu.wait_indirect_dma semaphore(%arg13 : memref<!tpu.dma_semaphore, #tpu.memory_space<semaphore_mem>>) src(%dma_wait3A_1418 : memref<4099x1024xf32, #tpu.memory_space<hbm>>) dst(%arg11 : memref<32x1024xf32, #tpu.memory_space<vmem>>)
      %add3A_1419 = arith.constant 8192 : i32
      %add3A_1420 = arith.addi %add3A_1419, %mul3A_2 : i32
      %add3A_1421 = arith.constant 64 : i32
      %add3A_1422 = arith.addi %add3A_1420, %add3A_1421 : i32
      "tpu.region"() ({
        %run_scoped3A = tpu.sem_alloc : memref<!tpu.dma_semaphore, #tpu.memory_space<semaphore_mem>>
        %dma_start3A_1423 = arith.constant 0 : i32
        %dma_start3A_1424 = tpu.memref_slice %arg6[%add3A_1422, %dma_start3A_1423] : memref<16384x1024xf32, #tpu.memory_space<hbm>> -> memref<32x1024xf32, #tpu.memory_space<hbm>>
        %dma_start3A_1425 = arith.constant 0 : i32
        %dma_start3A_1426 = tpu.memref_slice %arg6[%add3A_1422, %dma_start3A_1425] : memref<16384x1024xf32, #tpu.memory_space<hbm>> -> memref<32x1024xf32, #tpu.memory_space<hbm>>
        tpu.enqueue_dma source(%arg11 : memref<32x1024xf32, #tpu.memory_space<vmem>>) target(%dma_start3A_1426 : memref<32x1024xf32, #tpu.memory_space<hbm>>) target_semaphore(%run_scoped3A : memref<!tpu.dma_semaphore, #tpu.memory_space<semaphore_mem>>)
        %dma_wait3A_1427 = arith.constant 0 : i32
        %dma_wait3A_1428 = tpu.memref_slice %arg6[%add3A_1422, %dma_wait3A_1427] : memref<16384x1024xf32, #tpu.memory_space<hbm>> -> memref<32x1024xf32, #tpu.memory_space<hbm>>
        %dma_wait3A_1429 = arith.constant 0 : i32
        %dma_wait3A_1430 = tpu.memref_slice %arg6[%add3A_1422, %dma_wait3A_1429] : memref<16384x1024xf32, #tpu.memory_space<hbm>> -> memref<32x1024xf32, #tpu.memory_space<hbm>>
        tpu.wait_dma2 semaphore(%run_scoped3A : memref<!tpu.dma_semaphore, #tpu.memory_space<semaphore_mem>>) src(%arg11 : memref<32x1024xf32, #tpu.memory_space<vmem>>) dst(%dma_wait3A_1430 : memref<32x1024xf32, #tpu.memory_space<hbm>>)
        tpu.yield
      }) : () -> ()
    } else {
    }
    %slice3A_1374 = vector.extract_strided_slice %get3A_1301 {offsets = [11], sizes = [1], strides = [1]} : vector<16xi32> to vector<1xi32>
    %squeeze3A_1375 = vector.extract %slice3A_1374[0] : i32 from vector<1xi32>
    %gt3A_1376 = arith.constant 0 : i32
    %gt3A_1377 = arith.cmpi sgt, %squeeze3A_1375, %gt3A_1376 : i32
    %convert_element_type3A_1378 = arith.extui %gt3A_1377 : i1 to i32
    %cond3A_1379 = arith.constant 0 : i32
    %cond3A_1380 = arith.cmpi ne, %convert_element_type3A_1378, %cond3A_1379 : i32
    scf.if %cond3A_1380 {
      %dma_start3A_1409 = arith.constant 352 : i32
      %dma_start3A_1410 = tpu.memref_slice %arg8[%dma_start3A_1409] : memref<512xi32, #tpu.memory_space<vmem>> -> memref<32xi32, #tpu.memory_space<vmem>>
      %dma_start3A_1411 = arith.constant 0 : i32
      %dma_start3A_1412 = arith.constant 0 : i32
      %dma_start3A_1413 = tpu.memref_slice %arg3[%dma_start3A_1411, %dma_start3A_1412] : memref<4099x1024xf32, #tpu.memory_space<hbm>> -> memref<4099x1024xf32, #tpu.memory_space<hbm>>
      tpu.enqueue_indirect_dma source(%dma_start3A_1413 : memref<4099x1024xf32, #tpu.memory_space<hbm>>) target(%arg11 : memref<32x1024xf32, #tpu.memory_space<vmem>>) offsets(%dma_start3A_1410 : memref<32xi32, #tpu.memory_space<vmem>>) semaphore(%arg13 : memref<!tpu.dma_semaphore, #tpu.memory_space<semaphore_mem>>)
      %dma_wait3A_1414 = arith.constant 352 : i32
      %dma_wait3A_1415 = tpu.memref_slice %arg8[%dma_wait3A_1414] : memref<512xi32, #tpu.memory_space<vmem>> -> memref<32xi32, #tpu.memory_space<vmem>>
      %dma_wait3A_1416 = arith.constant 0 : i32
      %dma_wait3A_1417 = arith.constant 0 : i32
      %dma_wait3A_1418 = tpu.memref_slice %arg3[%dma_wait3A_1416, %dma_wait3A_1417] : memref<4099x1024xf32, #tpu.memory_space<hbm>> -> memref<4099x1024xf32, #tpu.memory_space<hbm>>
      tpu.wait_indirect_dma semaphore(%arg13 : memref<!tpu.dma_semaphore, #tpu.memory_space<semaphore_mem>>) src(%dma_wait3A_1418 : memref<4099x1024xf32, #tpu.memory_space<hbm>>) dst(%arg11 : memref<32x1024xf32, #tpu.memory_space<vmem>>)
      %add3A_1419 = arith.constant 8192 : i32
      %add3A_1420 = arith.addi %add3A_1419, %mul3A_2 : i32
      %add3A_1421 = arith.constant 96 : i32
      %add3A_1422 = arith.addi %add3A_1420, %add3A_1421 : i32
      "tpu.region"() ({
        %run_scoped3A = tpu.sem_alloc : memref<!tpu.dma_semaphore, #tpu.memory_space<semaphore_mem>>
        %dma_start3A_1423 = arith.constant 0 : i32
        %dma_start3A_1424 = tpu.memref_slice %arg6[%add3A_1422, %dma_start3A_1423] : memref<16384x1024xf32, #tpu.memory_space<hbm>> -> memref<32x1024xf32, #tpu.memory_space<hbm>>
        %dma_start3A_1425 = arith.constant 0 : i32
        %dma_start3A_1426 = tpu.memref_slice %arg6[%add3A_1422, %dma_start3A_1425] : memref<16384x1024xf32, #tpu.memory_space<hbm>> -> memref<32x1024xf32, #tpu.memory_space<hbm>>
        tpu.enqueue_dma source(%arg11 : memref<32x1024xf32, #tpu.memory_space<vmem>>) target(%dma_start3A_1426 : memref<32x1024xf32, #tpu.memory_space<hbm>>) target_semaphore(%run_scoped3A : memref<!tpu.dma_semaphore, #tpu.memory_space<semaphore_mem>>)
        %dma_wait3A_1427 = arith.constant 0 : i32
        %dma_wait3A_1428 = tpu.memref_slice %arg6[%add3A_1422, %dma_wait3A_1427] : memref<16384x1024xf32, #tpu.memory_space<hbm>> -> memref<32x1024xf32, #tpu.memory_space<hbm>>
        %dma_wait3A_1429 = arith.constant 0 : i32
        %dma_wait3A_1430 = tpu.memref_slice %arg6[%add3A_1422, %dma_wait3A_1429] : memref<16384x1024xf32, #tpu.memory_space<hbm>> -> memref<32x1024xf32, #tpu.memory_space<hbm>>
        tpu.wait_dma2 semaphore(%run_scoped3A : memref<!tpu.dma_semaphore, #tpu.memory_space<semaphore_mem>>) src(%arg11 : memref<32x1024xf32, #tpu.memory_space<vmem>>) dst(%dma_wait3A_1430 : memref<32x1024xf32, #tpu.memory_space<hbm>>)
        tpu.yield
      }) : () -> ()
    } else {
    }
    %slice3A_1381 = vector.extract_strided_slice %get3A_1301 {offsets = [12], sizes = [1], strides = [1]} : vector<16xi32> to vector<1xi32>
    %squeeze3A_1382 = vector.extract %slice3A_1381[0] : i32 from vector<1xi32>
    %gt3A_1383 = arith.constant 0 : i32
    %gt3A_1384 = arith.cmpi sgt, %squeeze3A_1382, %gt3A_1383 : i32
    %convert_element_type3A_1385 = arith.extui %gt3A_1384 : i1 to i32
    %cond3A_1386 = arith.constant 0 : i32
    %cond3A_1387 = arith.cmpi ne, %convert_element_type3A_1385, %cond3A_1386 : i32
    scf.if %cond3A_1387 {
      %dma_start3A_1409 = arith.constant 384 : i32
      %dma_start3A_1410 = tpu.memref_slice %arg8[%dma_start3A_1409] : memref<512xi32, #tpu.memory_space<vmem>> -> memref<32xi32, #tpu.memory_space<vmem>>
      %dma_start3A_1411 = arith.constant 0 : i32
      %dma_start3A_1412 = arith.constant 0 : i32
      %dma_start3A_1413 = tpu.memref_slice %arg3[%dma_start3A_1411, %dma_start3A_1412] : memref<4099x1024xf32, #tpu.memory_space<hbm>> -> memref<4099x1024xf32, #tpu.memory_space<hbm>>
      tpu.enqueue_indirect_dma source(%dma_start3A_1413 : memref<4099x1024xf32, #tpu.memory_space<hbm>>) target(%arg11 : memref<32x1024xf32, #tpu.memory_space<vmem>>) offsets(%dma_start3A_1410 : memref<32xi32, #tpu.memory_space<vmem>>) semaphore(%arg13 : memref<!tpu.dma_semaphore, #tpu.memory_space<semaphore_mem>>)
      %dma_wait3A_1414 = arith.constant 384 : i32
      %dma_wait3A_1415 = tpu.memref_slice %arg8[%dma_wait3A_1414] : memref<512xi32, #tpu.memory_space<vmem>> -> memref<32xi32, #tpu.memory_space<vmem>>
      %dma_wait3A_1416 = arith.constant 0 : i32
      %dma_wait3A_1417 = arith.constant 0 : i32
      %dma_wait3A_1418 = tpu.memref_slice %arg3[%dma_wait3A_1416, %dma_wait3A_1417] : memref<4099x1024xf32, #tpu.memory_space<hbm>> -> memref<4099x1024xf32, #tpu.memory_space<hbm>>
      tpu.wait_indirect_dma semaphore(%arg13 : memref<!tpu.dma_semaphore, #tpu.memory_space<semaphore_mem>>) src(%dma_wait3A_1418 : memref<4099x1024xf32, #tpu.memory_space<hbm>>) dst(%arg11 : memref<32x1024xf32, #tpu.memory_space<vmem>>)
      %add3A_1419 = arith.constant 12288 : i32
      %add3A_1420 = arith.addi %add3A_1419, %mul3A_2 : i32
      %add3A_1421 = arith.constant 0 : i32
      %add3A_1422 = arith.addi %add3A_1420, %add3A_1421 : i32
      "tpu.region"() ({
        %run_scoped3A = tpu.sem_alloc : memref<!tpu.dma_semaphore, #tpu.memory_space<semaphore_mem>>
        %dma_start3A_1423 = arith.constant 0 : i32
        %dma_start3A_1424 = tpu.memref_slice %arg6[%add3A_1422, %dma_start3A_1423] : memref<16384x1024xf32, #tpu.memory_space<hbm>> -> memref<32x1024xf32, #tpu.memory_space<hbm>>
        %dma_start3A_1425 = arith.constant 0 : i32
        %dma_start3A_1426 = tpu.memref_slice %arg6[%add3A_1422, %dma_start3A_1425] : memref<16384x1024xf32, #tpu.memory_space<hbm>> -> memref<32x1024xf32, #tpu.memory_space<hbm>>
        tpu.enqueue_dma source(%arg11 : memref<32x1024xf32, #tpu.memory_space<vmem>>) target(%dma_start3A_1426 : memref<32x1024xf32, #tpu.memory_space<hbm>>) target_semaphore(%run_scoped3A : memref<!tpu.dma_semaphore, #tpu.memory_space<semaphore_mem>>)
        %dma_wait3A_1427 = arith.constant 0 : i32
        %dma_wait3A_1428 = tpu.memref_slice %arg6[%add3A_1422, %dma_wait3A_1427] : memref<16384x1024xf32, #tpu.memory_space<hbm>> -> memref<32x1024xf32, #tpu.memory_space<hbm>>
        %dma_wait3A_1429 = arith.constant 0 : i32
        %dma_wait3A_1430 = tpu.memref_slice %arg6[%add3A_1422, %dma_wait3A_1429] : memref<16384x1024xf32, #tpu.memory_space<hbm>> -> memref<32x1024xf32, #tpu.memory_space<hbm>>
        tpu.wait_dma2 semaphore(%run_scoped3A : memref<!tpu.dma_semaphore, #tpu.memory_space<semaphore_mem>>) src(%arg11 : memref<32x1024xf32, #tpu.memory_space<vmem>>) dst(%dma_wait3A_1430 : memref<32x1024xf32, #tpu.memory_space<hbm>>)
        tpu.yield
      }) : () -> ()
    } else {
    }
    %slice3A_1388 = vector.extract_strided_slice %get3A_1301 {offsets = [13], sizes = [1], strides = [1]} : vector<16xi32> to vector<1xi32>
    %squeeze3A_1389 = vector.extract %slice3A_1388[0] : i32 from vector<1xi32>
    %gt3A_1390 = arith.constant 0 : i32
    %gt3A_1391 = arith.cmpi sgt, %squeeze3A_1389, %gt3A_1390 : i32
    %convert_element_type3A_1392 = arith.extui %gt3A_1391 : i1 to i32
    %cond3A_1393 = arith.constant 0 : i32
    %cond3A_1394 = arith.cmpi ne, %convert_element_type3A_1392, %cond3A_1393 : i32
    scf.if %cond3A_1394 {
      %dma_start3A_1409 = arith.constant 416 : i32
      %dma_start3A_1410 = tpu.memref_slice %arg8[%dma_start3A_1409] : memref<512xi32, #tpu.memory_space<vmem>> -> memref<32xi32, #tpu.memory_space<vmem>>
      %dma_start3A_1411 = arith.constant 0 : i32
      %dma_start3A_1412 = arith.constant 0 : i32
      %dma_start3A_1413 = tpu.memref_slice %arg3[%dma_start3A_1411, %dma_start3A_1412] : memref<4099x1024xf32, #tpu.memory_space<hbm>> -> memref<4099x1024xf32, #tpu.memory_space<hbm>>
      tpu.enqueue_indirect_dma source(%dma_start3A_1413 : memref<4099x1024xf32, #tpu.memory_space<hbm>>) target(%arg11 : memref<32x1024xf32, #tpu.memory_space<vmem>>) offsets(%dma_start3A_1410 : memref<32xi32, #tpu.memory_space<vmem>>) semaphore(%arg13 : memref<!tpu.dma_semaphore, #tpu.memory_space<semaphore_mem>>)
      %dma_wait3A_1414 = arith.constant 416 : i32
      %dma_wait3A_1415 = tpu.memref_slice %arg8[%dma_wait3A_1414] : memref<512xi32, #tpu.memory_space<vmem>> -> memref<32xi32, #tpu.memory_space<vmem>>
      %dma_wait3A_1416 = arith.constant 0 : i32
      %dma_wait3A_1417 = arith.constant 0 : i32
      %dma_wait3A_1418 = tpu.memref_slice %arg3[%dma_wait3A_1416, %dma_wait3A_1417] : memref<4099x1024xf32, #tpu.memory_space<hbm>> -> memref<4099x1024xf32, #tpu.memory_space<hbm>>
      tpu.wait_indirect_dma semaphore(%arg13 : memref<!tpu.dma_semaphore, #tpu.memory_space<semaphore_mem>>) src(%dma_wait3A_1418 : memref<4099x1024xf32, #tpu.memory_space<hbm>>) dst(%arg11 : memref<32x1024xf32, #tpu.memory_space<vmem>>)
      %add3A_1419 = arith.constant 12288 : i32
      %add3A_1420 = arith.addi %add3A_1419, %mul3A_2 : i32
      %add3A_1421 = arith.constant 32 : i32
      %add3A_1422 = arith.addi %add3A_1420, %add3A_1421 : i32
      "tpu.region"() ({
        %run_scoped3A = tpu.sem_alloc : memref<!tpu.dma_semaphore, #tpu.memory_space<semaphore_mem>>
        %dma_start3A_1423 = arith.constant 0 : i32
        %dma_start3A_1424 = tpu.memref_slice %arg6[%add3A_1422, %dma_start3A_1423] : memref<16384x1024xf32, #tpu.memory_space<hbm>> -> memref<32x1024xf32, #tpu.memory_space<hbm>>
        %dma_start3A_1425 = arith.constant 0 : i32
        %dma_start3A_1426 = tpu.memref_slice %arg6[%add3A_1422, %dma_start3A_1425] : memref<16384x1024xf32, #tpu.memory_space<hbm>> -> memref<32x1024xf32, #tpu.memory_space<hbm>>
        tpu.enqueue_dma source(%arg11 : memref<32x1024xf32, #tpu.memory_space<vmem>>) target(%dma_start3A_1426 : memref<32x1024xf32, #tpu.memory_space<hbm>>) target_semaphore(%run_scoped3A : memref<!tpu.dma_semaphore, #tpu.memory_space<semaphore_mem>>)
        %dma_wait3A_1427 = arith.constant 0 : i32
        %dma_wait3A_1428 = tpu.memref_slice %arg6[%add3A_1422, %dma_wait3A_1427] : memref<16384x1024xf32, #tpu.memory_space<hbm>> -> memref<32x1024xf32, #tpu.memory_space<hbm>>
        %dma_wait3A_1429 = arith.constant 0 : i32
        %dma_wait3A_1430 = tpu.memref_slice %arg6[%add3A_1422, %dma_wait3A_1429] : memref<16384x1024xf32, #tpu.memory_space<hbm>> -> memref<32x1024xf32, #tpu.memory_space<hbm>>
        tpu.wait_dma2 semaphore(%run_scoped3A : memref<!tpu.dma_semaphore, #tpu.memory_space<semaphore_mem>>) src(%arg11 : memref<32x1024xf32, #tpu.memory_space<vmem>>) dst(%dma_wait3A_1430 : memref<32x1024xf32, #tpu.memory_space<hbm>>)
        tpu.yield
      }) : () -> ()
    } else {
    }
    %slice3A_1395 = vector.extract_strided_slice %get3A_1301 {offsets = [14], sizes = [1], strides = [1]} : vector<16xi32> to vector<1xi32>
    %squeeze3A_1396 = vector.extract %slice3A_1395[0] : i32 from vector<1xi32>
    %gt3A_1397 = arith.constant 0 : i32
    %gt3A_1398 = arith.cmpi sgt, %squeeze3A_1396, %gt3A_1397 : i32
    %convert_element_type3A_1399 = arith.extui %gt3A_1398 : i1 to i32
    %cond3A_1400 = arith.constant 0 : i32
    %cond3A_1401 = arith.cmpi ne, %convert_element_type3A_1399, %cond3A_1400 : i32
    scf.if %cond3A_1401 {
      %dma_start3A_1409 = arith.constant 448 : i32
      %dma_start3A_1410 = tpu.memref_slice %arg8[%dma_start3A_1409] : memref<512xi32, #tpu.memory_space<vmem>> -> memref<32xi32, #tpu.memory_space<vmem>>
      %dma_start3A_1411 = arith.constant 0 : i32
      %dma_start3A_1412 = arith.constant 0 : i32
      %dma_start3A_1413 = tpu.memref_slice %arg3[%dma_start3A_1411, %dma_start3A_1412] : memref<4099x1024xf32, #tpu.memory_space<hbm>> -> memref<4099x1024xf32, #tpu.memory_space<hbm>>
      tpu.enqueue_indirect_dma source(%dma_start3A_1413 : memref<4099x1024xf32, #tpu.memory_space<hbm>>) target(%arg11 : memref<32x1024xf32, #tpu.memory_space<vmem>>) offsets(%dma_start3A_1410 : memref<32xi32, #tpu.memory_space<vmem>>) semaphore(%arg13 : memref<!tpu.dma_semaphore, #tpu.memory_space<semaphore_mem>>)
      %dma_wait3A_1414 = arith.constant 448 : i32
      %dma_wait3A_1415 = tpu.memref_slice %arg8[%dma_wait3A_1414] : memref<512xi32, #tpu.memory_space<vmem>> -> memref<32xi32, #tpu.memory_space<vmem>>
      %dma_wait3A_1416 = arith.constant 0 : i32
      %dma_wait3A_1417 = arith.constant 0 : i32
      %dma_wait3A_1418 = tpu.memref_slice %arg3[%dma_wait3A_1416, %dma_wait3A_1417] : memref<4099x1024xf32, #tpu.memory_space<hbm>> -> memref<4099x1024xf32, #tpu.memory_space<hbm>>
      tpu.wait_indirect_dma semaphore(%arg13 : memref<!tpu.dma_semaphore, #tpu.memory_space<semaphore_mem>>) src(%dma_wait3A_1418 : memref<4099x1024xf32, #tpu.memory_space<hbm>>) dst(%arg11 : memref<32x1024xf32, #tpu.memory_space<vmem>>)
      %add3A_1419 = arith.constant 12288 : i32
      %add3A_1420 = arith.addi %add3A_1419, %mul3A_2 : i32
      %add3A_1421 = arith.constant 64 : i32
      %add3A_1422 = arith.addi %add3A_1420, %add3A_1421 : i32
      "tpu.region"() ({
        %run_scoped3A = tpu.sem_alloc : memref<!tpu.dma_semaphore, #tpu.memory_space<semaphore_mem>>
        %dma_start3A_1423 = arith.constant 0 : i32
        %dma_start3A_1424 = tpu.memref_slice %arg6[%add3A_1422, %dma_start3A_1423] : memref<16384x1024xf32, #tpu.memory_space<hbm>> -> memref<32x1024xf32, #tpu.memory_space<hbm>>
        %dma_start3A_1425 = arith.constant 0 : i32
        %dma_start3A_1426 = tpu.memref_slice %arg6[%add3A_1422, %dma_start3A_1425] : memref<16384x1024xf32, #tpu.memory_space<hbm>> -> memref<32x1024xf32, #tpu.memory_space<hbm>>
        tpu.enqueue_dma source(%arg11 : memref<32x1024xf32, #tpu.memory_space<vmem>>) target(%dma_start3A_1426 : memref<32x1024xf32, #tpu.memory_space<hbm>>) target_semaphore(%run_scoped3A : memref<!tpu.dma_semaphore, #tpu.memory_space<semaphore_mem>>)
        %dma_wait3A_1427 = arith.constant 0 : i32
        %dma_wait3A_1428 = tpu.memref_slice %arg6[%add3A_1422, %dma_wait3A_1427] : memref<16384x1024xf32, #tpu.memory_space<hbm>> -> memref<32x1024xf32, #tpu.memory_space<hbm>>
        %dma_wait3A_1429 = arith.constant 0 : i32
        %dma_wait3A_1430 = tpu.memref_slice %arg6[%add3A_1422, %dma_wait3A_1429] : memref<16384x1024xf32, #tpu.memory_space<hbm>> -> memref<32x1024xf32, #tpu.memory_space<hbm>>
        tpu.wait_dma2 semaphore(%run_scoped3A : memref<!tpu.dma_semaphore, #tpu.memory_space<semaphore_mem>>) src(%arg11 : memref<32x1024xf32, #tpu.memory_space<vmem>>) dst(%dma_wait3A_1430 : memref<32x1024xf32, #tpu.memory_space<hbm>>)
        tpu.yield
      }) : () -> ()
    } else {
    }
    %slice3A_1402 = vector.extract_strided_slice %get3A_1301 {offsets = [15], sizes = [1], strides = [1]} : vector<16xi32> to vector<1xi32>
    %squeeze3A_1403 = vector.extract %slice3A_1402[0] : i32 from vector<1xi32>
    %gt3A_1404 = arith.constant 0 : i32
    %gt3A_1405 = arith.cmpi sgt, %squeeze3A_1403, %gt3A_1404 : i32
    %convert_element_type3A_1406 = arith.extui %gt3A_1405 : i1 to i32
    %cond3A_1407 = arith.constant 0 : i32
    %cond3A_1408 = arith.cmpi ne, %convert_element_type3A_1406, %cond3A_1407 : i32
    scf.if %cond3A_1408 {
      %dma_start3A_1409 = arith.constant 480 : i32
      %dma_start3A_1410 = tpu.memref_slice %arg8[%dma_start3A_1409] : memref<512xi32, #tpu.memory_space<vmem>> -> memref<32xi32, #tpu.memory_space<vmem>>
      %dma_start3A_1411 = arith.constant 0 : i32
      %dma_start3A_1412 = arith.constant 0 : i32
      %dma_start3A_1413 = tpu.memref_slice %arg3[%dma_start3A_1411, %dma_start3A_1412] : memref<4099x1024xf32, #tpu.memory_space<hbm>> -> memref<4099x1024xf32, #tpu.memory_space<hbm>>
      tpu.enqueue_indirect_dma source(%dma_start3A_1413 : memref<4099x1024xf32, #tpu.memory_space<hbm>>) target(%arg11 : memref<32x1024xf32, #tpu.memory_space<vmem>>) offsets(%dma_start3A_1410 : memref<32xi32, #tpu.memory_space<vmem>>) semaphore(%arg13 : memref<!tpu.dma_semaphore, #tpu.memory_space<semaphore_mem>>)
      %dma_wait3A_1414 = arith.constant 480 : i32
      %dma_wait3A_1415 = tpu.memref_slice %arg8[%dma_wait3A_1414] : memref<512xi32, #tpu.memory_space<vmem>> -> memref<32xi32, #tpu.memory_space<vmem>>
      %dma_wait3A_1416 = arith.constant 0 : i32
      %dma_wait3A_1417 = arith.constant 0 : i32
      %dma_wait3A_1418 = tpu.memref_slice %arg3[%dma_wait3A_1416, %dma_wait3A_1417] : memref<4099x1024xf32, #tpu.memory_space<hbm>> -> memref<4099x1024xf32, #tpu.memory_space<hbm>>
      tpu.wait_indirect_dma semaphore(%arg13 : memref<!tpu.dma_semaphore, #tpu.memory_space<semaphore_mem>>) src(%dma_wait3A_1418 : memref<4099x1024xf32, #tpu.memory_space<hbm>>) dst(%arg11 : memref<32x1024xf32, #tpu.memory_space<vmem>>)
      %add3A_1419 = arith.constant 12288 : i32
      %add3A_1420 = arith.addi %add3A_1419, %mul3A_2 : i32
      %add3A_1421 = arith.constant 96 : i32
      %add3A_1422 = arith.addi %add3A_1420, %add3A_1421 : i32
      "tpu.region"() ({
        %run_scoped3A = tpu.sem_alloc : memref<!tpu.dma_semaphore, #tpu.memory_space<semaphore_mem>>
        %dma_start3A_1423 = arith.constant 0 : i32
        %dma_start3A_1424 = tpu.memref_slice %arg6[%add3A_1422, %dma_start3A_1423] : memref<16384x1024xf32, #tpu.memory_space<hbm>> -> memref<32x1024xf32, #tpu.memory_space<hbm>>
        %dma_start3A_1425 = arith.constant 0 : i32
        %dma_start3A_1426 = tpu.memref_slice %arg6[%add3A_1422, %dma_start3A_1425] : memref<16384x1024xf32, #tpu.memory_space<hbm>> -> memref<32x1024xf32, #tpu.memory_space<hbm>>
        tpu.enqueue_dma source(%arg11 : memref<32x1024xf32, #tpu.memory_space<vmem>>) target(%dma_start3A_1426 : memref<32x1024xf32, #tpu.memory_space<hbm>>) target_semaphore(%run_scoped3A : memref<!tpu.dma_semaphore, #tpu.memory_space<semaphore_mem>>)
        %dma_wait3A_1427 = arith.constant 0 : i32
        %dma_wait3A_1428 = tpu.memref_slice %arg6[%add3A_1422, %dma_wait3A_1427] : memref<16384x1024xf32, #tpu.memory_space<hbm>> -> memref<32x1024xf32, #tpu.memory_space<hbm>>
        %dma_wait3A_1429 = arith.constant 0 : i32
        %dma_wait3A_1430 = tpu.memref_slice %arg6[%add3A_1422, %dma_wait3A_1429] : memref<16384x1024xf32, #tpu.memory_space<hbm>> -> memref<32x1024xf32, #tpu.memory_space<hbm>>
        tpu.wait_dma2 semaphore(%run_scoped3A : memref<!tpu.dma_semaphore, #tpu.memory_space<semaphore_mem>>) src(%arg11 : memref<32x1024xf32, #tpu.memory_space<vmem>>) dst(%dma_wait3A_1430 : memref<32x1024xf32, #tpu.memory_space<hbm>>)
        tpu.yield
      }) : () -> ()
    } else {
    }
    return
  }
}

</mosaic_0001>

<sc_bundles>
// kernel: kernel.3.cloned.1.call-start
scs
__scs_entry_jumppad:
0x0: {  	(pc) =	sbr.rel $0x88, $3  }
0x1: {  	(tag) =	ssettag $0x0;
	lr =	simm.s32 $0x1  }
0x2: {  	[smem:$0x3F9F] =	sst lr;
	_ =	strace $0xD0000000  }
0x3: {  	_ = 	snop  }
0x4: {  	_ = 	snop  }
0x5: {  	_ = 	snop  }
0x6: {  	_ = 	snop  }
0x7: {  	_ = 	snop  }
__scs_overlays_trampoline_lowered:
0x8: {  	[smem:$0x3FAE] =	sst s0  }
0x9: {  	[smem:$0x3FAF] =	sst s1  }
0xa: {  	[smem:$0x3FB0] =	sst s2  }
0xb: {  	[smem:$0x3FB1] =	sst s3  }
0xc: {  	[smem:$0x3FB2] =	sst s4  }
0xd: {  	[smem:$0x3FB3] =	sst s5  }
0xe: {  	[smem:$0x3FB4] =	sst s6  }
0xf: {  	[smem:$0x3FB5] =	sst s7  }
0x10: {  	[smem:$0x3FB6] =	sst s8  }
0x11: {  	[smem:$0x3FB7] =	sst s9;
	s0 =	simm.s32 @!p0 $0x0  }
0x12: {  	s1 =	sld [smem:$0x3F9D];
	s0 =	simm.s32 @p0 $0x1  }
0x13: {  	[smem:$0x3FB8] =	sst s0;
	s0 =	simm.s32 @!p1 $0x0  }
0x14: {  	s2 =	sld [smem:$0x3F9C];
	s0 =	simm.s32 @p1 $0x1  }
0x15: {  	[smem:$0x3FB9] =	sst s0;
	s0 =	simm.s32 @!p2 $0x0  }
0x16: {  	s3 =	sld [smem:$0x3FDB];
	s0 =	simm.s32 @p2 $0x1  }
0x17: {  	s4 =	simm.s32 $0x1BF5;
	[smem:$0x3FBB] =	sst s0  }
0x18: {  	s0 =	sld [smem:$0x3F9E];
	_ =	swait.ge [sflag:s4], $0x0  }
0x19: {  	s7 =	sld [smem:$0x3F9F]  }
0x1a: {  	s8 =	sadd.s32 $0xFFFFE003, lr  }
0x1b: {  	s9 =	sadd.s32 $0xFFFFFEF7, lr;
	s5 =	simm.s32 $0xFFFFFFFF;
	p2 =	slt.u32 s8, $0xFFFFF086  }
0x1c: {  	p1 =	slt.u32 s9, $0xF7A;
	s5 =	simm.s32 @!p2 $0x0  }
0x1d: {  	s5 =	simm.s32 @p1 $0x1;
	p0 =	seq.s32 s7, s2  }
0x1e: {  	s7 =	smul.u32 @!p0 $0xF7A, s2;
	p2 =	seq.s32 @!p0 s5, $0x0  }
0x1f: {  	s9 =	smul.u32 $0xF7A, s1;
	s8 =	simm.s32 @!p0 $0x1BF5;
	p2 =	por !p2, p0  }
0x20: {  	[sflag:s8] =	ssyncset.s32 @!p0 $0xFFFFF086;
	s6 =	sadd.s32 @!p0 s3, s7;
	s7 =	simm.s32 @!p0 $0x108  }
0x21: {  	s3 =	sadd.s32 s3, s9;
	s6 =	sadd.s32 @!p0 $0x88, s6;
	s7 =	simm.s32 @p2 $0x1082  }
0x22: {  	[simem:s7], [sflag:s8] =	dma.local @!p0 [hbm:s6], $0xF7A  }
0x23: {  	s9 =	sor.u32 $0xD0000000, s2;
	s6 =	simm.s32 $0x108;
	_ =	swait.ge @!p0 [sflag:s8], $0x0  }
0x24: {  	s3 =	sadd.s32 $0x88, s3;
	s6 =	simm.s32 @!p1 $0x1082;
	[sflag:s4] =	ssyncset.s32 $0xFFFFF086  }
0x25: {  	[simem:s6], [sflag:s4] =	dma.local [hbm:s3], $0xF7A  }
0x26: {  	[smem:$0x3F9F] =	sst s1;
	(tag) =	ssettag s2;
	_ =	strace s9  }
0x27: {  	s1 =	sld [smem:$0x3FAF]  }
0x28: {  	s2 =	sld [smem:$0x3FB0]  }
0x29: {  	s4 =	sld [smem:$0x3FB2]  }
0x2a: {  	p0 =	seq.s32 s5, $0x0;
	s5 =	sld [smem:$0x3FB3]  }
0x2b: {  	s6 =	sld [smem:$0x3FB4]  }
0x2c: {  	s7 =	sld [smem:$0x3FB5]  }
0x2d: {  	s3 =	simm.s32 $0x108;
	s8 =	sld [smem:$0x3FB6]  }
0x2e: {  	s3 =	simm.s32 @!p0 $0x1082;
	s9 =	sld [smem:$0x3FB7]  }
0x2f: {  	lr =	sadd.s32 s0, s3;
	s0 =	sld [smem:$0x3FAE]  }
0x30: {  	s3 =	sld [smem:$0x3FB1]  }
0x31: {  	[smem:$0x3FBA] =	sst s10  }
0x32: {  	s10 =	sld [smem:$0x3FB8];
	_ =	sdelay $0x3  }
0x33: {  	p0 =	seq.s32 s10, $0x1;
	s10 =	sld [smem:$0x3FBA];
	_ =	sdelay $0x3  }
0x34: {  	[smem:$0x3FBA] =	sst s10  }
0x35: {  	s10 =	sld [smem:$0x3FB9];
	_ =	sdelay $0x3  }
0x36: {  	p1 =	seq.s32 s10, $0x1;
	s10 =	sld [smem:$0x3FBA];
	_ =	sdelay $0x3  }
0x37: {  	[smem:$0x3FBA] =	sst s10  }
0x38: {  	s10 =	sld [smem:$0x3FBB]  }
0x39: {  	_ = 	snop;
	(pc) =	sbr.ind lr, $3  }
0x3a: {  	_ = 	snop  }
0x3b: {  	_ = 	snop  }
0x3c: {  	p2 =	seq.s32 s10, $0x1;
	s10 =	sld [smem:$0x3FBA]  }
0x3d: {  	_ =	shalt  }
0x3e: {  	_ =	shalt  }
0x3f: {  	_ =	shalt  }
0x40: {  	_ =	shalt  }
0x41: {  	_ =	shalt  }
0x42: {  	_ =	shalt  }
0x43: {  	_ =	shalt  }
0x44: {  	_ =	shalt  }
0x45: {  	_ =	shalt  }
0x46: {  	_ =	shalt  }
0x47: {  	_ =	shalt  }
0x48: {  	_ =	shalt  }
0x49: {  	_ =	shalt  }
0x4a: {  	_ =	shalt  }
0x4b: {  	_ =	shalt  }
0x4c: {  	_ =	shalt  }
0x4d: {  	_ =	shalt  }
0x4e: {  	_ =	shalt  }
0x4f: {  	_ =	shalt  }
0x50: {  	_ =	shalt  }
0x51: {  	_ =	shalt  }
0x52: {  	_ =	shalt  }
0x53: {  	_ =	shalt  }
0x54: {  	_ =	shalt  }
0x55: {  	_ =	shalt  }
0x56: {  	_ =	shalt  }
0x57: {  	_ =	shalt  }
0x58: {  	_ =	shalt  }
0x59: {  	_ =	shalt  }
0x5a: {  	_ =	shalt  }
0x5b: {  	_ =	shalt  }
0x5c: {  	_ =	shalt  }
0x5d: {  	_ =	shalt  }
0x5e: {  	_ =	shalt  }
0x5f: {  	_ =	shalt  }
0x60: {  	_ =	shalt  }
0x61: {  	_ =	shalt  }
0x62: {  	_ =	shalt  }
0x63: {  	_ =	shalt  }
0x64: {  	_ =	shalt  }
0x65: {  	_ =	shalt  }
0x66: {  	_ =	shalt  }
0x67: {  	_ =	shalt  }
0x68: {  	_ =	shalt  }
0x69: {  	_ =	shalt  }
0x6a: {  	_ =	shalt  }
0x6b: {  	_ =	shalt  }
0x6c: {  	_ =	shalt  }
0x6d: {  	_ =	shalt  }
0x6e: {  	_ =	shalt  }
0x6f: {  	_ =	shalt  }
0x70: {  	_ =	shalt  }
0x71: {  	_ =	shalt  }
0x72: {  	_ =	shalt  }
0x73: {  	_ =	shalt  }
0x74: {  	_ =	shalt  }
0x75: {  	_ =	shalt  }
0x76: {  	_ =	shalt  }
0x77: {  	_ =	shalt  }
0x78: {  	_ =	shalt  }
0x79: {  	_ =	shalt  }
0x7a: {  	_ =	shalt  }
0x7b: {  	_ =	shalt  }
0x7c: {  	_ =	shalt  }
0x7d: {  	_ =	shalt  }
0x7e: {  	_ =	shalt  }
0x7f: {  	_ =	shalt  }
0x80: {  	_ =	shalt  }
0x81: {  	_ =	shalt  }
0x82: {  	_ =	shalt  }
0x83: {  	_ =	shalt  }
0x84: {  	_ =	shalt  }
0x85: {  	_ =	shalt  }
0x86: {  	_ =	shalt  }
0x87: {  	_ =	shalt  }
.Lfunc_end0:
.L_simem_size_0:
called_computation_lowered:
.L_overlay_start_0:
0x88: {  	s2 =	sld [smem:$0x3FD9]  }
0x89: {  	s3 =	sld [smem:$0x3FFE];
	_ =	sdelay $0x1  }
0x8a: {  	s1 =	srdreg.scid  }
0x8b: {  	s0 =	sand.u32 $0x1, s1  }
0x8c: {  	s17 =	sshll.u32 s0, $0xA;
	s2 =	sadd.s32 s3, s2  }
0x8d: {  	s2 =	sadd.s32 s2, s17  }
0x8e: {  	[smem:$0x3FC6] =	sst s2  }
0x8f: {  	_ = 	snop  }
0x90: {  	s2 =	sld [smem:$0x3FC8]  }
0x91: {  	s18 =	sld [smem:$0x3FD0];
	(tm) =	ssettm $0x1  }
0x92: {  	s4 =	sld [smem:$0x3FFB];
	_ =	sdelay $0x3  }
0x93: {  	_ =	strace s4  }
0x94: {  	s4 =	sld [smem:$0x3FFC];
	_ =	sdelay $0x3  }
0x95: {  	_ =	strace s4  }
0x96: {  	s4 =	sld [smem:$0x3FFD];
	_ =	sdelay $0x3  }
0x97: {  	_ =	strace s4  }
0x98: {  	_ =	strace $0x8FFFFFFF  }
0x99: {  	s19 =	sld [smem:$0x3FDB];
	_ =	sdelay $0x1  }
0x9a: {  	s5 =	simm.s32 $_scs_section_size  }
0x9b: {  	s6 =	simm.s32 $_size__tile_overlayer_lowered;
	s7 =	simm.s32 $_tile_overlayer_lowered  }
0x9c: {  	s22 =	simm.s32 $0x1BFF;
	s21 =	sshll.u32 s7, $0x1;
	s4 =	sadd.s32 s5, s19  }
0x9d: {  	s8 =	simm.s32 $0x0;
	s20 =	sshll.u32 s6, $0x1;
	s6 =	sadd.s32 s21, s4  }
0x9e: {  	[timem:s8], [sflag:s22] =	dma.local [hbm:s6], s20  }
0x9f: {  	_ =	swait.ge [sflag:s22], s20  }
0xa0: {  	s5 =	ssub.s32 $0x0, s20;
	[sflag:s22] =	ssyncset.done $0x0  }
0xa1: {  	[sflag:s22] =	ssyncadd.s32 s5;
	_ =	sdelay $0x1  }
0xa2: {  	s23 =	simm.s32 $0x1B8B  }
0xa3: {  	_ =	swait.ge [sflag:s23], $0x1  }
0xa4: {  	[sflag:s23] =	ssyncset.done $0x0  }
0xa5: {  	s25 =	simm.s32 $0x1B8E;
	s24 =	sld [smem:$0x3FFE];
	[sflag:s23] =	ssyncadd.s32 $0xFFFFFFFF  }
0xa6: {  	s26 =	simm.s32 $execute0_lowered;
	[smem:$0x3FD2] =	sst s25  }
0xa7: {  	s6 =	sshll.u32 s26, $0x1;
	_ =	strace $0x80000046;
	[dreg:$0x1] =	wrdreg $0xFFFFFFFF  }
0xa8: {  	s28 =	simm.s32 $_size_execute0_lowered;
	s4 =	sadd.s32 s4, s6;
	[dreg:$0x0] =	wrdreg $0x0  }
0xa9: {  	s6 =	sshll.u32 s28, $0x1;
	[dreg:$0x2] =	wrdreg s4  }
0xaa: {  	[dreg:$0x3] =	wrdreg s6  }
0xab: {  	[dreg:$0x4] =	wrdreg $0xC0  }
0xac: {  	_ =	task [dreg:s8], $0x5FFFF  }
0xad: {  	[dreg:$0x1] =	wrdreg $0xFFFFFFFF  }
0xae: {  	[dreg:$0x0] =	wrdreg $0x60  }
0xaf: {  	[dreg:$0x2] =	wrdreg s24  }
0xb0: {  	[dreg:$0x3] =	wrdreg s2  }
0xb1: {  	[dreg:$0x4] =	wrdreg s18  }
0xb2: {  	[dreg:$0x5] =	wrdreg $0x9  }
0xb3: {  	_ =	task.clear_ibuf [dreg:s8], $0x6FFFF;
	_ =	strace $0x90000046  }
0xb4: {  	s29 =	simm.s32 $0x9;
	_ =	strace $0x80000048  }
0xb5: {  	_ =	swait.ge [sflag:s29], $0x1  }
0xb6: {  	[sflag:s29] =	ssyncadd.s32 $0xFFFFFFFF  }
0xb7: {  	_ =	strace $0x90000048  }
0xb8: {  	_ =	sfence  }
0xb9: {  	s30 =	sld [smem:$0x0];
	_ =	sdelay $0x2  }
0xba: {  	s31 =	sshll.u32 s1, $0xD;
	s1 =	sshrl.u32 s1, $0x2  }
0xbb: {  	s3 =	sand.u32 $0x4000, s31;
	s1 =	sadd.s32 s1, s30  }
0xbc: {  	s0 =	sor.u32 s3, s0;
	s1 =	sshll.u32 s1, $0x11  }
0xbd: {  	s0 =	sor.u32 s1, s0  }
0xbe: {  	s0 =	sadd.s32 $0x8F2B, s0  }
0xbf: {  	[sflag:s0] =	ssyncadd.remote.s32 $0x1  }
0xc0: {  	_ =	sfence.sel $0xFFFF  }
0xc1: {  	[dreg:$0x0] =	wrdreg $0xFFFFFFFF;
	(pc) =	sbr.abs _section_cstart, $3  }
0xc2: {  	[dreg:$0x1] =	wrdreg $0xFFFFFFFF  }
0xc3: {  	_ =	task.clear_ibuf [dreg:s8], $0x2FFFF;
	_ =	strace $0x9FFFFFFF  }
0xc4: {  	(tm) =	ssettm $0x7FFFFFFF  }
0xc5: {  	_ =	shalt  }
tec
execute0_lowered:
.L_overlay_start_1:
0x0: {  	(tag) =	ssettag $0x1  }
0x1: {  	s0 =	rddreg [dreg:$0x0]  }
0x2: {  	s1 =	srdreg.scid;
	s2 =	rddreg [dreg:$0x1]  }
0x3: {  	s4 =	rddreg [dreg:$0x2];
	s7 =	stileid.u32;
	s3 =	simm.s32 $0x0  }
0x4: {  	s1 =	sand.u32 $0x1, s1;
	[smem:$0x7FF] =	sst s3;
	s9 =	sadd.s32 $0x400, s0  }
0x5: {  	s5 =	sshll.u32 s1, $0x4;
	_ =	strace $0x80000047;
	s1 =	ssub.s32 $0x2, s1  }
0x6: {  	s5 =	sor.u32 s7, s5;
	s7 =	sshll.u32 s7, $0x7;
	s26 =	sshrl.u32 s1, $0x1  }
0x7: {  	s6 =	sshll.u32 s5, $0x7;
	s7 =	sand.u32 $0x380, s7;
	s10 =	sshll.u32 s5, $0x4  }
0x8: {  	s1 =	ssub.s32 s1, s26;
	s5 =	sshll.u32 s5, $0xE;
	s8 =	sand.u32 $0xC00, s6  }
0x9: {  	s12 =	sadd.s32 s9, s10;
	s13 =	sor.u32 $0x1000, s6;
	s17 =	sor.u32 $0x2000, s6  }
0xa: {  	s15 =	sor.u32 $0x3000, s6;
	s14 =	sor.u32 $0x2, s6;
	s18 =	sor.u32 $0x12, s6  }
0xb: {  	s19 =	sor.u32 $0x22, s6;
	s7 =	sor.u32 s7, s8;
	s22 =	sshrl.u32 s15, $0x3  }
0xc: {  	[dreg:$0x6] =	wrdreg s12;
	s24 =	sshll.u32 s17, $0x7;
	s23 =	sadd.s32 s9, s22  }
0xd: {  	s7 =	sshrl.u32 s7, $0x3;
	s25 =	sadd.s32 s4, s24;
	[dreg:$0x9] =	wrdreg s23  }
0xe: {  	s7 =	sadd.s32 s7, s0;
	s0 =	sadd.s32 s0, s10;
	[dreg:$0xc] =	wrdreg s25  }
0xf: {  	s16 =	sshrl.u32 s13, $0x3;
	[dreg:$0x4] =	wrdreg s0;
	s11 =	sadd.s32 $0x200, s7  }
0x10: {  	s21 =	sshrl.u32 s17, $0x3;
	s7 =	sadd.s32 s9, s16;
	[dreg:$0x5] =	wrdreg s11  }
0x11: {  	s0 =	sshll.u32 s13, $0x7;
	[dreg:$0x7] =	wrdreg s7;
	s7 =	sadd.s32 s9, s21  }
0x12: {  	s26 =	sshll.u32 s15, $0x7;
	s0 =	sadd.s32 s4, s0;
	[dreg:$0x8] =	wrdreg s7  }
0x13: {  	s20 =	sor.u32 $0x32, s6;
	[dreg:$0xb] =	wrdreg s0;
	s0 =	sadd.s32 s4, s26  }
0x14: {  	s29 =	smax.u32 s1, $0x1;
	s7 =	sadd.s32 s4, s5;
	[dreg:$0xd] =	wrdreg s0  }
0x15: {  	s22 =	sor.u32 $0x52, s6;
	s1 =	sadd.s32 $0x1000, s7;
	[dreg:$0xa] =	wrdreg s7  }
0x16: {  	s24 =	sor.u32 $0x72, s6;
	s4 =	sadd.s32 $0x81000, s7;
	[dreg:$0xe] =	wrdreg s1  }
0x17: {  	s23 =	sor.u32 $0x62, s6;
	s5 =	sadd.s32 $0x101000, s7;
	[dreg:$0xf] =	wrdreg s4  }
0x18: {  	s21 =	sor.u32 $0x42, s6;
	s6 =	sadd.s32 $0x181000, s7;
	[dreg:$0x10] =	wrdreg s5  }
0x19: {  	s8 =	sadd.s32 $0x2000, s7;
	[dreg:$0x11] =	wrdreg s6  }
0x1a: {  	s30 =	simm.s32 $0x6;
	s9 =	sadd.s32 $0x82000, s7;
	[dreg:$0x12] =	wrdreg s8  }
0x1b: {  	s31 =	simm.s32 $0x1480;
	s13 =	sadd.s32 $0x102000, s7;
	[dreg:$0x13] =	wrdreg s9  }
0x1c: {  	s28 =	simm.s32 $0x8480;
	s15 =	sadd.s32 $0x182000, s7;
	[dreg:$0x14] =	wrdreg s13  }
0x1d: {  	v10 =	vlaneseq.u32;
	s12 =	sadd.s32 $0x300, s2;
	s16 =	sadd.s32 $0x3000, s7;
	[dreg:$0x15] =	wrdreg s15  }
.Ltmp0:
0x1e: {  	v9 =	vshrl.u32 v10, $0x3;
	s17 =	sadd.s32 $0x83000, s7;
	[dreg:$0x16] =	wrdreg s16;
	(pc) =	sbr.rel .LBB2_1-.Ltmp0, $4  }
0x1f: {  	vm0 =	vmmov $0xffff;
	v8 =	vand.u32 $0x7, v10;
	v9 =	vmul.u32 $0x8, v9;
	s10 =	sadd.s32 $0x100, s2;
	s25 =	sadd.s32 $0x103000, s7;
	[dreg:$0x17] =	wrdreg s17  }
0x20: {  	v0 =	vadd.s32 s14, v10;
	v1 =	vadd.s32 s18, v10;
	v2 =	vadd.s32 s19, v10;
	s11 =	sadd.s32 $0x200, s2;
	s26 =	sadd.s32 $0x183000, s7;
	[dreg:$0x18] =	wrdreg s25  }
0x21: {  	v3 =	vadd.s32 s20, v10;
	v5 =	vadd.s32 s22, v10;
	v7 =	vadd.s32 s24, v10;
	[dreg:$0x19] =	wrdreg s26;
	s1 =	simm.s32 $0x1;
	s9 =	simm.s32 $0x4  }
0x22: {  	v6 =	vadd.s32 s23, v10;
	v4 =	vadd.s32 s21, v10;
	v10 =	vor.u32 $0x8, v10;
	s5 =	simm.s32 $0x5;
	s6 =	simm.s32 $0x10480;
	s26 =	simm.s32 $0x7C80  }
.LBB2_33:
0x23: {  	s29 =	sadd.s32 $0xFFFFFFFF, s29  }
0x24: {  	p0 =	sne.s32 s29, $0x0  }
.Ltmp1:
0x25: {  	_ = 	snop;
	(pc) =	sbr.rel @!p0 .LBB2_34-.Ltmp1, $1  }
0x26: {  	_ =	sdelay $0x3  }
.LBB2_1:
0x27: {  	s13 =	rddreg [dreg:$0x4];
	s8 =	simm.s32 $0x400  }
0x28: {  	[tilespmem:s8], [sflag:$0x1] =	stream.linear.gather [hbm4b:s13+s3], $0x80, $0x38;
	[tilespmem:$0x18500] =	vst v63  }
0x29: {  	s24 =	rddreg [dreg:$0x5];
	s25 =	simm.s32 $0x18480  }
0x2a: {  	[tilespmem:s25], [sflag:$0x1] =	stream.linear.gather [hbm4b:s24+s3], $0x80, $0x38;
	[tilespmem:$0x18500] =	vst v63  }
0x2b: {  	s0 =	rddreg [dreg:$0x6]  }
0x2c: {  	[tilespmem:s3], [sflag:$0x1] =	stream.linear.gather [hbm4b:s0+s3], $0x80, $0x38;
	[tilespmem:$0x18500] =	vst v63  }
0x2d: {  	s4 =	rddreg [dreg:$0x7];
	s7 =	simm.s32 $0x80  }
0x2e: {  	[tilespmem:s7], [sflag:$0x1] =	stream.linear.gather [hbm4b:s4+s3], $0x80, $0x38;
	[tilespmem:$0x18500] =	vst v63  }
0x2f: {  	s14 =	simm.s32 $0x100;
	s8 =	rddreg [dreg:$0x8]  }
0x30: {  	[tilespmem:s14], [sflag:$0x1] =	stream.linear.gather [hbm4b:s8+s3], $0x80, $0x38;
	[tilespmem:$0x18500] =	vst v63  }
0x31: {  	s15 =	rddreg [dreg:$0x9];
	s16 =	simm.s32 $0x180  }
0x32: {  	[tilespmem:s16], [sflag:$0x1] =	stream.linear.gather [hbm4b:s15+s3], $0x80, $0x38;
	[tilespmem:$0x18500] =	vst v63  }
0x33: {  	_ =	swait.ge [sflag:s1], $0x80  }
0x34: {  	[sflag:s1] =	ssyncset.done $0x0  }
0x35: {  	[sflag:s1] =	ssyncadd.s32 $0xFFFFFF80  }
0x36: {  	v11 =	vld [tilespmem:$0x400];
	_ =	sdelay $0x4  }
0x37: {  	v12 =	vshll.u32 v11, $0x3  }
0x38: {  	v11 =	vand.u32 $0x7, v11;
	v12 =	vand.u32 $0xFFFFFFC0, v12  }
0x39: {  	v11 =	vor.u32 v11, v12  }
0x3a: {  	v12 =	vperm.xlane v11, v8;
	_ =	sdelay $0x1  }
0x3b: {  	v12 =	vadd.s32 v9, v12;
	_ =	sdelay $0x3  }
0x3c: {  	s4 =	simm.s32 $0x480  }
0x3d: {  	[tilespmem:s4], [sflag:$0x2] =	stream.indirect_vreg.gather [hbm4b:s2+s3], $0x80, v12, vm0, $0xb8;
	[tilespmem:$0x18500] =	vst v63  }
0x3e: {  	s0 =	simm.s32 $0xC80;
	v11 =	vperm.xlane v11, v10  }
0x3f: {  	[tilespmem:s0], [sflag:$0x2] =	stream.indirect_vreg.gather [hbm4b:s10+s3], $0x80, v12, vm0, $0xb8;
	[tilespmem:$0x18500] =	vst v63  }
0x40: {  	v11 =	vadd.s32 v9, v11  }
0x41: {  	[tilespmem:s31], [sflag:$0x2] =	stream.indirect_vreg.gather [hbm4b:s11+s3], $0x80, v12, vm0, $0xb8;
	[tilespmem:$0x18500] =	vst v63  }
0x42: {  	s7 =	simm.s32 $0x1C80  }
0x43: {  	[tilespmem:s7], [sflag:$0x2] =	stream.indirect_vreg.gather [hbm4b:s12+s3], $0x80, v12, vm0, $0xb8;
	[tilespmem:$0x18500] =	vst v63  }
0x44: {  	s14 =	simm.s32 $0x2480  }
0x45: {  	[tilespmem:s14], [sflag:$0x2] =	stream.indirect_vreg.gather [hbm4b:s2+s3], $0x80, v11, vm0, $0xb8;
	[tilespmem:$0x18500] =	vst v63  }
0x46: {  	s15 =	simm.s32 $0x2C80  }
0x47: {  	[tilespmem:s15], [sflag:$0x2] =	stream.indirect_vreg.gather [hbm4b:s10+s3], $0x80, v11, vm0, $0xb8;
	[tilespmem:$0x18500] =	vst v63  }
0x48: {  	s16 =	simm.s32 $0x3480  }
0x49: {  	[tilespmem:s16], [sflag:$0x2] =	stream.indirect_vreg.gather [hbm4b:s11+s3], $0x80, v11, vm0, $0xb8;
	[tilespmem:$0x18500] =	vst v63  }
0x4a: {  	s18 =	simm.s32 $0x3C80  }
0x4b: {  	[tilespmem:s18], [sflag:$0x2] =	stream.indirect_vreg.gather [hbm4b:s12+s3], $0x80, v11, vm0, $0xb8;
	[tilespmem:$0x18500] =	vst v63  }
0x4c: {  	v11 =	vld [tilespmem:$0x410];
	_ =	sdelay $0x4  }
0x4d: {  	v51 =	vshll.u32 v11, $0x3  }
0x4e: {  	v11 =	vand.u32 $0x7, v11;
	v12 =	vand.u32 $0xFFFFFFC0, v51  }
0x4f: {  	v11 =	vor.u32 v11, v12  }
0x50: {  	v12 =	vperm.xlane v11, v8;
	_ =	sdelay $0x1  }
0x51: {  	v12 =	vadd.s32 v9, v12;
	_ =	sdelay $0x3  }
0x52: {  	s19 =	simm.s32 $0x4480  }
0x53: {  	[tilespmem:s19], [sflag:$0x2] =	stream.indirect_vreg.gather [hbm4b:s2+s3], $0x80, v12, vm0, $0xb8;
	[tilespmem:$0x18500] =	vst v63  }
0x54: {  	s20 =	simm.s32 $0x4C80;
	v11 =	vperm.xlane v11, v10  }
0x55: {  	[tilespmem:s20], [sflag:$0x2] =	stream.indirect_vreg.gather [hbm4b:s10+s3], $0x80, v12, vm0, $0xb8;
	[tilespmem:$0x18500] =	vst v63  }
0x56: {  	s21 =	simm.s32 $0x5480;
	v11 =	vadd.s32 v9, v11  }
0x57: {  	[tilespmem:s21], [sflag:$0x2] =	stream.indirect_vreg.gather [hbm4b:s11+s3], $0x80, v12, vm0, $0xb8;
	[tilespmem:$0x18500] =	vst v63  }
0x58: {  	s22 =	simm.s32 $0x5C80  }
0x59: {  	[tilespmem:s22], [sflag:$0x2] =	stream.indirect_vreg.gather [hbm4b:s12+s3], $0x80, v12, vm0, $0xb8;
	[tilespmem:$0x18500] =	vst v63  }
0x5a: {  	s23 =	simm.s32 $0x6480  }
0x5b: {  	[tilespmem:s23], [sflag:$0x2] =	stream.indirect_vreg.gather [hbm4b:s2+s3], $0x80, v11, vm0, $0xb8;
	[tilespmem:$0x18500] =	vst v63  }
0x5c: {  	s24 =	simm.s32 $0x6C80  }
0x5d: {  	[tilespmem:s24], [sflag:$0x2] =	stream.indirect_vreg.gather [hbm4b:s10+s3], $0x80, v11, vm0, $0xb8;
	[tilespmem:$0x18500] =	vst v63  }
0x5e: {  	s25 =	simm.s32 $0x7480  }
0x5f: {  	[tilespmem:s25], [sflag:$0x2] =	stream.indirect_vreg.gather [hbm4b:s11+s3], $0x80, v11, vm0, $0xb8;
	[tilespmem:$0x18500] =	vst v63  }
0x60: {  	_ = 	snop  }
0x61: {  	[tilespmem:s26], [sflag:$0x2] =	stream.indirect_vreg.gather [hbm4b:s12+s3], $0x80, v11, vm0, $0xb8;
	[tilespmem:$0x18500] =	vst v63  }
0x62: {  	v11 =	vld [tilespmem:$0x420];
	_ =	sdelay $0x4  }
0x63: {  	v52 =	vshll.u32 v11, $0x3  }
0x64: {  	v11 =	vand.u32 $0x7, v11;
	v12 =	vand.u32 $0xFFFFFFC0, v52  }
0x65: {  	v11 =	vor.u32 v11, v12  }
0x66: {  	v12 =	vperm.xlane v11, v8;
	_ =	sdelay $0x1  }
0x67: {  	v12 =	vadd.s32 v9, v12;
	_ =	sdelay $0x4  }
0x68: {  	[tilespmem:s28], [sflag:$0x3] =	stream.indirect_vreg.gather [hbm4b:s2+s3], $0x80, v12, vm0, $0xb8;
	[tilespmem:$0x18500] =	vst v63  }
0x69: {  	s17 =	simm.s32 $0x8C80;
	v11 =	vperm.xlane v11, v10  }
0x6a: {  	[tilespmem:s17], [sflag:$0x3] =	stream.indirect_vreg.gather [hbm4b:s10+s3], $0x80, v12, vm0, $0xb8;
	[tilespmem:$0x18500] =	vst v63  }
0x6b: {  	s13 =	simm.s32 $0x9480;
	v11 =	vadd.s32 v9, v11  }
0x6c: {  	[tilespmem:s13], [sflag:$0x3] =	stream.indirect_vreg.gather [hbm4b:s11+s3], $0x80, v12, vm0, $0xb8;
	[tilespmem:$0x18500] =	vst v63  }
0x6d: {  	s17 =	simm.s32 $0x9C80  }
0x6e: {  	[tilespmem:s17], [sflag:$0x3] =	stream.indirect_vreg.gather [hbm4b:s12+s3], $0x80, v12, vm0, $0xb8;
	[tilespmem:$0x18500] =	vst v63  }
0x6f: {  	s13 =	simm.s32 $0xA480  }
0x70: {  	[tilespmem:s13], [sflag:$0x3] =	stream.indirect_vreg.gather [hbm4b:s2+s3], $0x80, v11, vm0, $0xb8;
	[tilespmem:$0x18500] =	vst v63  }
0x71: {  	s17 =	simm.s32 $0xAC80  }
0x72: {  	[tilespmem:s17], [sflag:$0x3] =	stream.indirect_vreg.gather [hbm4b:s10+s3], $0x80, v11, vm0, $0xb8;
	[tilespmem:$0x18500] =	vst v63  }
0x73: {  	s13 =	simm.s32 $0xB480  }
0x74: {  	[tilespmem:s13], [sflag:$0x3] =	stream.indirect_vreg.gather [hbm4b:s11+s3], $0x80, v11, vm0, $0xb8;
	[tilespmem:$0x18500] =	vst v63  }
0x75: {  	s17 =	simm.s32 $0xBC80  }
0x76: {  	[tilespmem:s17], [sflag:$0x3] =	stream.indirect_vreg.gather [hbm4b:s12+s3], $0x80, v11, vm0, $0xb8;
	[tilespmem:$0x18500] =	vst v63  }
0x77: {  	v11 =	vld [tilespmem:$0x430];
	_ =	sdelay $0x4  }
0x78: {  	v53 =	vshll.u32 v11, $0x3  }
0x79: {  	v11 =	vand.u32 $0x7, v11;
	v12 =	vand.u32 $0xFFFFFFC0, v53  }
0x7a: {  	v11 =	vor.u32 v11, v12  }
0x7b: {  	v12 =	vperm.xlane v11, v8;
	_ =	sdelay $0x1  }
0x7c: {  	v12 =	vadd.s32 v9, v12;
	_ =	sdelay $0x3  }
0x7d: {  	s13 =	simm.s32 $0xC480  }
0x7e: {  	[tilespmem:s13], [sflag:$0x3] =	stream.indirect_vreg.gather [hbm4b:s2+s3], $0x80, v12, vm0, $0xb8;
	[tilespmem:$0x18500] =	vst v63  }
0x7f: {  	s17 =	simm.s32 $0xCC80;
	v11 =	vperm.xlane v11, v10  }
0x80: {  	[tilespmem:s17], [sflag:$0x3] =	stream.indirect_vreg.gather [hbm4b:s10+s3], $0x80, v12, vm0, $0xb8;
	[tilespmem:$0x18500] =	vst v63  }
0x81: {  	v11 =	vadd.s32 v9, v11;
	s13 =	simm.s32 $0xD480  }
0x82: {  	[tilespmem:s13], [sflag:$0x3] =	stream.indirect_vreg.gather [hbm4b:s11+s3], $0x80, v12, vm0, $0xb8;
	[tilespmem:$0x18500] =	vst v63  }
0x83: {  	s17 =	simm.s32 $0xDC80  }
0x84: {  	[tilespmem:s17], [sflag:$0x3] =	stream.indirect_vreg.gather [hbm4b:s12+s3], $0x80, v12, vm0, $0xb8;
	[tilespmem:$0x18500] =	vst v63  }
0x85: {  	s13 =	simm.s32 $0xE480  }
0x86: {  	[tilespmem:s13], [sflag:$0x3] =	stream.indirect_vreg.gather [hbm4b:s2+s3], $0x80, v11, vm0, $0xb8;
	[tilespmem:$0x18500] =	vst v63  }
0x87: {  	s17 =	simm.s32 $0xEC80  }
0x88: {  	[tilespmem:s17], [sflag:$0x3] =	stream.indirect_vreg.gather [hbm4b:s10+s3], $0x80, v11, vm0, $0xb8;
	[tilespmem:$0x18500] =	vst v63  }
0x89: {  	s13 =	simm.s32 $0xF480  }
0x8a: {  	[tilespmem:s13], [sflag:$0x3] =	stream.indirect_vreg.gather [hbm4b:s11+s3], $0x80, v11, vm0, $0xb8;
	[tilespmem:$0x18500] =	vst v63  }
0x8b: {  	s17 =	simm.s32 $0xFC80  }
0x8c: {  	[tilespmem:s17], [sflag:$0x3] =	stream.indirect_vreg.gather [hbm4b:s12+s3], $0x80, v11, vm0, $0xb8;
	[tilespmem:$0x18500] =	vst v63  }
0x8d: {  	_ =	swait.ge [sflag:s1], $0x80  }
0x8e: {  	[sflag:s1] =	ssyncset.done $0x0  }
0x8f: {  	[sflag:s1] =	ssyncadd.s32 $0xFFFFFF80  }
0x90: {  	_ =	swait.ge [sflag:s1], $0x80  }
0x91: {  	[sflag:s1] =	ssyncset.done $0x0  }
0x92: {  	[sflag:s1] =	ssyncadd.s32 $0xFFFFFF80  }
0x93: {  	_ =	swait.ge [sflag:s1], $0x80  }
0x94: {  	[sflag:s1] =	ssyncset.done $0x0  }
0x95: {  	[sflag:s1] =	ssyncadd.s32 $0xFFFFFF80  }
0x96: {  	_ =	swait.ge [sflag:s1], $0x80  }
0x97: {  	[sflag:s1] =	ssyncset.done $0x0  }
0x98: {  	[sflag:s1] =	ssyncadd.s32 $0xFFFFFF80  }
0x99: {  	_ =	swait.ge [sflag:s1], $0x80  }
0x9a: {  	[sflag:s1] =	ssyncset.done $0x0  }
0x9b: {  	[sflag:s1] =	ssyncadd.s32 $0xFFFFFF80  }
0x9c: {  	v11 =	vld [tilespmem:$0x0]  }
0x9d: {  	v54 =	vld [tilespmem:$0x10]  }
0x9e: {  	v13 =	vld [tilespmem:$0x20]  }
0x9f: {  	v14 =	vld [tilespmem:$0x30]  }
0xa0: {  	v15 =	vld [tilespmem:$0x40]  }
0xa1: {  	vm1 =	veq.s32 v11, $0x1;
	v11 =	vld [tilespmem:$0x50]  }
0xa2: {  	v55 =	vld [tilespmem:$0x60];
	v16 =	vsel vm1, $0x1, v0;
	vm1 =	veq.s32 v54, $0x1  }
0xa3: {  	v57 =	vld [tilespmem:$0x70];
	[tilespmem:$0x200] =	vst v16;
	v56 =	vsel vm1, $0x1, v1;
	vm1 =	veq.s32 v13, $0x1  }
0xa4: {  	v59 =	vld [tilespmem:$0x80];
	[tilespmem:$0x210] =	vst v56;
	v58 =	vsel vm1, $0x1, v2;
	vm1 =	veq.s32 v14, $0x1  }
0xa5: {  	v61 =	vld [tilespmem:$0x90];
	[tilespmem:$0x220] =	vst v58;
	v60 =	vsel vm1, $0x1, v3;
	vm1 =	veq.s32 v15, $0x1  }
0xa6: {  	[tilespmem:$0x230] =	vst v60;
	v62 =	vsel vm1, $0x1, v4;
	vm1 =	veq.s32 v11, $0x1;
	v11 =	vld [tilespmem:$0xA0]  }
0xa7: {  	v20 =	vld [tilespmem:$0xB0];
	[tilespmem:$0x240] =	vst v62;
	v63 =	vsel vm1, $0x1, v5;
	vm1 =	veq.s32 v55, $0x1  }
0xa8: {  	v22 =	vld [tilespmem:$0xC0];
	[tilespmem:$0x250] =	vst v63;
	v21 =	vsel vm1, $0x1, v6;
	vm1 =	veq.s32 v57, $0x1  }
0xa9: {  	v24 =	vld [tilespmem:$0xD0];
	[tilespmem:$0x260] =	vst v21;
	v23 =	vsel vm1, $0x1, v7;
	vm1 =	veq.s32 v59, $0x1  }
0xaa: {  	v26 =	vld [tilespmem:$0xE0];
	[tilespmem:$0x270] =	vst v23;
	v25 =	vsel vm1, $0x1, v0;
	vm1 =	veq.s32 v61, $0x1  }
0xab: {  	[tilespmem:$0x280] =	vst v25;
	v27 =	vsel vm1, $0x1, v1;
	vm1 =	veq.s32 v11, $0x1;
	v11 =	vld [tilespmem:$0xF0]  }
0xac: {  	v29 =	vld [tilespmem:$0x100];
	[tilespmem:$0x290] =	vst v27;
	v28 =	vsel vm1, $0x1, v2;
	vm1 =	veq.s32 v20, $0x1  }
0xad: {  	v31 =	vld [tilespmem:$0x110];
	[tilespmem:$0x2A0] =	vst v28;
	v30 =	vsel vm1, $0x1, v3;
	vm1 =	veq.s32 v22, $0x1  }
0xae: {  	v33 =	vld [tilespmem:$0x120];
	[tilespmem:$0x2B0] =	vst v30;
	v32 =	vsel vm1, $0x1, v4;
	vm1 =	veq.s32 v24, $0x1  }
0xaf: {  	v35 =	vld [tilespmem:$0x130];
	[tilespmem:$0x2C0] =	vst v32;
	v34 =	vsel vm1, $0x1, v5;
	vm1 =	veq.s32 v26, $0x1  }
0xb0: {  	[tilespmem:$0x2D0] =	vst v34;
	v36 =	vsel vm1, $0x1, v6;
	vm1 =	veq.s32 v11, $0x1;
	v11 =	vld [tilespmem:$0x140]  }
0xb1: {  	v38 =	vld [tilespmem:$0x150];
	[tilespmem:$0x2E0] =	vst v36;
	v37 =	vsel vm1, $0x1, v7;
	vm1 =	veq.s32 v29, $0x1  }
0xb2: {  	v40 =	vld [tilespmem:$0x160];
	[tilespmem:$0x2F0] =	vst v37;
	v39 =	vsel vm1, $0x1, v0;
	vm1 =	veq.s32 v31, $0x1  }
0xb3: {  	v42 =	vld [tilespmem:$0x170];
	[tilespmem:$0x300] =	vst v39;
	v41 =	vsel vm1, $0x1, v1;
	vm1 =	veq.s32 v33, $0x1  }
0xb4: {  	v44 =	vld [tilespmem:$0x180];
	[tilespmem:$0x310] =	vst v41;
	v43 =	vsel vm1, $0x1, v2;
	vm1 =	veq.s32 v35, $0x1  }
0xb5: {  	[tilespmem:$0x320] =	vst v43;
	v45 =	vsel vm1, $0x1, v3;
	vm1 =	veq.s32 v11, $0x1;
	v11 =	vld [tilespmem:$0x190]  }
0xb6: {  	v47 =	vld [tilespmem:$0x1A0];
	[tilespmem:$0x330] =	vst v45;
	v46 =	vsel vm1, $0x1, v4;
	vm1 =	veq.s32 v38, $0x1  }
0xb7: {  	v49 =	vld [tilespmem:$0x1B0];
	[tilespmem:$0x340] =	vst v46;
	v48 =	vsel vm1, $0x1, v5;
	vm1 =	veq.s32 v40, $0x1  }
0xb8: {  	v51 =	vld [tilespmem:$0x1C0];
	[tilespmem:$0x350] =	vst v48;
	v50 =	vsel vm1, $0x1, v6;
	vm1 =	veq.s32 v42, $0x1  }
0xb9: {  	v53 =	vld [tilespmem:$0x1D0];
	[tilespmem:$0x360] =	vst v50;
	v52 =	vsel vm1, $0x1, v7;
	vm1 =	veq.s32 v44, $0x1  }
0xba: {  	[tilespmem:$0x370] =	vst v52;
	v54 =	vsel vm1, $0x1, v0;
	vm1 =	veq.s32 v11, $0x1;
	v11 =	vld [tilespmem:$0x1E0]  }
0xbb: {  	v56 =	vld [tilespmem:$0x1F0];
	[tilespmem:$0x380] =	vst v54;
	v55 =	vsel vm1, $0x1, v1;
	vm1 =	veq.s32 v47, $0x1  }
0xbc: {  	[tilespmem:$0x390] =	vst v55;
	v57 =	vsel vm1, $0x1, v2;
	vm1 =	veq.s32 v49, $0x1  }
0xbd: {  	[tilespmem:$0x3A0] =	vst v57;
	v13 =	vsel vm1, $0x1, v3;
	vm1 =	veq.s32 v51, $0x1  }
0xbe: {  	[tilespmem:$0x3B0] =	vst v13;
	v58 =	vsel vm1, $0x1, v4;
	vm1 =	veq.s32 v53, $0x1  }
0xbf: {  	[tilespmem:$0x3C0] =	vst v58;
	v59 =	vsel vm1, $0x1, v5;
	vm1 =	veq.s32 v11, $0x1  }
0xc0: {  	[tilespmem:$0x3D0] =	vst v59;
	v11 =	vsel vm1, $0x1, v6;
	vm1 =	veq.s32 v56, $0x1  }
0xc1: {  	[tilespmem:$0x3E0] =	vst v11;
	v11 =	vsel vm1, $0x1, v7  }
0xc2: {  	s17 =	simm.s32 $0x2;
	[tilespmem:$0x3F0] =	vst v11  }
0xc3: {  	_ =	swait.ge [sflag:s17], $0x8000  }
0xc4: {  	[sflag:s17] =	ssyncset.done $0x0  }
0xc5: {  	s8 =	rddreg [dreg:$0xa];
	[sflag:s17] =	ssyncadd.s32 $0xFFFF8000  }
0xc6: {  	[hbm4b:s8+s3] =	stream.linear.scatter [tilespmem:s4], [sflag:$0x4], $0x8000, $0x38;
	[tilespmem:$0x18500] =	vst v63  }
0xc7: {  	s13 =	rddreg [dreg:$0xb]  }
0xc8: {  	[hbm4b:s13+s3] =	stream.linear.scatter [tilespmem:s4], [sflag:$0x4], $0x8000, $0x38;
	[tilespmem:$0x18500] =	vst v63  }
0xc9: {  	s13 =	rddreg [dreg:$0xc]  }
0xca: {  	[hbm4b:s13+s3] =	stream.linear.scatter [tilespmem:s4], [sflag:$0x4], $0x8000, $0x38;
	[tilespmem:$0x18500] =	vst v63  }
0xcb: {  	s13 =	rddreg [dreg:$0xd]  }
0xcc: {  	[hbm4b:s13+s3] =	stream.linear.scatter [tilespmem:s4], [sflag:$0x4], $0x8000, $0x38;
	[tilespmem:$0x18500] =	vst v63  }
0xcd: {  	_ =	swait.ge [sflag:s9], $0x8000  }
0xce: {  	[sflag:s9] =	ssyncset.done $0x0  }
0xcf: {  	[sflag:s9] =	ssyncadd.s32 $0xFFFF8000  }
0xd0: {  	_ =	swait.ge [sflag:s9], $0x8000  }
0xd1: {  	[sflag:s9] =	ssyncset.done $0x0  }
0xd2: {  	[sflag:s9] =	ssyncadd.s32 $0xFFFF8000  }
0xd3: {  	_ =	swait.ge [sflag:s9], $0x8000  }
0xd4: {  	[sflag:s9] =	ssyncset.done $0x0  }
0xd5: {  	[sflag:s9] =	ssyncadd.s32 $0xFFFF8000  }
0xd6: {  	_ =	swait.ge [sflag:s9], $0x8000  }
0xd7: {  	[sflag:s9] =	ssyncset.done $0x0  }
0xd8: {  	[sflag:s9] =	ssyncadd.s32 $0xFFFF8000  }
0xd9: {  	v11 =	vld [tilespmem:$0x440];
	_ =	sdelay $0x4  }
0xda: {  	v60 =	vshll.u32 v11, $0x3  }
0xdb: {  	v11 =	vand.u32 $0x7, v11;
	v12 =	vand.u32 $0xFFFFFFC0, v60  }
0xdc: {  	v11 =	vor.u32 v11, v12  }
0xdd: {  	v12 =	vperm.xlane v11, v8;
	_ =	sdelay $0x1  }
0xde: {  	v12 =	vadd.s32 v9, v12;
	_ =	sdelay $0x4  }
0xdf: {  	[tilespmem:s4], [sflag:$0x2] =	stream.indirect_vreg.gather [hbm4b:s2+s3], $0x80, v12, vm0, $0xb8;
	[tilespmem:$0x18500] =	vst v63  }
0xe0: {  	v11 =	vperm.xlane v11, v10  }
0xe1: {  	[tilespmem:s0], [sflag:$0x2] =	stream.indirect_vreg.gather [hbm4b:s10+s3], $0x80, v12, vm0, $0xb8;
	[tilespmem:$0x18500] =	vst v63  }
0xe2: {  	v11 =	vadd.s32 v9, v11  }
0xe3: {  	[tilespmem:s31], [sflag:$0x2] =	stream.indirect_vreg.gather [hbm4b:s11+s3], $0x80, v12, vm0, $0xb8;
	[tilespmem:$0x18500] =	vst v63  }
0xe4: {  	_ = 	snop  }
0xe5: {  	[tilespmem:s7], [sflag:$0x2] =	stream.indirect_vreg.gather [hbm4b:s12+s3], $0x80, v12, vm0, $0xb8;
	[tilespmem:$0x18500] =	vst v63  }
0xe6: {  	_ = 	snop  }
0xe7: {  	[tilespmem:s14], [sflag:$0x2] =	stream.indirect_vreg.gather [hbm4b:s2+s3], $0x80, v11, vm0, $0xb8;
	[tilespmem:$0x18500] =	vst v63  }
0xe8: {  	_ = 	snop  }
0xe9: {  	[tilespmem:s15], [sflag:$0x2] =	stream.indirect_vreg.gather [hbm4b:s10+s3], $0x80, v11, vm0, $0xb8;
	[tilespmem:$0x18500] =	vst v63  }
0xea: {  	_ = 	snop  }
0xeb: {  	[tilespmem:s16], [sflag:$0x2] =	stream.indirect_vreg.gather [hbm4b:s11+s3], $0x80, v11, vm0, $0xb8;
	[tilespmem:$0x18500] =	vst v63  }
0xec: {  	_ = 	snop  }
0xed: {  	[tilespmem:s18], [sflag:$0x2] =	stream.indirect_vreg.gather [hbm4b:s12+s3], $0x80, v11, vm0, $0xb8;
	[tilespmem:$0x18500] =	vst v63  }
0xee: {  	v11 =	vld [tilespmem:$0x450];
	_ =	sdelay $0x4  }
0xef: {  	v61 =	vshll.u32 v11, $0x3  }
0xf0: {  	v11 =	vand.u32 $0x7, v11;
	v12 =	vand.u32 $0xFFFFFFC0, v61  }
0xf1: {  	v11 =	vor.u32 v11, v12  }
0xf2: {  	v12 =	vperm.xlane v11, v8;
	_ =	sdelay $0x1  }
0xf3: {  	v12 =	vadd.s32 v9, v12;
	_ =	sdelay $0x4  }
0xf4: {  	[tilespmem:s19], [sflag:$0x2] =	stream.indirect_vreg.gather [hbm4b:s2+s3], $0x80, v12, vm0, $0xb8;
	[tilespmem:$0x18500] =	vst v63  }
0xf5: {  	v11 =	vperm.xlane v11, v10  }
0xf6: {  	[tilespmem:s20], [sflag:$0x2] =	stream.indirect_vreg.gather [hbm4b:s10+s3], $0x80, v12, vm0, $0xb8;
	[tilespmem:$0x18500] =	vst v63  }
0xf7: {  	v11 =	vadd.s32 v9, v11  }
0xf8: {  	[tilespmem:s21], [sflag:$0x2] =	stream.indirect_vreg.gather [hbm4b:s11+s3], $0x80, v12, vm0, $0xb8;
	[tilespmem:$0x18500] =	vst v63  }
0xf9: {  	_ = 	snop  }
0xfa: {  	[tilespmem:s22], [sflag:$0x2] =	stream.indirect_vreg.gather [hbm4b:s12+s3], $0x80, v12, vm0, $0xb8;
	[tilespmem:$0x18500] =	vst v63  }
0xfb: {  	_ = 	snop  }
0xfc: {  	[tilespmem:s23], [sflag:$0x2] =	stream.indirect_vreg.gather [hbm4b:s2+s3], $0x80, v11, vm0, $0xb8;
	[tilespmem:$0x18500] =	vst v63  }
0xfd: {  	_ = 	snop  }
0xfe: {  	[tilespmem:s24], [sflag:$0x2] =	stream.indirect_vreg.gather [hbm4b:s10+s3], $0x80, v11, vm0, $0xb8;
	[tilespmem:$0x18500] =	vst v63  }
0xff: {  	_ = 	snop  }
0x100: {  	[tilespmem:s25], [sflag:$0x2] =	stream.indirect_vreg.gather [hbm4b:s11+s3], $0x80, v11, vm0, $0xb8;
	[tilespmem:$0x18500] =	vst v63  }
0x101: {  	s0 =	simm.s32 $0x3  }
0x102: {  	[tilespmem:s26], [sflag:$0x2] =	stream.indirect_vreg.gather [hbm4b:s12+s3], $0x80, v11, vm0, $0xb8;
	[tilespmem:$0x18500] =	vst v63  }
0x103: {  	_ =	swait.ge [sflag:s0], $0x8000  }
0x104: {  	[sflag:s0] =	ssyncset.done $0x0  }
0x105: {  	s13 =	rddreg [dreg:$0xe];
	[sflag:s0] =	ssyncadd.s32 $0xFFFF8000  }
0x106: {  	[hbm4b:s13+s3] =	stream.linear.scatter [tilespmem:s28], [sflag:$0x5], $0x8000, $0x38;
	[tilespmem:$0x18500] =	vst v63  }
0x107: {  	s13 =	rddreg [dreg:$0xf]  }
0x108: {  	[hbm4b:s13+s3] =	stream.linear.scatter [tilespmem:s28], [sflag:$0x5], $0x8000, $0x38;
	[tilespmem:$0x18500] =	vst v63  }
0x109: {  	s13 =	rddreg [dreg:$0x10]  }
0x10a: {  	[hbm4b:s13+s3] =	stream.linear.scatter [tilespmem:s28], [sflag:$0x5], $0x8000, $0x38;
	[tilespmem:$0x18500] =	vst v63  }
0x10b: {  	s13 =	rddreg [dreg:$0x11]  }
0x10c: {  	[hbm4b:s13+s3] =	stream.linear.scatter [tilespmem:s28], [sflag:$0x5], $0x8000, $0x38;
	[tilespmem:$0x18500] =	vst v63  }
0x10d: {  	_ =	swait.ge [sflag:s5], $0x8000  }
0x10e: {  	[sflag:s5] =	ssyncset.done $0x0  }
0x10f: {  	[sflag:s5] =	ssyncadd.s32 $0xFFFF8000  }
0x110: {  	_ =	swait.ge [sflag:s5], $0x8000  }
0x111: {  	[sflag:s5] =	ssyncset.done $0x0  }
0x112: {  	[sflag:s5] =	ssyncadd.s32 $0xFFFF8000  }
0x113: {  	_ =	swait.ge [sflag:s5], $0x8000  }
0x114: {  	[sflag:s5] =	ssyncset.done $0x0  }
0x115: {  	[sflag:s5] =	ssyncadd.s32 $0xFFFF8000  }
0x116: {  	_ =	swait.ge [sflag:s5], $0x8000  }
0x117: {  	[sflag:s5] =	ssyncset.done $0x0  }
0x118: {  	[sflag:s5] =	ssyncadd.s32 $0xFFFF8000  }
0x119: {  	v11 =	vld [tilespmem:$0x460];
	_ =	sdelay $0x4  }
0x11a: {  	v62 =	vshll.u32 v11, $0x3  }
0x11b: {  	v11 =	vand.u32 $0x7, v11;
	v12 =	vand.u32 $0xFFFFFFC0, v62  }
0x11c: {  	v11 =	vor.u32 v11, v12  }
0x11d: {  	v12 =	vperm.xlane v11, v8;
	_ =	sdelay $0x1  }
0x11e: {  	v12 =	vadd.s32 v9, v12;
	_ =	sdelay $0x4  }
0x11f: {  	[tilespmem:s28], [sflag:$0x3] =	stream.indirect_vreg.gather [hbm4b:s2+s3], $0x80, v12, vm0, $0xb8;
	[tilespmem:$0x18500] =	vst v63  }
0x120: {  	s13 =	simm.s32 $0x8C80;
	v11 =	vperm.xlane v11, v10  }
0x121: {  	[tilespmem:s13], [sflag:$0x3] =	stream.indirect_vreg.gather [hbm4b:s10+s3], $0x80, v12, vm0, $0xb8;
	[tilespmem:$0x18500] =	vst v63  }
0x122: {  	v11 =	vadd.s32 v9, v11;
	s13 =	simm.s32 $0x9480  }
0x123: {  	[tilespmem:s13], [sflag:$0x3] =	stream.indirect_vreg.gather [hbm4b:s11+s3], $0x80, v12, vm0, $0xb8;
	[tilespmem:$0x18500] =	vst v63  }
0x124: {  	s13 =	simm.s32 $0x9C80  }
0x125: {  	[tilespmem:s13], [sflag:$0x3] =	stream.indirect_vreg.gather [hbm4b:s12+s3], $0x80, v12, vm0, $0xb8;
	[tilespmem:$0x18500] =	vst v63  }
0x126: {  	s13 =	simm.s32 $0xA480  }
0x127: {  	[tilespmem:s13], [sflag:$0x3] =	stream.indirect_vreg.gather [hbm4b:s2+s3], $0x80, v11, vm0, $0xb8;
	[tilespmem:$0x18500] =	vst v63  }
0x128: {  	s13 =	simm.s32 $0xAC80  }
0x129: {  	[tilespmem:s13], [sflag:$0x3] =	stream.indirect_vreg.gather [hbm4b:s10+s3], $0x80, v11, vm0, $0xb8;
	[tilespmem:$0x18500] =	vst v63  }
0x12a: {  	s13 =	simm.s32 $0xB480  }
0x12b: {  	[tilespmem:s13], [sflag:$0x3] =	stream.indirect_vreg.gather [hbm4b:s11+s3], $0x80, v11, vm0, $0xb8;
	[tilespmem:$0x18500] =	vst v63  }
0x12c: {  	s13 =	simm.s32 $0xBC80  }
0x12d: {  	[tilespmem:s13], [sflag:$0x3] =	stream.indirect_vreg.gather [hbm4b:s12+s3], $0x80, v11, vm0, $0xb8;
	[tilespmem:$0x18500] =	vst v63  }
0x12e: {  	v11 =	vld [tilespmem:$0x470];
	_ =	sdelay $0x4  }
0x12f: {  	v63 =	vshll.u32 v11, $0x3  }
0x130: {  	v11 =	vand.u32 $0x7, v11;
	v12 =	vand.u32 $0xFFFFFFC0, v63  }
0x131: {  	v11 =	vor.u32 v11, v12  }
0x132: {  	v12 =	vperm.xlane v11, v8;
	_ =	sdelay $0x1  }
0x133: {  	v12 =	vadd.s32 v9, v12;
	_ =	sdelay $0x3  }
0x134: {  	s13 =	simm.s32 $0xC480  }
0x135: {  	[tilespmem:s13], [sflag:$0x3] =	stream.indirect_vreg.gather [hbm4b:s2+s3], $0x80, v12, vm0, $0xb8;
	[tilespmem:$0x18500] =	vst v63  }
0x136: {  	v11 =	vperm.xlane v11, v10;
	s13 =	simm.s32 $0xCC80  }
0x137: {  	[tilespmem:s13], [sflag:$0x3] =	stream.indirect_vreg.gather [hbm4b:s10+s3], $0x80, v12, vm0, $0xb8;
	[tilespmem:$0x18500] =	vst v63  }
0x138: {  	v11 =	vadd.s32 v9, v11;
	s13 =	simm.s32 $0xD480  }
0x139: {  	[tilespmem:s13], [sflag:$0x3] =	stream.indirect_vreg.gather [hbm4b:s11+s3], $0x80, v12, vm0, $0xb8;
	[tilespmem:$0x18500] =	vst v63  }
0x13a: {  	s13 =	simm.s32 $0xDC80  }
0x13b: {  	[tilespmem:s13], [sflag:$0x3] =	stream.indirect_vreg.gather [hbm4b:s12+s3], $0x80, v12, vm0, $0xb8;
	[tilespmem:$0x18500] =	vst v63  }
0x13c: {  	s13 =	simm.s32 $0xE480  }
0x13d: {  	[tilespmem:s13], [sflag:$0x3] =	stream.indirect_vreg.gather [hbm4b:s2+s3], $0x80, v11, vm0, $0xb8;
	[tilespmem:$0x18500] =	vst v63  }
0x13e: {  	s13 =	simm.s32 $0xEC80  }
0x13f: {  	[tilespmem:s13], [sflag:$0x3] =	stream.indirect_vreg.gather [hbm4b:s10+s3], $0x80, v11, vm0, $0xb8;
	[tilespmem:$0x18500] =	vst v63  }
0x140: {  	s13 =	simm.s32 $0xF480  }
0x141: {  	[tilespmem:s13], [sflag:$0x3] =	stream.indirect_vreg.gather [hbm4b:s11+s3], $0x80, v11, vm0, $0xb8;
	[tilespmem:$0x18500] =	vst v63  }
0x142: {  	s13 =	simm.s32 $0xFC80  }
0x143: {  	[tilespmem:s13], [sflag:$0x3] =	stream.indirect_vreg.gather [hbm4b:s12+s3], $0x80, v11, vm0, $0xb8;
	[tilespmem:$0x18500] =	vst v63  }
0x144: {  	_ =	swait.ge [sflag:s17], $0x8000  }
0x145: {  	[sflag:s17] =	ssyncset.done $0x0  }
0x146: {  	s13 =	rddreg [dreg:$0x12];
	[sflag:s17] =	ssyncadd.s32 $0xFFFF8000  }
0x147: {  	[hbm4b:s13+s3] =	stream.linear.scatter [tilespmem:s4], [sflag:$0x4], $0x8000, $0x38;
	[tilespmem:$0x18500] =	vst v63  }
0x148: {  	s13 =	rddreg [dreg:$0x13]  }
0x149: {  	[hbm4b:s13+s3] =	stream.linear.scatter [tilespmem:s4], [sflag:$0x4], $0x8000, $0x38;
	[tilespmem:$0x18500] =	vst v63  }
0x14a: {  	s13 =	rddreg [dreg:$0x14]  }
0x14b: {  	[hbm4b:s13+s3] =	stream.linear.scatter [tilespmem:s4], [sflag:$0x4], $0x8000, $0x38;
	[tilespmem:$0x18500] =	vst v63  }
0x14c: {  	s13 =	rddreg [dreg:$0x15]  }
0x14d: {  	[hbm4b:s13+s3] =	stream.linear.scatter [tilespmem:s4], [sflag:$0x4], $0x8000, $0x38;
	[tilespmem:$0x18500] =	vst v63  }
0x14e: {  	_ =	swait.ge [sflag:s0], $0x8000  }
0x14f: {  	[sflag:s0] =	ssyncset.done $0x0  }
0x150: {  	s13 =	rddreg [dreg:$0x16];
	[sflag:s0] =	ssyncadd.s32 $0xFFFF8000  }
0x151: {  	[hbm4b:s13+s3] =	stream.linear.scatter [tilespmem:s28], [sflag:$0x5], $0x8000, $0x38;
	[tilespmem:$0x18500] =	vst v63  }
0x152: {  	s13 =	rddreg [dreg:$0x17]  }
0x153: {  	[hbm4b:s13+s3] =	stream.linear.scatter [tilespmem:s28], [sflag:$0x5], $0x8000, $0x38;
	[tilespmem:$0x18500] =	vst v63  }
0x154: {  	s13 =	rddreg [dreg:$0x18]  }
0x155: {  	[hbm4b:s13+s3] =	stream.linear.scatter [tilespmem:s28], [sflag:$0x5], $0x8000, $0x38;
	[tilespmem:$0x18500] =	vst v63  }
0x156: {  	s13 =	rddreg [dreg:$0x19]  }
0x157: {  	[hbm4b:s13+s3] =	stream.linear.scatter [tilespmem:s28], [sflag:$0x5], $0x8000, $0x38;
	[tilespmem:$0x18500] =	vst v63  }
0x158: {  	_ =	swait.ge [sflag:s9], $0x8000  }
0x159: {  	[sflag:s9] =	ssyncset.done $0x0  }
0x15a: {  	[sflag:s9] =	ssyncadd.s32 $0xFFFF8000  }
0x15b: {  	_ =	swait.ge [sflag:s9], $0x8000  }
0x15c: {  	[sflag:s9] =	ssyncset.done $0x0  }
0x15d: {  	[sflag:s9] =	ssyncadd.s32 $0xFFFF8000  }
0x15e: {  	_ =	swait.ge [sflag:s9], $0x8000  }
0x15f: {  	[sflag:s9] =	ssyncset.done $0x0  }
0x160: {  	[sflag:s9] =	ssyncadd.s32 $0xFFFF8000  }
0x161: {  	_ =	swait.ge [sflag:s9], $0x8000  }
0x162: {  	[sflag:s9] =	ssyncset.done $0x0  }
0x163: {  	[sflag:s9] =	ssyncadd.s32 $0xFFFF8000  }
0x164: {  	_ =	swait.ge [sflag:s5], $0x8000  }
0x165: {  	[sflag:s5] =	ssyncset.done $0x0  }
0x166: {  	[sflag:s5] =	ssyncadd.s32 $0xFFFF8000  }
0x167: {  	_ =	swait.ge [sflag:s5], $0x8000  }
0x168: {  	[sflag:s5] =	ssyncset.done $0x0  }
0x169: {  	[sflag:s5] =	ssyncadd.s32 $0xFFFF8000  }
0x16a: {  	_ =	swait.ge [sflag:s5], $0x8000  }
0x16b: {  	[sflag:s5] =	ssyncset.done $0x0  }
0x16c: {  	[sflag:s5] =	ssyncadd.s32 $0xFFFF8000  }
0x16d: {  	_ =	swait.ge [sflag:s5], $0x8000  }
0x16e: {  	[sflag:s5] =	ssyncset.done $0x0  }
0x16f: {  	[sflag:s5] =	ssyncadd.s32 $0xFFFF8000  }
0x170: {  	[bflag:$0x0] =	sbarrier.arrive $0xFFFF  }
0x171: {  	v11 =	vld [tilespmem:$0x18480];
	_ =	sdelay $0x4  }
0x172: {  	(v2sf) =	vpush v11, $0x0;
	_ =	sdelay $0xe  }
0x173: {  	s13 =	spop (v2sf)  }
0x174: {  	s7 =	simm.s32 $0x11C80;
	p0 =	slt.s32 s13, $0x1  }
.Ltmp2:
0x175: {  	s14 =	simm.s32 $0x12480;
	s15 =	simm.s32 $0x12C80;
	(pc) =	sbr.rel @p0 .LBB2_3-.Ltmp2, $4  }
0x176: {  	s16 =	simm.s32 $0x13480;
	s18 =	simm.s32 $0x14480;
	s19 =	simm.s32 $0x14C80  }
0x177: {  	s20 =	simm.s32 $0x15480;
	s21 =	simm.s32 $0x15C80;
	s22 =	simm.s32 $0x16480  }
0x178: {  	s23 =	simm.s32 $0x16C80;
	s24 =	simm.s32 $0x17480;
	s25 =	simm.s32 $0x17C80  }
0x179: {  	s17 =	simm.s32 $0x13C80;
	s4 =	simm.s32 $0x11480;
	s0 =	simm.s32 $0x10C80  }
0x17a: {  	v12 =	vld [tilespmem:$0x200];
	_ =	sdelay $0x4  }
0x17b: {  	v13 =	vshll.u32 v12, $0x3  }
0x17c: {  	v12 =	vand.u32 $0x7, v12;
	v13 =	vand.u32 $0xFFFFFFC0, v13  }
0x17d: {  	v12 =	vor.u32 v12, v13  }
0x17e: {  	v13 =	vperm.xlane v12, v8;
	_ =	sdelay $0x1  }
0x17f: {  	v13 =	vadd.s32 v9, v13;
	_ =	sdelay $0x4  }
0x180: {  	[tilespmem:s6], [sflag:$0x1] =	stream.indirect_vreg.gather [hbm4b:s2+s3], $0x80, v13, vm0, $0xb8;
	[tilespmem:$0x18500] =	vst v63  }
0x181: {  	v12 =	vperm.xlane v12, v10  }
0x182: {  	[tilespmem:s0], [sflag:$0x1] =	stream.indirect_vreg.gather [hbm4b:s10+s3], $0x80, v13, vm0, $0xb8;
	[tilespmem:$0x18500] =	vst v63  }
0x183: {  	v12 =	vadd.s32 v9, v12  }
0x184: {  	[tilespmem:s4], [sflag:$0x1] =	stream.indirect_vreg.gather [hbm4b:s11+s3], $0x80, v13, vm0, $0xb8;
	[tilespmem:$0x18500] =	vst v63  }
0x185: {  	_ = 	snop  }
0x186: {  	[tilespmem:s7], [sflag:$0x1] =	stream.indirect_vreg.gather [hbm4b:s12+s3], $0x80, v13, vm0, $0xb8;
	[tilespmem:$0x18500] =	vst v63  }
0x187: {  	_ = 	snop  }
0x188: {  	[tilespmem:s14], [sflag:$0x1] =	stream.indirect_vreg.gather [hbm4b:s2+s3], $0x80, v12, vm0, $0xb8;
	[tilespmem:$0x18500] =	vst v63  }
0x189: {  	_ = 	snop  }
0x18a: {  	[tilespmem:s15], [sflag:$0x1] =	stream.indirect_vreg.gather [hbm4b:s10+s3], $0x80, v12, vm0, $0xb8;
	[tilespmem:$0x18500] =	vst v63  }
0x18b: {  	_ = 	snop  }
0x18c: {  	[tilespmem:s16], [sflag:$0x1] =	stream.indirect_vreg.gather [hbm4b:s11+s3], $0x80, v12, vm0, $0xb8;
	[tilespmem:$0x18500] =	vst v63  }
0x18d: {  	_ = 	snop  }
0x18e: {  	[tilespmem:s17], [sflag:$0x1] =	stream.indirect_vreg.gather [hbm4b:s12+s3], $0x80, v12, vm0, $0xb8;
	[tilespmem:$0x18500] =	vst v63  }
0x18f: {  	v12 =	vld [tilespmem:$0x210];
	_ =	sdelay $0x4  }
0x190: {  	v63 =	vshll.u32 v12, $0x3  }
0x191: {  	v12 =	vand.u32 $0x7, v12;
	v13 =	vand.u32 $0xFFFFFFC0, v63  }
0x192: {  	v12 =	vor.u32 v12, v13  }
0x193: {  	v13 =	vperm.xlane v12, v8;
	_ =	sdelay $0x1  }
0x194: {  	v13 =	vadd.s32 v9, v13;
	_ =	sdelay $0x4  }
0x195: {  	[tilespmem:s18], [sflag:$0x1] =	stream.indirect_vreg.gather [hbm4b:s2+s3], $0x80, v13, vm0, $0xb8;
	[tilespmem:$0x18500] =	vst v63  }
0x196: {  	v12 =	vperm.xlane v12, v10  }
0x197: {  	[tilespmem:s19], [sflag:$0x1] =	stream.indirect_vreg.gather [hbm4b:s10+s3], $0x80, v13, vm0, $0xb8;
	[tilespmem:$0x18500] =	vst v63  }
0x198: {  	v12 =	vadd.s32 v9, v12  }
0x199: {  	[tilespmem:s20], [sflag:$0x1] =	stream.indirect_vreg.gather [hbm4b:s11+s3], $0x80, v13, vm0, $0xb8;
	[tilespmem:$0x18500] =	vst v63  }
0x19a: {  	_ = 	snop  }
0x19b: {  	[tilespmem:s21], [sflag:$0x1] =	stream.indirect_vreg.gather [hbm4b:s12+s3], $0x80, v13, vm0, $0xb8;
	[tilespmem:$0x18500] =	vst v63  }
0x19c: {  	_ = 	snop  }
0x19d: {  	[tilespmem:s22], [sflag:$0x1] =	stream.indirect_vreg.gather [hbm4b:s2+s3], $0x80, v12, vm0, $0xb8;
	[tilespmem:$0x18500] =	vst v63  }
0x19e: {  	_ = 	snop  }
0x19f: {  	[tilespmem:s23], [sflag:$0x1] =	stream.indirect_vreg.gather [hbm4b:s10+s3], $0x80, v12, vm0, $0xb8;
	[tilespmem:$0x18500] =	vst v63  }
0x1a0: {  	_ = 	snop  }
0x1a1: {  	[tilespmem:s24], [sflag:$0x1] =	stream.indirect_vreg.gather [hbm4b:s11+s3], $0x80, v12, vm0, $0xb8;
	[tilespmem:$0x18500] =	vst v63  }
0x1a2: {  	_ = 	snop  }
0x1a3: {  	[tilespmem:s25], [sflag:$0x1] =	stream.indirect_vreg.gather [hbm4b:s12+s3], $0x80, v12, vm0, $0xb8;
	[tilespmem:$0x18500] =	vst v63  }
0x1a4: {  	_ =	swait.ge [sflag:s1], $0x8000  }
0x1a5: {  	[sflag:s1] =	ssyncset.done $0x0  }
0x1a6: {  	[sflag:s1] =	ssyncadd.s32 $0xFFFF8000  }
0x1a7: {  	[hbm4b:s8+s3] =	stream.linear.scatter [tilespmem:s6], [sflag:$0x6], $0x8000, $0x38;
	[tilespmem:$0x18500] =	vst v63  }
0x1a8: {  	_ =	swait.ge [sflag:s30], $0x8000  }
0x1a9: {  	[sflag:s30] =	ssyncset.done $0x0  }
0x1aa: {  	[sflag:s30] =	ssyncadd.s32 $0xFFFF8000  }
.LBB2_3:
0x1ab: {  	(v2sf) =	vpush v11, $0x1;
	_ =	sdelay $0xe  }
0x1ac: {  	s13 =	spop (v2sf)  }
0x1ad: {  	p0 =	slt.s32 s13, $0x1  }
.Ltmp3:
0x1ae: {  	_ = 	snop;
	(pc) =	sbr.rel @p0 .LBB2_5-.Ltmp3, $1  }
0x1af: {  	_ =	sdelay $0x3  }
0x1b0: {  	v12 =	vld [tilespmem:$0x220];
	_ =	sdelay $0x4  }
0x1b1: {  	v13 =	vshll.u32 v12, $0x3  }
0x1b2: {  	v12 =	vand.u32 $0x7, v12;
	v13 =	vand.u32 $0xFFFFFFC0, v13  }
0x1b3: {  	v12 =	vor.u32 v12, v13  }
0x1b4: {  	v13 =	vperm.xlane v12, v8;
	_ =	sdelay $0x1  }
0x1b5: {  	v13 =	vadd.s32 v9, v13;
	_ =	sdelay $0x4  }
0x1b6: {  	[tilespmem:s6], [sflag:$0x1] =	stream.indirect_vreg.gather [hbm4b:s2+s3], $0x80, v13, vm0, $0xb8;
	[tilespmem:$0x18500] =	vst v63  }
0x1b7: {  	v12 =	vperm.xlane v12, v10  }
0x1b8: {  	[tilespmem:s0], [sflag:$0x1] =	stream.indirect_vreg.gather [hbm4b:s10+s3], $0x80, v13, vm0, $0xb8;
	[tilespmem:$0x18500] =	vst v63  }
0x1b9: {  	v12 =	vadd.s32 v9, v12  }
0x1ba: {  	[tilespmem:s4], [sflag:$0x1] =	stream.indirect_vreg.gather [hbm4b:s11+s3], $0x80, v13, vm0, $0xb8;
	[tilespmem:$0x18500] =	vst v63  }
0x1bb: {  	_ = 	snop  }
0x1bc: {  	[tilespmem:s7], [sflag:$0x1] =	stream.indirect_vreg.gather [hbm4b:s12+s3], $0x80, v13, vm0, $0xb8;
	[tilespmem:$0x18500] =	vst v63  }
0x1bd: {  	_ = 	snop  }
0x1be: {  	[tilespmem:s14], [sflag:$0x1] =	stream.indirect_vreg.gather [hbm4b:s2+s3], $0x80, v12, vm0, $0xb8;
	[tilespmem:$0x18500] =	vst v63  }
0x1bf: {  	_ = 	snop  }
0x1c0: {  	[tilespmem:s15], [sflag:$0x1] =	stream.indirect_vreg.gather [hbm4b:s10+s3], $0x80, v12, vm0, $0xb8;
	[tilespmem:$0x18500] =	vst v63  }
0x1c1: {  	_ = 	snop  }
0x1c2: {  	[tilespmem:s16], [sflag:$0x1] =	stream.indirect_vreg.gather [hbm4b:s11+s3], $0x80, v12, vm0, $0xb8;
	[tilespmem:$0x18500] =	vst v63  }
0x1c3: {  	_ = 	snop  }
0x1c4: {  	[tilespmem:s17], [sflag:$0x1] =	stream.indirect_vreg.gather [hbm4b:s12+s3], $0x80, v12, vm0, $0xb8;
	[tilespmem:$0x18500] =	vst v63  }
0x1c5: {  	v12 =	vld [tilespmem:$0x230];
	_ =	sdelay $0x4  }
0x1c6: {  	v63 =	vshll.u32 v12, $0x3  }
0x1c7: {  	v12 =	vand.u32 $0x7, v12;
	v13 =	vand.u32 $0xFFFFFFC0, v63  }
0x1c8: {  	v12 =	vor.u32 v12, v13  }
0x1c9: {  	v13 =	vperm.xlane v12, v8;
	_ =	sdelay $0x1  }
0x1ca: {  	v13 =	vadd.s32 v9, v13;
	_ =	sdelay $0x4  }
0x1cb: {  	[tilespmem:s18], [sflag:$0x1] =	stream.indirect_vreg.gather [hbm4b:s2+s3], $0x80, v13, vm0, $0xb8;
	[tilespmem:$0x18500] =	vst v63  }
0x1cc: {  	v12 =	vperm.xlane v12, v10  }
0x1cd: {  	[tilespmem:s19], [sflag:$0x1] =	stream.indirect_vreg.gather [hbm4b:s10+s3], $0x80, v13, vm0, $0xb8;
	[tilespmem:$0x18500] =	vst v63  }
0x1ce: {  	v12 =	vadd.s32 v9, v12  }
0x1cf: {  	[tilespmem:s20], [sflag:$0x1] =	stream.indirect_vreg.gather [hbm4b:s11+s3], $0x80, v13, vm0, $0xb8;
	[tilespmem:$0x18500] =	vst v63  }
0x1d0: {  	_ = 	snop  }
0x1d1: {  	[tilespmem:s21], [sflag:$0x1] =	stream.indirect_vreg.gather [hbm4b:s12+s3], $0x80, v13, vm0, $0xb8;
	[tilespmem:$0x18500] =	vst v63  }
0x1d2: {  	_ = 	snop  }
0x1d3: {  	[tilespmem:s22], [sflag:$0x1] =	stream.indirect_vreg.gather [hbm4b:s2+s3], $0x80, v12, vm0, $0xb8;
	[tilespmem:$0x18500] =	vst v63  }
0x1d4: {  	_ = 	snop  }
0x1d5: {  	[tilespmem:s23], [sflag:$0x1] =	stream.indirect_vreg.gather [hbm4b:s10+s3], $0x80, v12, vm0, $0xb8;
	[tilespmem:$0x18500] =	vst v63  }
0x1d6: {  	_ = 	snop  }
0x1d7: {  	[tilespmem:s24], [sflag:$0x1] =	stream.indirect_vreg.gather [hbm4b:s11+s3], $0x80, v12, vm0, $0xb8;
	[tilespmem:$0x18500] =	vst v63  }
0x1d8: {  	_ = 	snop  }
0x1d9: {  	[tilespmem:s25], [sflag:$0x1] =	stream.indirect_vreg.gather [hbm4b:s12+s3], $0x80, v12, vm0, $0xb8;
	[tilespmem:$0x18500] =	vst v63  }
0x1da: {  	_ =	swait.ge [sflag:s1], $0x8000  }
0x1db: {  	[sflag:s1] =	ssyncset.done $0x0  }
0x1dc: {  	s8 =	rddreg [dreg:$0xe];
	[sflag:s1] =	ssyncadd.s32 $0xFFFF8000  }
0x1dd: {  	[hbm4b:s8+s3] =	stream.linear.scatter [tilespmem:s6], [sflag:$0x6], $0x8000, $0x38;
	[tilespmem:$0x18500] =	vst v63  }
0x1de: {  	_ =	swait.ge [sflag:s30], $0x8000  }
0x1df: {  	[sflag:s30] =	ssyncset.done $0x0  }
0x1e0: {  	[sflag:s30] =	ssyncadd.s32 $0xFFFF8000  }
.LBB2_5:
0x1e1: {  	(v2sf) =	vpush v11, $0x2;
	_ =	sdelay $0xe  }
0x1e2: {  	s13 =	spop (v2sf)  }
0x1e3: {  	p0 =	slt.s32 s13, $0x1  }
.Ltmp4:
0x1e4: {  	_ = 	snop;
	(pc) =	sbr.rel @p0 .LBB2_7-.Ltmp4, $1  }
0x1e5: {  	_ =	sdelay $0x3  }
0x1e6: {  	v12 =	vld [tilespmem:$0x240];
	_ =	sdelay $0x4  }
0x1e7: {  	v13 =	vshll.u32 v12, $0x3  }
0x1e8: {  	v12 =	vand.u32 $0x7, v12;
	v13 =	vand.u32 $0xFFFFFFC0, v13  }
0x1e9: {  	v12 =	vor.u32 v12, v13  }
0x1ea: {  	v13 =	vperm.xlane v12, v8;
	_ =	sdelay $0x1  }
0x1eb: {  	v13 =	vadd.s32 v9, v13;
	_ =	sdelay $0x4  }
0x1ec: {  	[tilespmem:s6], [sflag:$0x1] =	stream.indirect_vreg.gather [hbm4b:s2+s3], $0x80, v13, vm0, $0xb8;
	[tilespmem:$0x18500] =	vst v63  }
0x1ed: {  	v12 =	vperm.xlane v12, v10  }
0x1ee: {  	[tilespmem:s0], [sflag:$0x1] =	stream.indirect_vreg.gather [hbm4b:s10+s3], $0x80, v13, vm0, $0xb8;
	[tilespmem:$0x18500] =	vst v63  }
0x1ef: {  	v12 =	vadd.s32 v9, v12  }
0x1f0: {  	[tilespmem:s4], [sflag:$0x1] =	stream.indirect_vreg.gather [hbm4b:s11+s3], $0x80, v13, vm0, $0xb8;
	[tilespmem:$0x18500] =	vst v63  }
0x1f1: {  	_ = 	snop  }
0x1f2: {  	[tilespmem:s7], [sflag:$0x1] =	stream.indirect_vreg.gather [hbm4b:s12+s3], $0x80, v13, vm0, $0xb8;
	[tilespmem:$0x18500] =	vst v63  }
0x1f3: {  	_ = 	snop  }
0x1f4: {  	[tilespmem:s14], [sflag:$0x1] =	stream.indirect_vreg.gather [hbm4b:s2+s3], $0x80, v12, vm0, $0xb8;
	[tilespmem:$0x18500] =	vst v63  }
0x1f5: {  	_ = 	snop  }
0x1f6: {  	[tilespmem:s15], [sflag:$0x1] =	stream.indirect_vreg.gather [hbm4b:s10+s3], $0x80, v12, vm0, $0xb8;
	[tilespmem:$0x18500] =	vst v63  }
0x1f7: {  	_ = 	snop  }
0x1f8: {  	[tilespmem:s16], [sflag:$0x1] =	stream.indirect_vreg.gather [hbm4b:s11+s3], $0x80, v12, vm0, $0xb8;
	[tilespmem:$0x18500] =	vst v63  }
0x1f9: {  	_ = 	snop  }
0x1fa: {  	[tilespmem:s17], [sflag:$0x1] =	stream.indirect_vreg.gather [hbm4b:s12+s3], $0x80, v12, vm0, $0xb8;
	[tilespmem:$0x18500] =	vst v63  }
0x1fb: {  	v12 =	vld [tilespmem:$0x250];
	_ =	sdelay $0x4  }
0x1fc: {  	v63 =	vshll.u32 v12, $0x3  }
0x1fd: {  	v12 =	vand.u32 $0x7, v12;
	v13 =	vand.u32 $0xFFFFFFC0, v63  }
0x1fe: {  	v12 =	vor.u32 v12, v13  }
0x1ff: {  	v13 =	vperm.xlane v12, v8;
	_ =	sdelay $0x1  }
0x200: {  	v13 =	vadd.s32 v9, v13;
	_ =	sdelay $0x4  }
0x201: {  	[tilespmem:s18], [sflag:$0x1] =	stream.indirect_vreg.gather [hbm4b:s2+s3], $0x80, v13, vm0, $0xb8;
	[tilespmem:$0x18500] =	vst v63  }
0x202: {  	v12 =	vperm.xlane v12, v10  }
0x203: {  	[tilespmem:s19], [sflag:$0x1] =	stream.indirect_vreg.gather [hbm4b:s10+s3], $0x80, v13, vm0, $0xb8;
	[tilespmem:$0x18500] =	vst v63  }
0x204: {  	v12 =	vadd.s32 v9, v12  }
0x205: {  	[tilespmem:s20], [sflag:$0x1] =	stream.indirect_vreg.gather [hbm4b:s11+s3], $0x80, v13, vm0, $0xb8;
	[tilespmem:$0x18500] =	vst v63  }
0x206: {  	_ = 	snop  }
0x207: {  	[tilespmem:s21], [sflag:$0x1] =	stream.indirect_vreg.gather [hbm4b:s12+s3], $0x80, v13, vm0, $0xb8;
	[tilespmem:$0x18500] =	vst v63  }
0x208: {  	_ = 	snop  }
0x209: {  	[tilespmem:s22], [sflag:$0x1] =	stream.indirect_vreg.gather [hbm4b:s2+s3], $0x80, v12, vm0, $0xb8;
	[tilespmem:$0x18500] =	vst v63  }
0x20a: {  	_ = 	snop  }
0x20b: {  	[tilespmem:s23], [sflag:$0x1] =	stream.indirect_vreg.gather [hbm4b:s10+s3], $0x80, v12, vm0, $0xb8;
	[tilespmem:$0x18500] =	vst v63  }
0x20c: {  	_ = 	snop  }
0x20d: {  	[tilespmem:s24], [sflag:$0x1] =	stream.indirect_vreg.gather [hbm4b:s11+s3], $0x80, v12, vm0, $0xb8;
	[tilespmem:$0x18500] =	vst v63  }
0x20e: {  	_ = 	snop  }
0x20f: {  	[tilespmem:s25], [sflag:$0x1] =	stream.indirect_vreg.gather [hbm4b:s12+s3], $0x80, v12, vm0, $0xb8;
	[tilespmem:$0x18500] =	vst v63  }
0x210: {  	_ =	swait.ge [sflag:s1], $0x8000  }
0x211: {  	[sflag:s1] =	ssyncset.done $0x0  }
0x212: {  	s8 =	rddreg [dreg:$0x12];
	[sflag:s1] =	ssyncadd.s32 $0xFFFF8000  }
0x213: {  	[hbm4b:s8+s3] =	stream.linear.scatter [tilespmem:s6], [sflag:$0x6], $0x8000, $0x38;
	[tilespmem:$0x18500] =	vst v63  }
0x214: {  	_ =	swait.ge [sflag:s30], $0x8000  }
0x215: {  	[sflag:s30] =	ssyncset.done $0x0  }
0x216: {  	[sflag:s30] =	ssyncadd.s32 $0xFFFF8000  }
.LBB2_7:
0x217: {  	(v2sf) =	vpush v11, $0x3;
	_ =	sdelay $0xe  }
0x218: {  	s13 =	spop (v2sf)  }
0x219: {  	p0 =	slt.s32 s13, $0x1  }
.Ltmp5:
0x21a: {  	_ = 	snop;
	(pc) =	sbr.rel @p0 .LBB2_9-.Ltmp5, $1  }
0x21b: {  	_ =	sdelay $0x3  }
0x21c: {  	v12 =	vld [tilespmem:$0x260];
	_ =	sdelay $0x4  }
0x21d: {  	v13 =	vshll.u32 v12, $0x3  }
0x21e: {  	v12 =	vand.u32 $0x7, v12;
	v13 =	vand.u32 $0xFFFFFFC0, v13  }
0x21f: {  	v12 =	vor.u32 v12, v13  }
0x220: {  	v13 =	vperm.xlane v12, v8;
	_ =	sdelay $0x1  }
0x221: {  	v13 =	vadd.s32 v9, v13;
	_ =	sdelay $0x4  }
0x222: {  	[tilespmem:s6], [sflag:$0x1] =	stream.indirect_vreg.gather [hbm4b:s2+s3], $0x80, v13, vm0, $0xb8;
	[tilespmem:$0x18500] =	vst v63  }
0x223: {  	v12 =	vperm.xlane v12, v10  }
0x224: {  	[tilespmem:s0], [sflag:$0x1] =	stream.indirect_vreg.gather [hbm4b:s10+s3], $0x80, v13, vm0, $0xb8;
	[tilespmem:$0x18500] =	vst v63  }
0x225: {  	v12 =	vadd.s32 v9, v12  }
0x226: {  	[tilespmem:s4], [sflag:$0x1] =	stream.indirect_vreg.gather [hbm4b:s11+s3], $0x80, v13, vm0, $0xb8;
	[tilespmem:$0x18500] =	vst v63  }
0x227: {  	_ = 	snop  }
0x228: {  	[tilespmem:s7], [sflag:$0x1] =	stream.indirect_vreg.gather [hbm4b:s12+s3], $0x80, v13, vm0, $0xb8;
	[tilespmem:$0x18500] =	vst v63  }
0x229: {  	_ = 	snop  }
0x22a: {  	[tilespmem:s14], [sflag:$0x1] =	stream.indirect_vreg.gather [hbm4b:s2+s3], $0x80, v12, vm0, $0xb8;
	[tilespmem:$0x18500] =	vst v63  }
0x22b: {  	_ = 	snop  }
0x22c: {  	[tilespmem:s15], [sflag:$0x1] =	stream.indirect_vreg.gather [hbm4b:s10+s3], $0x80, v12, vm0, $0xb8;
	[tilespmem:$0x18500] =	vst v63  }
0x22d: {  	_ = 	snop  }
0x22e: {  	[tilespmem:s16], [sflag:$0x1] =	stream.indirect_vreg.gather [hbm4b:s11+s3], $0x80, v12, vm0, $0xb8;
	[tilespmem:$0x18500] =	vst v63  }
0x22f: {  	_ = 	snop  }
0x230: {  	[tilespmem:s17], [sflag:$0x1] =	stream.indirect_vreg.gather [hbm4b:s12+s3], $0x80, v12, vm0, $0xb8;
	[tilespmem:$0x18500] =	vst v63  }
0x231: {  	v12 =	vld [tilespmem:$0x270];
	_ =	sdelay $0x4  }
0x232: {  	v63 =	vshll.u32 v12, $0x3  }
0x233: {  	v12 =	vand.u32 $0x7, v12;
	v13 =	vand.u32 $0xFFFFFFC0, v63  }
0x234: {  	v12 =	vor.u32 v12, v13  }
0x235: {  	v13 =	vperm.xlane v12, v8;
	_ =	sdelay $0x1  }
0x236: {  	v13 =	vadd.s32 v9, v13;
	_ =	sdelay $0x4  }
0x237: {  	[tilespmem:s18], [sflag:$0x1] =	stream.indirect_vreg.gather [hbm4b:s2+s3], $0x80, v13, vm0, $0xb8;
	[tilespmem:$0x18500] =	vst v63  }
0x238: {  	v12 =	vperm.xlane v12, v10  }
0x239: {  	[tilespmem:s19], [sflag:$0x1] =	stream.indirect_vreg.gather [hbm4b:s10+s3], $0x80, v13, vm0, $0xb8;
	[tilespmem:$0x18500] =	vst v63  }
0x23a: {  	v12 =	vadd.s32 v9, v12  }
0x23b: {  	[tilespmem:s20], [sflag:$0x1] =	stream.indirect_vreg.gather [hbm4b:s11+s3], $0x80, v13, vm0, $0xb8;
	[tilespmem:$0x18500] =	vst v63  }
0x23c: {  	_ = 	snop  }
0x23d: {  	[tilespmem:s21], [sflag:$0x1] =	stream.indirect_vreg.gather [hbm4b:s12+s3], $0x80, v13, vm0, $0xb8;
	[tilespmem:$0x18500] =	vst v63  }
0x23e: {  	_ = 	snop  }
0x23f: {  	[tilespmem:s22], [sflag:$0x1] =	stream.indirect_vreg.gather [hbm4b:s2+s3], $0x80, v12, vm0, $0xb8;
	[tilespmem:$0x18500] =	vst v63  }
0x240: {  	_ = 	snop  }
0x241: {  	[tilespmem:s23], [sflag:$0x1] =	stream.indirect_vreg.gather [hbm4b:s10+s3], $0x80, v12, vm0, $0xb8;
	[tilespmem:$0x18500] =	vst v63  }
0x242: {  	_ = 	snop  }
0x243: {  	[tilespmem:s24], [sflag:$0x1] =	stream.indirect_vreg.gather [hbm4b:s11+s3], $0x80, v12, vm0, $0xb8;
	[tilespmem:$0x18500] =	vst v63  }
0x244: {  	_ = 	snop  }
0x245: {  	[tilespmem:s25], [sflag:$0x1] =	stream.indirect_vreg.gather [hbm4b:s12+s3], $0x80, v12, vm0, $0xb8;
	[tilespmem:$0x18500] =	vst v63  }
0x246: {  	_ =	swait.ge [sflag:s1], $0x8000  }
0x247: {  	[sflag:s1] =	ssyncset.done $0x0  }
0x248: {  	s8 =	rddreg [dreg:$0x16];
	[sflag:s1] =	ssyncadd.s32 $0xFFFF8000  }
0x249: {  	[hbm4b:s8+s3] =	stream.linear.scatter [tilespmem:s6], [sflag:$0x6], $0x8000, $0x38;
	[tilespmem:$0x18500] =	vst v63  }
0x24a: {  	_ =	swait.ge [sflag:s30], $0x8000  }
0x24b: {  	[sflag:s30] =	ssyncset.done $0x0  }
0x24c: {  	[sflag:s30] =	ssyncadd.s32 $0xFFFF8000  }
.LBB2_9:
0x24d: {  	(v2sf) =	vpush v11, $0x4;
	_ =	sdelay $0xe  }
0x24e: {  	s13 =	spop (v2sf)  }
0x24f: {  	p0 =	slt.s32 s13, $0x1  }
.Ltmp6:
0x250: {  	_ = 	snop;
	(pc) =	sbr.rel @p0 .LBB2_11-.Ltmp6, $1  }
0x251: {  	_ =	sdelay $0x3  }
0x252: {  	v12 =	vld [tilespmem:$0x280];
	_ =	sdelay $0x4  }
0x253: {  	v13 =	vshll.u32 v12, $0x3  }
0x254: {  	v12 =	vand.u32 $0x7, v12;
	v13 =	vand.u32 $0xFFFFFFC0, v13  }
0x255: {  	v12 =	vor.u32 v12, v13  }
0x256: {  	v13 =	vperm.xlane v12, v8;
	_ =	sdelay $0x1  }
0x257: {  	v13 =	vadd.s32 v9, v13;
	_ =	sdelay $0x4  }
0x258: {  	[tilespmem:s6], [sflag:$0x1] =	stream.indirect_vreg.gather [hbm4b:s2+s3], $0x80, v13, vm0, $0xb8;
	[tilespmem:$0x18500] =	vst v63  }
0x259: {  	v12 =	vperm.xlane v12, v10  }
0x25a: {  	[tilespmem:s0], [sflag:$0x1] =	stream.indirect_vreg.gather [hbm4b:s10+s3], $0x80, v13, vm0, $0xb8;
	[tilespmem:$0x18500] =	vst v63  }
0x25b: {  	v12 =	vadd.s32 v9, v12  }
0x25c: {  	[tilespmem:s4], [sflag:$0x1] =	stream.indirect_vreg.gather [hbm4b:s11+s3], $0x80, v13, vm0, $0xb8;
	[tilespmem:$0x18500] =	vst v63  }
0x25d: {  	_ = 	snop  }
0x25e: {  	[tilespmem:s7], [sflag:$0x1] =	stream.indirect_vreg.gather [hbm4b:s12+s3], $0x80, v13, vm0, $0xb8;
	[tilespmem:$0x18500] =	vst v63  }
0x25f: {  	_ = 	snop  }
0x260: {  	[tilespmem:s14], [sflag:$0x1] =	stream.indirect_vreg.gather [hbm4b:s2+s3], $0x80, v12, vm0, $0xb8;
	[tilespmem:$0x18500] =	vst v63  }
0x261: {  	_ = 	snop  }
0x262: {  	[tilespmem:s15], [sflag:$0x1] =	stream.indirect_vreg.gather [hbm4b:s10+s3], $0x80, v12, vm0, $0xb8;
	[tilespmem:$0x18500] =	vst v63  }
0x263: {  	_ = 	snop  }
0x264: {  	[tilespmem:s16], [sflag:$0x1] =	stream.indirect_vreg.gather [hbm4b:s11+s3], $0x80, v12, vm0, $0xb8;
	[tilespmem:$0x18500] =	vst v63  }
0x265: {  	_ = 	snop  }
0x266: {  	[tilespmem:s17], [sflag:$0x1] =	stream.indirect_vreg.gather [hbm4b:s12+s3], $0x80, v12, vm0, $0xb8;
	[tilespmem:$0x18500] =	vst v63  }
0x267: {  	v12 =	vld [tilespmem:$0x290];
	_ =	sdelay $0x4  }
0x268: {  	v63 =	vshll.u32 v12, $0x3  }
0x269: {  	v12 =	vand.u32 $0x7, v12;
	v13 =	vand.u32 $0xFFFFFFC0, v63  }
0x26a: {  	v12 =	vor.u32 v12, v13  }
0x26b: {  	v13 =	vperm.xlane v12, v8;
	_ =	sdelay $0x1  }
0x26c: {  	v13 =	vadd.s32 v9, v13;
	_ =	sdelay $0x4  }
0x26d: {  	[tilespmem:s18], [sflag:$0x1] =	stream.indirect_vreg.gather [hbm4b:s2+s3], $0x80, v13, vm0, $0xb8;
	[tilespmem:$0x18500] =	vst v63  }
0x26e: {  	v12 =	vperm.xlane v12, v10  }
0x26f: {  	[tilespmem:s19], [sflag:$0x1] =	stream.indirect_vreg.gather [hbm4b:s10+s3], $0x80, v13, vm0, $0xb8;
	[tilespmem:$0x18500] =	vst v63  }
0x270: {  	v12 =	vadd.s32 v9, v12  }
0x271: {  	[tilespmem:s20], [sflag:$0x1] =	stream.indirect_vreg.gather [hbm4b:s11+s3], $0x80, v13, vm0, $0xb8;
	[tilespmem:$0x18500] =	vst v63  }
0x272: {  	_ = 	snop  }
0x273: {  	[tilespmem:s21], [sflag:$0x1] =	stream.indirect_vreg.gather [hbm4b:s12+s3], $0x80, v13, vm0, $0xb8;
	[tilespmem:$0x18500] =	vst v63  }
0x274: {  	_ = 	snop  }
0x275: {  	[tilespmem:s22], [sflag:$0x1] =	stream.indirect_vreg.gather [hbm4b:s2+s3], $0x80, v12, vm0, $0xb8;
	[tilespmem:$0x18500] =	vst v63  }
0x276: {  	_ = 	snop  }
0x277: {  	[tilespmem:s23], [sflag:$0x1] =	stream.indirect_vreg.gather [hbm4b:s10+s3], $0x80, v12, vm0, $0xb8;
	[tilespmem:$0x18500] =	vst v63  }
0x278: {  	_ = 	snop  }
0x279: {  	[tilespmem:s24], [sflag:$0x1] =	stream.indirect_vreg.gather [hbm4b:s11+s3], $0x80, v12, vm0, $0xb8;
	[tilespmem:$0x18500] =	vst v63  }
0x27a: {  	_ = 	snop  }
0x27b: {  	[tilespmem:s25], [sflag:$0x1] =	stream.indirect_vreg.gather [hbm4b:s12+s3], $0x80, v12, vm0, $0xb8;
	[tilespmem:$0x18500] =	vst v63  }
0x27c: {  	_ =	swait.ge [sflag:s1], $0x8000  }
0x27d: {  	[sflag:s1] =	ssyncset.done $0x0  }
0x27e: {  	s8 =	rddreg [dreg:$0xb];
	[sflag:s1] =	ssyncadd.s32 $0xFFFF8000  }
0x27f: {  	[hbm4b:s8+s3] =	stream.linear.scatter [tilespmem:s6], [sflag:$0x6], $0x8000, $0x38;
	[tilespmem:$0x18500] =	vst v63  }
0x280: {  	_ =	swait.ge [sflag:s30], $0x8000  }
0x281: {  	[sflag:s30] =	ssyncset.done $0x0  }
0x282: {  	[sflag:s30] =	ssyncadd.s32 $0xFFFF8000  }
.LBB2_11:
0x283: {  	(v2sf) =	vpush v11, $0x5;
	_ =	sdelay $0xe  }
0x284: {  	s13 =	spop (v2sf)  }
0x285: {  	p0 =	slt.s32 s13, $0x1  }
.Ltmp7:
0x286: {  	_ = 	snop;
	(pc) =	sbr.rel @p0 .LBB2_13-.Ltmp7, $1  }
0x287: {  	_ =	sdelay $0x3  }
0x288: {  	v12 =	vld [tilespmem:$0x2A0];
	_ =	sdelay $0x4  }
0x289: {  	v13 =	vshll.u32 v12, $0x3  }
0x28a: {  	v12 =	vand.u32 $0x7, v12;
	v13 =	vand.u32 $0xFFFFFFC0, v13  }
0x28b: {  	v12 =	vor.u32 v12, v13  }
0x28c: {  	v13 =	vperm.xlane v12, v8;
	_ =	sdelay $0x1  }
0x28d: {  	v13 =	vadd.s32 v9, v13;
	_ =	sdelay $0x4  }
0x28e: {  	[tilespmem:s6], [sflag:$0x1] =	stream.indirect_vreg.gather [hbm4b:s2+s3], $0x80, v13, vm0, $0xb8;
	[tilespmem:$0x18500] =	vst v63  }
0x28f: {  	v12 =	vperm.xlane v12, v10  }
0x290: {  	[tilespmem:s0], [sflag:$0x1] =	stream.indirect_vreg.gather [hbm4b:s10+s3], $0x80, v13, vm0, $0xb8;
	[tilespmem:$0x18500] =	vst v63  }
0x291: {  	v12 =	vadd.s32 v9, v12  }
0x292: {  	[tilespmem:s4], [sflag:$0x1] =	stream.indirect_vreg.gather [hbm4b:s11+s3], $0x80, v13, vm0, $0xb8;
	[tilespmem:$0x18500] =	vst v63  }
0x293: {  	_ = 	snop  }
0x294: {  	[tilespmem:s7], [sflag:$0x1] =	stream.indirect_vreg.gather [hbm4b:s12+s3], $0x80, v13, vm0, $0xb8;
	[tilespmem:$0x18500] =	vst v63  }
0x295: {  	_ = 	snop  }
0x296: {  	[tilespmem:s14], [sflag:$0x1] =	stream.indirect_vreg.gather [hbm4b:s2+s3], $0x80, v12, vm0, $0xb8;
	[tilespmem:$0x18500] =	vst v63  }
0x297: {  	_ = 	snop  }
0x298: {  	[tilespmem:s15], [sflag:$0x1] =	stream.indirect_vreg.gather [hbm4b:s10+s3], $0x80, v12, vm0, $0xb8;
	[tilespmem:$0x18500] =	vst v63  }
0x299: {  	_ = 	snop  }
0x29a: {  	[tilespmem:s16], [sflag:$0x1] =	stream.indirect_vreg.gather [hbm4b:s11+s3], $0x80, v12, vm0, $0xb8;
	[tilespmem:$0x18500] =	vst v63  }
0x29b: {  	_ = 	snop  }
0x29c: {  	[tilespmem:s17], [sflag:$0x1] =	stream.indirect_vreg.gather [hbm4b:s12+s3], $0x80, v12, vm0, $0xb8;
	[tilespmem:$0x18500] =	vst v63  }
0x29d: {  	v12 =	vld [tilespmem:$0x2B0];
	_ =	sdelay $0x4  }
0x29e: {  	v63 =	vshll.u32 v12, $0x3  }
0x29f: {  	v12 =	vand.u32 $0x7, v12;
	v13 =	vand.u32 $0xFFFFFFC0, v63  }
0x2a0: {  	v12 =	vor.u32 v12, v13  }
0x2a1: {  	v13 =	vperm.xlane v12, v8;
	_ =	sdelay $0x1  }
0x2a2: {  	v13 =	vadd.s32 v9, v13;
	_ =	sdelay $0x4  }
0x2a3: {  	[tilespmem:s18], [sflag:$0x1] =	stream.indirect_vreg.gather [hbm4b:s2+s3], $0x80, v13, vm0, $0xb8;
	[tilespmem:$0x18500] =	vst v63  }
0x2a4: {  	v12 =	vperm.xlane v12, v10  }
0x2a5: {  	[tilespmem:s19], [sflag:$0x1] =	stream.indirect_vreg.gather [hbm4b:s10+s3], $0x80, v13, vm0, $0xb8;
	[tilespmem:$0x18500] =	vst v63  }
0x2a6: {  	v12 =	vadd.s32 v9, v12  }
0x2a7: {  	[tilespmem:s20], [sflag:$0x1] =	stream.indirect_vreg.gather [hbm4b:s11+s3], $0x80, v13, vm0, $0xb8;
	[tilespmem:$0x18500] =	vst v63  }
0x2a8: {  	_ = 	snop  }
0x2a9: {  	[tilespmem:s21], [sflag:$0x1] =	stream.indirect_vreg.gather [hbm4b:s12+s3], $0x80, v13, vm0, $0xb8;
	[tilespmem:$0x18500] =	vst v63  }
0x2aa: {  	_ = 	snop  }
0x2ab: {  	[tilespmem:s22], [sflag:$0x1] =	stream.indirect_vreg.gather [hbm4b:s2+s3], $0x80, v12, vm0, $0xb8;
	[tilespmem:$0x18500] =	vst v63  }
0x2ac: {  	_ = 	snop  }
0x2ad: {  	[tilespmem:s23], [sflag:$0x1] =	stream.indirect_vreg.gather [hbm4b:s10+s3], $0x80, v12, vm0, $0xb8;
	[tilespmem:$0x18500] =	vst v63  }
0x2ae: {  	_ = 	snop  }
0x2af: {  	[tilespmem:s24], [sflag:$0x1] =	stream.indirect_vreg.gather [hbm4b:s11+s3], $0x80, v12, vm0, $0xb8;
	[tilespmem:$0x18500] =	vst v63  }
0x2b0: {  	_ = 	snop  }
0x2b1: {  	[tilespmem:s25], [sflag:$0x1] =	stream.indirect_vreg.gather [hbm4b:s12+s3], $0x80, v12, vm0, $0xb8;
	[tilespmem:$0x18500] =	vst v63  }
0x2b2: {  	_ =	swait.ge [sflag:s1], $0x8000  }
0x2b3: {  	[sflag:s1] =	ssyncset.done $0x0  }
0x2b4: {  	s8 =	rddreg [dreg:$0xf];
	[sflag:s1] =	ssyncadd.s32 $0xFFFF8000  }
0x2b5: {  	[hbm4b:s8+s3] =	stream.linear.scatter [tilespmem:s6], [sflag:$0x6], $0x8000, $0x38;
	[tilespmem:$0x18500] =	vst v63  }
0x2b6: {  	_ =	swait.ge [sflag:s30], $0x8000  }
0x2b7: {  	[sflag:s30] =	ssyncset.done $0x0  }
0x2b8: {  	[sflag:s30] =	ssyncadd.s32 $0xFFFF8000  }
.LBB2_13:
0x2b9: {  	(v2sf) =	vpush v11, $0x6;
	_ =	sdelay $0xe  }
0x2ba: {  	s13 =	spop (v2sf)  }
0x2bb: {  	p0 =	slt.s32 s13, $0x1  }
.Ltmp8:
0x2bc: {  	_ = 	snop;
	(pc) =	sbr.rel @p0 .LBB2_15-.Ltmp8, $1  }
0x2bd: {  	_ =	sdelay $0x3  }
0x2be: {  	v12 =	vld [tilespmem:$0x2C0];
	_ =	sdelay $0x4  }
0x2bf: {  	v13 =	vshll.u32 v12, $0x3  }
0x2c0: {  	v12 =	vand.u32 $0x7, v12;
	v13 =	vand.u32 $0xFFFFFFC0, v13  }
0x2c1: {  	v12 =	vor.u32 v12, v13  }
0x2c2: {  	v13 =	vperm.xlane v12, v8;
	_ =	sdelay $0x1  }
0x2c3: {  	v13 =	vadd.s32 v9, v13;
	_ =	sdelay $0x4  }
0x2c4: {  	[tilespmem:s6], [sflag:$0x1] =	stream.indirect_vreg.gather [hbm4b:s2+s3], $0x80, v13, vm0, $0xb8;
	[tilespmem:$0x18500] =	vst v63  }
0x2c5: {  	v12 =	vperm.xlane v12, v10  }
0x2c6: {  	[tilespmem:s0], [sflag:$0x1] =	stream.indirect_vreg.gather [hbm4b:s10+s3], $0x80, v13, vm0, $0xb8;
	[tilespmem:$0x18500] =	vst v63  }
0x2c7: {  	v12 =	vadd.s32 v9, v12  }
0x2c8: {  	[tilespmem:s4], [sflag:$0x1] =	stream.indirect_vreg.gather [hbm4b:s11+s3], $0x80, v13, vm0, $0xb8;
	[tilespmem:$0x18500] =	vst v63  }
0x2c9: {  	_ = 	snop  }
0x2ca: {  	[tilespmem:s7], [sflag:$0x1] =	stream.indirect_vreg.gather [hbm4b:s12+s3], $0x80, v13, vm0, $0xb8;
	[tilespmem:$0x18500] =	vst v63  }
0x2cb: {  	_ = 	snop  }
0x2cc: {  	[tilespmem:s14], [sflag:$0x1] =	stream.indirect_vreg.gather [hbm4b:s2+s3], $0x80, v12, vm0, $0xb8;
	[tilespmem:$0x18500] =	vst v63  }
0x2cd: {  	_ = 	snop  }
0x2ce: {  	[tilespmem:s15], [sflag:$0x1] =	stream.indirect_vreg.gather [hbm4b:s10+s3], $0x80, v12, vm0, $0xb8;
	[tilespmem:$0x18500] =	vst v63  }
0x2cf: {  	_ = 	snop  }
0x2d0: {  	[tilespmem:s16], [sflag:$0x1] =	stream.indirect_vreg.gather [hbm4b:s11+s3], $0x80, v12, vm0, $0xb8;
	[tilespmem:$0x18500] =	vst v63  }
0x2d1: {  	_ = 	snop  }
0x2d2: {  	[tilespmem:s17], [sflag:$0x1] =	stream.indirect_vreg.gather [hbm4b:s12+s3], $0x80, v12, vm0, $0xb8;
	[tilespmem:$0x18500] =	vst v63  }
0x2d3: {  	v12 =	vld [tilespmem:$0x2D0];
	_ =	sdelay $0x4  }
0x2d4: {  	v63 =	vshll.u32 v12, $0x3  }
0x2d5: {  	v12 =	vand.u32 $0x7, v12;
	v13 =	vand.u32 $0xFFFFFFC0, v63  }
0x2d6: {  	v12 =	vor.u32 v12, v13  }
0x2d7: {  	v13 =	vperm.xlane v12, v8;
	_ =	sdelay $0x1  }
0x2d8: {  	v13 =	vadd.s32 v9, v13;
	_ =	sdelay $0x4  }
0x2d9: {  	[tilespmem:s18], [sflag:$0x1] =	stream.indirect_vreg.gather [hbm4b:s2+s3], $0x80, v13, vm0, $0xb8;
	[tilespmem:$0x18500] =	vst v63  }
0x2da: {  	v12 =	vperm.xlane v12, v10  }
0x2db: {  	[tilespmem:s19], [sflag:$0x1] =	stream.indirect_vreg.gather [hbm4b:s10+s3], $0x80, v13, vm0, $0xb8;
	[tilespmem:$0x18500] =	vst v63  }
0x2dc: {  	v12 =	vadd.s32 v9, v12  }
0x2dd: {  	[tilespmem:s20], [sflag:$0x1] =	stream.indirect_vreg.gather [hbm4b:s11+s3], $0x80, v13, vm0, $0xb8;
	[tilespmem:$0x18500] =	vst v63  }
0x2de: {  	_ = 	snop  }
0x2df: {  	[tilespmem:s21], [sflag:$0x1] =	stream.indirect_vreg.gather [hbm4b:s12+s3], $0x80, v13, vm0, $0xb8;
	[tilespmem:$0x18500] =	vst v63  }
0x2e0: {  	_ = 	snop  }
0x2e1: {  	[tilespmem:s22], [sflag:$0x1] =	stream.indirect_vreg.gather [hbm4b:s2+s3], $0x80, v12, vm0, $0xb8;
	[tilespmem:$0x18500] =	vst v63  }
0x2e2: {  	_ = 	snop  }
0x2e3: {  	[tilespmem:s23], [sflag:$0x1] =	stream.indirect_vreg.gather [hbm4b:s10+s3], $0x80, v12, vm0, $0xb8;
	[tilespmem:$0x18500] =	vst v63  }
0x2e4: {  	_ = 	snop  }
0x2e5: {  	[tilespmem:s24], [sflag:$0x1] =	stream.indirect_vreg.gather [hbm4b:s11+s3], $0x80, v12, vm0, $0xb8;
	[tilespmem:$0x18500] =	vst v63  }
0x2e6: {  	_ = 	snop  }
0x2e7: {  	[tilespmem:s25], [sflag:$0x1] =	stream.indirect_vreg.gather [hbm4b:s12+s3], $0x80, v12, vm0, $0xb8;
	[tilespmem:$0x18500] =	vst v63  }
0x2e8: {  	_ =	swait.ge [sflag:s1], $0x8000  }
0x2e9: {  	[sflag:s1] =	ssyncset.done $0x0  }
0x2ea: {  	s8 =	rddreg [dreg:$0x13];
	[sflag:s1] =	ssyncadd.s32 $0xFFFF8000  }
0x2eb: {  	[hbm4b:s8+s3] =	stream.linear.scatter [tilespmem:s6], [sflag:$0x6], $0x8000, $0x38;
	[tilespmem:$0x18500] =	vst v63  }
0x2ec: {  	_ =	swait.ge [sflag:s30], $0x8000  }
0x2ed: {  	[sflag:s30] =	ssyncset.done $0x0  }
0x2ee: {  	[sflag:s30] =	ssyncadd.s32 $0xFFFF8000  }
.LBB2_15:
0x2ef: {  	(v2sf) =	vpush v11, $0x7;
	_ =	sdelay $0xe  }
0x2f0: {  	s13 =	spop (v2sf)  }
0x2f1: {  	p0 =	slt.s32 s13, $0x1  }
.Ltmp9:
0x2f2: {  	_ = 	snop;
	(pc) =	sbr.rel @p0 .LBB2_17-.Ltmp9, $1  }
0x2f3: {  	_ =	sdelay $0x3  }
0x2f4: {  	v12 =	vld [tilespmem:$0x2E0];
	_ =	sdelay $0x4  }
0x2f5: {  	v13 =	vshll.u32 v12, $0x3  }
0x2f6: {  	v12 =	vand.u32 $0x7, v12;
	v13 =	vand.u32 $0xFFFFFFC0, v13  }
0x2f7: {  	v12 =	vor.u32 v12, v13  }
0x2f8: {  	v13 =	vperm.xlane v12, v8;
	_ =	sdelay $0x1  }
0x2f9: {  	v13 =	vadd.s32 v9, v13;
	_ =	sdelay $0x4  }
0x2fa: {  	[tilespmem:s6], [sflag:$0x1] =	stream.indirect_vreg.gather [hbm4b:s2+s3], $0x80, v13, vm0, $0xb8;
	[tilespmem:$0x18500] =	vst v63  }
0x2fb: {  	v12 =	vperm.xlane v12, v10  }
0x2fc: {  	[tilespmem:s0], [sflag:$0x1] =	stream.indirect_vreg.gather [hbm4b:s10+s3], $0x80, v13, vm0, $0xb8;
	[tilespmem:$0x18500] =	vst v63  }
0x2fd: {  	v12 =	vadd.s32 v9, v12  }
0x2fe: {  	[tilespmem:s4], [sflag:$0x1] =	stream.indirect_vreg.gather [hbm4b:s11+s3], $0x80, v13, vm0, $0xb8;
	[tilespmem:$0x18500] =	vst v63  }
0x2ff: {  	_ = 	snop  }
0x300: {  	[tilespmem:s7], [sflag:$0x1] =	stream.indirect_vreg.gather [hbm4b:s12+s3], $0x80, v13, vm0, $0xb8;
	[tilespmem:$0x18500] =	vst v63  }
0x301: {  	_ = 	snop  }
0x302: {  	[tilespmem:s14], [sflag:$0x1] =	stream.indirect_vreg.gather [hbm4b:s2+s3], $0x80, v12, vm0, $0xb8;
	[tilespmem:$0x18500] =	vst v63  }
0x303: {  	_ = 	snop  }
0x304: {  	[tilespmem:s15], [sflag:$0x1] =	stream.indirect_vreg.gather [hbm4b:s10+s3], $0x80, v12, vm0, $0xb8;
	[tilespmem:$0x18500] =	vst v63  }
0x305: {  	_ = 	snop  }
0x306: {  	[tilespmem:s16], [sflag:$0x1] =	stream.indirect_vreg.gather [hbm4b:s11+s3], $0x80, v12, vm0, $0xb8;
	[tilespmem:$0x18500] =	vst v63  }
0x307: {  	_ = 	snop  }
0x308: {  	[tilespmem:s17], [sflag:$0x1] =	stream.indirect_vreg.gather [hbm4b:s12+s3], $0x80, v12, vm0, $0xb8;
	[tilespmem:$0x18500] =	vst v63  }
0x309: {  	v12 =	vld [tilespmem:$0x2F0];
	_ =	sdelay $0x4  }
0x30a: {  	v63 =	vshll.u32 v12, $0x3  }
0x30b: {  	v12 =	vand.u32 $0x7, v12;
	v13 =	vand.u32 $0xFFFFFFC0, v63  }
0x30c: {  	v12 =	vor.u32 v12, v13  }
0x30d: {  	v13 =	vperm.xlane v12, v8;
	_ =	sdelay $0x1  }
0x30e: {  	v13 =	vadd.s32 v9, v13;
	_ =	sdelay $0x4  }
0x30f: {  	[tilespmem:s18], [sflag:$0x1] =	stream.indirect_vreg.gather [hbm4b:s2+s3], $0x80, v13, vm0, $0xb8;
	[tilespmem:$0x18500] =	vst v63  }
0x310: {  	v12 =	vperm.xlane v12, v10  }
0x311: {  	[tilespmem:s19], [sflag:$0x1] =	stream.indirect_vreg.gather [hbm4b:s10+s3], $0x80, v13, vm0, $0xb8;
	[tilespmem:$0x18500] =	vst v63  }
0x312: {  	v12 =	vadd.s32 v9, v12  }
0x313: {  	[tilespmem:s20], [sflag:$0x1] =	stream.indirect_vreg.gather [hbm4b:s11+s3], $0x80, v13, vm0, $0xb8;
	[tilespmem:$0x18500] =	vst v63  }
0x314: {  	_ = 	snop  }
0x315: {  	[tilespmem:s21], [sflag:$0x1] =	stream.indirect_vreg.gather [hbm4b:s12+s3], $0x80, v13, vm0, $0xb8;
	[tilespmem:$0x18500] =	vst v63  }
0x316: {  	_ = 	snop  }
0x317: {  	[tilespmem:s22], [sflag:$0x1] =	stream.indirect_vreg.gather [hbm4b:s2+s3], $0x80, v12, vm0, $0xb8;
	[tilespmem:$0x18500] =	vst v63  }
0x318: {  	_ = 	snop  }
0x319: {  	[tilespmem:s23], [sflag:$0x1] =	stream.indirect_vreg.gather [hbm4b:s10+s3], $0x80, v12, vm0, $0xb8;
	[tilespmem:$0x18500] =	vst v63  }
0x31a: {  	_ = 	snop  }
0x31b: {  	[tilespmem:s24], [sflag:$0x1] =	stream.indirect_vreg.gather [hbm4b:s11+s3], $0x80, v12, vm0, $0xb8;
	[tilespmem:$0x18500] =	vst v63  }
0x31c: {  	_ = 	snop  }
0x31d: {  	[tilespmem:s25], [sflag:$0x1] =	stream.indirect_vreg.gather [hbm4b:s12+s3], $0x80, v12, vm0, $0xb8;
	[tilespmem:$0x18500] =	vst v63  }
0x31e: {  	_ =	swait.ge [sflag:s1], $0x8000  }
0x31f: {  	[sflag:s1] =	ssyncset.done $0x0  }
0x320: {  	s8 =	rddreg [dreg:$0x17];
	[sflag:s1] =	ssyncadd.s32 $0xFFFF8000  }
0x321: {  	[hbm4b:s8+s3] =	stream.linear.scatter [tilespmem:s6], [sflag:$0x6], $0x8000, $0x38;
	[tilespmem:$0x18500] =	vst v63  }
0x322: {  	_ =	swait.ge [sflag:s30], $0x8000  }
0x323: {  	[sflag:s30] =	ssyncset.done $0x0  }
0x324: {  	[sflag:s30] =	ssyncadd.s32 $0xFFFF8000  }
.LBB2_17:
0x325: {  	(v2sf) =	vpush v11, $0x8;
	_ =	sdelay $0xe  }
0x326: {  	s13 =	spop (v2sf)  }
0x327: {  	p0 =	slt.s32 s13, $0x1  }
.Ltmp10:
0x328: {  	_ = 	snop;
	(pc) =	sbr.rel @p0 .LBB2_19-.Ltmp10, $1  }
0x329: {  	_ =	sdelay $0x3  }
0x32a: {  	v12 =	vld [tilespmem:$0x300];
	_ =	sdelay $0x4  }
0x32b: {  	v13 =	vshll.u32 v12, $0x3  }
0x32c: {  	v12 =	vand.u32 $0x7, v12;
	v13 =	vand.u32 $0xFFFFFFC0, v13  }
0x32d: {  	v12 =	vor.u32 v12, v13  }
0x32e: {  	v13 =	vperm.xlane v12, v8;
	_ =	sdelay $0x1  }
0x32f: {  	v13 =	vadd.s32 v9, v13;
	_ =	sdelay $0x4  }
0x330: {  	[tilespmem:s6], [sflag:$0x1] =	stream.indirect_vreg.gather [hbm4b:s2+s3], $0x80, v13, vm0, $0xb8;
	[tilespmem:$0x18500] =	vst v63  }
0x331: {  	v12 =	vperm.xlane v12, v10  }
0x332: {  	[tilespmem:s0], [sflag:$0x1] =	stream.indirect_vreg.gather [hbm4b:s10+s3], $0x80, v13, vm0, $0xb8;
	[tilespmem:$0x18500] =	vst v63  }
0x333: {  	v12 =	vadd.s32 v9, v12  }
0x334: {  	[tilespmem:s4], [sflag:$0x1] =	stream.indirect_vreg.gather [hbm4b:s11+s3], $0x80, v13, vm0, $0xb8;
	[tilespmem:$0x18500] =	vst v63  }
0x335: {  	_ = 	snop  }
0x336: {  	[tilespmem:s7], [sflag:$0x1] =	stream.indirect_vreg.gather [hbm4b:s12+s3], $0x80, v13, vm0, $0xb8;
	[tilespmem:$0x18500] =	vst v63  }
0x337: {  	_ = 	snop  }
0x338: {  	[tilespmem:s14], [sflag:$0x1] =	stream.indirect_vreg.gather [hbm4b:s2+s3], $0x80, v12, vm0, $0xb8;
	[tilespmem:$0x18500] =	vst v63  }
0x339: {  	_ = 	snop  }
0x33a: {  	[tilespmem:s15], [sflag:$0x1] =	stream.indirect_vreg.gather [hbm4b:s10+s3], $0x80, v12, vm0, $0xb8;
	[tilespmem:$0x18500] =	vst v63  }
0x33b: {  	_ = 	snop  }
0x33c: {  	[tilespmem:s16], [sflag:$0x1] =	stream.indirect_vreg.gather [hbm4b:s11+s3], $0x80, v12, vm0, $0xb8;
	[tilespmem:$0x18500] =	vst v63  }
0x33d: {  	_ = 	snop  }
0x33e: {  	[tilespmem:s17], [sflag:$0x1] =	stream.indirect_vreg.gather [hbm4b:s12+s3], $0x80, v12, vm0, $0xb8;
	[tilespmem:$0x18500] =	vst v63  }
0x33f: {  	v12 =	vld [tilespmem:$0x310];
	_ =	sdelay $0x4  }
0x340: {  	v63 =	vshll.u32 v12, $0x3  }
0x341: {  	v12 =	vand.u32 $0x7, v12;
	v13 =	vand.u32 $0xFFFFFFC0, v63  }
0x342: {  	v12 =	vor.u32 v12, v13  }
0x343: {  	v13 =	vperm.xlane v12, v8;
	_ =	sdelay $0x1  }
0x344: {  	v13 =	vadd.s32 v9, v13;
	_ =	sdelay $0x4  }
0x345: {  	[tilespmem:s18], [sflag:$0x1] =	stream.indirect_vreg.gather [hbm4b:s2+s3], $0x80, v13, vm0, $0xb8;
	[tilespmem:$0x18500] =	vst v63  }
0x346: {  	v12 =	vperm.xlane v12, v10  }
0x347: {  	[tilespmem:s19], [sflag:$0x1] =	stream.indirect_vreg.gather [hbm4b:s10+s3], $0x80, v13, vm0, $0xb8;
	[tilespmem:$0x18500] =	vst v63  }
0x348: {  	v12 =	vadd.s32 v9, v12  }
0x349: {  	[tilespmem:s20], [sflag:$0x1] =	stream.indirect_vreg.gather [hbm4b:s11+s3], $0x80, v13, vm0, $0xb8;
	[tilespmem:$0x18500] =	vst v63  }
0x34a: {  	_ = 	snop  }
0x34b: {  	[tilespmem:s21], [sflag:$0x1] =	stream.indirect_vreg.gather [hbm4b:s12+s3], $0x80, v13, vm0, $0xb8;
	[tilespmem:$0x18500] =	vst v63  }
0x34c: {  	_ = 	snop  }
0x34d: {  	[tilespmem:s22], [sflag:$0x1] =	stream.indirect_vreg.gather [hbm4b:s2+s3], $0x80, v12, vm0, $0xb8;
	[tilespmem:$0x18500] =	vst v63  }
0x34e: {  	_ = 	snop  }
0x34f: {  	[tilespmem:s23], [sflag:$0x1] =	stream.indirect_vreg.gather [hbm4b:s10+s3], $0x80, v12, vm0, $0xb8;
	[tilespmem:$0x18500] =	vst v63  }
0x350: {  	_ = 	snop  }
0x351: {  	[tilespmem:s24], [sflag:$0x1] =	stream.indirect_vreg.gather [hbm4b:s11+s3], $0x80, v12, vm0, $0xb8;
	[tilespmem:$0x18500] =	vst v63  }
0x352: {  	_ = 	snop  }
0x353: {  	[tilespmem:s25], [sflag:$0x1] =	stream.indirect_vreg.gather [hbm4b:s12+s3], $0x80, v12, vm0, $0xb8;
	[tilespmem:$0x18500] =	vst v63  }
0x354: {  	_ =	swait.ge [sflag:s1], $0x8000  }
0x355: {  	[sflag:s1] =	ssyncset.done $0x0  }
0x356: {  	s8 =	rddreg [dreg:$0xc];
	[sflag:s1] =	ssyncadd.s32 $0xFFFF8000  }
0x357: {  	[hbm4b:s8+s3] =	stream.linear.scatter [tilespmem:s6], [sflag:$0x6], $0x8000, $0x38;
	[tilespmem:$0x18500] =	vst v63  }
0x358: {  	_ =	swait.ge [sflag:s30], $0x8000  }
0x359: {  	[sflag:s30] =	ssyncset.done $0x0  }
0x35a: {  	[sflag:s30] =	ssyncadd.s32 $0xFFFF8000  }
.LBB2_19:
0x35b: {  	(v2sf) =	vpush v11, $0x9;
	_ =	sdelay $0xe  }
0x35c: {  	s13 =	spop (v2sf)  }
0x35d: {  	p0 =	slt.s32 s13, $0x1  }
.Ltmp11:
0x35e: {  	_ = 	snop;
	(pc) =	sbr.rel @p0 .LBB2_21-.Ltmp11, $1  }
0x35f: {  	_ =	sdelay $0x3  }
0x360: {  	v12 =	vld [tilespmem:$0x320];
	_ =	sdelay $0x4  }
0x361: {  	v13 =	vshll.u32 v12, $0x3  }
0x362: {  	v12 =	vand.u32 $0x7, v12;
	v13 =	vand.u32 $0xFFFFFFC0, v13  }
0x363: {  	v12 =	vor.u32 v12, v13  }
0x364: {  	v13 =	vperm.xlane v12, v8;
	_ =	sdelay $0x1  }
0x365: {  	v13 =	vadd.s32 v9, v13;
	_ =	sdelay $0x4  }
0x366: {  	[tilespmem:s6], [sflag:$0x1] =	stream.indirect_vreg.gather [hbm4b:s2+s3], $0x80, v13, vm0, $0xb8;
	[tilespmem:$0x18500] =	vst v63  }
0x367: {  	v12 =	vperm.xlane v12, v10  }
0x368: {  	[tilespmem:s0], [sflag:$0x1] =	stream.indirect_vreg.gather [hbm4b:s10+s3], $0x80, v13, vm0, $0xb8;
	[tilespmem:$0x18500] =	vst v63  }
0x369: {  	v12 =	vadd.s32 v9, v12  }
0x36a: {  	[tilespmem:s4], [sflag:$0x1] =	stream.indirect_vreg.gather [hbm4b:s11+s3], $0x80, v13, vm0, $0xb8;
	[tilespmem:$0x18500] =	vst v63  }
0x36b: {  	_ = 	snop  }
0x36c: {  	[tilespmem:s7], [sflag:$0x1] =	stream.indirect_vreg.gather [hbm4b:s12+s3], $0x80, v13, vm0, $0xb8;
	[tilespmem:$0x18500] =	vst v63  }
0x36d: {  	_ = 	snop  }
0x36e: {  	[tilespmem:s14], [sflag:$0x1] =	stream.indirect_vreg.gather [hbm4b:s2+s3], $0x80, v12, vm0, $0xb8;
	[tilespmem:$0x18500] =	vst v63  }
0x36f: {  	_ = 	snop  }
0x370: {  	[tilespmem:s15], [sflag:$0x1] =	stream.indirect_vreg.gather [hbm4b:s10+s3], $0x80, v12, vm0, $0xb8;
	[tilespmem:$0x18500] =	vst v63  }
0x371: {  	_ = 	snop  }
0x372: {  	[tilespmem:s16], [sflag:$0x1] =	stream.indirect_vreg.gather [hbm4b:s11+s3], $0x80, v12, vm0, $0xb8;
	[tilespmem:$0x18500] =	vst v63  }
0x373: {  	_ = 	snop  }
0x374: {  	[tilespmem:s17], [sflag:$0x1] =	stream.indirect_vreg.gather [hbm4b:s12+s3], $0x80, v12, vm0, $0xb8;
	[tilespmem:$0x18500] =	vst v63  }
0x375: {  	v12 =	vld [tilespmem:$0x330];
	_ =	sdelay $0x4  }
0x376: {  	v63 =	vshll.u32 v12, $0x3  }
0x377: {  	v12 =	vand.u32 $0x7, v12;
	v13 =	vand.u32 $0xFFFFFFC0, v63  }
0x378: {  	v12 =	vor.u32 v12, v13  }
0x379: {  	v13 =	vperm.xlane v12, v8;
	_ =	sdelay $0x1  }
0x37a: {  	v13 =	vadd.s32 v9, v13;
	_ =	sdelay $0x4  }
0x37b: {  	[tilespmem:s18], [sflag:$0x1] =	stream.indirect_vreg.gather [hbm4b:s2+s3], $0x80, v13, vm0, $0xb8;
	[tilespmem:$0x18500] =	vst v63  }
0x37c: {  	v12 =	vperm.xlane v12, v10  }
0x37d: {  	[tilespmem:s19], [sflag:$0x1] =	stream.indirect_vreg.gather [hbm4b:s10+s3], $0x80, v13, vm0, $0xb8;
	[tilespmem:$0x18500] =	vst v63  }
0x37e: {  	v12 =	vadd.s32 v9, v12  }
0x37f: {  	[tilespmem:s20], [sflag:$0x1] =	stream.indirect_vreg.gather [hbm4b:s11+s3], $0x80, v13, vm0, $0xb8;
	[tilespmem:$0x18500] =	vst v63  }
0x380: {  	_ = 	snop  }
0x381: {  	[tilespmem:s21], [sflag:$0x1] =	stream.indirect_vreg.gather [hbm4b:s12+s3], $0x80, v13, vm0, $0xb8;
	[tilespmem:$0x18500] =	vst v63  }
0x382: {  	_ = 	snop  }
0x383: {  	[tilespmem:s22], [sflag:$0x1] =	stream.indirect_vreg.gather [hbm4b:s2+s3], $0x80, v12, vm0, $0xb8;
	[tilespmem:$0x18500] =	vst v63  }
0x384: {  	_ = 	snop  }
0x385: {  	[tilespmem:s23], [sflag:$0x1] =	stream.indirect_vreg.gather [hbm4b:s10+s3], $0x80, v12, vm0, $0xb8;
	[tilespmem:$0x18500] =	vst v63  }
0x386: {  	_ = 	snop  }
0x387: {  	[tilespmem:s24], [sflag:$0x1] =	stream.indirect_vreg.gather [hbm4b:s11+s3], $0x80, v12, vm0, $0xb8;
	[tilespmem:$0x18500] =	vst v63  }
0x388: {  	_ = 	snop  }
0x389: {  	[tilespmem:s25], [sflag:$0x1] =	stream.indirect_vreg.gather [hbm4b:s12+s3], $0x80, v12, vm0, $0xb8;
	[tilespmem:$0x18500] =	vst v63  }
0x38a: {  	_ =	swait.ge [sflag:s1], $0x8000  }
0x38b: {  	[sflag:s1] =	ssyncset.done $0x0  }
0x38c: {  	s8 =	rddreg [dreg:$0x10];
	[sflag:s1] =	ssyncadd.s32 $0xFFFF8000  }
0x38d: {  	[hbm4b:s8+s3] =	stream.linear.scatter [tilespmem:s6], [sflag:$0x6], $0x8000, $0x38;
	[tilespmem:$0x18500] =	vst v63  }
0x38e: {  	_ =	swait.ge [sflag:s30], $0x8000  }
0x38f: {  	[sflag:s30] =	ssyncset.done $0x0  }
0x390: {  	[sflag:s30] =	ssyncadd.s32 $0xFFFF8000  }
.LBB2_21:
0x391: {  	(v2sf) =	vpush v11, $0xA;
	_ =	sdelay $0xe  }
0x392: {  	s13 =	spop (v2sf)  }
0x393: {  	p0 =	slt.s32 s13, $0x1  }
.Ltmp12:
0x394: {  	_ = 	snop;
	(pc) =	sbr.rel @p0 .LBB2_23-.Ltmp12, $1  }
0x395: {  	_ =	sdelay $0x3  }
0x396: {  	v12 =	vld [tilespmem:$0x340];
	_ =	sdelay $0x4  }
0x397: {  	v13 =	vshll.u32 v12, $0x3  }
0x398: {  	v12 =	vand.u32 $0x7, v12;
	v13 =	vand.u32 $0xFFFFFFC0, v13  }
0x399: {  	v12 =	vor.u32 v12, v13  }
0x39a: {  	v13 =	vperm.xlane v12, v8;
	_ =	sdelay $0x1  }
0x39b: {  	v13 =	vadd.s32 v9, v13;
	_ =	sdelay $0x4  }
0x39c: {  	[tilespmem:s6], [sflag:$0x1] =	stream.indirect_vreg.gather [hbm4b:s2+s3], $0x80, v13, vm0, $0xb8;
	[tilespmem:$0x18500] =	vst v63  }
0x39d: {  	v12 =	vperm.xlane v12, v10  }
0x39e: {  	[tilespmem:s0], [sflag:$0x1] =	stream.indirect_vreg.gather [hbm4b:s10+s3], $0x80, v13, vm0, $0xb8;
	[tilespmem:$0x18500] =	vst v63  }
0x39f: {  	v12 =	vadd.s32 v9, v12  }
0x3a0: {  	[tilespmem:s4], [sflag:$0x1] =	stream.indirect_vreg.gather [hbm4b:s11+s3], $0x80, v13, vm0, $0xb8;
	[tilespmem:$0x18500] =	vst v63  }
0x3a1: {  	_ = 	snop  }
0x3a2: {  	[tilespmem:s7], [sflag:$0x1] =	stream.indirect_vreg.gather [hbm4b:s12+s3], $0x80, v13, vm0, $0xb8;
	[tilespmem:$0x18500] =	vst v63  }
0x3a3: {  	_ = 	snop  }
0x3a4: {  	[tilespmem:s14], [sflag:$0x1] =	stream.indirect_vreg.gather [hbm4b:s2+s3], $0x80, v12, vm0, $0xb8;
	[tilespmem:$0x18500] =	vst v63  }
0x3a5: {  	_ = 	snop  }
0x3a6: {  	[tilespmem:s15], [sflag:$0x1] =	stream.indirect_vreg.gather [hbm4b:s10+s3], $0x80, v12, vm0, $0xb8;
	[tilespmem:$0x18500] =	vst v63  }
0x3a7: {  	_ = 	snop  }
0x3a8: {  	[tilespmem:s16], [sflag:$0x1] =	stream.indirect_vreg.gather [hbm4b:s11+s3], $0x80, v12, vm0, $0xb8;
	[tilespmem:$0x18500] =	vst v63  }
0x3a9: {  	_ = 	snop  }
0x3aa: {  	[tilespmem:s17], [sflag:$0x1] =	stream.indirect_vreg.gather [hbm4b:s12+s3], $0x80, v12, vm0, $0xb8;
	[tilespmem:$0x18500] =	vst v63  }
0x3ab: {  	v12 =	vld [tilespmem:$0x350];
	_ =	sdelay $0x4  }
0x3ac: {  	v63 =	vshll.u32 v12, $0x3  }
0x3ad: {  	v12 =	vand.u32 $0x7, v12;
	v13 =	vand.u32 $0xFFFFFFC0, v63  }
0x3ae: {  	v12 =	vor.u32 v12, v13  }
0x3af: {  	v13 =	vperm.xlane v12, v8;
	_ =	sdelay $0x1  }
0x3b0: {  	v13 =	vadd.s32 v9, v13;
	_ =	sdelay $0x4  }
0x3b1: {  	[tilespmem:s18], [sflag:$0x1] =	stream.indirect_vreg.gather [hbm4b:s2+s3], $0x80, v13, vm0, $0xb8;
	[tilespmem:$0x18500] =	vst v63  }
0x3b2: {  	v12 =	vperm.xlane v12, v10  }
0x3b3: {  	[tilespmem:s19], [sflag:$0x1] =	stream.indirect_vreg.gather [hbm4b:s10+s3], $0x80, v13, vm0, $0xb8;
	[tilespmem:$0x18500] =	vst v63  }
0x3b4: {  	v12 =	vadd.s32 v9, v12  }
0x3b5: {  	[tilespmem:s20], [sflag:$0x1] =	stream.indirect_vreg.gather [hbm4b:s11+s3], $0x80, v13, vm0, $0xb8;
	[tilespmem:$0x18500] =	vst v63  }
0x3b6: {  	_ = 	snop  }
0x3b7: {  	[tilespmem:s21], [sflag:$0x1] =	stream.indirect_vreg.gather [hbm4b:s12+s3], $0x80, v13, vm0, $0xb8;
	[tilespmem:$0x18500] =	vst v63  }
0x3b8: {  	_ = 	snop  }
0x3b9: {  	[tilespmem:s22], [sflag:$0x1] =	stream.indirect_vreg.gather [hbm4b:s2+s3], $0x80, v12, vm0, $0xb8;
	[tilespmem:$0x18500] =	vst v63  }
0x3ba: {  	_ = 	snop  }
0x3bb: {  	[tilespmem:s23], [sflag:$0x1] =	stream.indirect_vreg.gather [hbm4b:s10+s3], $0x80, v12, vm0, $0xb8;
	[tilespmem:$0x18500] =	vst v63  }
0x3bc: {  	_ = 	snop  }
0x3bd: {  	[tilespmem:s24], [sflag:$0x1] =	stream.indirect_vreg.gather [hbm4b:s11+s3], $0x80, v12, vm0, $0xb8;
	[tilespmem:$0x18500] =	vst v63  }
0x3be: {  	_ = 	snop  }
0x3bf: {  	[tilespmem:s25], [sflag:$0x1] =	stream.indirect_vreg.gather [hbm4b:s12+s3], $0x80, v12, vm0, $0xb8;
	[tilespmem:$0x18500] =	vst v63  }
0x3c0: {  	_ =	swait.ge [sflag:s1], $0x8000  }
0x3c1: {  	[sflag:s1] =	ssyncset.done $0x0  }
0x3c2: {  	s8 =	rddreg [dreg:$0x14];
	[sflag:s1] =	ssyncadd.s32 $0xFFFF8000  }
0x3c3: {  	[hbm4b:s8+s3] =	stream.linear.scatter [tilespmem:s6], [sflag:$0x6], $0x8000, $0x38;
	[tilespmem:$0x18500] =	vst v63  }
0x3c4: {  	_ =	swait.ge [sflag:s30], $0x8000  }
0x3c5: {  	[sflag:s30] =	ssyncset.done $0x0  }
0x3c6: {  	[sflag:s30] =	ssyncadd.s32 $0xFFFF8000  }
.LBB2_23:
0x3c7: {  	(v2sf) =	vpush v11, $0xB;
	_ =	sdelay $0xe  }
0x3c8: {  	s13 =	spop (v2sf)  }
0x3c9: {  	p0 =	slt.s32 s13, $0x1  }
.Ltmp13:
0x3ca: {  	_ = 	snop;
	(pc) =	sbr.rel @p0 .LBB2_25-.Ltmp13, $1  }
0x3cb: {  	_ =	sdelay $0x3  }
0x3cc: {  	v12 =	vld [tilespmem:$0x360];
	_ =	sdelay $0x4  }
0x3cd: {  	v13 =	vshll.u32 v12, $0x3  }
0x3ce: {  	v12 =	vand.u32 $0x7, v12;
	v13 =	vand.u32 $0xFFFFFFC0, v13  }
0x3cf: {  	v12 =	vor.u32 v12, v13  }
0x3d0: {  	v13 =	vperm.xlane v12, v8;
	_ =	sdelay $0x1  }
0x3d1: {  	v13 =	vadd.s32 v9, v13;
	_ =	sdelay $0x4  }
0x3d2: {  	[tilespmem:s6], [sflag:$0x1] =	stream.indirect_vreg.gather [hbm4b:s2+s3], $0x80, v13, vm0, $0xb8;
	[tilespmem:$0x18500] =	vst v63  }
0x3d3: {  	v12 =	vperm.xlane v12, v10  }
0x3d4: {  	[tilespmem:s0], [sflag:$0x1] =	stream.indirect_vreg.gather [hbm4b:s10+s3], $0x80, v13, vm0, $0xb8;
	[tilespmem:$0x18500] =	vst v63  }
0x3d5: {  	v12 =	vadd.s32 v9, v12  }
0x3d6: {  	[tilespmem:s4], [sflag:$0x1] =	stream.indirect_vreg.gather [hbm4b:s11+s3], $0x80, v13, vm0, $0xb8;
	[tilespmem:$0x18500] =	vst v63  }
0x3d7: {  	_ = 	snop  }
0x3d8: {  	[tilespmem:s7], [sflag:$0x1] =	stream.indirect_vreg.gather [hbm4b:s12+s3], $0x80, v13, vm0, $0xb8;
	[tilespmem:$0x18500] =	vst v63  }
0x3d9: {  	_ = 	snop  }
0x3da: {  	[tilespmem:s14], [sflag:$0x1] =	stream.indirect_vreg.gather [hbm4b:s2+s3], $0x80, v12, vm0, $0xb8;
	[tilespmem:$0x18500] =	vst v63  }
0x3db: {  	_ = 	snop  }
0x3dc: {  	[tilespmem:s15], [sflag:$0x1] =	stream.indirect_vreg.gather [hbm4b:s10+s3], $0x80, v12, vm0, $0xb8;
	[tilespmem:$0x18500] =	vst v63  }
0x3dd: {  	_ = 	snop  }
0x3de: {  	[tilespmem:s16], [sflag:$0x1] =	stream.indirect_vreg.gather [hbm4b:s11+s3], $0x80, v12, vm0, $0xb8;
	[tilespmem:$0x18500] =	vst v63  }
0x3df: {  	_ = 	snop  }
0x3e0: {  	[tilespmem:s17], [sflag:$0x1] =	stream.indirect_vreg.gather [hbm4b:s12+s3], $0x80, v12, vm0, $0xb8;
	[tilespmem:$0x18500] =	vst v63  }
0x3e1: {  	v12 =	vld [tilespmem:$0x370];
	_ =	sdelay $0x4  }
0x3e2: {  	v63 =	vshll.u32 v12, $0x3  }
0x3e3: {  	v12 =	vand.u32 $0x7, v12;
	v13 =	vand.u32 $0xFFFFFFC0, v63  }
0x3e4: {  	v12 =	vor.u32 v12, v13  }
0x3e5: {  	v13 =	vperm.xlane v12, v8;
	_ =	sdelay $0x1  }
0x3e6: {  	v13 =	vadd.s32 v9, v13;
	_ =	sdelay $0x4  }
0x3e7: {  	[tilespmem:s18], [sflag:$0x1] =	stream.indirect_vreg.gather [hbm4b:s2+s3], $0x80, v13, vm0, $0xb8;
	[tilespmem:$0x18500] =	vst v63  }
0x3e8: {  	v12 =	vperm.xlane v12, v10  }
0x3e9: {  	[tilespmem:s19], [sflag:$0x1] =	stream.indirect_vreg.gather [hbm4b:s10+s3], $0x80, v13, vm0, $0xb8;
	[tilespmem:$0x18500] =	vst v63  }
0x3ea: {  	v12 =	vadd.s32 v9, v12  }
0x3eb: {  	[tilespmem:s20], [sflag:$0x1] =	stream.indirect_vreg.gather [hbm4b:s11+s3], $0x80, v13, vm0, $0xb8;
	[tilespmem:$0x18500] =	vst v63  }
0x3ec: {  	_ = 	snop  }
0x3ed: {  	[tilespmem:s21], [sflag:$0x1] =	stream.indirect_vreg.gather [hbm4b:s12+s3], $0x80, v13, vm0, $0xb8;
	[tilespmem:$0x18500] =	vst v63  }
0x3ee: {  	_ = 	snop  }
0x3ef: {  	[tilespmem:s22], [sflag:$0x1] =	stream.indirect_vreg.gather [hbm4b:s2+s3], $0x80, v12, vm0, $0xb8;
	[tilespmem:$0x18500] =	vst v63  }
0x3f0: {  	_ = 	snop  }
0x3f1: {  	[tilespmem:s23], [sflag:$0x1] =	stream.indirect_vreg.gather [hbm4b:s10+s3], $0x80, v12, vm0, $0xb8;
	[tilespmem:$0x18500] =	vst v63  }
0x3f2: {  	_ = 	snop  }
0x3f3: {  	[tilespmem:s24], [sflag:$0x1] =	stream.indirect_vreg.gather [hbm4b:s11+s3], $0x80, v12, vm0, $0xb8;
	[tilespmem:$0x18500] =	vst v63  }
0x3f4: {  	_ = 	snop  }
0x3f5: {  	[tilespmem:s25], [sflag:$0x1] =	stream.indirect_vreg.gather [hbm4b:s12+s3], $0x80, v12, vm0, $0xb8;
	[tilespmem:$0x18500] =	vst v63  }
0x3f6: {  	_ =	swait.ge [sflag:s1], $0x8000  }
0x3f7: {  	[sflag:s1] =	ssyncset.done $0x0  }
0x3f8: {  	s8 =	rddreg [dreg:$0x18];
	[sflag:s1] =	ssyncadd.s32 $0xFFFF8000  }
0x3f9: {  	[hbm4b:s8+s3] =	stream.linear.scatter [tilespmem:s6], [sflag:$0x6], $0x8000, $0x38;
	[tilespmem:$0x18500] =	vst v63  }
0x3fa: {  	_ =	swait.ge [sflag:s30], $0x8000  }
0x3fb: {  	[sflag:s30] =	ssyncset.done $0x0  }
0x3fc: {  	[sflag:s30] =	ssyncadd.s32 $0xFFFF8000  }
.LBB2_25:
0x3fd: {  	(v2sf) =	vpush v11, $0xC;
	_ =	sdelay $0xe  }
0x3fe: {  	s13 =	spop (v2sf)  }
0x3ff: {  	p0 =	slt.s32 s13, $0x1  }
.Ltmp14:
0x400: {  	_ = 	snop;
	(pc) =	sbr.rel @p0 .LBB2_27-.Ltmp14, $1  }
0x401: {  	_ =	sdelay $0x3  }
0x402: {  	v12 =	vld [tilespmem:$0x380];
	_ =	sdelay $0x4  }
0x403: {  	v13 =	vshll.u32 v12, $0x3  }
0x404: {  	v12 =	vand.u32 $0x7, v12;
	v13 =	vand.u32 $0xFFFFFFC0, v13  }
0x405: {  	v12 =	vor.u32 v12, v13  }
0x406: {  	v13 =	vperm.xlane v12, v8;
	_ =	sdelay $0x1  }
0x407: {  	v13 =	vadd.s32 v9, v13;
	_ =	sdelay $0x4  }
0x408: {  	[tilespmem:s6], [sflag:$0x1] =	stream.indirect_vreg.gather [hbm4b:s2+s3], $0x80, v13, vm0, $0xb8;
	[tilespmem:$0x18500] =	vst v63  }
0x409: {  	v12 =	vperm.xlane v12, v10  }
0x40a: {  	[tilespmem:s0], [sflag:$0x1] =	stream.indirect_vreg.gather [hbm4b:s10+s3], $0x80, v13, vm0, $0xb8;
	[tilespmem:$0x18500] =	vst v63  }
0x40b: {  	v12 =	vadd.s32 v9, v12  }
0x40c: {  	[tilespmem:s4], [sflag:$0x1] =	stream.indirect_vreg.gather [hbm4b:s11+s3], $0x80, v13, vm0, $0xb8;
	[tilespmem:$0x18500] =	vst v63  }
0x40d: {  	_ = 	snop  }
0x40e: {  	[tilespmem:s7], [sflag:$0x1] =	stream.indirect_vreg.gather [hbm4b:s12+s3], $0x80, v13, vm0, $0xb8;
	[tilespmem:$0x18500] =	vst v63  }
0x40f: {  	_ = 	snop  }
0x410: {  	[tilespmem:s14], [sflag:$0x1] =	stream.indirect_vreg.gather [hbm4b:s2+s3], $0x80, v12, vm0, $0xb8;
	[tilespmem:$0x18500] =	vst v63  }
0x411: {  	_ = 	snop  }
0x412: {  	[tilespmem:s15], [sflag:$0x1] =	stream.indirect_vreg.gather [hbm4b:s10+s3], $0x80, v12, vm0, $0xb8;
	[tilespmem:$0x18500] =	vst v63  }
0x413: {  	_ = 	snop  }
0x414: {  	[tilespmem:s16], [sflag:$0x1] =	stream.indirect_vreg.gather [hbm4b:s11+s3], $0x80, v12, vm0, $0xb8;
	[tilespmem:$0x18500] =	vst v63  }
0x415: {  	_ = 	snop  }
0x416: {  	[tilespmem:s17], [sflag:$0x1] =	stream.indirect_vreg.gather [hbm4b:s12+s3], $0x80, v12, vm0, $0xb8;
	[tilespmem:$0x18500] =	vst v63  }
0x417: {  	v12 =	vld [tilespmem:$0x390];
	_ =	sdelay $0x4  }
0x418: {  	v63 =	vshll.u32 v12, $0x3  }
0x419: {  	v12 =	vand.u32 $0x7, v12;
	v13 =	vand.u32 $0xFFFFFFC0, v63  }
0x41a: {  	v12 =	vor.u32 v12, v13  }
0x41b: {  	v13 =	vperm.xlane v12, v8;
	_ =	sdelay $0x1  }
0x41c: {  	v13 =	vadd.s32 v9, v13;
	_ =	sdelay $0x4  }
0x41d: {  	[tilespmem:s18], [sflag:$0x1] =	stream.indirect_vreg.gather [hbm4b:s2+s3], $0x80, v13, vm0, $0xb8;
	[tilespmem:$0x18500] =	vst v63  }
0x41e: {  	v12 =	vperm.xlane v12, v10  }
0x41f: {  	[tilespmem:s19], [sflag:$0x1] =	stream.indirect_vreg.gather [hbm4b:s10+s3], $0x80, v13, vm0, $0xb8;
	[tilespmem:$0x18500] =	vst v63  }
0x420: {  	v12 =	vadd.s32 v9, v12  }
0x421: {  	[tilespmem:s20], [sflag:$0x1] =	stream.indirect_vreg.gather [hbm4b:s11+s3], $0x80, v13, vm0, $0xb8;
	[tilespmem:$0x18500] =	vst v63  }
0x422: {  	_ = 	snop  }
0x423: {  	[tilespmem:s21], [sflag:$0x1] =	stream.indirect_vreg.gather [hbm4b:s12+s3], $0x80, v13, vm0, $0xb8;
	[tilespmem:$0x18500] =	vst v63  }
0x424: {  	_ = 	snop  }
0x425: {  	[tilespmem:s22], [sflag:$0x1] =	stream.indirect_vreg.gather [hbm4b:s2+s3], $0x80, v12, vm0, $0xb8;
	[tilespmem:$0x18500] =	vst v63  }
0x426: {  	_ = 	snop  }
0x427: {  	[tilespmem:s23], [sflag:$0x1] =	stream.indirect_vreg.gather [hbm4b:s10+s3], $0x80, v12, vm0, $0xb8;
	[tilespmem:$0x18500] =	vst v63  }
0x428: {  	_ = 	snop  }
0x429: {  	[tilespmem:s24], [sflag:$0x1] =	stream.indirect_vreg.gather [hbm4b:s11+s3], $0x80, v12, vm0, $0xb8;
	[tilespmem:$0x18500] =	vst v63  }
0x42a: {  	_ = 	snop  }
0x42b: {  	[tilespmem:s25], [sflag:$0x1] =	stream.indirect_vreg.gather [hbm4b:s12+s3], $0x80, v12, vm0, $0xb8;
	[tilespmem:$0x18500] =	vst v63  }
0x42c: {  	_ =	swait.ge [sflag:s1], $0x8000  }
0x42d: {  	[sflag:s1] =	ssyncset.done $0x0  }
0x42e: {  	s8 =	rddreg [dreg:$0xd];
	[sflag:s1] =	ssyncadd.s32 $0xFFFF8000  }
0x42f: {  	[hbm4b:s8+s3] =	stream.linear.scatter [tilespmem:s6], [sflag:$0x6], $0x8000, $0x38;
	[tilespmem:$0x18500] =	vst v63  }
0x430: {  	_ =	swait.ge [sflag:s30], $0x8000  }
0x431: {  	[sflag:s30] =	ssyncset.done $0x0  }
0x432: {  	[sflag:s30] =	ssyncadd.s32 $0xFFFF8000  }
.LBB2_27:
0x433: {  	(v2sf) =	vpush v11, $0xD;
	_ =	sdelay $0xe  }
0x434: {  	s13 =	spop (v2sf)  }
0x435: {  	p0 =	slt.s32 s13, $0x1  }
.Ltmp15:
0x436: {  	_ = 	snop;
	(pc) =	sbr.rel @p0 .LBB2_29-.Ltmp15, $1  }
0x437: {  	_ =	sdelay $0x3  }
0x438: {  	v12 =	vld [tilespmem:$0x3A0];
	_ =	sdelay $0x4  }
0x439: {  	v13 =	vshll.u32 v12, $0x3  }
0x43a: {  	v12 =	vand.u32 $0x7, v12;
	v13 =	vand.u32 $0xFFFFFFC0, v13  }
0x43b: {  	v12 =	vor.u32 v12, v13  }
0x43c: {  	v13 =	vperm.xlane v12, v8;
	_ =	sdelay $0x1  }
0x43d: {  	v13 =	vadd.s32 v9, v13;
	_ =	sdelay $0x4  }
0x43e: {  	[tilespmem:s6], [sflag:$0x1] =	stream.indirect_vreg.gather [hbm4b:s2+s3], $0x80, v13, vm0, $0xb8;
	[tilespmem:$0x18500] =	vst v63  }
0x43f: {  	v12 =	vperm.xlane v12, v10  }
0x440: {  	[tilespmem:s0], [sflag:$0x1] =	stream.indirect_vreg.gather [hbm4b:s10+s3], $0x80, v13, vm0, $0xb8;
	[tilespmem:$0x18500] =	vst v63  }
0x441: {  	v12 =	vadd.s32 v9, v12  }
0x442: {  	[tilespmem:s4], [sflag:$0x1] =	stream.indirect_vreg.gather [hbm4b:s11+s3], $0x80, v13, vm0, $0xb8;
	[tilespmem:$0x18500] =	vst v63  }
0x443: {  	_ = 	snop  }
0x444: {  	[tilespmem:s7], [sflag:$0x1] =	stream.indirect_vreg.gather [hbm4b:s12+s3], $0x80, v13, vm0, $0xb8;
	[tilespmem:$0x18500] =	vst v63  }
0x445: {  	_ = 	snop  }
0x446: {  	[tilespmem:s14], [sflag:$0x1] =	stream.indirect_vreg.gather [hbm4b:s2+s3], $0x80, v12, vm0, $0xb8;
	[tilespmem:$0x18500] =	vst v63  }
0x447: {  	_ = 	snop  }
0x448: {  	[tilespmem:s15], [sflag:$0x1] =	stream.indirect_vreg.gather [hbm4b:s10+s3], $0x80, v12, vm0, $0xb8;
	[tilespmem:$0x18500] =	vst v63  }
0x449: {  	_ = 	snop  }
0x44a: {  	[tilespmem:s16], [sflag:$0x1] =	stream.indirect_vreg.gather [hbm4b:s11+s3], $0x80, v12, vm0, $0xb8;
	[tilespmem:$0x18500] =	vst v63  }
0x44b: {  	_ = 	snop  }
0x44c: {  	[tilespmem:s17], [sflag:$0x1] =	stream.indirect_vreg.gather [hbm4b:s12+s3], $0x80, v12, vm0, $0xb8;
	[tilespmem:$0x18500] =	vst v63  }
0x44d: {  	v12 =	vld [tilespmem:$0x3B0];
	_ =	sdelay $0x4  }
0x44e: {  	v63 =	vshll.u32 v12, $0x3  }
0x44f: {  	v12 =	vand.u32 $0x7, v12;
	v13 =	vand.u32 $0xFFFFFFC0, v63  }
0x450: {  	v12 =	vor.u32 v12, v13  }
0x451: {  	v13 =	vperm.xlane v12, v8;
	_ =	sdelay $0x1  }
0x452: {  	v13 =	vadd.s32 v9, v13;
	_ =	sdelay $0x4  }
0x453: {  	[tilespmem:s18], [sflag:$0x1] =	stream.indirect_vreg.gather [hbm4b:s2+s3], $0x80, v13, vm0, $0xb8;
	[tilespmem:$0x18500] =	vst v63  }
0x454: {  	v12 =	vperm.xlane v12, v10  }
0x455: {  	[tilespmem:s19], [sflag:$0x1] =	stream.indirect_vreg.gather [hbm4b:s10+s3], $0x80, v13, vm0, $0xb8;
	[tilespmem:$0x18500] =	vst v63  }
0x456: {  	v12 =	vadd.s32 v9, v12  }
0x457: {  	[tilespmem:s20], [sflag:$0x1] =	stream.indirect_vreg.gather [hbm4b:s11+s3], $0x80, v13, vm0, $0xb8;
	[tilespmem:$0x18500] =	vst v63  }
0x458: {  	_ = 	snop  }
0x459: {  	[tilespmem:s21], [sflag:$0x1] =	stream.indirect_vreg.gather [hbm4b:s12+s3], $0x80, v13, vm0, $0xb8;
	[tilespmem:$0x18500] =	vst v63  }
0x45a: {  	_ = 	snop  }
0x45b: {  	[tilespmem:s22], [sflag:$0x1] =	stream.indirect_vreg.gather [hbm4b:s2+s3], $0x80, v12, vm0, $0xb8;
	[tilespmem:$0x18500] =	vst v63  }
0x45c: {  	_ = 	snop  }
0x45d: {  	[tilespmem:s23], [sflag:$0x1] =	stream.indirect_vreg.gather [hbm4b:s10+s3], $0x80, v12, vm0, $0xb8;
	[tilespmem:$0x18500] =	vst v63  }
0x45e: {  	_ = 	snop  }
0x45f: {  	[tilespmem:s24], [sflag:$0x1] =	stream.indirect_vreg.gather [hbm4b:s11+s3], $0x80, v12, vm0, $0xb8;
	[tilespmem:$0x18500] =	vst v63  }
0x460: {  	_ = 	snop  }
0x461: {  	[tilespmem:s25], [sflag:$0x1] =	stream.indirect_vreg.gather [hbm4b:s12+s3], $0x80, v12, vm0, $0xb8;
	[tilespmem:$0x18500] =	vst v63  }
0x462: {  	_ =	swait.ge [sflag:s1], $0x8000  }
0x463: {  	[sflag:s1] =	ssyncset.done $0x0  }
0x464: {  	s8 =	rddreg [dreg:$0x11];
	[sflag:s1] =	ssyncadd.s32 $0xFFFF8000  }
0x465: {  	[hbm4b:s8+s3] =	stream.linear.scatter [tilespmem:s6], [sflag:$0x6], $0x8000, $0x38;
	[tilespmem:$0x18500] =	vst v63  }
0x466: {  	_ =	swait.ge [sflag:s30], $0x8000  }
0x467: {  	[sflag:s30] =	ssyncset.done $0x0  }
0x468: {  	[sflag:s30] =	ssyncadd.s32 $0xFFFF8000  }
.LBB2_29:
0x469: {  	(v2sf) =	vpush v11, $0xE;
	_ =	sdelay $0xe  }
0x46a: {  	s13 =	spop (v2sf)  }
0x46b: {  	p0 =	slt.s32 s13, $0x1  }
.Ltmp16:
0x46c: {  	_ = 	snop;
	(pc) =	sbr.rel @p0 .LBB2_31-.Ltmp16, $1  }
0x46d: {  	_ =	sdelay $0x3  }
0x46e: {  	v12 =	vld [tilespmem:$0x3C0];
	_ =	sdelay $0x4  }
0x46f: {  	v13 =	vshll.u32 v12, $0x3  }
0x470: {  	v12 =	vand.u32 $0x7, v12;
	v13 =	vand.u32 $0xFFFFFFC0, v13  }
0x471: {  	v12 =	vor.u32 v12, v13  }
0x472: {  	v13 =	vperm.xlane v12, v8;
	_ =	sdelay $0x1  }
0x473: {  	v13 =	vadd.s32 v9, v13;
	_ =	sdelay $0x4  }
0x474: {  	[tilespmem:s6], [sflag:$0x1] =	stream.indirect_vreg.gather [hbm4b:s2+s3], $0x80, v13, vm0, $0xb8;
	[tilespmem:$0x18500] =	vst v63  }
0x475: {  	v12 =	vperm.xlane v12, v10  }
0x476: {  	[tilespmem:s0], [sflag:$0x1] =	stream.indirect_vreg.gather [hbm4b:s10+s3], $0x80, v13, vm0, $0xb8;
	[tilespmem:$0x18500] =	vst v63  }
0x477: {  	v12 =	vadd.s32 v9, v12  }
0x478: {  	[tilespmem:s4], [sflag:$0x1] =	stream.indirect_vreg.gather [hbm4b:s11+s3], $0x80, v13, vm0, $0xb8;
	[tilespmem:$0x18500] =	vst v63  }
0x479: {  	_ = 	snop  }
0x47a: {  	[tilespmem:s7], [sflag:$0x1] =	stream.indirect_vreg.gather [hbm4b:s12+s3], $0x80, v13, vm0, $0xb8;
	[tilespmem:$0x18500] =	vst v63  }
0x47b: {  	_ = 	snop  }
0x47c: {  	[tilespmem:s14], [sflag:$0x1] =	stream.indirect_vreg.gather [hbm4b:s2+s3], $0x80, v12, vm0, $0xb8;
	[tilespmem:$0x18500] =	vst v63  }
0x47d: {  	_ = 	snop  }
0x47e: {  	[tilespmem:s15], [sflag:$0x1] =	stream.indirect_vreg.gather [hbm4b:s10+s3], $0x80, v12, vm0, $0xb8;
	[tilespmem:$0x18500] =	vst v63  }
0x47f: {  	_ = 	snop  }
0x480: {  	[tilespmem:s16], [sflag:$0x1] =	stream.indirect_vreg.gather [hbm4b:s11+s3], $0x80, v12, vm0, $0xb8;
	[tilespmem:$0x18500] =	vst v63  }
0x481: {  	_ = 	snop  }
0x482: {  	[tilespmem:s17], [sflag:$0x1] =	stream.indirect_vreg.gather [hbm4b:s12+s3], $0x80, v12, vm0, $0xb8;
	[tilespmem:$0x18500] =	vst v63  }
0x483: {  	v12 =	vld [tilespmem:$0x3D0];
	_ =	sdelay $0x4  }
0x484: {  	v63 =	vshll.u32 v12, $0x3  }
0x485: {  	v12 =	vand.u32 $0x7, v12;
	v13 =	vand.u32 $0xFFFFFFC0, v63  }
0x486: {  	v12 =	vor.u32 v12, v13  }
0x487: {  	v13 =	vperm.xlane v12, v8;
	_ =	sdelay $0x1  }
0x488: {  	v13 =	vadd.s32 v9, v13;
	_ =	sdelay $0x4  }
0x489: {  	[tilespmem:s18], [sflag:$0x1] =	stream.indirect_vreg.gather [hbm4b:s2+s3], $0x80, v13, vm0, $0xb8;
	[tilespmem:$0x18500] =	vst v63  }
0x48a: {  	v12 =	vperm.xlane v12, v10  }
0x48b: {  	[tilespmem:s19], [sflag:$0x1] =	stream.indirect_vreg.gather [hbm4b:s10+s3], $0x80, v13, vm0, $0xb8;
	[tilespmem:$0x18500] =	vst v63  }
0x48c: {  	v12 =	vadd.s32 v9, v12  }
0x48d: {  	[tilespmem:s20], [sflag:$0x1] =	stream.indirect_vreg.gather [hbm4b:s11+s3], $0x80, v13, vm0, $0xb8;
	[tilespmem:$0x18500] =	vst v63  }
0x48e: {  	_ = 	snop  }
0x48f: {  	[tilespmem:s21], [sflag:$0x1] =	stream.indirect_vreg.gather [hbm4b:s12+s3], $0x80, v13, vm0, $0xb8;
	[tilespmem:$0x18500] =	vst v63  }
0x490: {  	_ = 	snop  }
0x491: {  	[tilespmem:s22], [sflag:$0x1] =	stream.indirect_vreg.gather [hbm4b:s2+s3], $0x80, v12, vm0, $0xb8;
	[tilespmem:$0x18500] =	vst v63  }
0x492: {  	_ = 	snop  }
0x493: {  	[tilespmem:s23], [sflag:$0x1] =	stream.indirect_vreg.gather [hbm4b:s10+s3], $0x80, v12, vm0, $0xb8;
	[tilespmem:$0x18500] =	vst v63  }
0x494: {  	_ = 	snop  }
0x495: {  	[tilespmem:s24], [sflag:$0x1] =	stream.indirect_vreg.gather [hbm4b:s11+s3], $0x80, v12, vm0, $0xb8;
	[tilespmem:$0x18500] =	vst v63  }
0x496: {  	_ = 	snop  }
0x497: {  	[tilespmem:s25], [sflag:$0x1] =	stream.indirect_vreg.gather [hbm4b:s12+s3], $0x80, v12, vm0, $0xb8;
	[tilespmem:$0x18500] =	vst v63  }
0x498: {  	_ =	swait.ge [sflag:s1], $0x8000  }
0x499: {  	[sflag:s1] =	ssyncset.done $0x0  }
0x49a: {  	s8 =	rddreg [dreg:$0x15];
	[sflag:s1] =	ssyncadd.s32 $0xFFFF8000  }
0x49b: {  	[hbm4b:s8+s3] =	stream.linear.scatter [tilespmem:s6], [sflag:$0x6], $0x8000, $0x38;
	[tilespmem:$0x18500] =	vst v63  }
0x49c: {  	_ =	swait.ge [sflag:s30], $0x8000  }
0x49d: {  	[sflag:s30] =	ssyncset.done $0x0  }
0x49e: {  	[sflag:s30] =	ssyncadd.s32 $0xFFFF8000  }
.LBB2_31:
0x49f: {  	(v2sf) =	vpush v11, $0xF;
	_ =	sdelay $0xe  }
0x4a0: {  	s13 =	spop (v2sf)  }
0x4a1: {  	p0 =	slt.s32 s13, $0x1  }
.Ltmp17:
0x4a2: {  	_ = 	snop;
	(pc) =	sbr.rel @p0 .LBB2_33-.Ltmp17, $1  }
0x4a3: {  	_ =	sdelay $0x3  }
0x4a4: {  	v11 =	vld [tilespmem:$0x3E0];
	_ =	sdelay $0x4  }
0x4a5: {  	v12 =	vshll.u32 v11, $0x3  }
0x4a6: {  	v11 =	vand.u32 $0x7, v11;
	v12 =	vand.u32 $0xFFFFFFC0, v12  }
0x4a7: {  	v11 =	vor.u32 v11, v12  }
0x4a8: {  	v12 =	vperm.xlane v11, v8;
	_ =	sdelay $0x1  }
0x4a9: {  	v12 =	vadd.s32 v9, v12;
	_ =	sdelay $0x4  }
0x4aa: {  	[tilespmem:s6], [sflag:$0x1] =	stream.indirect_vreg.gather [hbm4b:s2+s3], $0x80, v12, vm0, $0xb8;
	[tilespmem:$0x18500] =	vst v63  }
0x4ab: {  	v11 =	vperm.xlane v11, v10  }
0x4ac: {  	[tilespmem:s0], [sflag:$0x1] =	stream.indirect_vreg.gather [hbm4b:s10+s3], $0x80, v12, vm0, $0xb8;
	[tilespmem:$0x18500] =	vst v63  }
0x4ad: {  	v11 =	vadd.s32 v9, v11  }
0x4ae: {  	[tilespmem:s4], [sflag:$0x1] =	stream.indirect_vreg.gather [hbm4b:s11+s3], $0x80, v12, vm0, $0xb8;
	[tilespmem:$0x18500] =	vst v63  }
0x4af: {  	_ = 	snop  }
0x4b0: {  	[tilespmem:s7], [sflag:$0x1] =	stream.indirect_vreg.gather [hbm4b:s12+s3], $0x80, v12, vm0, $0xb8;
	[tilespmem:$0x18500] =	vst v63  }
0x4b1: {  	_ = 	snop  }
0x4b2: {  	[tilespmem:s14], [sflag:$0x1] =	stream.indirect_vreg.gather [hbm4b:s2+s3], $0x80, v11, vm0, $0xb8;
	[tilespmem:$0x18500] =	vst v63  }
0x4b3: {  	_ = 	snop  }
0x4b4: {  	[tilespmem:s15], [sflag:$0x1] =	stream.indirect_vreg.gather [hbm4b:s10+s3], $0x80, v11, vm0, $0xb8;
	[tilespmem:$0x18500] =	vst v63  }
0x4b5: {  	_ = 	snop  }
0x4b6: {  	[tilespmem:s16], [sflag:$0x1] =	stream.indirect_vreg.gather [hbm4b:s11+s3], $0x80, v11, vm0, $0xb8;
	[tilespmem:$0x18500] =	vst v63  }
0x4b7: {  	_ = 	snop  }
0x4b8: {  	[tilespmem:s17], [sflag:$0x1] =	stream.indirect_vreg.gather [hbm4b:s12+s3], $0x80, v11, vm0, $0xb8;
	[tilespmem:$0x18500] =	vst v63  }
0x4b9: {  	v11 =	vld [tilespmem:$0x3F0];
	_ =	sdelay $0x4  }
0x4ba: {  	v63 =	vshll.u32 v11, $0x3  }
0x4bb: {  	v11 =	vand.u32 $0x7, v11;
	v12 =	vand.u32 $0xFFFFFFC0, v63  }
0x4bc: {  	v11 =	vor.u32 v11, v12  }
0x4bd: {  	v12 =	vperm.xlane v11, v8;
	_ =	sdelay $0x1  }
0x4be: {  	v12 =	vadd.s32 v9, v12;
	_ =	sdelay $0x4  }
0x4bf: {  	[tilespmem:s18], [sflag:$0x1] =	stream.indirect_vreg.gather [hbm4b:s2+s3], $0x80, v12, vm0, $0xb8;
	[tilespmem:$0x18500] =	vst v63  }
0x4c0: {  	v11 =	vperm.xlane v11, v10  }
0x4c1: {  	[tilespmem:s19], [sflag:$0x1] =	stream.indirect_vreg.gather [hbm4b:s10+s3], $0x80, v12, vm0, $0xb8;
	[tilespmem:$0x18500] =	vst v63  }
0x4c2: {  	v11 =	vadd.s32 v9, v11  }
0x4c3: {  	[tilespmem:s20], [sflag:$0x1] =	stream.indirect_vreg.gather [hbm4b:s11+s3], $0x80, v12, vm0, $0xb8;
	[tilespmem:$0x18500] =	vst v63  }
0x4c4: {  	_ = 	snop  }
0x4c5: {  	[tilespmem:s21], [sflag:$0x1] =	stream.indirect_vreg.gather [hbm4b:s12+s3], $0x80, v12, vm0, $0xb8;
	[tilespmem:$0x18500] =	vst v63  }
0x4c6: {  	_ = 	snop  }
0x4c7: {  	[tilespmem:s22], [sflag:$0x1] =	stream.indirect_vreg.gather [hbm4b:s2+s3], $0x80, v11, vm0, $0xb8;
	[tilespmem:$0x18500] =	vst v63  }
0x4c8: {  	_ = 	snop  }
0x4c9: {  	[tilespmem:s23], [sflag:$0x1] =	stream.indirect_vreg.gather [hbm4b:s10+s3], $0x80, v11, vm0, $0xb8;
	[tilespmem:$0x18500] =	vst v63  }
0x4ca: {  	_ = 	snop  }
0x4cb: {  	[tilespmem:s24], [sflag:$0x1] =	stream.indirect_vreg.gather [hbm4b:s11+s3], $0x80, v11, vm0, $0xb8;
	[tilespmem:$0x18500] =	vst v63  }
0x4cc: {  	_ = 	snop  }
0x4cd: {  	[tilespmem:s25], [sflag:$0x1] =	stream.indirect_vreg.gather [hbm4b:s12+s3], $0x80, v11, vm0, $0xb8;
	[tilespmem:$0x18500] =	vst v63  }
0x4ce: {  	_ =	swait.ge [sflag:s1], $0x8000  }
0x4cf: {  	[sflag:s1] =	ssyncset.done $0x0  }
.Ltmp18:
0x4d0: {  	s8 =	rddreg [dreg:$0x19];
	[sflag:s1] =	ssyncadd.s32 $0xFFFF8000;
	(pc) =	sbr.rel .LBB2_33-.Ltmp18, $4  }
0x4d1: {  	[hbm4b:s8+s3] =	stream.linear.scatter [tilespmem:s6], [sflag:$0x6], $0x8000, $0x38;
	[tilespmem:$0x18500] =	vst v63  }
0x4d2: {  	_ =	swait.ge [sflag:s30], $0x8000  }
0x4d3: {  	[sflag:s30] =	ssyncset.done $0x0  }
0x4d4: {  	[sflag:s30] =	ssyncadd.s32 $0xFFFF8000  }
.LBB2_34:
0x4d5: {  	_ =	sfence.sel $0x180000  }
0x4d6: {  	[bflag:$0x0] =	sbarrier.arrive $0xFFFF  }
0x4d7: {  	_ =	strace $0x90000047  }
0x4d8: {  	s0 =	stileid.u32;
	[bflag:$0x2] =	sbarrier.arrive $0xFFFF  }
0x4d9: {  	p0 =	sne.s32 s0, $0x0;
	s0 =	rddreg [dreg:$0x3]  }
0x4da: {  	s0 =	sadd.s32 @!p0 $0x100000, s0  }
0x4db: {  	[sflag:s0] =	ssyncadd.tile.s32 @!p0 $0x1;
	_ =	shalt  }
.Lfunc_end2:
_tile_overlayer_lowered:
.L_overlay_start_2:
0x4dc: {  	(tag) =	ssettag $0x2  }
0x4dd: {  	s0 =	rddreg [dreg:$0x0];
	s2 =	stileid.u32  }
0x4de: {  	s1 =	rddreg [dreg:$0x1];
	p0 =	sne.s32 s2, $0x0  }
0x4df: {  	s3 =	rddreg [dreg:$0x2];
	[bflag:$0x3] =	sbarrier.arrive $0xFFFF;
	s2 =	simm.s32 @!p0 $0x1C06  }
0x4e0: {  	[timem:s3], [sflag:s2] =	dma.local @!p0 [hbm:s0], s1  }
0x4e1: {  	s0 =	simm.s32 @!p0 $0x6  }
0x4e2: {  	_ =	swait.ge @!p0 [sflag:s0], s1  }
0x4e3: {  	s1 =	ssub.s32 @!p0 $0x0, s1;
	[sflag:s0] =	ssyncset.done @!p0 $0x0  }
0x4e4: {  	[sflag:s0] =	ssyncadd.s32 @!p0 s1  }
0x4e5: {  	[bflag:$0x3] =	sbarrier.arrive $0xFFFF  }
0x4e6: {  	_ =	shalt  }

</sc_bundles>
